<compile_context>
chip_gen: v7x
topology: tpu7x:2x2x1
jax: 0.10.2.dev20260603
libtpu: 0.0.44.dev20260713+nightly
codegen_flags: <defaults>
</compile_context>

<pallas_src>
import functools

import jax
import jax.numpy as jnp
from jax import lax
from jax.experimental import pallas as pl
from jax.experimental.pallas import tpu as pltpu
from jax.experimental.pallas import tpu_sc as plsc

N = 50000
E = 800000
IN = 128
HID = 64
EMB = 32
G = 64

NC = 2
NS = 16
NW = NC * NS
CH = 256
SB_CH = 14
SB_E = SB_CH * CH
PAIR_E = 50176
C0_E = 8 * SB_E
E_PAD = NS * PAIR_E
TAIL_BASE = E_PAD - SB_E
NA = 50176
TPT = NA // NS
BLK = 3584
NBLK = NA // BLK
NAP = NA // 4
BLKP = BLK // 4

_MESH = plsc.VectorSubcoreMesh(
    core_axis_name="c", subcore_axis_name="s", num_cores=NC, num_subcores=NS)



def _sc_prop_body(table, ep, tail, zeros, out, src_v, dst_v, rows0, rows1,
                  acc, gsem0, gsem1):
    c = lax.axis_index("c")
    s = lax.axis_index("s")
    pltpu.sync_copy(zeros.at[pl.ds(s * TPT, TPT)], acc.at[pl.ds(s * TPT, TPT)])
    plsc.subcore_barrier()

    @pl.loop(0, 8 - 2 * c)
    def _(b):
        base = s * PAIR_E + c * C0_E + b * SB_E

        @pl.when(base < TAIL_BASE)
        def _():
            pltpu.sync_copy(ep.at[0, pl.ds(base, SB_E)], src_v)
            pltpu.sync_copy(ep.at[1, pl.ds(base, SB_E)], dst_v)

        @pl.when(base >= TAIL_BASE)
        def _():
            pltpu.sync_copy(tail.at[0], src_v)
            pltpu.sync_copy(tail.at[1], dst_v)
        pltpu.async_copy(table.at[src_v.at[pl.ds(0, CH)]], rows0, gsem0)

        @pl.loop(0, SB_CH, step=2)
        def _(j):
            pltpu.async_copy(
                table.at[src_v.at[pl.ds((j + 1) * CH, CH)]], rows1, gsem1)
            pltpu.make_async_copy(
                table.at[src_v.at[pl.ds(j * CH, CH)]], rows0, gsem0).wait()
            pltpu.sync_copy(rows0, acc.at[dst_v.at[pl.ds(j * CH, CH)]],
                            add=True)

            @pl.when(j + 2 < SB_CH)
            def _():
                pltpu.async_copy(
                    table.at[src_v.at[pl.ds((j + 2) * CH, CH)]], rows0, gsem0)

            pltpu.make_async_copy(
                table.at[src_v.at[pl.ds((j + 1) * CH, CH)]], rows1,
                gsem1).wait()
            pltpu.sync_copy(rows1, acc.at[dst_v.at[pl.ds((j + 1) * CH, CH)]],
                            add=True)

    plsc.subcore_barrier()
    pltpu.sync_copy(acc.at[pl.ds(s * TPT, TPT)], out.at[c, pl.ds(s * TPT, TPT)])


_sc_prop = pl.kernel(
    _sc_prop_body,
    out_type=jax.ShapeDtypeStruct((NC, NA, EMB), jnp.float32),
    mesh=_MESH,
    compiler_params=pltpu.CompilerParams(use_tc_tiling_on_sc=False),
    scratch_types=[
        pltpu.VMEM((SB_E,), jnp.int32),
        pltpu.VMEM((SB_E,), jnp.int32),
        pltpu.VMEM((CH, EMB), jnp.float32),
        pltpu.VMEM((CH, EMB), jnp.float32),
        pltpu.VMEM_SHARED((NA, EMB), jnp.float32),
        pltpu.SemaphoreType.DMA,
        pltpu.SemaphoreType.DMA,
    ],
)


def _sc_deg_body(ep, tail, ones, zeros8, out, dst_v, ones_v, acc, sem):
    c = lax.axis_index("c")
    s = lax.axis_index("s")
    pltpu.sync_copy(zeros8.at[pl.ds(s * TPT, TPT)], acc.at[pl.ds(s * TPT, TPT)])
    pltpu.sync_copy(ones, ones_v)
    plsc.subcore_barrier()

    @pl.loop(0, 8 - 2 * c)
    def _(b):
        base = s * PAIR_E + c * C0_E + b * SB_E

        @pl.when(base < TAIL_BASE)
        def _():
            pltpu.sync_copy(ep.at[1, pl.ds(base, SB_E)], dst_v)

        @pl.when(base >= TAIL_BASE)
        def _():
            pltpu.sync_copy(tail.at[1], dst_v)

        @pl.loop(0, SB_CH)
        def _(j):
            pltpu.async_copy(ones_v, acc.at[dst_v.at[pl.ds(j * CH, CH)]],
                             sem, add=True)

        @pl.loop(0, SB_CH)
        def _(j):
            pltpu.make_async_copy(
                ones_v, acc.at[dst_v.at[pl.ds(j * CH, CH)]], sem).wait()

    plsc.subcore_barrier()
    pltpu.sync_copy(acc.at[pl.ds(s * TPT, TPT)], out.at[c, pl.ds(s * TPT, TPT)])


_sc_deg = pl.kernel(
    _sc_deg_body,
    out_type=jax.ShapeDtypeStruct((NC, NA, 8), jnp.float32),
    mesh=_MESH,
    compiler_params=pltpu.CompilerParams(use_tc_tiling_on_sc=False),
    scratch_types=[
        pltpu.VMEM((SB_E,), jnp.int32),
        pltpu.VMEM((CH, 8), jnp.float32),
        pltpu.VMEM_SHARED((NA, 8), jnp.float32),
        pltpu.SemaphoreType.DMA,
    ],
)



def _mm(a, b):
    return lax.dot_general(a, b, (((1,), (0,)), ((), ())),
                           preferred_element_type=jnp.float32)


def _stage0_body(xp_ref, wep_ref, bep_ref, degp_ref, seld_ref, t1_ref,
                 dinv_ref):
    i = pl.program_id(0)
    h0 = _mm(xp_ref[...], wep_ref[...]) + bep_ref[...]
    deg8 = degp_ref[0] + degp_ref[1]
    deg = _mm(deg8, seld_ref[...]) + 1.0
    rows = lax.broadcasted_iota(jnp.int32, (BLKP, 128), 0)
    lanes = lax.broadcasted_iota(jnp.int32, (BLKP, 128), 1)
    node = 4 * (i * BLKP + rows) + lanes // EMB
    dinv = jnp.where(node < N, lax.rsqrt(deg), 0.0)
    t1_ref[...] = dinv * h0
    dinv_ref[...] = dinv


def _tc_stage0(xp, WeP, beP, degp4, SelD):
    return pl.pallas_call(
        _stage0_body,
        grid=(NBLK,),
        in_specs=[
            pl.BlockSpec((BLKP, 4 * IN), lambda i: (i, 0)),
            pl.BlockSpec((4 * IN, 128), lambda i: (0, 0)),
            pl.BlockSpec((1, 128), lambda i: (0, 0)),
            pl.BlockSpec((NC, BLKP, EMB), lambda i: (0, i, 0)),
            pl.BlockSpec((EMB, 128), lambda i: (0, 0)),
        ],
        out_specs=[
            pl.BlockSpec((BLKP, 128), lambda i: (i, 0)),
            pl.BlockSpec((BLKP, 128), lambda i: (i, 0)),
        ],
        out_shape=[
            jax.ShapeDtypeStruct((NAP, 128), jnp.float32),
            jax.ShapeDtypeStruct((NAP, 128), jnp.float32),
        ],
    )(xp, WeP, beP, degp4, SelD)


def _layer1_body(p_ref, t1_ref, dinv_ref, w1_ref, b1_ref, sela_ref, selb_ref,
                 a_ref, b_ref):
    dinv = dinv_ref[...]
    pre = dinv * (p_ref[0] + p_ref[1] + t1_ref[...])
    h1 = jax.nn.relu(_mm(pre, w1_ref[...]) + b1_ref[...])
    a_ref[...] = dinv * _mm(h1, sela_ref[...])
    b_ref[...] = dinv * _mm(h1, selb_ref[...])


def _tc_layer1(P14, t1p, dinvp, W1P, b1P, SelA, SelB):
    return pl.pallas_call(
        _layer1_body,
        grid=(NBLK,),
        in_specs=[
            pl.BlockSpec((NC, BLKP, 128), lambda i: (0, i, 0)),
            pl.BlockSpec((BLKP, 128), lambda i: (i, 0)),
            pl.BlockSpec((BLKP, 128), lambda i: (i, 0)),
            pl.BlockSpec((128, 256), lambda i: (0, 0)),
            pl.BlockSpec((1, 256), lambda i: (0, 0)),
            pl.BlockSpec((256, 128), lambda i: (0, 0)),
            pl.BlockSpec((256, 128), lambda i: (0, 0)),
        ],
        out_specs=[
            pl.BlockSpec((BLKP, 128), lambda i: (i, 0)),
            pl.BlockSpec((BLKP, 128), lambda i: (i, 0)),
        ],
        out_shape=[
            jax.ShapeDtypeStruct((NAP, 128), jnp.float32),
            jax.ShapeDtypeStruct((NAP, 128), jnp.float32),
        ],
    )(P14, t1p, dinvp, W1P, b1P, SelA, SelB)


def _layer2_body(pa_ref, pb_ref, ta_ref, tb_ref, dinv_ref, w2a_ref, w2b_ref,
                 b2_ref, w3_ref, t3_ref):
    dinv = dinv_ref[...]
    col_a = dinv * (pa_ref[0] + pa_ref[1] + ta_ref[...])
    col_b = dinv * (pb_ref[0] + pb_ref[1] + tb_ref[...])
    h2 = jax.nn.relu(_mm(col_a, w2a_ref[...]) + _mm(col_b, w2b_ref[...])
                     + b2_ref[...])
    t3_ref[...] = dinv * _mm(h2, w3_ref[...])


def _tc_layer2(P2a4, P2b4, t2ap, t2bp, dinvp, W2aP, W2bP, b2P, W3P):
    return pl.pallas_call(
        _layer2_body,
        grid=(NBLK,),
        in_specs=[
            pl.BlockSpec((NC, BLKP, 128), lambda i: (0, i, 0)),
            pl.BlockSpec((NC, BLKP, 128), lambda i: (0, i, 0)),
            pl.BlockSpec((BLKP, 128), lambda i: (i, 0)),
            pl.BlockSpec((BLKP, 128), lambda i: (i, 0)),
            pl.BlockSpec((BLKP, 128), lambda i: (i, 0)),
            pl.BlockSpec((128, 256), lambda i: (0, 0)),
            pl.BlockSpec((128, 256), lambda i: (0, 0)),
            pl.BlockSpec((1, 256), lambda i: (0, 0)),
            pl.BlockSpec((256, 128), lambda i: (0, 0)),
        ],
        out_specs=[pl.BlockSpec((BLKP, 128), lambda i: (i, 0))],
        out_shape=[jax.ShapeDtypeStruct((NAP, 128), jnp.float32)],
    )(P2a4, P2b4, t2ap, t2bp, dinvp, W2aP, W2bP, b2P, W3P)[0]


def _pool_body(p_ref, t3_ref, dinv_ref, b3_ref, batch_ref, s_ref, c_ref):
    i = pl.program_id(0)
    out3 = dinv_ref[...] * (p_ref[0] + p_ref[1] + t3_ref[...]) + b3_ref[...]
    iota_g = lax.broadcasted_iota(jnp.int32, (G, BLKP), 0)
    ones_b = jnp.ones((BLKP, EMB), jnp.float32)
    s_part = jnp.zeros((G, EMB), jnp.float32)
    c_part = jnp.zeros((G, EMB), jnp.float32)
    for q in range(4):
        oh = jnp.where(batch_ref[q:q + 1, :] == iota_g, 1.0, 0.0)
        s_part += _mm(oh, out3[:, EMB * q:EMB * (q + 1)])
        c_part += _mm(oh, ones_b)

    @pl.when(i == 0)
    def _():
        s_ref[...] = jnp.zeros_like(s_ref)
        c_ref[...] = jnp.zeros_like(c_ref)

    s_ref[...] += s_part
    c_ref[...] += c_part


def _tc_pool(P34, t3p, dinvp, b3P, batchp4):
    return pl.pallas_call(
        _pool_body,
        grid=(NBLK,),
        in_specs=[
            pl.BlockSpec((NC, BLKP, 128), lambda i: (0, i, 0)),
            pl.BlockSpec((BLKP, 128), lambda i: (i, 0)),
            pl.BlockSpec((BLKP, 128), lambda i: (i, 0)),
            pl.BlockSpec((1, 128), lambda i: (0, 0)),
            pl.BlockSpec((8, BLKP), lambda i: (0, i)),
        ],
        out_specs=[
            pl.BlockSpec((G, EMB), lambda i: (0, 0)),
            pl.BlockSpec((G, EMB), lambda i: (0, 0)),
        ],
        out_shape=[
            jax.ShapeDtypeStruct((G, EMB), jnp.float32),
            jax.ShapeDtypeStruct((G, EMB), jnp.float32),
        ],
    )(P34, t3p, dinvp, b3P, batchp4)


def _dotT(a, w):
    return lax.dot_general(a, w, (((1,), (1,)), ((), ())),
                           preferred_element_type=jnp.float32)


def _heads_body(s_ref, c_ref, wv_ref, bv_ref, wo_ref, bo_ref,
                tw1_ref, tb1_ref, tw2_ref, tb2_ref, tw3_ref, tb3_ref,
                iw1_ref, ib1_ref, iw2_ref, ib2_ref, iw3_ref, ib3_ref,
                aw1_ref, ab1_ref, aw2_ref, ab2_ref,
                temp_ref, iaw_ref, anom_ref, hf_ref):
    mean = s_ref[...] / jnp.maximum(c_ref[...], 1.0)
    v = _dotT(mean, wv_ref[...]) + bv_ref[...]
    hf = _dotT(v, wo_ref[...]) + bo_ref[...]
    hf_ref[...] = hf
    t = jax.nn.relu(_dotT(hf, tw1_ref[...]) + tb1_ref[...])
    t = jax.nn.relu(_dotT(t, tw2_ref[...]) + tb2_ref[...])
    temp_ref[...] = jax.nn.sigmoid(_dotT(t, tw3_ref[...]) + tb3_ref[0, 0])[:, 0:1]
    w = jax.nn.relu(_dotT(hf, iw1_ref[...]) + ib1_ref[...])
    w = jax.nn.relu(_dotT(w, iw2_ref[...]) + ib2_ref[...])
    iaw_ref[...] = jax.nn.relu(_dotT(w, iw3_ref[...]) + ib3_ref[0, 0])[:, 0:1]
    a = jax.nn.relu(_dotT(hf, aw1_ref[...]) + ab1_ref[...])
    lg = _dotT(a, aw2_ref[...]) + ab2_ref[...]
    l0, l1 = lg[:, 0:1], lg[:, 1:2]
    m = jnp.maximum(l0, l1)
    e0, e1 = jnp.exp(l0 - m), jnp.exp(l1 - m)
    tot = e0 + e1
    anom_ref[...] = jnp.concatenate([e0 / tot, e1 / tot], axis=1)


def _tc_heads(s, c, Wv, bv2, Wo, bo2, Tw1, Tb12, Tw2, Tb22, Tw3, Tb32,
              Iw1, Ib12, Iw2, Ib22, Iw3, Ib32, Aw1, Ab12, Aw2, Ab22):
    return pl.pallas_call(
        _heads_body,
        out_shape=[
            jax.ShapeDtypeStruct((G, 1), jnp.float32),
            jax.ShapeDtypeStruct((G, 1), jnp.float32),
            jax.ShapeDtypeStruct((G, 2), jnp.float32),
            jax.ShapeDtypeStruct((G, EMB), jnp.float32),
        ],
    )(s, c, Wv, bv2, Wo, bo2, Tw1, Tb12, Tw2, Tb22, Tw3, Tb32,
      Iw1, Ib12, Iw2, Ib22, Iw3, Ib32, Aw1, Ab12, Aw2, Ab22)



def kernel(x, edge_index, batch, We, be, W1, b1, W2, b2, W3, b3, Wqkv, bqkv,
           Wo, bo, Tw1, Tb1, Tw2, Tb2, Tw3, Tb3, Iw1, Ib1, Iw2, Ib2, Iw3, Ib3,
           Aw1, Ab1, Aw2, Ab2):
    f32 = jnp.float32
    eye4 = jnp.eye(4, dtype=f32)
    kron = jnp.kron
    tailE = jnp.concatenate(
        [edge_index[:, TAIL_BASE:], jnp.full((2, E_PAD - E), N, jnp.int32)],
        axis=1)
    batch_pad = jnp.concatenate([batch, jnp.full((NA - N,), G, jnp.int32)])
    batchp4 = jnp.concatenate(
        [batch_pad.reshape(NAP, 4).T, jnp.full((4, NAP), G, jnp.int32)], axis=0)
    zeros32 = jnp.zeros((NA, EMB), f32)
    zeros8 = jnp.zeros((NA, 8), f32)
    ones8 = jnp.ones((CH, 8), f32)

    xp = jnp.concatenate(
        [x.reshape(N // 4, 4 * IN),
         jnp.zeros((NAP - N // 4, 4 * IN), f32)])
    WeP = kron(eye4, We.T)
    beP = jnp.tile(be, 4).reshape(1, 128)
    SelD = kron(eye4, jnp.full((8, EMB), 0.125, f32))
    W1P = kron(eye4, W1.T)
    b1P = jnp.tile(b1, 4).reshape(1, 256)
    SelA = kron(eye4, jnp.eye(HID, EMB, dtype=f32))
    SelB = kron(eye4, jnp.eye(HID, EMB, k=-EMB, dtype=f32))
    W2aP = kron(eye4, W2[:, :EMB].T)
    W2bP = kron(eye4, W2[:, EMB:].T)
    b2P = jnp.tile(b2, 4).reshape(1, 256)
    W3P = kron(eye4, W3.T)
    b3P = jnp.tile(b3, 4).reshape(1, 128)

    degp = _sc_deg(edge_index, tailE, ones8, zeros8)
    t1p, dinvp = _tc_stage0(xp, WeP, beP, degp.reshape(NC, NAP, EMB), SelD)
    P1 = _sc_prop(t1p.reshape(NA, EMB), edge_index, tailE, zeros32)
    t2ap, t2bp = _tc_layer1(P1.reshape(NC, NAP, 128), t1p, dinvp, W1P, b1P,
                            SelA, SelB)
    P2a = _sc_prop(t2ap.reshape(NA, EMB), edge_index, tailE, zeros32)
    P2b = _sc_prop(t2bp.reshape(NA, EMB), edge_index, tailE, zeros32)
    t3p = _tc_layer2(P2a.reshape(NC, NAP, 128), P2b.reshape(NC, NAP, 128),
                     t2ap, t2bp, dinvp, W2aP, W2bP, b2P, W3P)
    P3 = _sc_prop(t3p.reshape(NA, EMB), edge_index, tailE, zeros32)
    s, c = _tc_pool(P3.reshape(NC, NAP, 128), t3p, dinvp, b3P, batchp4)
    pad8 = lambda w: jnp.concatenate(
        [w, jnp.zeros((8 - w.shape[0], w.shape[1]), f32)], axis=0)
    temp, iaw, anom, hf = _tc_heads(
        s, c, Wqkv[2 * EMB:], bqkv[2 * EMB:].reshape(1, -1), Wo,
        bo.reshape(1, -1), Tw1, Tb1.reshape(1, -1), Tw2, Tb2.reshape(1, -1),
        pad8(Tw3), Tb3.reshape(1, -1), Iw1, Ib1.reshape(1, -1), Iw2,
        Ib2.reshape(1, -1), pad8(Iw3), Ib3.reshape(1, -1), Aw1,
        Ab1.reshape(1, -1),
        pad8(Aw2), jnp.concatenate([Ab2, jnp.zeros((6,), f32)]).reshape(1, -1))
    return (temp, iaw, anom, hf)

# --- scband reference (transcript-rebuilt; emitter-appended) ---
"""Pipeline reference for scband-e3-network-byu-16621523436310 (READ-ONLY COPY).

The authoritative reference and input builder live on the scoring server;
editing this copy changes nothing except your own understanding.
"""

import jax, jax.numpy as jnp
import numpy as np

N = 50000
E = 800000
IN = 128
HID = 64
EMB = 32
G = 64
NHEADS = 4


def setup_inputs(seed: int = 0) -> dict:
    key = jax.random.key(seed)
    ks = jax.random.split(key, 40)
    s = 0.05
    inp = {}
    inp["x"] = jax.random.normal(ks[0], (N, IN), jnp.float32)
    inp["edge_index"] = jax.random.randint(ks[1], (2, E), 0, N, jnp.int32)
    inp["batch"] = jnp.sort(jax.random.randint(ks[2], (N,), 0, G, jnp.int32))
    # element_embedding Linear(IN -> EMB)
    inp["We"] = jax.random.normal(ks[3], (EMB, IN), jnp.float32) * s
    inp["be"] = jnp.zeros((EMB,), jnp.float32)
    # GCNConv weights (lin: [out, in]) + bias
    inp["W1"] = jax.random.normal(ks[4], (HID, EMB), jnp.float32) * s
    inp["b1"] = jnp.zeros((HID,), jnp.float32)
    inp["W2"] = jax.random.normal(ks[5], (HID, HID), jnp.float32) * s
    inp["b2"] = jnp.zeros((HID,), jnp.float32)
    inp["W3"] = jax.random.normal(ks[6], (EMB, HID), jnp.float32) * s
    inp["b3"] = jnp.zeros((EMB,), jnp.float32)
    # MultiheadAttention (embed_dim=EMB, 4 heads)
    inp["Wqkv"] = jax.random.normal(ks[7], (3 * EMB, EMB), jnp.float32) * s
    inp["bqkv"] = jnp.zeros((3 * EMB,), jnp.float32)
    inp["Wo"] = jax.random.normal(ks[8], (EMB, EMB), jnp.float32) * s
    inp["bo"] = jnp.zeros((EMB,), jnp.float32)
    # temperature predictor: EMB->HID->32->1
    inp["Tw1"] = jax.random.normal(ks[9], (HID, EMB), jnp.float32) * s
    inp["Tb1"] = jnp.zeros((HID,), jnp.float32)
    inp["Tw2"] = jax.random.normal(ks[10], (32, HID), jnp.float32) * s
    inp["Tb2"] = jnp.zeros((32,), jnp.float32)
    inp["Tw3"] = jax.random.normal(ks[11], (1, 32), jnp.float32) * s
    inp["Tb3"] = jnp.zeros((1,), jnp.float32)
    # iaw predictor: EMB->HID->32->1
    inp["Iw1"] = jax.random.normal(ks[12], (HID, EMB), jnp.float32) * s
    inp["Ib1"] = jnp.zeros((HID,), jnp.float32)
    inp["Iw2"] = jax.random.normal(ks[13], (32, HID), jnp.float32) * s
    inp["Ib2"] = jnp.zeros((32,), jnp.float32)
    inp["Iw3"] = jax.random.normal(ks[14], (1, 32), jnp.float32) * s
    inp["Ib3"] = jnp.zeros((1,), jnp.float32)
    # anomaly classifier: EMB->HID->2
    inp["Aw1"] = jax.random.normal(ks[15], (HID, EMB), jnp.float32) * s
    inp["Ab1"] = jnp.zeros((HID,), jnp.float32)
    inp["Aw2"] = jax.random.normal(ks[16], (2, HID), jnp.float32) * s
    inp["Ab2"] = jnp.zeros((2,), jnp.float32)
    return inp


def _gcn(x, W, b, src, dst, n):
    xw = x @ W.T
    loop = jnp.arange(n, dtype=src.dtype)
    src2 = jnp.concatenate([src, loop])
    dst2 = jnp.concatenate([dst, loop])
    deg = jax.ops.segment_sum(jnp.ones(src2.shape, jnp.float32), dst2, num_segments=n)
    dinv = jnp.where(deg > 0, deg ** -0.5, 0.0)
    norm = dinv[src2] * dinv[dst2]
    msgs = jnp.take(xw, src2, axis=0) * norm[:, None]
    out = jax.ops.segment_sum(msgs, dst2, num_segments=n)
    return out + b


def _global_mean_pool(h, batch, g):
    s = jax.ops.segment_sum(h, batch, num_segments=g)
    c = jax.ops.segment_sum(jnp.ones((h.shape[0],), jnp.float32), batch, num_segments=g)
    return s / jnp.maximum(c, 1.0)[:, None]


def _mha(xg, Wqkv, bqkv, Wo, bo):
    B, D = xg.shape
    dh = D // NHEADS
    qkv = xg @ Wqkv.T + bqkv
    q, k, v = jnp.split(qkv, 3, axis=-1)
    q = q.reshape(B, NHEADS, 1, dh)
    k = k.reshape(B, NHEADS, 1, dh)
    v = v.reshape(B, NHEADS, 1, dh)
    scores = (q @ jnp.swapaxes(k, -1, -2)) / jnp.sqrt(jnp.float32(dh))
    attn = jax.nn.softmax(scores, axis=-1)
    out = (attn @ v).reshape(B, D)
    return out @ Wo.T + bo


def reference(x, edge_index, batch, We, be, W1, b1, W2, b2, W3, b3, Wqkv, bqkv, Wo, bo,
              Tw1, Tb1, Tw2, Tb2, Tw3, Tb3, Iw1, Ib1, Iw2, Ib2, Iw3, Ib3, Aw1, Ab1, Aw2, Ab2):
    src, dst = edge_index[0], edge_index[1]
    h = x @ We.T + be
    h = jax.nn.relu(_gcn(h, W1, b1, src, dst, N))
    h = jax.nn.relu(_gcn(h, W2, b2, src, dst, N))
    h = _gcn(h, W3, b3, src, dst, N)
    h_global = _global_mean_pool(h, batch, G)
    h_final = _mha(h_global, Wqkv, bqkv, Wo, bo)
    # temperature predictor (dropout is identity in eval)
    t = jax.nn.relu(h_final @ Tw1.T + Tb1)
    t = jax.nn.relu(t @ Tw2.T + Tb2)
    temp_pred = jax.nn.sigmoid(t @ Tw3.T + Tb3)
    # iaw predictor
    i = jax.nn.relu(h_final @ Iw1.T + Ib1)
    i = jax.nn.relu(i @ Iw2.T + Ib2)
    iaw_pred = jax.nn.relu(i @ Iw3.T + Ib3)
    # anomaly classifier
    a = jax.nn.relu(h_final @ Aw1.T + Ab1)
    anomaly = jax.nn.softmax(a @ Aw2.T + Ab2, axis=1)
    return (temp_pred, iaw_pred, anomaly, h_final)

if __name__ == "__main__":
    import jax
    _d = setup_inputs()
    print(jax.jit(kernel)(*tuple(_d.values())))

</pallas_src>

<mosaic_0001>
#map = affine_map<(d0, d1) -> (0, 0)>
#map1 = affine_map<(d0, d1) -> (0, 0, 0)>
module attributes {stable_mosaic.version = 14 : i64} {
  func.func @_sc_prop_body(%arg0: i32, %arg1: i32, %arg2: memref<50176x32xf32, #tpu.memory_space<hbm>>, %arg3: memref<2x800000xi32, #tpu.memory_space<hbm>>, %arg4: memref<2x3584xi32, #tpu.memory_space<hbm>>, %arg5: memref<50176x32xf32, #tpu.memory_space<hbm>>, %arg6: memref<2x50176x32xf32, #tpu.memory_space<hbm>>, %arg7: memref<3584xi32, #tpu.memory_space<vmem>>, %arg8: memref<3584xi32, #tpu.memory_space<vmem>>, %arg9: memref<256x32xf32, #tpu.memory_space<vmem>>, %arg10: memref<256x32xf32, #tpu.memory_space<vmem>>, %arg11: memref<50176x32xf32, #tpu.memory_space<vmem_shared>>, %arg12: memref<!tpu.dma_semaphore, #tpu.memory_space<semaphore_mem>>, %arg13: memref<!tpu.dma_semaphore, #tpu.memory_space<semaphore_mem>>) attributes {dimension_semantics = [#tpu.dimension_semantics<core_parallel>, #tpu.dimension_semantics<subcore_parallel>], iteration_bounds = array<i64: 2, 16>, scalar_prefetch = 0 : i64, scratch_operands = 7 : i64, tpu.core_type = #tpu.core_type<sc_vector_subcore>, window_params = [{transform_indices = #map}, {transform_indices = #map}, {transform_indices = #map}, {transform_indices = #map}, {transform_indices = #map1}]} {
    %mul3A = arith.constant 3136 : i32
    %mul3A_0 = arith.muli %arg1, %mul3A : i32
    %mul3A_1 = arith.constant 3136 : i32
    %mul3A_2 = arith.muli %arg1, %mul3A_1 : i32
    "tpu.region"() ({
      %run_scoped3A = tpu.sem_alloc : memref<!tpu.dma_semaphore, #tpu.memory_space<semaphore_mem>>
      %dma_start3A = arith.constant 0 : i32
      %dma_start3A_27 = tpu.memref_slice %arg11[%mul3A_2, %dma_start3A] : memref<50176x32xf32, #tpu.memory_space<vmem_shared>> -> memref<3136x32xf32, #tpu.memory_space<vmem_shared>>
      %dma_start3A_28 = arith.constant 0 : i32
      %dma_start3A_29 = tpu.memref_slice %arg5[%mul3A_0, %dma_start3A_28] : memref<50176x32xf32, #tpu.memory_space<hbm>> -> memref<3136x32xf32, #tpu.memory_space<hbm>>
      tpu.enqueue_dma source(%dma_start3A_29 : memref<3136x32xf32, #tpu.memory_space<hbm>>) target(%dma_start3A_27 : memref<3136x32xf32, #tpu.memory_space<vmem_shared>>) target_semaphore(%run_scoped3A : memref<!tpu.dma_semaphore, #tpu.memory_space<semaphore_mem>>)
      %dma_wait3A = arith.constant 0 : i32
      %dma_wait3A_30 = tpu.memref_slice %arg11[%mul3A_2, %dma_wait3A] : memref<50176x32xf32, #tpu.memory_space<vmem_shared>> -> memref<3136x32xf32, #tpu.memory_space<vmem_shared>>
      %dma_wait3A_31 = arith.constant 0 : i32
      %dma_wait3A_32 = tpu.memref_slice %arg5[%mul3A_0, %dma_wait3A_31] : memref<50176x32xf32, #tpu.memory_space<hbm>> -> memref<3136x32xf32, #tpu.memory_space<hbm>>
      tpu.wait_dma2 semaphore(%run_scoped3A : memref<!tpu.dma_semaphore, #tpu.memory_space<semaphore_mem>>) src(%dma_wait3A_32 : memref<3136x32xf32, #tpu.memory_space<hbm>>) dst(%dma_wait3A_30 : memref<3136x32xf32, #tpu.memory_space<vmem_shared>>)
      tpu.yield
    }) : () -> ()
    %barrier3A = arith.constant 0 : index
    tpu.barrier barrier_id(%barrier3A)
    %mul3A_3 = arith.constant 2 : i32
    %mul3A_4 = arith.muli %mul3A_3, %arg0 : i32
    %sub3A = arith.constant 8 : i32
    %sub3A_5 = arith.subi %sub3A, %mul3A_4 : i32
    %sub3A_6 = arith.constant 0 : i32
    %sub3A_7 = arith.subi %sub3A_5, %sub3A_6 : i32
    %sub3A_8 = arith.constant 1 : i32
    %sub3A_9 = arith.constant 1 : i32
    %sub3A_10 = arith.subi %sub3A_8, %sub3A_9 : i32
    %add3A = arith.addi %sub3A_7, %sub3A_10 : i32
    %div3A = arith.constant 1 : i32
    %div3A_11 = arith.divsi %add3A, %div3A : i32
    %while3A = arith.constant 1 : i32
    %while3A_12 = arith.constant 0 : i32
    %while3A_13 = arith.constant 0 : i32
    %while3A_14 = arith.subi %div3A_11, %while3A_13 : i32
    %while3A_15 = arith.addi %while3A_13, %while3A_14 : i32
    %while3A_16 = arith.constant 1 : i32
    %while3A_17 = arith.divsi %while3A_14, %while3A_16 : i32
    %while3A_18 = arith.muli %while3A_17, %while3A_16 : i32
    %while3A_19 = arith.addi %while3A_13, %while3A_18 : i32
    %while3A_20 = arith.constant 1 : i32
    scf.for %while3A_27 = %while3A_13 to %while3A_19 step %while3A_20  : i32 {
      %mul3A_28 = arith.muli %while3A_27, %while3A : i32
      %add3A_29 = arith.addi %while3A_12, %mul3A_28 : i32
      %mul3A_30 = arith.constant 50176 : i32
      %mul3A_31 = arith.muli %arg1, %mul3A_30 : i32
      %mul3A_32 = arith.constant 28672 : i32
      %mul3A_33 = arith.muli %arg0, %mul3A_32 : i32
      %add3A_34 = arith.addi %mul3A_31, %mul3A_33 : i32
      %mul3A_35 = arith.constant 3584 : i32
      %mul3A_36 = arith.muli %add3A_29, %mul3A_35 : i32
      %add3A_37 = arith.addi %add3A_34, %mul3A_36 : i32
      %lt3A = arith.constant 799232 : i32
      %lt3A_38 = arith.cmpi slt, %add3A_37, %lt3A : i32
      %convert_element_type3A = arith.extui %lt3A_38 : i1 to i32
      %cond3A = arith.constant 0 : i32
      %cond3A_39 = arith.cmpi ne, %convert_element_type3A, %cond3A : i32
      scf.if %cond3A_39 {
        %run_scoped3A = arith.constant 0 : i32
        "tpu.region"() ({
          %run_scoped3A_53 = tpu.sem_alloc : memref<!tpu.dma_semaphore, #tpu.memory_space<semaphore_mem>>
          %dma_start3A_54 = tpu.memref_slice %arg3[%run_scoped3A, %add3A_37] : memref<2x800000xi32, #tpu.memory_space<hbm>> -> memref<1x3584xi32, #tpu.memory_space<hbm>>
          %dma_start3A_55 = tpu.memref_squeeze %dma_start3A_54 : memref<1x3584xi32, #tpu.memory_space<hbm>> -> memref<3584xi32, #tpu.memory_space<hbm>>
          %dma_start3A_56 = tpu.memref_slice %arg3[%run_scoped3A, %add3A_37] : memref<2x800000xi32, #tpu.memory_space<hbm>> -> memref<1x3584xi32, #tpu.memory_space<hbm>>
          %dma_start3A_57 = tpu.memref_squeeze %dma_start3A_56 : memref<1x3584xi32, #tpu.memory_space<hbm>> -> memref<3584xi32, #tpu.memory_space<hbm>>
          tpu.enqueue_dma source(%dma_start3A_57 : memref<3584xi32, #tpu.memory_space<hbm>>) target(%arg7 : memref<3584xi32, #tpu.memory_space<vmem>>) target_semaphore(%run_scoped3A_53 : memref<!tpu.dma_semaphore, #tpu.memory_space<semaphore_mem>>)
          %dma_wait3A = tpu.memref_slice %arg3[%run_scoped3A, %add3A_37] : memref<2x800000xi32, #tpu.memory_space<hbm>> -> memref<1x3584xi32, #tpu.memory_space<hbm>>
          %dma_wait3A_58 = tpu.memref_squeeze %dma_wait3A : memref<1x3584xi32, #tpu.memory_space<hbm>> -> memref<3584xi32, #tpu.memory_space<hbm>>
          %dma_wait3A_59 = tpu.memref_slice %arg3[%run_scoped3A, %add3A_37] : memref<2x800000xi32, #tpu.memory_space<hbm>> -> memref<1x3584xi32, #tpu.memory_space<hbm>>
          %dma_wait3A_60 = tpu.memref_squeeze %dma_wait3A_59 : memref<1x3584xi32, #tpu.memory_space<hbm>> -> memref<3584xi32, #tpu.memory_space<hbm>>
          tpu.wait_dma2 semaphore(%run_scoped3A_53 : memref<!tpu.dma_semaphore, #tpu.memory_space<semaphore_mem>>) src(%dma_wait3A_60 : memref<3584xi32, #tpu.memory_space<hbm>>) dst(%arg7 : memref<3584xi32, #tpu.memory_space<vmem>>)
          tpu.yield
        }) : () -> ()
        %run_scoped3A_52 = arith.constant 1 : i32
        "tpu.region"() ({
          %run_scoped3A_53 = tpu.sem_alloc : memref<!tpu.dma_semaphore, #tpu.memory_space<semaphore_mem>>
          %dma_start3A_54 = tpu.memref_slice %arg3[%run_scoped3A_52, %add3A_37] : memref<2x800000xi32, #tpu.memory_space<hbm>> -> memref<1x3584xi32, #tpu.memory_space<hbm>>
          %dma_start3A_55 = tpu.memref_squeeze %dma_start3A_54 : memref<1x3584xi32, #tpu.memory_space<hbm>> -> memref<3584xi32, #tpu.memory_space<hbm>>
          %dma_start3A_56 = tpu.memref_slice %arg3[%run_scoped3A_52, %add3A_37] : memref<2x800000xi32, #tpu.memory_space<hbm>> -> memref<1x3584xi32, #tpu.memory_space<hbm>>
          %dma_start3A_57 = tpu.memref_squeeze %dma_start3A_56 : memref<1x3584xi32, #tpu.memory_space<hbm>> -> memref<3584xi32, #tpu.memory_space<hbm>>
          tpu.enqueue_dma source(%dma_start3A_57 : memref<3584xi32, #tpu.memory_space<hbm>>) target(%arg8 : memref<3584xi32, #tpu.memory_space<vmem>>) target_semaphore(%run_scoped3A_53 : memref<!tpu.dma_semaphore, #tpu.memory_space<semaphore_mem>>)
          %dma_wait3A = tpu.memref_slice %arg3[%run_scoped3A_52, %add3A_37] : memref<2x800000xi32, #tpu.memory_space<hbm>> -> memref<1x3584xi32, #tpu.memory_space<hbm>>
          %dma_wait3A_58 = tpu.memref_squeeze %dma_wait3A : memref<1x3584xi32, #tpu.memory_space<hbm>> -> memref<3584xi32, #tpu.memory_space<hbm>>
          %dma_wait3A_59 = tpu.memref_slice %arg3[%run_scoped3A_52, %add3A_37] : memref<2x800000xi32, #tpu.memory_space<hbm>> -> memref<1x3584xi32, #tpu.memory_space<hbm>>
          %dma_wait3A_60 = tpu.memref_squeeze %dma_wait3A_59 : memref<1x3584xi32, #tpu.memory_space<hbm>> -> memref<3584xi32, #tpu.memory_space<hbm>>
          tpu.wait_dma2 semaphore(%run_scoped3A_53 : memref<!tpu.dma_semaphore, #tpu.memory_space<semaphore_mem>>) src(%dma_wait3A_60 : memref<3584xi32, #tpu.memory_space<hbm>>) dst(%arg8 : memref<3584xi32, #tpu.memory_space<vmem>>)
          tpu.yield
        }) : () -> ()
      } else {
      }
      %ge3A = arith.constant 799232 : i32
      %ge3A_40 = arith.cmpi sge, %add3A_37, %ge3A : i32
      %convert_element_type3A_41 = arith.extui %ge3A_40 : i1 to i32
      %cond3A_42 = arith.constant 0 : i32
      %cond3A_43 = arith.cmpi ne, %convert_element_type3A_41, %cond3A_42 : i32
      scf.if %cond3A_43 {
        %run_scoped3A = arith.constant 0 : i32
        "tpu.region"() ({
          %run_scoped3A_53 = tpu.sem_alloc : memref<!tpu.dma_semaphore, #tpu.memory_space<semaphore_mem>>
          %dma_start3A_54 = arith.constant 0 : i32
          %dma_start3A_55 = tpu.memref_slice %arg4[%run_scoped3A, %dma_start3A_54] : memref<2x3584xi32, #tpu.memory_space<hbm>> -> memref<1x3584xi32, #tpu.memory_space<hbm>>
          %dma_start3A_56 = tpu.memref_squeeze %dma_start3A_55 : memref<1x3584xi32, #tpu.memory_space<hbm>> -> memref<3584xi32, #tpu.memory_space<hbm>>
          %dma_start3A_57 = arith.constant 0 : i32
          %dma_start3A_58 = tpu.memref_slice %arg4[%run_scoped3A, %dma_start3A_57] : memref<2x3584xi32, #tpu.memory_space<hbm>> -> memref<1x3584xi32, #tpu.memory_space<hbm>>
          %dma_start3A_59 = tpu.memref_squeeze %dma_start3A_58 : memref<1x3584xi32, #tpu.memory_space<hbm>> -> memref<3584xi32, #tpu.memory_space<hbm>>
          tpu.enqueue_dma source(%dma_start3A_59 : memref<3584xi32, #tpu.memory_space<hbm>>) target(%arg7 : memref<3584xi32, #tpu.memory_space<vmem>>) target_semaphore(%run_scoped3A_53 : memref<!tpu.dma_semaphore, #tpu.memory_space<semaphore_mem>>)
          %dma_wait3A = arith.constant 0 : i32
          %dma_wait3A_60 = tpu.memref_slice %arg4[%run_scoped3A, %dma_wait3A] : memref<2x3584xi32, #tpu.memory_space<hbm>> -> memref<1x3584xi32, #tpu.memory_space<hbm>>
          %dma_wait3A_61 = tpu.memref_squeeze %dma_wait3A_60 : memref<1x3584xi32, #tpu.memory_space<hbm>> -> memref<3584xi32, #tpu.memory_space<hbm>>
          %dma_wait3A_62 = arith.constant 0 : i32
          %dma_wait3A_63 = tpu.memref_slice %arg4[%run_scoped3A, %dma_wait3A_62] : memref<2x3584xi32, #tpu.memory_space<hbm>> -> memref<1x3584xi32, #tpu.memory_space<hbm>>
          %dma_wait3A_64 = tpu.memref_squeeze %dma_wait3A_63 : memref<1x3584xi32, #tpu.memory_space<hbm>> -> memref<3584xi32, #tpu.memory_space<hbm>>
          tpu.wait_dma2 semaphore(%run_scoped3A_53 : memref<!tpu.dma_semaphore, #tpu.memory_space<semaphore_mem>>) src(%dma_wait3A_64 : memref<3584xi32, #tpu.memory_space<hbm>>) dst(%arg7 : memref<3584xi32, #tpu.memory_space<vmem>>)
          tpu.yield
        }) : () -> ()
        %run_scoped3A_52 = arith.constant 1 : i32
        "tpu.region"() ({
          %run_scoped3A_53 = tpu.sem_alloc : memref<!tpu.dma_semaphore, #tpu.memory_space<semaphore_mem>>
          %dma_start3A_54 = arith.constant 0 : i32
          %dma_start3A_55 = tpu.memref_slice %arg4[%run_scoped3A_52, %dma_start3A_54] : memref<2x3584xi32, #tpu.memory_space<hbm>> -> memref<1x3584xi32, #tpu.memory_space<hbm>>
          %dma_start3A_56 = tpu.memref_squeeze %dma_start3A_55 : memref<1x3584xi32, #tpu.memory_space<hbm>> -> memref<3584xi32, #tpu.memory_space<hbm>>
          %dma_start3A_57 = arith.constant 0 : i32
          %dma_start3A_58 = tpu.memref_slice %arg4[%run_scoped3A_52, %dma_start3A_57] : memref<2x3584xi32, #tpu.memory_space<hbm>> -> memref<1x3584xi32, #tpu.memory_space<hbm>>
          %dma_start3A_59 = tpu.memref_squeeze %dma_start3A_58 : memref<1x3584xi32, #tpu.memory_space<hbm>> -> memref<3584xi32, #tpu.memory_space<hbm>>
          tpu.enqueue_dma source(%dma_start3A_59 : memref<3584xi32, #tpu.memory_space<hbm>>) target(%arg8 : memref<3584xi32, #tpu.memory_space<vmem>>) target_semaphore(%run_scoped3A_53 : memref<!tpu.dma_semaphore, #tpu.memory_space<semaphore_mem>>)
          %dma_wait3A = arith.constant 0 : i32
          %dma_wait3A_60 = tpu.memref_slice %arg4[%run_scoped3A_52, %dma_wait3A] : memref<2x3584xi32, #tpu.memory_space<hbm>> -> memref<1x3584xi32, #tpu.memory_space<hbm>>
          %dma_wait3A_61 = tpu.memref_squeeze %dma_wait3A_60 : memref<1x3584xi32, #tpu.memory_space<hbm>> -> memref<3584xi32, #tpu.memory_space<hbm>>
          %dma_wait3A_62 = arith.constant 0 : i32
          %dma_wait3A_63 = tpu.memref_slice %arg4[%run_scoped3A_52, %dma_wait3A_62] : memref<2x3584xi32, #tpu.memory_space<hbm>> -> memref<1x3584xi32, #tpu.memory_space<hbm>>
          %dma_wait3A_64 = tpu.memref_squeeze %dma_wait3A_63 : memref<1x3584xi32, #tpu.memory_space<hbm>> -> memref<3584xi32, #tpu.memory_space<hbm>>
          tpu.wait_dma2 semaphore(%run_scoped3A_53 : memref<!tpu.dma_semaphore, #tpu.memory_space<semaphore_mem>>) src(%dma_wait3A_64 : memref<3584xi32, #tpu.memory_space<hbm>>) dst(%arg8 : memref<3584xi32, #tpu.memory_space<vmem>>)
          tpu.yield
        }) : () -> ()
      } else {
      }
      %dma_start3A = arith.constant 0 : i32
      %dma_start3A_44 = tpu.memref_slice %arg7[%dma_start3A] : memref<3584xi32, #tpu.memory_space<vmem>> -> memref<256xi32, #tpu.memory_space<vmem>>
      %dma_start3A_45 = arith.constant 0 : i32
      %dma_start3A_46 = arith.constant 0 : i32
      %dma_start3A_47 = tpu.memref_slice %arg2[%dma_start3A_45, %dma_start3A_46] : memref<50176x32xf32, #tpu.memory_space<hbm>> -> memref<50176x32xf32, #tpu.memory_space<hbm>>
      tpu.enqueue_indirect_dma source(%dma_start3A_47 : memref<50176x32xf32, #tpu.memory_space<hbm>>) target(%arg9 : memref<256x32xf32, #tpu.memory_space<vmem>>) offsets(%dma_start3A_44 : memref<256xi32, #tpu.memory_space<vmem>>) semaphore(%arg12 : memref<!tpu.dma_semaphore, #tpu.memory_space<semaphore_mem>>)
      %scan3A = arith.constant 0 : i32
      %scan3A_48 = arith.constant 7 : i32
      %scan3A_49 = arith.addi %scan3A, %scan3A_48 : i32
      %scan3A_50 = arith.constant 1 : i32
      scf.for %scan3A_52 = %scan3A to %scan3A_49 step %scan3A_50  : i32 {
        %mul3A_53 = arith.constant 2 : i32
        %mul3A_54 = arith.muli %scan3A_52, %mul3A_53 : i32
        %add3A_55 = arith.constant 0 : i32
        %add3A_56 = arith.addi %add3A_55, %mul3A_54 : i32
        %add3A_57 = arith.constant 1 : i32
        %add3A_58 = arith.addi %add3A_56, %add3A_57 : i32
        %mul3A_59 = arith.constant 256 : i32
        %mul3A_60 = arith.muli %add3A_58, %mul3A_59 : i32
        %dma_start3A_61 = tpu.memref_slice %arg7[%mul3A_60] : memref<3584xi32, #tpu.memory_space<vmem>> -> memref<256xi32, #tpu.memory_space<vmem>>
        %dma_start3A_62 = arith.constant 0 : i32
        %dma_start3A_63 = arith.constant 0 : i32
        %dma_start3A_64 = tpu.memref_slice %arg2[%dma_start3A_62, %dma_start3A_63] : memref<50176x32xf32, #tpu.memory_space<hbm>> -> memref<50176x32xf32, #tpu.memory_space<hbm>>
        tpu.enqueue_indirect_dma source(%dma_start3A_64 : memref<50176x32xf32, #tpu.memory_space<hbm>>) target(%arg10 : memref<256x32xf32, #tpu.memory_space<vmem>>) offsets(%dma_start3A_61 : memref<256xi32, #tpu.memory_space<vmem>>) semaphore(%arg13 : memref<!tpu.dma_semaphore, #tpu.memory_space<semaphore_mem>>)
        %mul3A_65 = arith.constant 256 : i32
        %mul3A_66 = arith.muli %add3A_56, %mul3A_65 : i32
        %dma_wait3A = tpu.memref_slice %arg7[%mul3A_66] : memref<3584xi32, #tpu.memory_space<vmem>> -> memref<256xi32, #tpu.memory_space<vmem>>
        %dma_wait3A_67 = arith.constant 0 : i32
        %dma_wait3A_68 = arith.constant 0 : i32
        %dma_wait3A_69 = tpu.memref_slice %arg2[%dma_wait3A_67, %dma_wait3A_68] : memref<50176x32xf32, #tpu.memory_space<hbm>> -> memref<50176x32xf32, #tpu.memory_space<hbm>>
        tpu.wait_indirect_dma semaphore(%arg12 : memref<!tpu.dma_semaphore, #tpu.memory_space<semaphore_mem>>) src(%dma_wait3A_69 : memref<50176x32xf32, #tpu.memory_space<hbm>>) dst(%arg9 : memref<256x32xf32, #tpu.memory_space<vmem>>)
        %mul3A_70 = arith.constant 256 : i32
        %mul3A_71 = arith.muli %add3A_56, %mul3A_70 : i32
        "tpu.region"() ({
          %run_scoped3A = tpu.sem_alloc : memref<!tpu.dma_semaphore, #tpu.memory_space<semaphore_mem>>
          %dma_start3A_91 = tpu.memref_slice %arg8[%mul3A_71] : memref<3584xi32, #tpu.memory_space<vmem>> -> memref<256xi32, #tpu.memory_space<vmem>>
          %dma_start3A_92 = arith.constant 0 : i32
          %dma_start3A_93 = arith.constant 0 : i32
          %dma_start3A_94 = tpu.memref_slice %arg11[%dma_start3A_92, %dma_start3A_93] : memref<50176x32xf32, #tpu.memory_space<vmem_shared>> -> memref<50176x32xf32, #tpu.memory_space<vmem_shared>>
          tpu.enqueue_indirect_dma source(%arg9 : memref<256x32xf32, #tpu.memory_space<vmem>>) target(%dma_start3A_94 : memref<50176x32xf32, #tpu.memory_space<vmem_shared>>) offsets(%dma_start3A_91 : memref<256xi32, #tpu.memory_space<vmem>>) semaphore(%run_scoped3A : memref<!tpu.dma_semaphore, #tpu.memory_space<semaphore_mem>>) {add = true}
          %dma_wait3A_95 = tpu.memref_slice %arg8[%mul3A_71] : memref<3584xi32, #tpu.memory_space<vmem>> -> memref<256xi32, #tpu.memory_space<vmem>>
          %dma_wait3A_96 = arith.constant 0 : i32
          %dma_wait3A_97 = arith.constant 0 : i32
          %dma_wait3A_98 = tpu.memref_slice %arg11[%dma_wait3A_96, %dma_wait3A_97] : memref<50176x32xf32, #tpu.memory_space<vmem_shared>> -> memref<50176x32xf32, #tpu.memory_space<vmem_shared>>
          tpu.wait_indirect_dma semaphore(%run_scoped3A : memref<!tpu.dma_semaphore, #tpu.memory_space<semaphore_mem>>) src(%arg9 : memref<256x32xf32, #tpu.memory_space<vmem>>) dst(%dma_wait3A_98 : memref<50176x32xf32, #tpu.memory_space<vmem_shared>>)
          tpu.yield
        }) : () -> ()
        %add3A_72 = arith.constant 2 : i32
        %add3A_73 = arith.addi %add3A_56, %add3A_72 : i32
        %lt3A_74 = arith.constant 14 : i32
        %lt3A_75 = arith.cmpi slt, %add3A_73, %lt3A_74 : i32
        %convert_element_type3A_76 = arith.extui %lt3A_75 : i1 to i32
        %cond3A_77 = arith.constant 0 : i32
        %cond3A_78 = arith.cmpi ne, %convert_element_type3A_76, %cond3A_77 : i32
        scf.if %cond3A_78 {
          %add3A_91 = arith.constant 2 : i32
          %add3A_92 = arith.addi %add3A_56, %add3A_91 : i32
          %mul3A_93 = arith.constant 256 : i32
          %mul3A_94 = arith.muli %add3A_92, %mul3A_93 : i32
          %dma_start3A_95 = tpu.memref_slice %arg7[%mul3A_94] : memref<3584xi32, #tpu.memory_space<vmem>> -> memref<256xi32, #tpu.memory_space<vmem>>
          %dma_start3A_96 = arith.constant 0 : i32
          %dma_start3A_97 = arith.constant 0 : i32
          %dma_start3A_98 = tpu.memref_slice %arg2[%dma_start3A_96, %dma_start3A_97] : memref<50176x32xf32, #tpu.memory_space<hbm>> -> memref<50176x32xf32, #tpu.memory_space<hbm>>
          tpu.enqueue_indirect_dma source(%dma_start3A_98 : memref<50176x32xf32, #tpu.memory_space<hbm>>) target(%arg9 : memref<256x32xf32, #tpu.memory_space<vmem>>) offsets(%dma_start3A_95 : memref<256xi32, #tpu.memory_space<vmem>>) semaphore(%arg12 : memref<!tpu.dma_semaphore, #tpu.memory_space<semaphore_mem>>)
        } else {
        }
        %add3A_79 = arith.constant 1 : i32
        %add3A_80 = arith.addi %add3A_56, %add3A_79 : i32
        %mul3A_81 = arith.constant 256 : i32
        %mul3A_82 = arith.muli %add3A_80, %mul3A_81 : i32
        %dma_wait3A_83 = tpu.memref_slice %arg7[%mul3A_82] : memref<3584xi32, #tpu.memory_space<vmem>> -> memref<256xi32, #tpu.memory_space<vmem>>
        %dma_wait3A_84 = arith.constant 0 : i32
        %dma_wait3A_85 = arith.constant 0 : i32
        %dma_wait3A_86 = tpu.memref_slice %arg2[%dma_wait3A_84, %dma_wait3A_85] : memref<50176x32xf32, #tpu.memory_space<hbm>> -> memref<50176x32xf32, #tpu.memory_space<hbm>>
        tpu.wait_indirect_dma semaphore(%arg13 : memref<!tpu.dma_semaphore, #tpu.memory_space<semaphore_mem>>) src(%dma_wait3A_86 : memref<50176x32xf32, #tpu.memory_space<hbm>>) dst(%arg10 : memref<256x32xf32, #tpu.memory_space<vmem>>)
        %add3A_87 = arith.constant 1 : i32
        %add3A_88 = arith.addi %add3A_56, %add3A_87 : i32
        %mul3A_89 = arith.constant 256 : i32
        %mul3A_90 = arith.muli %add3A_88, %mul3A_89 : i32
        "tpu.region"() ({
          %run_scoped3A = tpu.sem_alloc : memref<!tpu.dma_semaphore, #tpu.memory_space<semaphore_mem>>
          %dma_start3A_91 = tpu.memref_slice %arg8[%mul3A_90] : memref<3584xi32, #tpu.memory_space<vmem>> -> memref<256xi32, #tpu.memory_space<vmem>>
          %dma_start3A_92 = arith.constant 0 : i32
          %dma_start3A_93 = arith.constant 0 : i32
          %dma_start3A_94 = tpu.memref_slice %arg11[%dma_start3A_92, %dma_start3A_93] : memref<50176x32xf32, #tpu.memory_space<vmem_shared>> -> memref<50176x32xf32, #tpu.memory_space<vmem_shared>>
          tpu.enqueue_indirect_dma source(%arg10 : memref<256x32xf32, #tpu.memory_space<vmem>>) target(%dma_start3A_94 : memref<50176x32xf32, #tpu.memory_space<vmem_shared>>) offsets(%dma_start3A_91 : memref<256xi32, #tpu.memory_space<vmem>>) semaphore(%run_scoped3A : memref<!tpu.dma_semaphore, #tpu.memory_space<semaphore_mem>>) {add = true}
          %dma_wait3A_95 = tpu.memref_slice %arg8[%mul3A_90] : memref<3584xi32, #tpu.memory_space<vmem>> -> memref<256xi32, #tpu.memory_space<vmem>>
          %dma_wait3A_96 = arith.constant 0 : i32
          %dma_wait3A_97 = arith.constant 0 : i32
          %dma_wait3A_98 = tpu.memref_slice %arg11[%dma_wait3A_96, %dma_wait3A_97] : memref<50176x32xf32, #tpu.memory_space<vmem_shared>> -> memref<50176x32xf32, #tpu.memory_space<vmem_shared>>
          tpu.wait_indirect_dma semaphore(%run_scoped3A : memref<!tpu.dma_semaphore, #tpu.memory_space<semaphore_mem>>) src(%arg10 : memref<256x32xf32, #tpu.memory_space<vmem>>) dst(%dma_wait3A_98 : memref<50176x32xf32, #tpu.memory_space<vmem_shared>>)
          tpu.yield
        }) : () -> ()
      }
      %scan3A_51 = arith.constant 7 : i32
    }
    %while3A_21 = arith.constant 1 : i32
    scf.for %while3A_27 = %while3A_19 to %while3A_15 step %while3A_21  : i32 {
      %mul3A_28 = arith.muli %while3A_27, %while3A : i32
      %add3A_29 = arith.addi %while3A_12, %mul3A_28 : i32
      %mul3A_30 = arith.constant 50176 : i32
      %mul3A_31 = arith.muli %arg1, %mul3A_30 : i32
      %mul3A_32 = arith.constant 28672 : i32
      %mul3A_33 = arith.muli %arg0, %mul3A_32 : i32
      %add3A_34 = arith.addi %mul3A_31, %mul3A_33 : i32
      %mul3A_35 = arith.constant 3584 : i32
      %mul3A_36 = arith.muli %add3A_29, %mul3A_35 : i32
      %add3A_37 = arith.addi %add3A_34, %mul3A_36 : i32
      %lt3A = arith.constant 799232 : i32
      %lt3A_38 = arith.cmpi slt, %add3A_37, %lt3A : i32
      %convert_element_type3A = arith.extui %lt3A_38 : i1 to i32
      %cond3A = arith.constant 0 : i32
      %cond3A_39 = arith.cmpi ne, %convert_element_type3A, %cond3A : i32
      scf.if %cond3A_39 {
        %run_scoped3A = arith.constant 0 : i32
        "tpu.region"() ({
          %run_scoped3A_53 = tpu.sem_alloc : memref<!tpu.dma_semaphore, #tpu.memory_space<semaphore_mem>>
          %dma_start3A_54 = tpu.memref_slice %arg3[%run_scoped3A, %add3A_37] : memref<2x800000xi32, #tpu.memory_space<hbm>> -> memref<1x3584xi32, #tpu.memory_space<hbm>>
          %dma_start3A_55 = tpu.memref_squeeze %dma_start3A_54 : memref<1x3584xi32, #tpu.memory_space<hbm>> -> memref<3584xi32, #tpu.memory_space<hbm>>
          %dma_start3A_56 = tpu.memref_slice %arg3[%run_scoped3A, %add3A_37] : memref<2x800000xi32, #tpu.memory_space<hbm>> -> memref<1x3584xi32, #tpu.memory_space<hbm>>
          %dma_start3A_57 = tpu.memref_squeeze %dma_start3A_56 : memref<1x3584xi32, #tpu.memory_space<hbm>> -> memref<3584xi32, #tpu.memory_space<hbm>>
          tpu.enqueue_dma source(%dma_start3A_57 : memref<3584xi32, #tpu.memory_space<hbm>>) target(%arg7 : memref<3584xi32, #tpu.memory_space<vmem>>) target_semaphore(%run_scoped3A_53 : memref<!tpu.dma_semaphore, #tpu.memory_space<semaphore_mem>>)
          %dma_wait3A = tpu.memref_slice %arg3[%run_scoped3A, %add3A_37] : memref<2x800000xi32, #tpu.memory_space<hbm>> -> memref<1x3584xi32, #tpu.memory_space<hbm>>
          %dma_wait3A_58 = tpu.memref_squeeze %dma_wait3A : memref<1x3584xi32, #tpu.memory_space<hbm>> -> memref<3584xi32, #tpu.memory_space<hbm>>
          %dma_wait3A_59 = tpu.memref_slice %arg3[%run_scoped3A, %add3A_37] : memref<2x800000xi32, #tpu.memory_space<hbm>> -> memref<1x3584xi32, #tpu.memory_space<hbm>>
          %dma_wait3A_60 = tpu.memref_squeeze %dma_wait3A_59 : memref<1x3584xi32, #tpu.memory_space<hbm>> -> memref<3584xi32, #tpu.memory_space<hbm>>
          tpu.wait_dma2 semaphore(%run_scoped3A_53 : memref<!tpu.dma_semaphore, #tpu.memory_space<semaphore_mem>>) src(%dma_wait3A_60 : memref<3584xi32, #tpu.memory_space<hbm>>) dst(%arg7 : memref<3584xi32, #tpu.memory_space<vmem>>)
          tpu.yield
        }) : () -> ()
        %run_scoped3A_52 = arith.constant 1 : i32
        "tpu.region"() ({
          %run_scoped3A_53 = tpu.sem_alloc : memref<!tpu.dma_semaphore, #tpu.memory_space<semaphore_mem>>
          %dma_start3A_54 = tpu.memref_slice %arg3[%run_scoped3A_52, %add3A_37] : memref<2x800000xi32, #tpu.memory_space<hbm>> -> memref<1x3584xi32, #tpu.memory_space<hbm>>
          %dma_start3A_55 = tpu.memref_squeeze %dma_start3A_54 : memref<1x3584xi32, #tpu.memory_space<hbm>> -> memref<3584xi32, #tpu.memory_space<hbm>>
          %dma_start3A_56 = tpu.memref_slice %arg3[%run_scoped3A_52, %add3A_37] : memref<2x800000xi32, #tpu.memory_space<hbm>> -> memref<1x3584xi32, #tpu.memory_space<hbm>>
          %dma_start3A_57 = tpu.memref_squeeze %dma_start3A_56 : memref<1x3584xi32, #tpu.memory_space<hbm>> -> memref<3584xi32, #tpu.memory_space<hbm>>
          tpu.enqueue_dma source(%dma_start3A_57 : memref<3584xi32, #tpu.memory_space<hbm>>) target(%arg8 : memref<3584xi32, #tpu.memory_space<vmem>>) target_semaphore(%run_scoped3A_53 : memref<!tpu.dma_semaphore, #tpu.memory_space<semaphore_mem>>)
          %dma_wait3A = tpu.memref_slice %arg3[%run_scoped3A_52, %add3A_37] : memref<2x800000xi32, #tpu.memory_space<hbm>> -> memref<1x3584xi32, #tpu.memory_space<hbm>>
          %dma_wait3A_58 = tpu.memref_squeeze %dma_wait3A : memref<1x3584xi32, #tpu.memory_space<hbm>> -> memref<3584xi32, #tpu.memory_space<hbm>>
          %dma_wait3A_59 = tpu.memref_slice %arg3[%run_scoped3A_52, %add3A_37] : memref<2x800000xi32, #tpu.memory_space<hbm>> -> memref<1x3584xi32, #tpu.memory_space<hbm>>
          %dma_wait3A_60 = tpu.memref_squeeze %dma_wait3A_59 : memref<1x3584xi32, #tpu.memory_space<hbm>> -> memref<3584xi32, #tpu.memory_space<hbm>>
          tpu.wait_dma2 semaphore(%run_scoped3A_53 : memref<!tpu.dma_semaphore, #tpu.memory_space<semaphore_mem>>) src(%dma_wait3A_60 : memref<3584xi32, #tpu.memory_space<hbm>>) dst(%arg8 : memref<3584xi32, #tpu.memory_space<vmem>>)
          tpu.yield
        }) : () -> ()
      } else {
      }
      %ge3A = arith.constant 799232 : i32
      %ge3A_40 = arith.cmpi sge, %add3A_37, %ge3A : i32
      %convert_element_type3A_41 = arith.extui %ge3A_40 : i1 to i32
      %cond3A_42 = arith.constant 0 : i32
      %cond3A_43 = arith.cmpi ne, %convert_element_type3A_41, %cond3A_42 : i32
      scf.if %cond3A_43 {
        %run_scoped3A = arith.constant 0 : i32
        "tpu.region"() ({
          %run_scoped3A_53 = tpu.sem_alloc : memref<!tpu.dma_semaphore, #tpu.memory_space<semaphore_mem>>
          %dma_start3A_54 = arith.constant 0 : i32
          %dma_start3A_55 = tpu.memref_slice %arg4[%run_scoped3A, %dma_start3A_54] : memref<2x3584xi32, #tpu.memory_space<hbm>> -> memref<1x3584xi32, #tpu.memory_space<hbm>>
          %dma_start3A_56 = tpu.memref_squeeze %dma_start3A_55 : memref<1x3584xi32, #tpu.memory_space<hbm>> -> memref<3584xi32, #tpu.memory_space<hbm>>
          %dma_start3A_57 = arith.constant 0 : i32
          %dma_start3A_58 = tpu.memref_slice %arg4[%run_scoped3A, %dma_start3A_57] : memref<2x3584xi32, #tpu.memory_space<hbm>> -> memref<1x3584xi32, #tpu.memory_space<hbm>>
          %dma_start3A_59 = tpu.memref_squeeze %dma_start3A_58 : memref<1x3584xi32, #tpu.memory_space<hbm>> -> memref<3584xi32, #tpu.memory_space<hbm>>
          tpu.enqueue_dma source(%dma_start3A_59 : memref<3584xi32, #tpu.memory_space<hbm>>) target(%arg7 : memref<3584xi32, #tpu.memory_space<vmem>>) target_semaphore(%run_scoped3A_53 : memref<!tpu.dma_semaphore, #tpu.memory_space<semaphore_mem>>)
          %dma_wait3A = arith.constant 0 : i32
          %dma_wait3A_60 = tpu.memref_slice %arg4[%run_scoped3A, %dma_wait3A] : memref<2x3584xi32, #tpu.memory_space<hbm>> -> memref<1x3584xi32, #tpu.memory_space<hbm>>
          %dma_wait3A_61 = tpu.memref_squeeze %dma_wait3A_60 : memref<1x3584xi32, #tpu.memory_space<hbm>> -> memref<3584xi32, #tpu.memory_space<hbm>>
          %dma_wait3A_62 = arith.constant 0 : i32
          %dma_wait3A_63 = tpu.memref_slice %arg4[%run_scoped3A, %dma_wait3A_62] : memref<2x3584xi32, #tpu.memory_space<hbm>> -> memref<1x3584xi32, #tpu.memory_space<hbm>>
          %dma_wait3A_64 = tpu.memref_squeeze %dma_wait3A_63 : memref<1x3584xi32, #tpu.memory_space<hbm>> -> memref<3584xi32, #tpu.memory_space<hbm>>
          tpu.wait_dma2 semaphore(%run_scoped3A_53 : memref<!tpu.dma_semaphore, #tpu.memory_space<semaphore_mem>>) src(%dma_wait3A_64 : memref<3584xi32, #tpu.memory_space<hbm>>) dst(%arg7 : memref<3584xi32, #tpu.memory_space<vmem>>)
          tpu.yield
        }) : () -> ()
        %run_scoped3A_52 = arith.constant 1 : i32
        "tpu.region"() ({
          %run_scoped3A_53 = tpu.sem_alloc : memref<!tpu.dma_semaphore, #tpu.memory_space<semaphore_mem>>
          %dma_start3A_54 = arith.constant 0 : i32
          %dma_start3A_55 = tpu.memref_slice %arg4[%run_scoped3A_52, %dma_start3A_54] : memref<2x3584xi32, #tpu.memory_space<hbm>> -> memref<1x3584xi32, #tpu.memory_space<hbm>>
          %dma_start3A_56 = tpu.memref_squeeze %dma_start3A_55 : memref<1x3584xi32, #tpu.memory_space<hbm>> -> memref<3584xi32, #tpu.memory_space<hbm>>
          %dma_start3A_57 = arith.constant 0 : i32
          %dma_start3A_58 = tpu.memref_slice %arg4[%run_scoped3A_52, %dma_start3A_57] : memref<2x3584xi32, #tpu.memory_space<hbm>> -> memref<1x3584xi32, #tpu.memory_space<hbm>>
          %dma_start3A_59 = tpu.memref_squeeze %dma_start3A_58 : memref<1x3584xi32, #tpu.memory_space<hbm>> -> memref<3584xi32, #tpu.memory_space<hbm>>
          tpu.enqueue_dma source(%dma_start3A_59 : memref<3584xi32, #tpu.memory_space<hbm>>) target(%arg8 : memref<3584xi32, #tpu.memory_space<vmem>>) target_semaphore(%run_scoped3A_53 : memref<!tpu.dma_semaphore, #tpu.memory_space<semaphore_mem>>)
          %dma_wait3A = arith.constant 0 : i32
          %dma_wait3A_60 = tpu.memref_slice %arg4[%run_scoped3A_52, %dma_wait3A] : memref<2x3584xi32, #tpu.memory_space<hbm>> -> memref<1x3584xi32, #tpu.memory_space<hbm>>
          %dma_wait3A_61 = tpu.memref_squeeze %dma_wait3A_60 : memref<1x3584xi32, #tpu.memory_space<hbm>> -> memref<3584xi32, #tpu.memory_space<hbm>>
          %dma_wait3A_62 = arith.constant 0 : i32
          %dma_wait3A_63 = tpu.memref_slice %arg4[%run_scoped3A_52, %dma_wait3A_62] : memref<2x3584xi32, #tpu.memory_space<hbm>> -> memref<1x3584xi32, #tpu.memory_space<hbm>>
          %dma_wait3A_64 = tpu.memref_squeeze %dma_wait3A_63 : memref<1x3584xi32, #tpu.memory_space<hbm>> -> memref<3584xi32, #tpu.memory_space<hbm>>
          tpu.wait_dma2 semaphore(%run_scoped3A_53 : memref<!tpu.dma_semaphore, #tpu.memory_space<semaphore_mem>>) src(%dma_wait3A_64 : memref<3584xi32, #tpu.memory_space<hbm>>) dst(%arg8 : memref<3584xi32, #tpu.memory_space<vmem>>)
          tpu.yield
        }) : () -> ()
      } else {
      }
      %dma_start3A = arith.constant 0 : i32
      %dma_start3A_44 = tpu.memref_slice %arg7[%dma_start3A] : memref<3584xi32, #tpu.memory_space<vmem>> -> memref<256xi32, #tpu.memory_space<vmem>>
      %dma_start3A_45 = arith.constant 0 : i32
      %dma_start3A_46 = arith.constant 0 : i32
      %dma_start3A_47 = tpu.memref_slice %arg2[%dma_start3A_45, %dma_start3A_46] : memref<50176x32xf32, #tpu.memory_space<hbm>> -> memref<50176x32xf32, #tpu.memory_space<hbm>>
      tpu.enqueue_indirect_dma source(%dma_start3A_47 : memref<50176x32xf32, #tpu.memory_space<hbm>>) target(%arg9 : memref<256x32xf32, #tpu.memory_space<vmem>>) offsets(%dma_start3A_44 : memref<256xi32, #tpu.memory_space<vmem>>) semaphore(%arg12 : memref<!tpu.dma_semaphore, #tpu.memory_space<semaphore_mem>>)
      %scan3A = arith.constant 0 : i32
      %scan3A_48 = arith.constant 7 : i32
      %scan3A_49 = arith.addi %scan3A, %scan3A_48 : i32
      %scan3A_50 = arith.constant 1 : i32
      scf.for %scan3A_52 = %scan3A to %scan3A_49 step %scan3A_50  : i32 {
        %mul3A_53 = arith.constant 2 : i32
        %mul3A_54 = arith.muli %scan3A_52, %mul3A_53 : i32
        %add3A_55 = arith.constant 0 : i32
        %add3A_56 = arith.addi %add3A_55, %mul3A_54 : i32
        %add3A_57 = arith.constant 1 : i32
        %add3A_58 = arith.addi %add3A_56, %add3A_57 : i32
        %mul3A_59 = arith.constant 256 : i32
        %mul3A_60 = arith.muli %add3A_58, %mul3A_59 : i32
        %dma_start3A_61 = tpu.memref_slice %arg7[%mul3A_60] : memref<3584xi32, #tpu.memory_space<vmem>> -> memref<256xi32, #tpu.memory_space<vmem>>
        %dma_start3A_62 = arith.constant 0 : i32
        %dma_start3A_63 = arith.constant 0 : i32
        %dma_start3A_64 = tpu.memref_slice %arg2[%dma_start3A_62, %dma_start3A_63] : memref<50176x32xf32, #tpu.memory_space<hbm>> -> memref<50176x32xf32, #tpu.memory_space<hbm>>
        tpu.enqueue_indirect_dma source(%dma_start3A_64 : memref<50176x32xf32, #tpu.memory_space<hbm>>) target(%arg10 : memref<256x32xf32, #tpu.memory_space<vmem>>) offsets(%dma_start3A_61 : memref<256xi32, #tpu.memory_space<vmem>>) semaphore(%arg13 : memref<!tpu.dma_semaphore, #tpu.memory_space<semaphore_mem>>)
        %mul3A_65 = arith.constant 256 : i32
        %mul3A_66 = arith.muli %add3A_56, %mul3A_65 : i32
        %dma_wait3A = tpu.memref_slice %arg7[%mul3A_66] : memref<3584xi32, #tpu.memory_space<vmem>> -> memref<256xi32, #tpu.memory_space<vmem>>
        %dma_wait3A_67 = arith.constant 0 : i32
        %dma_wait3A_68 = arith.constant 0 : i32
        %dma_wait3A_69 = tpu.memref_slice %arg2[%dma_wait3A_67, %dma_wait3A_68] : memref<50176x32xf32, #tpu.memory_space<hbm>> -> memref<50176x32xf32, #tpu.memory_space<hbm>>
        tpu.wait_indirect_dma semaphore(%arg12 : memref<!tpu.dma_semaphore, #tpu.memory_space<semaphore_mem>>) src(%dma_wait3A_69 : memref<50176x32xf32, #tpu.memory_space<hbm>>) dst(%arg9 : memref<256x32xf32, #tpu.memory_space<vmem>>)
        %mul3A_70 = arith.constant 256 : i32
        %mul3A_71 = arith.muli %add3A_56, %mul3A_70 : i32
        "tpu.region"() ({
          %run_scoped3A = tpu.sem_alloc : memref<!tpu.dma_semaphore, #tpu.memory_space<semaphore_mem>>
          %dma_start3A_91 = tpu.memref_slice %arg8[%mul3A_71] : memref<3584xi32, #tpu.memory_space<vmem>> -> memref<256xi32, #tpu.memory_space<vmem>>
          %dma_start3A_92 = arith.constant 0 : i32
          %dma_start3A_93 = arith.constant 0 : i32
          %dma_start3A_94 = tpu.memref_slice %arg11[%dma_start3A_92, %dma_start3A_93] : memref<50176x32xf32, #tpu.memory_space<vmem_shared>> -> memref<50176x32xf32, #tpu.memory_space<vmem_shared>>
          tpu.enqueue_indirect_dma source(%arg9 : memref<256x32xf32, #tpu.memory_space<vmem>>) target(%dma_start3A_94 : memref<50176x32xf32, #tpu.memory_space<vmem_shared>>) offsets(%dma_start3A_91 : memref<256xi32, #tpu.memory_space<vmem>>) semaphore(%run_scoped3A : memref<!tpu.dma_semaphore, #tpu.memory_space<semaphore_mem>>) {add = true}
          %dma_wait3A_95 = tpu.memref_slice %arg8[%mul3A_71] : memref<3584xi32, #tpu.memory_space<vmem>> -> memref<256xi32, #tpu.memory_space<vmem>>
          %dma_wait3A_96 = arith.constant 0 : i32
          %dma_wait3A_97 = arith.constant 0 : i32
          %dma_wait3A_98 = tpu.memref_slice %arg11[%dma_wait3A_96, %dma_wait3A_97] : memref<50176x32xf32, #tpu.memory_space<vmem_shared>> -> memref<50176x32xf32, #tpu.memory_space<vmem_shared>>
          tpu.wait_indirect_dma semaphore(%run_scoped3A : memref<!tpu.dma_semaphore, #tpu.memory_space<semaphore_mem>>) src(%arg9 : memref<256x32xf32, #tpu.memory_space<vmem>>) dst(%dma_wait3A_98 : memref<50176x32xf32, #tpu.memory_space<vmem_shared>>)
          tpu.yield
        }) : () -> ()
        %add3A_72 = arith.constant 2 : i32
        %add3A_73 = arith.addi %add3A_56, %add3A_72 : i32
        %lt3A_74 = arith.constant 14 : i32
        %lt3A_75 = arith.cmpi slt, %add3A_73, %lt3A_74 : i32
        %convert_element_type3A_76 = arith.extui %lt3A_75 : i1 to i32
        %cond3A_77 = arith.constant 0 : i32
        %cond3A_78 = arith.cmpi ne, %convert_element_type3A_76, %cond3A_77 : i32
        scf.if %cond3A_78 {
          %add3A_91 = arith.constant 2 : i32
          %add3A_92 = arith.addi %add3A_56, %add3A_91 : i32
          %mul3A_93 = arith.constant 256 : i32
          %mul3A_94 = arith.muli %add3A_92, %mul3A_93 : i32
          %dma_start3A_95 = tpu.memref_slice %arg7[%mul3A_94] : memref<3584xi32, #tpu.memory_space<vmem>> -> memref<256xi32, #tpu.memory_space<vmem>>
          %dma_start3A_96 = arith.constant 0 : i32
          %dma_start3A_97 = arith.constant 0 : i32
          %dma_start3A_98 = tpu.memref_slice %arg2[%dma_start3A_96, %dma_start3A_97] : memref<50176x32xf32, #tpu.memory_space<hbm>> -> memref<50176x32xf32, #tpu.memory_space<hbm>>
          tpu.enqueue_indirect_dma source(%dma_start3A_98 : memref<50176x32xf32, #tpu.memory_space<hbm>>) target(%arg9 : memref<256x32xf32, #tpu.memory_space<vmem>>) offsets(%dma_start3A_95 : memref<256xi32, #tpu.memory_space<vmem>>) semaphore(%arg12 : memref<!tpu.dma_semaphore, #tpu.memory_space<semaphore_mem>>)
        } else {
        }
        %add3A_79 = arith.constant 1 : i32
        %add3A_80 = arith.addi %add3A_56, %add3A_79 : i32
        %mul3A_81 = arith.constant 256 : i32
        %mul3A_82 = arith.muli %add3A_80, %mul3A_81 : i32
        %dma_wait3A_83 = tpu.memref_slice %arg7[%mul3A_82] : memref<3584xi32, #tpu.memory_space<vmem>> -> memref<256xi32, #tpu.memory_space<vmem>>
        %dma_wait3A_84 = arith.constant 0 : i32
        %dma_wait3A_85 = arith.constant 0 : i32
        %dma_wait3A_86 = tpu.memref_slice %arg2[%dma_wait3A_84, %dma_wait3A_85] : memref<50176x32xf32, #tpu.memory_space<hbm>> -> memref<50176x32xf32, #tpu.memory_space<hbm>>
        tpu.wait_indirect_dma semaphore(%arg13 : memref<!tpu.dma_semaphore, #tpu.memory_space<semaphore_mem>>) src(%dma_wait3A_86 : memref<50176x32xf32, #tpu.memory_space<hbm>>) dst(%arg10 : memref<256x32xf32, #tpu.memory_space<vmem>>)
        %add3A_87 = arith.constant 1 : i32
        %add3A_88 = arith.addi %add3A_56, %add3A_87 : i32
        %mul3A_89 = arith.constant 256 : i32
        %mul3A_90 = arith.muli %add3A_88, %mul3A_89 : i32
        "tpu.region"() ({
          %run_scoped3A = tpu.sem_alloc : memref<!tpu.dma_semaphore, #tpu.memory_space<semaphore_mem>>
          %dma_start3A_91 = tpu.memref_slice %arg8[%mul3A_90] : memref<3584xi32, #tpu.memory_space<vmem>> -> memref<256xi32, #tpu.memory_space<vmem>>
          %dma_start3A_92 = arith.constant 0 : i32
          %dma_start3A_93 = arith.constant 0 : i32
          %dma_start3A_94 = tpu.memref_slice %arg11[%dma_start3A_92, %dma_start3A_93] : memref<50176x32xf32, #tpu.memory_space<vmem_shared>> -> memref<50176x32xf32, #tpu.memory_space<vmem_shared>>
          tpu.enqueue_indirect_dma source(%arg10 : memref<256x32xf32, #tpu.memory_space<vmem>>) target(%dma_start3A_94 : memref<50176x32xf32, #tpu.memory_space<vmem_shared>>) offsets(%dma_start3A_91 : memref<256xi32, #tpu.memory_space<vmem>>) semaphore(%run_scoped3A : memref<!tpu.dma_semaphore, #tpu.memory_space<semaphore_mem>>) {add = true}
          %dma_wait3A_95 = tpu.memref_slice %arg8[%mul3A_90] : memref<3584xi32, #tpu.memory_space<vmem>> -> memref<256xi32, #tpu.memory_space<vmem>>
          %dma_wait3A_96 = arith.constant 0 : i32
          %dma_wait3A_97 = arith.constant 0 : i32
          %dma_wait3A_98 = tpu.memref_slice %arg11[%dma_wait3A_96, %dma_wait3A_97] : memref<50176x32xf32, #tpu.memory_space<vmem_shared>> -> memref<50176x32xf32, #tpu.memory_space<vmem_shared>>
          tpu.wait_indirect_dma semaphore(%run_scoped3A : memref<!tpu.dma_semaphore, #tpu.memory_space<semaphore_mem>>) src(%arg10 : memref<256x32xf32, #tpu.memory_space<vmem>>) dst(%dma_wait3A_98 : memref<50176x32xf32, #tpu.memory_space<vmem_shared>>)
          tpu.yield
        }) : () -> ()
      }
      %scan3A_51 = arith.constant 7 : i32
    }
    %barrier3A_22 = arith.constant 0 : index
    tpu.barrier barrier_id(%barrier3A_22)
    %mul3A_23 = arith.constant 3136 : i32
    %mul3A_24 = arith.muli %arg1, %mul3A_23 : i32
    %mul3A_25 = arith.constant 3136 : i32
    %mul3A_26 = arith.muli %arg1, %mul3A_25 : i32
    "tpu.region"() ({
      %run_scoped3A = tpu.sem_alloc : memref<!tpu.dma_semaphore, #tpu.memory_space<semaphore_mem>>
      %dma_start3A = arith.constant 0 : i32
      %dma_start3A_27 = tpu.memref_slice %arg6[%arg0, %mul3A_26, %dma_start3A] : memref<2x50176x32xf32, #tpu.memory_space<hbm>> -> memref<1x3136x32xf32, #tpu.memory_space<hbm>>
      %dma_start3A_28 = tpu.memref_squeeze %dma_start3A_27 : memref<1x3136x32xf32, #tpu.memory_space<hbm>> -> memref<3136x32xf32, #tpu.memory_space<hbm>>
      %dma_start3A_29 = arith.constant 0 : i32
      %dma_start3A_30 = tpu.memref_slice %arg11[%mul3A_24, %dma_start3A_29] : memref<50176x32xf32, #tpu.memory_space<vmem_shared>> -> memref<3136x32xf32, #tpu.memory_space<vmem_shared>>
      tpu.enqueue_dma source(%dma_start3A_30 : memref<3136x32xf32, #tpu.memory_space<vmem_shared>>) target(%dma_start3A_28 : memref<3136x32xf32, #tpu.memory_space<hbm>>) target_semaphore(%run_scoped3A : memref<!tpu.dma_semaphore, #tpu.memory_space<semaphore_mem>>)
      %dma_wait3A = arith.constant 0 : i32
      %dma_wait3A_31 = tpu.memref_slice %arg6[%arg0, %mul3A_26, %dma_wait3A] : memref<2x50176x32xf32, #tpu.memory_space<hbm>> -> memref<1x3136x32xf32, #tpu.memory_space<hbm>>
      %dma_wait3A_32 = tpu.memref_squeeze %dma_wait3A_31 : memref<1x3136x32xf32, #tpu.memory_space<hbm>> -> memref<3136x32xf32, #tpu.memory_space<hbm>>
      %dma_wait3A_33 = arith.constant 0 : i32
      %dma_wait3A_34 = tpu.memref_slice %arg11[%mul3A_24, %dma_wait3A_33] : memref<50176x32xf32, #tpu.memory_space<vmem_shared>> -> memref<3136x32xf32, #tpu.memory_space<vmem_shared>>
      tpu.wait_dma2 semaphore(%run_scoped3A : memref<!tpu.dma_semaphore, #tpu.memory_space<semaphore_mem>>) src(%dma_wait3A_34 : memref<3136x32xf32, #tpu.memory_space<vmem_shared>>) dst(%dma_wait3A_32 : memref<3136x32xf32, #tpu.memory_space<hbm>>)
      tpu.yield
    }) : () -> ()
    return
  }
}

#map = affine_map<(d0, d1) -> (0, 0)>
#map1 = affine_map<(d0, d1) -> (0, 0, 0)>
module attributes {stable_mosaic.version = 14 : i64} {
  func.func @_sc_deg_body(%arg0: i32, %arg1: i32, %arg2: memref<2x800000xi32, #tpu.memory_space<hbm>>, %arg3: memref<2x3584xi32, #tpu.memory_space<hbm>>, %arg4: memref<256x8xf32, #tpu.memory_space<hbm>>, %arg5: memref<50176x8xf32, #tpu.memory_space<hbm>>, %arg6: memref<2x50176x8xf32, #tpu.memory_space<hbm>>, %arg7: memref<3584xi32, #tpu.memory_space<vmem>>, %arg8: memref<256x8xf32, #tpu.memory_space<vmem>>, %arg9: memref<50176x8xf32, #tpu.memory_space<vmem_shared>>, %arg10: memref<!tpu.dma_semaphore, #tpu.memory_space<semaphore_mem>>) attributes {dimension_semantics = [#tpu.dimension_semantics<core_parallel>, #tpu.dimension_semantics<subcore_parallel>], iteration_bounds = array<i64: 2, 16>, scalar_prefetch = 0 : i64, scratch_operands = 4 : i64, tpu.core_type = #tpu.core_type<sc_vector_subcore>, window_params = [{transform_indices = #map}, {transform_indices = #map}, {transform_indices = #map}, {transform_indices = #map}, {transform_indices = #map1}]} {
    %mul3A = arith.constant 3136 : i32
    %mul3A_0 = arith.muli %arg1, %mul3A : i32
    %mul3A_1 = arith.constant 3136 : i32
    %mul3A_2 = arith.muli %arg1, %mul3A_1 : i32
    "tpu.region"() ({
      %run_scoped3A = tpu.sem_alloc : memref<!tpu.dma_semaphore, #tpu.memory_space<semaphore_mem>>
      %dma_start3A = arith.constant 0 : i32
      %dma_start3A_27 = tpu.memref_slice %arg9[%mul3A_2, %dma_start3A] : memref<50176x8xf32, #tpu.memory_space<vmem_shared>> -> memref<3136x8xf32, #tpu.memory_space<vmem_shared>>
      %dma_start3A_28 = arith.constant 0 : i32
      %dma_start3A_29 = tpu.memref_slice %arg5[%mul3A_0, %dma_start3A_28] : memref<50176x8xf32, #tpu.memory_space<hbm>> -> memref<3136x8xf32, #tpu.memory_space<hbm>>
      tpu.enqueue_dma source(%dma_start3A_29 : memref<3136x8xf32, #tpu.memory_space<hbm>>) target(%dma_start3A_27 : memref<3136x8xf32, #tpu.memory_space<vmem_shared>>) target_semaphore(%run_scoped3A : memref<!tpu.dma_semaphore, #tpu.memory_space<semaphore_mem>>)
      %dma_wait3A = arith.constant 0 : i32
      %dma_wait3A_30 = tpu.memref_slice %arg9[%mul3A_2, %dma_wait3A] : memref<50176x8xf32, #tpu.memory_space<vmem_shared>> -> memref<3136x8xf32, #tpu.memory_space<vmem_shared>>
      %dma_wait3A_31 = arith.constant 0 : i32
      %dma_wait3A_32 = tpu.memref_slice %arg5[%mul3A_0, %dma_wait3A_31] : memref<50176x8xf32, #tpu.memory_space<hbm>> -> memref<3136x8xf32, #tpu.memory_space<hbm>>
      tpu.wait_dma2 semaphore(%run_scoped3A : memref<!tpu.dma_semaphore, #tpu.memory_space<semaphore_mem>>) src(%dma_wait3A_32 : memref<3136x8xf32, #tpu.memory_space<hbm>>) dst(%dma_wait3A_30 : memref<3136x8xf32, #tpu.memory_space<vmem_shared>>)
      tpu.yield
    }) : () -> ()
    "tpu.region"() ({
      %run_scoped3A = tpu.sem_alloc : memref<!tpu.dma_semaphore, #tpu.memory_space<semaphore_mem>>
      tpu.enqueue_dma source(%arg4 : memref<256x8xf32, #tpu.memory_space<hbm>>) target(%arg8 : memref<256x8xf32, #tpu.memory_space<vmem>>) target_semaphore(%run_scoped3A : memref<!tpu.dma_semaphore, #tpu.memory_space<semaphore_mem>>)
      tpu.wait_dma2 semaphore(%run_scoped3A : memref<!tpu.dma_semaphore, #tpu.memory_space<semaphore_mem>>) src(%arg4 : memref<256x8xf32, #tpu.memory_space<hbm>>) dst(%arg8 : memref<256x8xf32, #tpu.memory_space<vmem>>)
      tpu.yield
    }) : () -> ()
    %barrier3A = arith.constant 0 : index
    tpu.barrier barrier_id(%barrier3A)
    %mul3A_3 = arith.constant 2 : i32
    %mul3A_4 = arith.muli %mul3A_3, %arg0 : i32
    %sub3A = arith.constant 8 : i32
    %sub3A_5 = arith.subi %sub3A, %mul3A_4 : i32
    %sub3A_6 = arith.constant 0 : i32
    %sub3A_7 = arith.subi %sub3A_5, %sub3A_6 : i32
    %sub3A_8 = arith.constant 1 : i32
    %sub3A_9 = arith.constant 1 : i32
    %sub3A_10 = arith.subi %sub3A_8, %sub3A_9 : i32
    %add3A = arith.addi %sub3A_7, %sub3A_10 : i32
    %div3A = arith.constant 1 : i32
    %div3A_11 = arith.divsi %add3A, %div3A : i32
    %while3A = arith.constant 1 : i32
    %while3A_12 = arith.constant 0 : i32
    %while3A_13 = arith.constant 0 : i32
    %while3A_14 = arith.subi %div3A_11, %while3A_13 : i32
    %while3A_15 = arith.addi %while3A_13, %while3A_14 : i32
    %while3A_16 = arith.constant 1 : i32
    %while3A_17 = arith.divsi %while3A_14, %while3A_16 : i32
    %while3A_18 = arith.muli %while3A_17, %while3A_16 : i32
    %while3A_19 = arith.addi %while3A_13, %while3A_18 : i32
    %while3A_20 = arith.constant 1 : i32
    scf.for %while3A_27 = %while3A_13 to %while3A_19 step %while3A_20  : i32 {
      %mul3A_28 = arith.muli %while3A_27, %while3A : i32
      %add3A_29 = arith.addi %while3A_12, %mul3A_28 : i32
      %mul3A_30 = arith.constant 50176 : i32
      %mul3A_31 = arith.muli %arg1, %mul3A_30 : i32
      %mul3A_32 = arith.constant 28672 : i32
      %mul3A_33 = arith.muli %arg0, %mul3A_32 : i32
      %add3A_34 = arith.addi %mul3A_31, %mul3A_33 : i32
      %mul3A_35 = arith.constant 3584 : i32
      %mul3A_36 = arith.muli %add3A_29, %mul3A_35 : i32
      %add3A_37 = arith.addi %add3A_34, %mul3A_36 : i32
      %lt3A = arith.constant 799232 : i32
      %lt3A_38 = arith.cmpi slt, %add3A_37, %lt3A : i32
      %convert_element_type3A = arith.extui %lt3A_38 : i1 to i32
      %cond3A = arith.constant 0 : i32
      %cond3A_39 = arith.cmpi ne, %convert_element_type3A, %cond3A : i32
      scf.if %cond3A_39 {
        %run_scoped3A = arith.constant 1 : i32
        "tpu.region"() ({
          %run_scoped3A_53 = tpu.sem_alloc : memref<!tpu.dma_semaphore, #tpu.memory_space<semaphore_mem>>
          %dma_start3A = tpu.memref_slice %arg2[%run_scoped3A, %add3A_37] : memref<2x800000xi32, #tpu.memory_space<hbm>> -> memref<1x3584xi32, #tpu.memory_space<hbm>>
          %dma_start3A_54 = tpu.memref_squeeze %dma_start3A : memref<1x3584xi32, #tpu.memory_space<hbm>> -> memref<3584xi32, #tpu.memory_space<hbm>>
          %dma_start3A_55 = tpu.memref_slice %arg2[%run_scoped3A, %add3A_37] : memref<2x800000xi32, #tpu.memory_space<hbm>> -> memref<1x3584xi32, #tpu.memory_space<hbm>>
          %dma_start3A_56 = tpu.memref_squeeze %dma_start3A_55 : memref<1x3584xi32, #tpu.memory_space<hbm>> -> memref<3584xi32, #tpu.memory_space<hbm>>
          tpu.enqueue_dma source(%dma_start3A_56 : memref<3584xi32, #tpu.memory_space<hbm>>) target(%arg7 : memref<3584xi32, #tpu.memory_space<vmem>>) target_semaphore(%run_scoped3A_53 : memref<!tpu.dma_semaphore, #tpu.memory_space<semaphore_mem>>)
          %dma_wait3A = tpu.memref_slice %arg2[%run_scoped3A, %add3A_37] : memref<2x800000xi32, #tpu.memory_space<hbm>> -> memref<1x3584xi32, #tpu.memory_space<hbm>>
          %dma_wait3A_57 = tpu.memref_squeeze %dma_wait3A : memref<1x3584xi32, #tpu.memory_space<hbm>> -> memref<3584xi32, #tpu.memory_space<hbm>>
          %dma_wait3A_58 = tpu.memref_slice %arg2[%run_scoped3A, %add3A_37] : memref<2x800000xi32, #tpu.memory_space<hbm>> -> memref<1x3584xi32, #tpu.memory_space<hbm>>
          %dma_wait3A_59 = tpu.memref_squeeze %dma_wait3A_58 : memref<1x3584xi32, #tpu.memory_space<hbm>> -> memref<3584xi32, #tpu.memory_space<hbm>>
          tpu.wait_dma2 semaphore(%run_scoped3A_53 : memref<!tpu.dma_semaphore, #tpu.memory_space<semaphore_mem>>) src(%dma_wait3A_59 : memref<3584xi32, #tpu.memory_space<hbm>>) dst(%arg7 : memref<3584xi32, #tpu.memory_space<vmem>>)
          tpu.yield
        }) : () -> ()
      } else {
      }
      %ge3A = arith.constant 799232 : i32
      %ge3A_40 = arith.cmpi sge, %add3A_37, %ge3A : i32
      %convert_element_type3A_41 = arith.extui %ge3A_40 : i1 to i32
      %cond3A_42 = arith.constant 0 : i32
      %cond3A_43 = arith.cmpi ne, %convert_element_type3A_41, %cond3A_42 : i32
      scf.if %cond3A_43 {
        %run_scoped3A = arith.constant 1 : i32
        "tpu.region"() ({
          %run_scoped3A_53 = tpu.sem_alloc : memref<!tpu.dma_semaphore, #tpu.memory_space<semaphore_mem>>
          %dma_start3A = arith.constant 0 : i32
          %dma_start3A_54 = tpu.memref_slice %arg3[%run_scoped3A, %dma_start3A] : memref<2x3584xi32, #tpu.memory_space<hbm>> -> memref<1x3584xi32, #tpu.memory_space<hbm>>
          %dma_start3A_55 = tpu.memref_squeeze %dma_start3A_54 : memref<1x3584xi32, #tpu.memory_space<hbm>> -> memref<3584xi32, #tpu.memory_space<hbm>>
          %dma_start3A_56 = arith.constant 0 : i32
          %dma_start3A_57 = tpu.memref_slice %arg3[%run_scoped3A, %dma_start3A_56] : memref<2x3584xi32, #tpu.memory_space<hbm>> -> memref<1x3584xi32, #tpu.memory_space<hbm>>
          %dma_start3A_58 = tpu.memref_squeeze %dma_start3A_57 : memref<1x3584xi32, #tpu.memory_space<hbm>> -> memref<3584xi32, #tpu.memory_space<hbm>>
          tpu.enqueue_dma source(%dma_start3A_58 : memref<3584xi32, #tpu.memory_space<hbm>>) target(%arg7 : memref<3584xi32, #tpu.memory_space<vmem>>) target_semaphore(%run_scoped3A_53 : memref<!tpu.dma_semaphore, #tpu.memory_space<semaphore_mem>>)
          %dma_wait3A = arith.constant 0 : i32
          %dma_wait3A_59 = tpu.memref_slice %arg3[%run_scoped3A, %dma_wait3A] : memref<2x3584xi32, #tpu.memory_space<hbm>> -> memref<1x3584xi32, #tpu.memory_space<hbm>>
          %dma_wait3A_60 = tpu.memref_squeeze %dma_wait3A_59 : memref<1x3584xi32, #tpu.memory_space<hbm>> -> memref<3584xi32, #tpu.memory_space<hbm>>
          %dma_wait3A_61 = arith.constant 0 : i32
          %dma_wait3A_62 = tpu.memref_slice %arg3[%run_scoped3A, %dma_wait3A_61] : memref<2x3584xi32, #tpu.memory_space<hbm>> -> memref<1x3584xi32, #tpu.memory_space<hbm>>
          %dma_wait3A_63 = tpu.memref_squeeze %dma_wait3A_62 : memref<1x3584xi32, #tpu.memory_space<hbm>> -> memref<3584xi32, #tpu.memory_space<hbm>>
          tpu.wait_dma2 semaphore(%run_scoped3A_53 : memref<!tpu.dma_semaphore, #tpu.memory_space<semaphore_mem>>) src(%dma_wait3A_63 : memref<3584xi32, #tpu.memory_space<hbm>>) dst(%arg7 : memref<3584xi32, #tpu.memory_space<vmem>>)
          tpu.yield
        }) : () -> ()
      } else {
      }
      %scan3A = arith.constant 0 : i32
      %scan3A_44 = arith.constant 14 : i32
      %scan3A_45 = arith.addi %scan3A, %scan3A_44 : i32
      %scan3A_46 = arith.constant 1 : i32
      scf.for %scan3A_53 = %scan3A to %scan3A_45 step %scan3A_46  : i32 {
        %mul3A_54 = arith.constant 1 : i32
        %mul3A_55 = arith.muli %scan3A_53, %mul3A_54 : i32
        %add3A_56 = arith.constant 0 : i32
        %add3A_57 = arith.addi %add3A_56, %mul3A_55 : i32
        %mul3A_58 = arith.constant 256 : i32
        %mul3A_59 = arith.muli %add3A_57, %mul3A_58 : i32
        %dma_start3A = tpu.memref_slice %arg7[%mul3A_59] : memref<3584xi32, #tpu.memory_space<vmem>> -> memref<256xi32, #tpu.memory_space<vmem>>
        %dma_start3A_60 = arith.constant 0 : i32
        %dma_start3A_61 = arith.constant 0 : i32
        %dma_start3A_62 = tpu.memref_slice %arg9[%dma_start3A_60, %dma_start3A_61] : memref<50176x8xf32, #tpu.memory_space<vmem_shared>> -> memref<50176x8xf32, #tpu.memory_space<vmem_shared>>
        tpu.enqueue_indirect_dma source(%arg8 : memref<256x8xf32, #tpu.memory_space<vmem>>) target(%dma_start3A_62 : memref<50176x8xf32, #tpu.memory_space<vmem_shared>>) offsets(%dma_start3A : memref<256xi32, #tpu.memory_space<vmem>>) semaphore(%arg10 : memref<!tpu.dma_semaphore, #tpu.memory_space<semaphore_mem>>) {add = true}
      }
      %scan3A_47 = arith.constant 14 : i32
      %scan3A_48 = arith.constant 0 : i32
      %scan3A_49 = arith.constant 14 : i32
      %scan3A_50 = arith.addi %scan3A_48, %scan3A_49 : i32
      %scan3A_51 = arith.constant 1 : i32
      scf.for %scan3A_53 = %scan3A_48 to %scan3A_50 step %scan3A_51  : i32 {
        %mul3A_54 = arith.constant 1 : i32
        %mul3A_55 = arith.muli %scan3A_53, %mul3A_54 : i32
        %add3A_56 = arith.constant 0 : i32
        %add3A_57 = arith.addi %add3A_56, %mul3A_55 : i32
        %mul3A_58 = arith.constant 256 : i32
        %mul3A_59 = arith.muli %add3A_57, %mul3A_58 : i32
        %dma_wait3A = tpu.memref_slice %arg7[%mul3A_59] : memref<3584xi32, #tpu.memory_space<vmem>> -> memref<256xi32, #tpu.memory_space<vmem>>
        %dma_wait3A_60 = arith.constant 0 : i32
        %dma_wait3A_61 = arith.constant 0 : i32
        %dma_wait3A_62 = tpu.memref_slice %arg9[%dma_wait3A_60, %dma_wait3A_61] : memref<50176x8xf32, #tpu.memory_space<vmem_shared>> -> memref<50176x8xf32, #tpu.memory_space<vmem_shared>>
        tpu.wait_indirect_dma semaphore(%arg10 : memref<!tpu.dma_semaphore, #tpu.memory_space<semaphore_mem>>) src(%arg8 : memref<256x8xf32, #tpu.memory_space<vmem>>) dst(%dma_wait3A_62 : memref<50176x8xf32, #tpu.memory_space<vmem_shared>>)
      }
      %scan3A_52 = arith.constant 14 : i32
    }
    %while3A_21 = arith.constant 1 : i32
    scf.for %while3A_27 = %while3A_19 to %while3A_15 step %while3A_21  : i32 {
      %mul3A_28 = arith.muli %while3A_27, %while3A : i32
      %add3A_29 = arith.addi %while3A_12, %mul3A_28 : i32
      %mul3A_30 = arith.constant 50176 : i32
      %mul3A_31 = arith.muli %arg1, %mul3A_30 : i32
      %mul3A_32 = arith.constant 28672 : i32
      %mul3A_33 = arith.muli %arg0, %mul3A_32 : i32
      %add3A_34 = arith.addi %mul3A_31, %mul3A_33 : i32
      %mul3A_35 = arith.constant 3584 : i32
      %mul3A_36 = arith.muli %add3A_29, %mul3A_35 : i32
      %add3A_37 = arith.addi %add3A_34, %mul3A_36 : i32
      %lt3A = arith.constant 799232 : i32
      %lt3A_38 = arith.cmpi slt, %add3A_37, %lt3A : i32
      %convert_element_type3A = arith.extui %lt3A_38 : i1 to i32
      %cond3A = arith.constant 0 : i32
      %cond3A_39 = arith.cmpi ne, %convert_element_type3A, %cond3A : i32
      scf.if %cond3A_39 {
        %run_scoped3A = arith.constant 1 : i32
        "tpu.region"() ({
          %run_scoped3A_53 = tpu.sem_alloc : memref<!tpu.dma_semaphore, #tpu.memory_space<semaphore_mem>>
          %dma_start3A = tpu.memref_slice %arg2[%run_scoped3A, %add3A_37] : memref<2x800000xi32, #tpu.memory_space<hbm>> -> memref<1x3584xi32, #tpu.memory_space<hbm>>
          %dma_start3A_54 = tpu.memref_squeeze %dma_start3A : memref<1x3584xi32, #tpu.memory_space<hbm>> -> memref<3584xi32, #tpu.memory_space<hbm>>
          %dma_start3A_55 = tpu.memref_slice %arg2[%run_scoped3A, %add3A_37] : memref<2x800000xi32, #tpu.memory_space<hbm>> -> memref<1x3584xi32, #tpu.memory_space<hbm>>
          %dma_start3A_56 = tpu.memref_squeeze %dma_start3A_55 : memref<1x3584xi32, #tpu.memory_space<hbm>> -> memref<3584xi32, #tpu.memory_space<hbm>>
          tpu.enqueue_dma source(%dma_start3A_56 : memref<3584xi32, #tpu.memory_space<hbm>>) target(%arg7 : memref<3584xi32, #tpu.memory_space<vmem>>) target_semaphore(%run_scoped3A_53 : memref<!tpu.dma_semaphore, #tpu.memory_space<semaphore_mem>>)
          %dma_wait3A = tpu.memref_slice %arg2[%run_scoped3A, %add3A_37] : memref<2x800000xi32, #tpu.memory_space<hbm>> -> memref<1x3584xi32, #tpu.memory_space<hbm>>
          %dma_wait3A_57 = tpu.memref_squeeze %dma_wait3A : memref<1x3584xi32, #tpu.memory_space<hbm>> -> memref<3584xi32, #tpu.memory_space<hbm>>
          %dma_wait3A_58 = tpu.memref_slice %arg2[%run_scoped3A, %add3A_37] : memref<2x800000xi32, #tpu.memory_space<hbm>> -> memref<1x3584xi32, #tpu.memory_space<hbm>>
          %dma_wait3A_59 = tpu.memref_squeeze %dma_wait3A_58 : memref<1x3584xi32, #tpu.memory_space<hbm>> -> memref<3584xi32, #tpu.memory_space<hbm>>
          tpu.wait_dma2 semaphore(%run_scoped3A_53 : memref<!tpu.dma_semaphore, #tpu.memory_space<semaphore_mem>>) src(%dma_wait3A_59 : memref<3584xi32, #tpu.memory_space<hbm>>) dst(%arg7 : memref<3584xi32, #tpu.memory_space<vmem>>)
          tpu.yield
        }) : () -> ()
      } else {
      }
      %ge3A = arith.constant 799232 : i32
      %ge3A_40 = arith.cmpi sge, %add3A_37, %ge3A : i32
      %convert_element_type3A_41 = arith.extui %ge3A_40 : i1 to i32
      %cond3A_42 = arith.constant 0 : i32
      %cond3A_43 = arith.cmpi ne, %convert_element_type3A_41, %cond3A_42 : i32
      scf.if %cond3A_43 {
        %run_scoped3A = arith.constant 1 : i32
        "tpu.region"() ({
          %run_scoped3A_53 = tpu.sem_alloc : memref<!tpu.dma_semaphore, #tpu.memory_space<semaphore_mem>>
          %dma_start3A = arith.constant 0 : i32
          %dma_start3A_54 = tpu.memref_slice %arg3[%run_scoped3A, %dma_start3A] : memref<2x3584xi32, #tpu.memory_space<hbm>> -> memref<1x3584xi32, #tpu.memory_space<hbm>>
          %dma_start3A_55 = tpu.memref_squeeze %dma_start3A_54 : memref<1x3584xi32, #tpu.memory_space<hbm>> -> memref<3584xi32, #tpu.memory_space<hbm>>
          %dma_start3A_56 = arith.constant 0 : i32
          %dma_start3A_57 = tpu.memref_slice %arg3[%run_scoped3A, %dma_start3A_56] : memref<2x3584xi32, #tpu.memory_space<hbm>> -> memref<1x3584xi32, #tpu.memory_space<hbm>>
          %dma_start3A_58 = tpu.memref_squeeze %dma_start3A_57 : memref<1x3584xi32, #tpu.memory_space<hbm>> -> memref<3584xi32, #tpu.memory_space<hbm>>
          tpu.enqueue_dma source(%dma_start3A_58 : memref<3584xi32, #tpu.memory_space<hbm>>) target(%arg7 : memref<3584xi32, #tpu.memory_space<vmem>>) target_semaphore(%run_scoped3A_53 : memref<!tpu.dma_semaphore, #tpu.memory_space<semaphore_mem>>)
          %dma_wait3A = arith.constant 0 : i32
          %dma_wait3A_59 = tpu.memref_slice %arg3[%run_scoped3A, %dma_wait3A] : memref<2x3584xi32, #tpu.memory_space<hbm>> -> memref<1x3584xi32, #tpu.memory_space<hbm>>
          %dma_wait3A_60 = tpu.memref_squeeze %dma_wait3A_59 : memref<1x3584xi32, #tpu.memory_space<hbm>> -> memref<3584xi32, #tpu.memory_space<hbm>>
          %dma_wait3A_61 = arith.constant 0 : i32
          %dma_wait3A_62 = tpu.memref_slice %arg3[%run_scoped3A, %dma_wait3A_61] : memref<2x3584xi32, #tpu.memory_space<hbm>> -> memref<1x3584xi32, #tpu.memory_space<hbm>>
          %dma_wait3A_63 = tpu.memref_squeeze %dma_wait3A_62 : memref<1x3584xi32, #tpu.memory_space<hbm>> -> memref<3584xi32, #tpu.memory_space<hbm>>
          tpu.wait_dma2 semaphore(%run_scoped3A_53 : memref<!tpu.dma_semaphore, #tpu.memory_space<semaphore_mem>>) src(%dma_wait3A_63 : memref<3584xi32, #tpu.memory_space<hbm>>) dst(%arg7 : memref<3584xi32, #tpu.memory_space<vmem>>)
          tpu.yield
        }) : () -> ()
      } else {
      }
      %scan3A = arith.constant 0 : i32
      %scan3A_44 = arith.constant 14 : i32
      %scan3A_45 = arith.addi %scan3A, %scan3A_44 : i32
      %scan3A_46 = arith.constant 1 : i32
      scf.for %scan3A_53 = %scan3A to %scan3A_45 step %scan3A_46  : i32 {
        %mul3A_54 = arith.constant 1 : i32
        %mul3A_55 = arith.muli %scan3A_53, %mul3A_54 : i32
        %add3A_56 = arith.constant 0 : i32
        %add3A_57 = arith.addi %add3A_56, %mul3A_55 : i32
        %mul3A_58 = arith.constant 256 : i32
        %mul3A_59 = arith.muli %add3A_57, %mul3A_58 : i32
        %dma_start3A = tpu.memref_slice %arg7[%mul3A_59] : memref<3584xi32, #tpu.memory_space<vmem>> -> memref<256xi32, #tpu.memory_space<vmem>>
        %dma_start3A_60 = arith.constant 0 : i32
        %dma_start3A_61 = arith.constant 0 : i32
        %dma_start3A_62 = tpu.memref_slice %arg9[%dma_start3A_60, %dma_start3A_61] : memref<50176x8xf32, #tpu.memory_space<vmem_shared>> -> memref<50176x8xf32, #tpu.memory_space<vmem_shared>>
        tpu.enqueue_indirect_dma source(%arg8 : memref<256x8xf32, #tpu.memory_space<vmem>>) target(%dma_start3A_62 : memref<50176x8xf32, #tpu.memory_space<vmem_shared>>) offsets(%dma_start3A : memref<256xi32, #tpu.memory_space<vmem>>) semaphore(%arg10 : memref<!tpu.dma_semaphore, #tpu.memory_space<semaphore_mem>>) {add = true}
      }
      %scan3A_47 = arith.constant 14 : i32
      %scan3A_48 = arith.constant 0 : i32
      %scan3A_49 = arith.constant 14 : i32
      %scan3A_50 = arith.addi %scan3A_48, %scan3A_49 : i32
      %scan3A_51 = arith.constant 1 : i32
      scf.for %scan3A_53 = %scan3A_48 to %scan3A_50 step %scan3A_51  : i32 {
        %mul3A_54 = arith.constant 1 : i32
        %mul3A_55 = arith.muli %scan3A_53, %mul3A_54 : i32
        %add3A_56 = arith.constant 0 : i32
        %add3A_57 = arith.addi %add3A_56, %mul3A_55 : i32
        %mul3A_58 = arith.constant 256 : i32
        %mul3A_59 = arith.muli %add3A_57, %mul3A_58 : i32
        %dma_wait3A = tpu.memref_slice %arg7[%mul3A_59] : memref<3584xi32, #tpu.memory_space<vmem>> -> memref<256xi32, #tpu.memory_space<vmem>>
        %dma_wait3A_60 = arith.constant 0 : i32
        %dma_wait3A_61 = arith.constant 0 : i32
        %dma_wait3A_62 = tpu.memref_slice %arg9[%dma_wait3A_60, %dma_wait3A_61] : memref<50176x8xf32, #tpu.memory_space<vmem_shared>> -> memref<50176x8xf32, #tpu.memory_space<vmem_shared>>
        tpu.wait_indirect_dma semaphore(%arg10 : memref<!tpu.dma_semaphore, #tpu.memory_space<semaphore_mem>>) src(%arg8 : memref<256x8xf32, #tpu.memory_space<vmem>>) dst(%dma_wait3A_62 : memref<50176x8xf32, #tpu.memory_space<vmem_shared>>)
      }
      %scan3A_52 = arith.constant 14 : i32
    }
    %barrier3A_22 = arith.constant 0 : index
    tpu.barrier barrier_id(%barrier3A_22)
    %mul3A_23 = arith.constant 3136 : i32
    %mul3A_24 = arith.muli %arg1, %mul3A_23 : i32
    %mul3A_25 = arith.constant 3136 : i32
    %mul3A_26 = arith.muli %arg1, %mul3A_25 : i32
    "tpu.region"() ({
      %run_scoped3A = tpu.sem_alloc : memref<!tpu.dma_semaphore, #tpu.memory_space<semaphore_mem>>
      %dma_start3A = arith.constant 0 : i32
      %dma_start3A_27 = tpu.memref_slice %arg6[%arg0, %mul3A_26, %dma_start3A] : memref<2x50176x8xf32, #tpu.memory_space<hbm>> -> memref<1x3136x8xf32, #tpu.memory_space<hbm>>
      %dma_start3A_28 = tpu.memref_squeeze %dma_start3A_27 : memref<1x3136x8xf32, #tpu.memory_space<hbm>> -> memref<3136x8xf32, #tpu.memory_space<hbm>>
      %dma_start3A_29 = arith.constant 0 : i32
      %dma_start3A_30 = tpu.memref_slice %arg9[%mul3A_24, %dma_start3A_29] : memref<50176x8xf32, #tpu.memory_space<vmem_shared>> -> memref<3136x8xf32, #tpu.memory_space<vmem_shared>>
      tpu.enqueue_dma source(%dma_start3A_30 : memref<3136x8xf32, #tpu.memory_space<vmem_shared>>) target(%dma_start3A_28 : memref<3136x8xf32, #tpu.memory_space<hbm>>) target_semaphore(%run_scoped3A : memref<!tpu.dma_semaphore, #tpu.memory_space<semaphore_mem>>)
      %dma_wait3A = arith.constant 0 : i32
      %dma_wait3A_31 = tpu.memref_slice %arg6[%arg0, %mul3A_26, %dma_wait3A] : memref<2x50176x8xf32, #tpu.memory_space<hbm>> -> memref<1x3136x8xf32, #tpu.memory_space<hbm>>
      %dma_wait3A_32 = tpu.memref_squeeze %dma_wait3A_31 : memref<1x3136x8xf32, #tpu.memory_space<hbm>> -> memref<3136x8xf32, #tpu.memory_space<hbm>>
      %dma_wait3A_33 = arith.constant 0 : i32
      %dma_wait3A_34 = tpu.memref_slice %arg9[%mul3A_24, %dma_wait3A_33] : memref<50176x8xf32, #tpu.memory_space<vmem_shared>> -> memref<3136x8xf32, #tpu.memory_space<vmem_shared>>
      tpu.wait_dma2 semaphore(%run_scoped3A : memref<!tpu.dma_semaphore, #tpu.memory_space<semaphore_mem>>) src(%dma_wait3A_34 : memref<3136x8xf32, #tpu.memory_space<vmem_shared>>) dst(%dma_wait3A_32 : memref<3136x8xf32, #tpu.memory_space<hbm>>)
      tpu.yield
    }) : () -> ()
    return
  }
}

#map = affine_map<(d0, d1) -> (0, 0)>
#map1 = affine_map<(d0, d1) -> (0, 0, 0)>
module attributes {stable_mosaic.version = 14 : i64} {
  func.func @_sc_prop_body(%arg0: i32, %arg1: i32, %arg2: memref<50176x32xf32, #tpu.memory_space<hbm>>, %arg3: memref<2x800000xi32, #tpu.memory_space<hbm>>, %arg4: memref<2x3584xi32, #tpu.memory_space<hbm>>, %arg5: memref<50176x32xf32, #tpu.memory_space<hbm>>, %arg6: memref<2x50176x32xf32, #tpu.memory_space<hbm>>, %arg7: memref<3584xi32, #tpu.memory_space<vmem>>, %arg8: memref<3584xi32, #tpu.memory_space<vmem>>, %arg9: memref<256x32xf32, #tpu.memory_space<vmem>>, %arg10: memref<256x32xf32, #tpu.memory_space<vmem>>, %arg11: memref<50176x32xf32, #tpu.memory_space<vmem_shared>>, %arg12: memref<!tpu.dma_semaphore, #tpu.memory_space<semaphore_mem>>, %arg13: memref<!tpu.dma_semaphore, #tpu.memory_space<semaphore_mem>>) attributes {dimension_semantics = [#tpu.dimension_semantics<core_parallel>, #tpu.dimension_semantics<subcore_parallel>], iteration_bounds = array<i64: 2, 16>, scalar_prefetch = 0 : i64, scratch_operands = 7 : i64, tpu.core_type = #tpu.core_type<sc_vector_subcore>, window_params = [{transform_indices = #map}, {transform_indices = #map}, {transform_indices = #map}, {transform_indices = #map}, {transform_indices = #map1}]} {
    %mul3A = arith.constant 3136 : i32
    %mul3A_0 = arith.muli %arg1, %mul3A : i32
    %mul3A_1 = arith.constant 3136 : i32
    %mul3A_2 = arith.muli %arg1, %mul3A_1 : i32
    "tpu.region"() ({
      %run_scoped3A = tpu.sem_alloc : memref<!tpu.dma_semaphore, #tpu.memory_space<semaphore_mem>>
      %dma_start3A = arith.constant 0 : i32
      %dma_start3A_27 = tpu.memref_slice %arg11[%mul3A_2, %dma_start3A] : memref<50176x32xf32, #tpu.memory_space<vmem_shared>> -> memref<3136x32xf32, #tpu.memory_space<vmem_shared>>
      %dma_start3A_28 = arith.constant 0 : i32
      %dma_start3A_29 = tpu.memref_slice %arg5[%mul3A_0, %dma_start3A_28] : memref<50176x32xf32, #tpu.memory_space<hbm>> -> memref<3136x32xf32, #tpu.memory_space<hbm>>
      tpu.enqueue_dma source(%dma_start3A_29 : memref<3136x32xf32, #tpu.memory_space<hbm>>) target(%dma_start3A_27 : memref<3136x32xf32, #tpu.memory_space<vmem_shared>>) target_semaphore(%run_scoped3A : memref<!tpu.dma_semaphore, #tpu.memory_space<semaphore_mem>>)
      %dma_wait3A = arith.constant 0 : i32
      %dma_wait3A_30 = tpu.memref_slice %arg11[%mul3A_2, %dma_wait3A] : memref<50176x32xf32, #tpu.memory_space<vmem_shared>> -> memref<3136x32xf32, #tpu.memory_space<vmem_shared>>
      %dma_wait3A_31 = arith.constant 0 : i32
      %dma_wait3A_32 = tpu.memref_slice %arg5[%mul3A_0, %dma_wait3A_31] : memref<50176x32xf32, #tpu.memory_space<hbm>> -> memref<3136x32xf32, #tpu.memory_space<hbm>>
      tpu.wait_dma2 semaphore(%run_scoped3A : memref<!tpu.dma_semaphore, #tpu.memory_space<semaphore_mem>>) src(%dma_wait3A_32 : memref<3136x32xf32, #tpu.memory_space<hbm>>) dst(%dma_wait3A_30 : memref<3136x32xf32, #tpu.memory_space<vmem_shared>>)
      tpu.yield
    }) : () -> ()
    %barrier3A = arith.constant 0 : index
    tpu.barrier barrier_id(%barrier3A)
    %mul3A_3 = arith.constant 2 : i32
    %mul3A_4 = arith.muli %mul3A_3, %arg0 : i32
    %sub3A = arith.constant 8 : i32
    %sub3A_5 = arith.subi %sub3A, %mul3A_4 : i32
    %sub3A_6 = arith.constant 0 : i32
    %sub3A_7 = arith.subi %sub3A_5, %sub3A_6 : i32
    %sub3A_8 = arith.constant 1 : i32
    %sub3A_9 = arith.constant 1 : i32
    %sub3A_10 = arith.subi %sub3A_8, %sub3A_9 : i32
    %add3A = arith.addi %sub3A_7, %sub3A_10 : i32
    %div3A = arith.constant 1 : i32
    %div3A_11 = arith.divsi %add3A, %div3A : i32
    %while3A = arith.constant 1 : i32
    %while3A_12 = arith.constant 0 : i32
    %while3A_13 = arith.constant 0 : i32
    %while3A_14 = arith.subi %div3A_11, %while3A_13 : i32
    %while3A_15 = arith.addi %while3A_13, %while3A_14 : i32
    %while3A_16 = arith.constant 1 : i32
    %while3A_17 = arith.divsi %while3A_14, %while3A_16 : i32
    %while3A_18 = arith.muli %while3A_17, %while3A_16 : i32
    %while3A_19 = arith.addi %while3A_13, %while3A_18 : i32
    %while3A_20 = arith.constant 1 : i32
    scf.for %while3A_27 = %while3A_13 to %while3A_19 step %while3A_20  : i32 {
      %mul3A_28 = arith.muli %while3A_27, %while3A : i32
      %add3A_29 = arith.addi %while3A_12, %mul3A_28 : i32
      %mul3A_30 = arith.constant 50176 : i32
      %mul3A_31 = arith.muli %arg1, %mul3A_30 : i32
      %mul3A_32 = arith.constant 28672 : i32
      %mul3A_33 = arith.muli %arg0, %mul3A_32 : i32
      %add3A_34 = arith.addi %mul3A_31, %mul3A_33 : i32
      %mul3A_35 = arith.constant 3584 : i32
      %mul3A_36 = arith.muli %add3A_29, %mul3A_35 : i32
      %add3A_37 = arith.addi %add3A_34, %mul3A_36 : i32
      %lt3A = arith.constant 799232 : i32
      %lt3A_38 = arith.cmpi slt, %add3A_37, %lt3A : i32
      %convert_element_type3A = arith.extui %lt3A_38 : i1 to i32
      %cond3A = arith.constant 0 : i32
      %cond3A_39 = arith.cmpi ne, %convert_element_type3A, %cond3A : i32
      scf.if %cond3A_39 {
        %run_scoped3A = arith.constant 0 : i32
        "tpu.region"() ({
          %run_scoped3A_53 = tpu.sem_alloc : memref<!tpu.dma_semaphore, #tpu.memory_space<semaphore_mem>>
          %dma_start3A_54 = tpu.memref_slice %arg3[%run_scoped3A, %add3A_37] : memref<2x800000xi32, #tpu.memory_space<hbm>> -> memref<1x3584xi32, #tpu.memory_space<hbm>>
          %dma_start3A_55 = tpu.memref_squeeze %dma_start3A_54 : memref<1x3584xi32, #tpu.memory_space<hbm>> -> memref<3584xi32, #tpu.memory_space<hbm>>
          %dma_start3A_56 = tpu.memref_slice %arg3[%run_scoped3A, %add3A_37] : memref<2x800000xi32, #tpu.memory_space<hbm>> -> memref<1x3584xi32, #tpu.memory_space<hbm>>
          %dma_start3A_57 = tpu.memref_squeeze %dma_start3A_56 : memref<1x3584xi32, #tpu.memory_space<hbm>> -> memref<3584xi32, #tpu.memory_space<hbm>>
          tpu.enqueue_dma source(%dma_start3A_57 : memref<3584xi32, #tpu.memory_space<hbm>>) target(%arg7 : memref<3584xi32, #tpu.memory_space<vmem>>) target_semaphore(%run_scoped3A_53 : memref<!tpu.dma_semaphore, #tpu.memory_space<semaphore_mem>>)
          %dma_wait3A = tpu.memref_slice %arg3[%run_scoped3A, %add3A_37] : memref<2x800000xi32, #tpu.memory_space<hbm>> -> memref<1x3584xi32, #tpu.memory_space<hbm>>
          %dma_wait3A_58 = tpu.memref_squeeze %dma_wait3A : memref<1x3584xi32, #tpu.memory_space<hbm>> -> memref<3584xi32, #tpu.memory_space<hbm>>
          %dma_wait3A_59 = tpu.memref_slice %arg3[%run_scoped3A, %add3A_37] : memref<2x800000xi32, #tpu.memory_space<hbm>> -> memref<1x3584xi32, #tpu.memory_space<hbm>>
          %dma_wait3A_60 = tpu.memref_squeeze %dma_wait3A_59 : memref<1x3584xi32, #tpu.memory_space<hbm>> -> memref<3584xi32, #tpu.memory_space<hbm>>
          tpu.wait_dma2 semaphore(%run_scoped3A_53 : memref<!tpu.dma_semaphore, #tpu.memory_space<semaphore_mem>>) src(%dma_wait3A_60 : memref<3584xi32, #tpu.memory_space<hbm>>) dst(%arg7 : memref<3584xi32, #tpu.memory_space<vmem>>)
          tpu.yield
        }) : () -> ()
        %run_scoped3A_52 = arith.constant 1 : i32
        "tpu.region"() ({
          %run_scoped3A_53 = tpu.sem_alloc : memref<!tpu.dma_semaphore, #tpu.memory_space<semaphore_mem>>
          %dma_start3A_54 = tpu.memref_slice %arg3[%run_scoped3A_52, %add3A_37] : memref<2x800000xi32, #tpu.memory_space<hbm>> -> memref<1x3584xi32, #tpu.memory_space<hbm>>
          %dma_start3A_55 = tpu.memref_squeeze %dma_start3A_54 : memref<1x3584xi32, #tpu.memory_space<hbm>> -> memref<3584xi32, #tpu.memory_space<hbm>>
          %dma_start3A_56 = tpu.memref_slice %arg3[%run_scoped3A_52, %add3A_37] : memref<2x800000xi32, #tpu.memory_space<hbm>> -> memref<1x3584xi32, #tpu.memory_space<hbm>>
          %dma_start3A_57 = tpu.memref_squeeze %dma_start3A_56 : memref<1x3584xi32, #tpu.memory_space<hbm>> -> memref<3584xi32, #tpu.memory_space<hbm>>
          tpu.enqueue_dma source(%dma_start3A_57 : memref<3584xi32, #tpu.memory_space<hbm>>) target(%arg8 : memref<3584xi32, #tpu.memory_space<vmem>>) target_semaphore(%run_scoped3A_53 : memref<!tpu.dma_semaphore, #tpu.memory_space<semaphore_mem>>)
          %dma_wait3A = tpu.memref_slice %arg3[%run_scoped3A_52, %add3A_37] : memref<2x800000xi32, #tpu.memory_space<hbm>> -> memref<1x3584xi32, #tpu.memory_space<hbm>>
          %dma_wait3A_58 = tpu.memref_squeeze %dma_wait3A : memref<1x3584xi32, #tpu.memory_space<hbm>> -> memref<3584xi32, #tpu.memory_space<hbm>>
          %dma_wait3A_59 = tpu.memref_slice %arg3[%run_scoped3A_52, %add3A_37] : memref<2x800000xi32, #tpu.memory_space<hbm>> -> memref<1x3584xi32, #tpu.memory_space<hbm>>
          %dma_wait3A_60 = tpu.memref_squeeze %dma_wait3A_59 : memref<1x3584xi32, #tpu.memory_space<hbm>> -> memref<3584xi32, #tpu.memory_space<hbm>>
          tpu.wait_dma2 semaphore(%run_scoped3A_53 : memref<!tpu.dma_semaphore, #tpu.memory_space<semaphore_mem>>) src(%dma_wait3A_60 : memref<3584xi32, #tpu.memory_space<hbm>>) dst(%arg8 : memref<3584xi32, #tpu.memory_space<vmem>>)
          tpu.yield
        }) : () -> ()
      } else {
      }
      %ge3A = arith.constant 799232 : i32
      %ge3A_40 = arith.cmpi sge, %add3A_37, %ge3A : i32
      %convert_element_type3A_41 = arith.extui %ge3A_40 : i1 to i32
      %cond3A_42 = arith.constant 0 : i32
      %cond3A_43 = arith.cmpi ne, %convert_element_type3A_41, %cond3A_42 : i32
      scf.if %cond3A_43 {
        %run_scoped3A = arith.constant 0 : i32
        "tpu.region"() ({
          %run_scoped3A_53 = tpu.sem_alloc : memref<!tpu.dma_semaphore, #tpu.memory_space<semaphore_mem>>
          %dma_start3A_54 = arith.constant 0 : i32
          %dma_start3A_55 = tpu.memref_slice %arg4[%run_scoped3A, %dma_start3A_54] : memref<2x3584xi32, #tpu.memory_space<hbm>> -> memref<1x3584xi32, #tpu.memory_space<hbm>>
          %dma_start3A_56 = tpu.memref_squeeze %dma_start3A_55 : memref<1x3584xi32, #tpu.memory_space<hbm>> -> memref<3584xi32, #tpu.memory_space<hbm>>
          %dma_start3A_57 = arith.constant 0 : i32
          %dma_start3A_58 = tpu.memref_slice %arg4[%run_scoped3A, %dma_start3A_57] : memref<2x3584xi32, #tpu.memory_space<hbm>> -> memref<1x3584xi32, #tpu.memory_space<hbm>>
          %dma_start3A_59 = tpu.memref_squeeze %dma_start3A_58 : memref<1x3584xi32, #tpu.memory_space<hbm>> -> memref<3584xi32, #tpu.memory_space<hbm>>
          tpu.enqueue_dma source(%dma_start3A_59 : memref<3584xi32, #tpu.memory_space<hbm>>) target(%arg7 : memref<3584xi32, #tpu.memory_space<vmem>>) target_semaphore(%run_scoped3A_53 : memref<!tpu.dma_semaphore, #tpu.memory_space<semaphore_mem>>)
          %dma_wait3A = arith.constant 0 : i32
          %dma_wait3A_60 = tpu.memref_slice %arg4[%run_scoped3A, %dma_wait3A] : memref<2x3584xi32, #tpu.memory_space<hbm>> -> memref<1x3584xi32, #tpu.memory_space<hbm>>
          %dma_wait3A_61 = tpu.memref_squeeze %dma_wait3A_60 : memref<1x3584xi32, #tpu.memory_space<hbm>> -> memref<3584xi32, #tpu.memory_space<hbm>>
          %dma_wait3A_62 = arith.constant 0 : i32
          %dma_wait3A_63 = tpu.memref_slice %arg4[%run_scoped3A, %dma_wait3A_62] : memref<2x3584xi32, #tpu.memory_space<hbm>> -> memref<1x3584xi32, #tpu.memory_space<hbm>>
          %dma_wait3A_64 = tpu.memref_squeeze %dma_wait3A_63 : memref<1x3584xi32, #tpu.memory_space<hbm>> -> memref<3584xi32, #tpu.memory_space<hbm>>
          tpu.wait_dma2 semaphore(%run_scoped3A_53 : memref<!tpu.dma_semaphore, #tpu.memory_space<semaphore_mem>>) src(%dma_wait3A_64 : memref<3584xi32, #tpu.memory_space<hbm>>) dst(%arg7 : memref<3584xi32, #tpu.memory_space<vmem>>)
          tpu.yield
        }) : () -> ()
        %run_scoped3A_52 = arith.constant 1 : i32
        "tpu.region"() ({
          %run_scoped3A_53 = tpu.sem_alloc : memref<!tpu.dma_semaphore, #tpu.memory_space<semaphore_mem>>
          %dma_start3A_54 = arith.constant 0 : i32
          %dma_start3A_55 = tpu.memref_slice %arg4[%run_scoped3A_52, %dma_start3A_54] : memref<2x3584xi32, #tpu.memory_space<hbm>> -> memref<1x3584xi32, #tpu.memory_space<hbm>>
          %dma_start3A_56 = tpu.memref_squeeze %dma_start3A_55 : memref<1x3584xi32, #tpu.memory_space<hbm>> -> memref<3584xi32, #tpu.memory_space<hbm>>
          %dma_start3A_57 = arith.constant 0 : i32
          %dma_start3A_58 = tpu.memref_slice %arg4[%run_scoped3A_52, %dma_start3A_57] : memref<2x3584xi32, #tpu.memory_space<hbm>> -> memref<1x3584xi32, #tpu.memory_space<hbm>>
          %dma_start3A_59 = tpu.memref_squeeze %dma_start3A_58 : memref<1x3584xi32, #tpu.memory_space<hbm>> -> memref<3584xi32, #tpu.memory_space<hbm>>
          tpu.enqueue_dma source(%dma_start3A_59 : memref<3584xi32, #tpu.memory_space<hbm>>) target(%arg8 : memref<3584xi32, #tpu.memory_space<vmem>>) target_semaphore(%run_scoped3A_53 : memref<!tpu.dma_semaphore, #tpu.memory_space<semaphore_mem>>)
          %dma_wait3A = arith.constant 0 : i32
          %dma_wait3A_60 = tpu.memref_slice %arg4[%run_scoped3A_52, %dma_wait3A] : memref<2x3584xi32, #tpu.memory_space<hbm>> -> memref<1x3584xi32, #tpu.memory_space<hbm>>
          %dma_wait3A_61 = tpu.memref_squeeze %dma_wait3A_60 : memref<1x3584xi32, #tpu.memory_space<hbm>> -> memref<3584xi32, #tpu.memory_space<hbm>>
          %dma_wait3A_62 = arith.constant 0 : i32
          %dma_wait3A_63 = tpu.memref_slice %arg4[%run_scoped3A_52, %dma_wait3A_62] : memref<2x3584xi32, #tpu.memory_space<hbm>> -> memref<1x3584xi32, #tpu.memory_space<hbm>>
          %dma_wait3A_64 = tpu.memref_squeeze %dma_wait3A_63 : memref<1x3584xi32, #tpu.memory_space<hbm>> -> memref<3584xi32, #tpu.memory_space<hbm>>
          tpu.wait_dma2 semaphore(%run_scoped3A_53 : memref<!tpu.dma_semaphore, #tpu.memory_space<semaphore_mem>>) src(%dma_wait3A_64 : memref<3584xi32, #tpu.memory_space<hbm>>) dst(%arg8 : memref<3584xi32, #tpu.memory_space<vmem>>)
          tpu.yield
        }) : () -> ()
      } else {
      }
      %dma_start3A = arith.constant 0 : i32
      %dma_start3A_44 = tpu.memref_slice %arg7[%dma_start3A] : memref<3584xi32, #tpu.memory_space<vmem>> -> memref<256xi32, #tpu.memory_space<vmem>>
      %dma_start3A_45 = arith.constant 0 : i32
      %dma_start3A_46 = arith.constant 0 : i32
      %dma_start3A_47 = tpu.memref_slice %arg2[%dma_start3A_45, %dma_start3A_46] : memref<50176x32xf32, #tpu.memory_space<hbm>> -> memref<50176x32xf32, #tpu.memory_space<hbm>>
      tpu.enqueue_indirect_dma source(%dma_start3A_47 : memref<50176x32xf32, #tpu.memory_space<hbm>>) target(%arg9 : memref<256x32xf32, #tpu.memory_space<vmem>>) offsets(%dma_start3A_44 : memref<256xi32, #tpu.memory_space<vmem>>) semaphore(%arg12 : memref<!tpu.dma_semaphore, #tpu.memory_space<semaphore_mem>>)
      %scan3A = arith.constant 0 : i32
      %scan3A_48 = arith.constant 7 : i32
      %scan3A_49 = arith.addi %scan3A, %scan3A_48 : i32
      %scan3A_50 = arith.constant 1 : i32
      scf.for %scan3A_52 = %scan3A to %scan3A_49 step %scan3A_50  : i32 {
        %mul3A_53 = arith.constant 2 : i32
        %mul3A_54 = arith.muli %scan3A_52, %mul3A_53 : i32
        %add3A_55 = arith.constant 0 : i32
        %add3A_56 = arith.addi %add3A_55, %mul3A_54 : i32
        %add3A_57 = arith.constant 1 : i32
        %add3A_58 = arith.addi %add3A_56, %add3A_57 : i32
        %mul3A_59 = arith.constant 256 : i32
        %mul3A_60 = arith.muli %add3A_58, %mul3A_59 : i32
        %dma_start3A_61 = tpu.memref_slice %arg7[%mul3A_60] : memref<3584xi32, #tpu.memory_space<vmem>> -> memref<256xi32, #tpu.memory_space<vmem>>
        %dma_start3A_62 = arith.constant 0 : i32
        %dma_start3A_63 = arith.constant 0 : i32
        %dma_start3A_64 = tpu.memref_slice %arg2[%dma_start3A_62, %dma_start3A_63] : memref<50176x32xf32, #tpu.memory_space<hbm>> -> memref<50176x32xf32, #tpu.memory_space<hbm>>
        tpu.enqueue_indirect_dma source(%dma_start3A_64 : memref<50176x32xf32, #tpu.memory_space<hbm>>) target(%arg10 : memref<256x32xf32, #tpu.memory_space<vmem>>) offsets(%dma_start3A_61 : memref<256xi32, #tpu.memory_space<vmem>>) semaphore(%arg13 : memref<!tpu.dma_semaphore, #tpu.memory_space<semaphore_mem>>)
        %mul3A_65 = arith.constant 256 : i32
        %mul3A_66 = arith.muli %add3A_56, %mul3A_65 : i32
        %dma_wait3A = tpu.memref_slice %arg7[%mul3A_66] : memref<3584xi32, #tpu.memory_space<vmem>> -> memref<256xi32, #tpu.memory_space<vmem>>
        %dma_wait3A_67 = arith.constant 0 : i32
        %dma_wait3A_68 = arith.constant 0 : i32
        %dma_wait3A_69 = tpu.memref_slice %arg2[%dma_wait3A_67, %dma_wait3A_68] : memref<50176x32xf32, #tpu.memory_space<hbm>> -> memref<50176x32xf32, #tpu.memory_space<hbm>>
        tpu.wait_indirect_dma semaphore(%arg12 : memref<!tpu.dma_semaphore, #tpu.memory_space<semaphore_mem>>) src(%dma_wait3A_69 : memref<50176x32xf32, #tpu.memory_space<hbm>>) dst(%arg9 : memref<256x32xf32, #tpu.memory_space<vmem>>)
        %mul3A_70 = arith.constant 256 : i32
        %mul3A_71 = arith.muli %add3A_56, %mul3A_70 : i32
        "tpu.region"() ({
          %run_scoped3A = tpu.sem_alloc : memref<!tpu.dma_semaphore, #tpu.memory_space<semaphore_mem>>
          %dma_start3A_91 = tpu.memref_slice %arg8[%mul3A_71] : memref<3584xi32, #tpu.memory_space<vmem>> -> memref<256xi32, #tpu.memory_space<vmem>>
          %dma_start3A_92 = arith.constant 0 : i32
          %dma_start3A_93 = arith.constant 0 : i32
          %dma_start3A_94 = tpu.memref_slice %arg11[%dma_start3A_92, %dma_start3A_93] : memref<50176x32xf32, #tpu.memory_space<vmem_shared>> -> memref<50176x32xf32, #tpu.memory_space<vmem_shared>>
          tpu.enqueue_indirect_dma source(%arg9 : memref<256x32xf32, #tpu.memory_space<vmem>>) target(%dma_start3A_94 : memref<50176x32xf32, #tpu.memory_space<vmem_shared>>) offsets(%dma_start3A_91 : memref<256xi32, #tpu.memory_space<vmem>>) semaphore(%run_scoped3A : memref<!tpu.dma_semaphore, #tpu.memory_space<semaphore_mem>>) {add = true}
          %dma_wait3A_95 = tpu.memref_slice %arg8[%mul3A_71] : memref<3584xi32, #tpu.memory_space<vmem>> -> memref<256xi32, #tpu.memory_space<vmem>>
          %dma_wait3A_96 = arith.constant 0 : i32
          %dma_wait3A_97 = arith.constant 0 : i32
          %dma_wait3A_98 = tpu.memref_slice %arg11[%dma_wait3A_96, %dma_wait3A_97] : memref<50176x32xf32, #tpu.memory_space<vmem_shared>> -> memref<50176x32xf32, #tpu.memory_space<vmem_shared>>
          tpu.wait_indirect_dma semaphore(%run_scoped3A : memref<!tpu.dma_semaphore, #tpu.memory_space<semaphore_mem>>) src(%arg9 : memref<256x32xf32, #tpu.memory_space<vmem>>) dst(%dma_wait3A_98 : memref<50176x32xf32, #tpu.memory_space<vmem_shared>>)
          tpu.yield
        }) : () -> ()
        %add3A_72 = arith.constant 2 : i32
        %add3A_73 = arith.addi %add3A_56, %add3A_72 : i32
        %lt3A_74 = arith.constant 14 : i32
        %lt3A_75 = arith.cmpi slt, %add3A_73, %lt3A_74 : i32
        %convert_element_type3A_76 = arith.extui %lt3A_75 : i1 to i32
        %cond3A_77 = arith.constant 0 : i32
        %cond3A_78 = arith.cmpi ne, %convert_element_type3A_76, %cond3A_77 : i32
        scf.if %cond3A_78 {
          %add3A_91 = arith.constant 2 : i32
          %add3A_92 = arith.addi %add3A_56, %add3A_91 : i32
          %mul3A_93 = arith.constant 256 : i32
          %mul3A_94 = arith.muli %add3A_92, %mul3A_93 : i32
          %dma_start3A_95 = tpu.memref_slice %arg7[%mul3A_94] : memref<3584xi32, #tpu.memory_space<vmem>> -> memref<256xi32, #tpu.memory_space<vmem>>
          %dma_start3A_96 = arith.constant 0 : i32
          %dma_start3A_97 = arith.constant 0 : i32
          %dma_start3A_98 = tpu.memref_slice %arg2[%dma_start3A_96, %dma_start3A_97] : memref<50176x32xf32, #tpu.memory_space<hbm>> -> memref<50176x32xf32, #tpu.memory_space<hbm>>
          tpu.enqueue_indirect_dma source(%dma_start3A_98 : memref<50176x32xf32, #tpu.memory_space<hbm>>) target(%arg9 : memref<256x32xf32, #tpu.memory_space<vmem>>) offsets(%dma_start3A_95 : memref<256xi32, #tpu.memory_space<vmem>>) semaphore(%arg12 : memref<!tpu.dma_semaphore, #tpu.memory_space<semaphore_mem>>)
        } else {
        }
        %add3A_79 = arith.constant 1 : i32
        %add3A_80 = arith.addi %add3A_56, %add3A_79 : i32
        %mul3A_81 = arith.constant 256 : i32
        %mul3A_82 = arith.muli %add3A_80, %mul3A_81 : i32
        %dma_wait3A_83 = tpu.memref_slice %arg7[%mul3A_82] : memref<3584xi32, #tpu.memory_space<vmem>> -> memref<256xi32, #tpu.memory_space<vmem>>
        %dma_wait3A_84 = arith.constant 0 : i32
        %dma_wait3A_85 = arith.constant 0 : i32
        %dma_wait3A_86 = tpu.memref_slice %arg2[%dma_wait3A_84, %dma_wait3A_85] : memref<50176x32xf32, #tpu.memory_space<hbm>> -> memref<50176x32xf32, #tpu.memory_space<hbm>>
        tpu.wait_indirect_dma semaphore(%arg13 : memref<!tpu.dma_semaphore, #tpu.memory_space<semaphore_mem>>) src(%dma_wait3A_86 : memref<50176x32xf32, #tpu.memory_space<hbm>>) dst(%arg10 : memref<256x32xf32, #tpu.memory_space<vmem>>)
        %add3A_87 = arith.constant 1 : i32
        %add3A_88 = arith.addi %add3A_56, %add3A_87 : i32
        %mul3A_89 = arith.constant 256 : i32
        %mul3A_90 = arith.muli %add3A_88, %mul3A_89 : i32
        "tpu.region"() ({
          %run_scoped3A = tpu.sem_alloc : memref<!tpu.dma_semaphore, #tpu.memory_space<semaphore_mem>>
          %dma_start3A_91 = tpu.memref_slice %arg8[%mul3A_90] : memref<3584xi32, #tpu.memory_space<vmem>> -> memref<256xi32, #tpu.memory_space<vmem>>
          %dma_start3A_92 = arith.constant 0 : i32
          %dma_start3A_93 = arith.constant 0 : i32
          %dma_start3A_94 = tpu.memref_slice %arg11[%dma_start3A_92, %dma_start3A_93] : memref<50176x32xf32, #tpu.memory_space<vmem_shared>> -> memref<50176x32xf32, #tpu.memory_space<vmem_shared>>
          tpu.enqueue_indirect_dma source(%arg10 : memref<256x32xf32, #tpu.memory_space<vmem>>) target(%dma_start3A_94 : memref<50176x32xf32, #tpu.memory_space<vmem_shared>>) offsets(%dma_start3A_91 : memref<256xi32, #tpu.memory_space<vmem>>) semaphore(%run_scoped3A : memref<!tpu.dma_semaphore, #tpu.memory_space<semaphore_mem>>) {add = true}
          %dma_wait3A_95 = tpu.memref_slice %arg8[%mul3A_90] : memref<3584xi32, #tpu.memory_space<vmem>> -> memref<256xi32, #tpu.memory_space<vmem>>
          %dma_wait3A_96 = arith.constant 0 : i32
          %dma_wait3A_97 = arith.constant 0 : i32
          %dma_wait3A_98 = tpu.memref_slice %arg11[%dma_wait3A_96, %dma_wait3A_97] : memref<50176x32xf32, #tpu.memory_space<vmem_shared>> -> memref<50176x32xf32, #tpu.memory_space<vmem_shared>>
          tpu.wait_indirect_dma semaphore(%run_scoped3A : memref<!tpu.dma_semaphore, #tpu.memory_space<semaphore_mem>>) src(%arg10 : memref<256x32xf32, #tpu.memory_space<vmem>>) dst(%dma_wait3A_98 : memref<50176x32xf32, #tpu.memory_space<vmem_shared>>)
          tpu.yield
        }) : () -> ()
      }
      %scan3A_51 = arith.constant 7 : i32
    }
    %while3A_21 = arith.constant 1 : i32
    scf.for %while3A_27 = %while3A_19 to %while3A_15 step %while3A_21  : i32 {
      %mul3A_28 = arith.muli %while3A_27, %while3A : i32
      %add3A_29 = arith.addi %while3A_12, %mul3A_28 : i32
      %mul3A_30 = arith.constant 50176 : i32
      %mul3A_31 = arith.muli %arg1, %mul3A_30 : i32
      %mul3A_32 = arith.constant 28672 : i32
      %mul3A_33 = arith.muli %arg0, %mul3A_32 : i32
      %add3A_34 = arith.addi %mul3A_31, %mul3A_33 : i32
      %mul3A_35 = arith.constant 3584 : i32
      %mul3A_36 = arith.muli %add3A_29, %mul3A_35 : i32
      %add3A_37 = arith.addi %add3A_34, %mul3A_36 : i32
      %lt3A = arith.constant 799232 : i32
      %lt3A_38 = arith.cmpi slt, %add3A_37, %lt3A : i32
      %convert_element_type3A = arith.extui %lt3A_38 : i1 to i32
      %cond3A = arith.constant 0 : i32
      %cond3A_39 = arith.cmpi ne, %convert_element_type3A, %cond3A : i32
      scf.if %cond3A_39 {
        %run_scoped3A = arith.constant 0 : i32
        "tpu.region"() ({
          %run_scoped3A_53 = tpu.sem_alloc : memref<!tpu.dma_semaphore, #tpu.memory_space<semaphore_mem>>
          %dma_start3A_54 = tpu.memref_slice %arg3[%run_scoped3A, %add3A_37] : memref<2x800000xi32, #tpu.memory_space<hbm>> -> memref<1x3584xi32, #tpu.memory_space<hbm>>
          %dma_start3A_55 = tpu.memref_squeeze %dma_start3A_54 : memref<1x3584xi32, #tpu.memory_space<hbm>> -> memref<3584xi32, #tpu.memory_space<hbm>>
          %dma_start3A_56 = tpu.memref_slice %arg3[%run_scoped3A, %add3A_37] : memref<2x800000xi32, #tpu.memory_space<hbm>> -> memref<1x3584xi32, #tpu.memory_space<hbm>>
          %dma_start3A_57 = tpu.memref_squeeze %dma_start3A_56 : memref<1x3584xi32, #tpu.memory_space<hbm>> -> memref<3584xi32, #tpu.memory_space<hbm>>
          tpu.enqueue_dma source(%dma_start3A_57 : memref<3584xi32, #tpu.memory_space<hbm>>) target(%arg7 : memref<3584xi32, #tpu.memory_space<vmem>>) target_semaphore(%run_scoped3A_53 : memref<!tpu.dma_semaphore, #tpu.memory_space<semaphore_mem>>)
          %dma_wait3A = tpu.memref_slice %arg3[%run_scoped3A, %add3A_37] : memref<2x800000xi32, #tpu.memory_space<hbm>> -> memref<1x3584xi32, #tpu.memory_space<hbm>>
          %dma_wait3A_58 = tpu.memref_squeeze %dma_wait3A : memref<1x3584xi32, #tpu.memory_space<hbm>> -> memref<3584xi32, #tpu.memory_space<hbm>>
          %dma_wait3A_59 = tpu.memref_slice %arg3[%run_scoped3A, %add3A_37] : memref<2x800000xi32, #tpu.memory_space<hbm>> -> memref<1x3584xi32, #tpu.memory_space<hbm>>
          %dma_wait3A_60 = tpu.memref_squeeze %dma_wait3A_59 : memref<1x3584xi32, #tpu.memory_space<hbm>> -> memref<3584xi32, #tpu.memory_space<hbm>>
          tpu.wait_dma2 semaphore(%run_scoped3A_53 : memref<!tpu.dma_semaphore, #tpu.memory_space<semaphore_mem>>) src(%dma_wait3A_60 : memref<3584xi32, #tpu.memory_space<hbm>>) dst(%arg7 : memref<3584xi32, #tpu.memory_space<vmem>>)
          tpu.yield
        }) : () -> ()
        %run_scoped3A_52 = arith.constant 1 : i32
        "tpu.region"() ({
          %run_scoped3A_53 = tpu.sem_alloc : memref<!tpu.dma_semaphore, #tpu.memory_space<semaphore_mem>>
          %dma_start3A_54 = tpu.memref_slice %arg3[%run_scoped3A_52, %add3A_37] : memref<2x800000xi32, #tpu.memory_space<hbm>> -> memref<1x3584xi32, #tpu.memory_space<hbm>>
          %dma_start3A_55 = tpu.memref_squeeze %dma_start3A_54 : memref<1x3584xi32, #tpu.memory_space<hbm>> -> memref<3584xi32, #tpu.memory_space<hbm>>
          %dma_start3A_56 = tpu.memref_slice %arg3[%run_scoped3A_52, %add3A_37] : memref<2x800000xi32, #tpu.memory_space<hbm>> -> memref<1x3584xi32, #tpu.memory_space<hbm>>
          %dma_start3A_57 = tpu.memref_squeeze %dma_start3A_56 : memref<1x3584xi32, #tpu.memory_space<hbm>> -> memref<3584xi32, #tpu.memory_space<hbm>>
          tpu.enqueue_dma source(%dma_start3A_57 : memref<3584xi32, #tpu.memory_space<hbm>>) target(%arg8 : memref<3584xi32, #tpu.memory_space<vmem>>) target_semaphore(%run_scoped3A_53 : memref<!tpu.dma_semaphore, #tpu.memory_space<semaphore_mem>>)
          %dma_wait3A = tpu.memref_slice %arg3[%run_scoped3A_52, %add3A_37] : memref<2x800000xi32, #tpu.memory_space<hbm>> -> memref<1x3584xi32, #tpu.memory_space<hbm>>
          %dma_wait3A_58 = tpu.memref_squeeze %dma_wait3A : memref<1x3584xi32, #tpu.memory_space<hbm>> -> memref<3584xi32, #tpu.memory_space<hbm>>
          %dma_wait3A_59 = tpu.memref_slice %arg3[%run_scoped3A_52, %add3A_37] : memref<2x800000xi32, #tpu.memory_space<hbm>> -> memref<1x3584xi32, #tpu.memory_space<hbm>>
          %dma_wait3A_60 = tpu.memref_squeeze %dma_wait3A_59 : memref<1x3584xi32, #tpu.memory_space<hbm>> -> memref<3584xi32, #tpu.memory_space<hbm>>
          tpu.wait_dma2 semaphore(%run_scoped3A_53 : memref<!tpu.dma_semaphore, #tpu.memory_space<semaphore_mem>>) src(%dma_wait3A_60 : memref<3584xi32, #tpu.memory_space<hbm>>) dst(%arg8 : memref<3584xi32, #tpu.memory_space<vmem>>)
          tpu.yield
        }) : () -> ()
      } else {
      }
      %ge3A = arith.constant 799232 : i32
      %ge3A_40 = arith.cmpi sge, %add3A_37, %ge3A : i32
      %convert_element_type3A_41 = arith.extui %ge3A_40 : i1 to i32
      %cond3A_42 = arith.constant 0 : i32
      %cond3A_43 = arith.cmpi ne, %convert_element_type3A_41, %cond3A_42 : i32
      scf.if %cond3A_43 {
        %run_scoped3A = arith.constant 0 : i32
        "tpu.region"() ({
          %run_scoped3A_53 = tpu.sem_alloc : memref<!tpu.dma_semaphore, #tpu.memory_space<semaphore_mem>>
          %dma_start3A_54 = arith.constant 0 : i32
          %dma_start3A_55 = tpu.memref_slice %arg4[%run_scoped3A, %dma_start3A_54] : memref<2x3584xi32, #tpu.memory_space<hbm>> -> memref<1x3584xi32, #tpu.memory_space<hbm>>
          %dma_start3A_56 = tpu.memref_squeeze %dma_start3A_55 : memref<1x3584xi32, #tpu.memory_space<hbm>> -> memref<3584xi32, #tpu.memory_space<hbm>>
          %dma_start3A_57 = arith.constant 0 : i32
          %dma_start3A_58 = tpu.memref_slice %arg4[%run_scoped3A, %dma_start3A_57] : memref<2x3584xi32, #tpu.memory_space<hbm>> -> memref<1x3584xi32, #tpu.memory_space<hbm>>
          %dma_start3A_59 = tpu.memref_squeeze %dma_start3A_58 : memref<1x3584xi32, #tpu.memory_space<hbm>> -> memref<3584xi32, #tpu.memory_space<hbm>>
          tpu.enqueue_dma source(%dma_start3A_59 : memref<3584xi32, #tpu.memory_space<hbm>>) target(%arg7 : memref<3584xi32, #tpu.memory_space<vmem>>) target_semaphore(%run_scoped3A_53 : memref<!tpu.dma_semaphore, #tpu.memory_space<semaphore_mem>>)
          %dma_wait3A = arith.constant 0 : i32
          %dma_wait3A_60 = tpu.memref_slice %arg4[%run_scoped3A, %dma_wait3A] : memref<2x3584xi32, #tpu.memory_space<hbm>> -> memref<1x3584xi32, #tpu.memory_space<hbm>>
          %dma_wait3A_61 = tpu.memref_squeeze %dma_wait3A_60 : memref<1x3584xi32, #tpu.memory_space<hbm>> -> memref<3584xi32, #tpu.memory_space<hbm>>
          %dma_wait3A_62 = arith.constant 0 : i32
          %dma_wait3A_63 = tpu.memref_slice %arg4[%run_scoped3A, %dma_wait3A_62] : memref<2x3584xi32, #tpu.memory_space<hbm>> -> memref<1x3584xi32, #tpu.memory_space<hbm>>
          %dma_wait3A_64 = tpu.memref_squeeze %dma_wait3A_63 : memref<1x3584xi32, #tpu.memory_space<hbm>> -> memref<3584xi32, #tpu.memory_space<hbm>>
          tpu.wait_dma2 semaphore(%run_scoped3A_53 : memref<!tpu.dma_semaphore, #tpu.memory_space<semaphore_mem>>) src(%dma_wait3A_64 : memref<3584xi32, #tpu.memory_space<hbm>>) dst(%arg7 : memref<3584xi32, #tpu.memory_space<vmem>>)
          tpu.yield
        }) : () -> ()
        %run_scoped3A_52 = arith.constant 1 : i32
        "tpu.region"() ({
          %run_scoped3A_53 = tpu.sem_alloc : memref<!tpu.dma_semaphore, #tpu.memory_space<semaphore_mem>>
          %dma_start3A_54 = arith.constant 0 : i32
          %dma_start3A_55 = tpu.memref_slice %arg4[%run_scoped3A_52, %dma_start3A_54] : memref<2x3584xi32, #tpu.memory_space<hbm>> -> memref<1x3584xi32, #tpu.memory_space<hbm>>
          %dma_start3A_56 = tpu.memref_squeeze %dma_start3A_55 : memref<1x3584xi32, #tpu.memory_space<hbm>> -> memref<3584xi32, #tpu.memory_space<hbm>>
          %dma_start3A_57 = arith.constant 0 : i32
          %dma_start3A_58 = tpu.memref_slice %arg4[%run_scoped3A_52, %dma_start3A_57] : memref<2x3584xi32, #tpu.memory_space<hbm>> -> memref<1x3584xi32, #tpu.memory_space<hbm>>
          %dma_start3A_59 = tpu.memref_squeeze %dma_start3A_58 : memref<1x3584xi32, #tpu.memory_space<hbm>> -> memref<3584xi32, #tpu.memory_space<hbm>>
          tpu.enqueue_dma source(%dma_start3A_59 : memref<3584xi32, #tpu.memory_space<hbm>>) target(%arg8 : memref<3584xi32, #tpu.memory_space<vmem>>) target_semaphore(%run_scoped3A_53 : memref<!tpu.dma_semaphore, #tpu.memory_space<semaphore_mem>>)
          %dma_wait3A = arith.constant 0 : i32
          %dma_wait3A_60 = tpu.memref_slice %arg4[%run_scoped3A_52, %dma_wait3A] : memref<2x3584xi32, #tpu.memory_space<hbm>> -> memref<1x3584xi32, #tpu.memory_space<hbm>>
          %dma_wait3A_61 = tpu.memref_squeeze %dma_wait3A_60 : memref<1x3584xi32, #tpu.memory_space<hbm>> -> memref<3584xi32, #tpu.memory_space<hbm>>
          %dma_wait3A_62 = arith.constant 0 : i32
          %dma_wait3A_63 = tpu.memref_slice %arg4[%run_scoped3A_52, %dma_wait3A_62] : memref<2x3584xi32, #tpu.memory_space<hbm>> -> memref<1x3584xi32, #tpu.memory_space<hbm>>
          %dma_wait3A_64 = tpu.memref_squeeze %dma_wait3A_63 : memref<1x3584xi32, #tpu.memory_space<hbm>> -> memref<3584xi32, #tpu.memory_space<hbm>>
          tpu.wait_dma2 semaphore(%run_scoped3A_53 : memref<!tpu.dma_semaphore, #tpu.memory_space<semaphore_mem>>) src(%dma_wait3A_64 : memref<3584xi32, #tpu.memory_space<hbm>>) dst(%arg8 : memref<3584xi32, #tpu.memory_space<vmem>>)
          tpu.yield
        }) : () -> ()
      } else {
      }
      %dma_start3A = arith.constant 0 : i32
      %dma_start3A_44 = tpu.memref_slice %arg7[%dma_start3A] : memref<3584xi32, #tpu.memory_space<vmem>> -> memref<256xi32, #tpu.memory_space<vmem>>
      %dma_start3A_45 = arith.constant 0 : i32
      %dma_start3A_46 = arith.constant 0 : i32
      %dma_start3A_47 = tpu.memref_slice %arg2[%dma_start3A_45, %dma_start3A_46] : memref<50176x32xf32, #tpu.memory_space<hbm>> -> memref<50176x32xf32, #tpu.memory_space<hbm>>
      tpu.enqueue_indirect_dma source(%dma_start3A_47 : memref<50176x32xf32, #tpu.memory_space<hbm>>) target(%arg9 : memref<256x32xf32, #tpu.memory_space<vmem>>) offsets(%dma_start3A_44 : memref<256xi32, #tpu.memory_space<vmem>>) semaphore(%arg12 : memref<!tpu.dma_semaphore, #tpu.memory_space<semaphore_mem>>)
      %scan3A = arith.constant 0 : i32
      %scan3A_48 = arith.constant 7 : i32
      %scan3A_49 = arith.addi %scan3A, %scan3A_48 : i32
      %scan3A_50 = arith.constant 1 : i32
      scf.for %scan3A_52 = %scan3A to %scan3A_49 step %scan3A_50  : i32 {
        %mul3A_53 = arith.constant 2 : i32
        %mul3A_54 = arith.muli %scan3A_52, %mul3A_53 : i32
        %add3A_55 = arith.constant 0 : i32
        %add3A_56 = arith.addi %add3A_55, %mul3A_54 : i32
        %add3A_57 = arith.constant 1 : i32
        %add3A_58 = arith.addi %add3A_56, %add3A_57 : i32
        %mul3A_59 = arith.constant 256 : i32
        %mul3A_60 = arith.muli %add3A_58, %mul3A_59 : i32
        %dma_start3A_61 = tpu.memref_slice %arg7[%mul3A_60] : memref<3584xi32, #tpu.memory_space<vmem>> -> memref<256xi32, #tpu.memory_space<vmem>>
        %dma_start3A_62 = arith.constant 0 : i32
        %dma_start3A_63 = arith.constant 0 : i32
        %dma_start3A_64 = tpu.memref_slice %arg2[%dma_start3A_62, %dma_start3A_63] : memref<50176x32xf32, #tpu.memory_space<hbm>> -> memref<50176x32xf32, #tpu.memory_space<hbm>>
        tpu.enqueue_indirect_dma source(%dma_start3A_64 : memref<50176x32xf32, #tpu.memory_space<hbm>>) target(%arg10 : memref<256x32xf32, #tpu.memory_space<vmem>>) offsets(%dma_start3A_61 : memref<256xi32, #tpu.memory_space<vmem>>) semaphore(%arg13 : memref<!tpu.dma_semaphore, #tpu.memory_space<semaphore_mem>>)
        %mul3A_65 = arith.constant 256 : i32
        %mul3A_66 = arith.muli %add3A_56, %mul3A_65 : i32
        %dma_wait3A = tpu.memref_slice %arg7[%mul3A_66] : memref<3584xi32, #tpu.memory_space<vmem>> -> memref<256xi32, #tpu.memory_space<vmem>>
        %dma_wait3A_67 = arith.constant 0 : i32
        %dma_wait3A_68 = arith.constant 0 : i32
        %dma_wait3A_69 = tpu.memref_slice %arg2[%dma_wait3A_67, %dma_wait3A_68] : memref<50176x32xf32, #tpu.memory_space<hbm>> -> memref<50176x32xf32, #tpu.memory_space<hbm>>
        tpu.wait_indirect_dma semaphore(%arg12 : memref<!tpu.dma_semaphore, #tpu.memory_space<semaphore_mem>>) src(%dma_wait3A_69 : memref<50176x32xf32, #tpu.memory_space<hbm>>) dst(%arg9 : memref<256x32xf32, #tpu.memory_space<vmem>>)
        %mul3A_70 = arith.constant 256 : i32
        %mul3A_71 = arith.muli %add3A_56, %mul3A_70 : i32
        "tpu.region"() ({
          %run_scoped3A = tpu.sem_alloc : memref<!tpu.dma_semaphore, #tpu.memory_space<semaphore_mem>>
          %dma_start3A_91 = tpu.memref_slice %arg8[%mul3A_71] : memref<3584xi32, #tpu.memory_space<vmem>> -> memref<256xi32, #tpu.memory_space<vmem>>
          %dma_start3A_92 = arith.constant 0 : i32
          %dma_start3A_93 = arith.constant 0 : i32
          %dma_start3A_94 = tpu.memref_slice %arg11[%dma_start3A_92, %dma_start3A_93] : memref<50176x32xf32, #tpu.memory_space<vmem_shared>> -> memref<50176x32xf32, #tpu.memory_space<vmem_shared>>
          tpu.enqueue_indirect_dma source(%arg9 : memref<256x32xf32, #tpu.memory_space<vmem>>) target(%dma_start3A_94 : memref<50176x32xf32, #tpu.memory_space<vmem_shared>>) offsets(%dma_start3A_91 : memref<256xi32, #tpu.memory_space<vmem>>) semaphore(%run_scoped3A : memref<!tpu.dma_semaphore, #tpu.memory_space<semaphore_mem>>) {add = true}
          %dma_wait3A_95 = tpu.memref_slice %arg8[%mul3A_71] : memref<3584xi32, #tpu.memory_space<vmem>> -> memref<256xi32, #tpu.memory_space<vmem>>
          %dma_wait3A_96 = arith.constant 0 : i32
          %dma_wait3A_97 = arith.constant 0 : i32
          %dma_wait3A_98 = tpu.memref_slice %arg11[%dma_wait3A_96, %dma_wait3A_97] : memref<50176x32xf32, #tpu.memory_space<vmem_shared>> -> memref<50176x32xf32, #tpu.memory_space<vmem_shared>>
          tpu.wait_indirect_dma semaphore(%run_scoped3A : memref<!tpu.dma_semaphore, #tpu.memory_space<semaphore_mem>>) src(%arg9 : memref<256x32xf32, #tpu.memory_space<vmem>>) dst(%dma_wait3A_98 : memref<50176x32xf32, #tpu.memory_space<vmem_shared>>)
          tpu.yield
        }) : () -> ()
        %add3A_72 = arith.constant 2 : i32
        %add3A_73 = arith.addi %add3A_56, %add3A_72 : i32
        %lt3A_74 = arith.constant 14 : i32
        %lt3A_75 = arith.cmpi slt, %add3A_73, %lt3A_74 : i32
        %convert_element_type3A_76 = arith.extui %lt3A_75 : i1 to i32
        %cond3A_77 = arith.constant 0 : i32
        %cond3A_78 = arith.cmpi ne, %convert_element_type3A_76, %cond3A_77 : i32
        scf.if %cond3A_78 {
          %add3A_91 = arith.constant 2 : i32
          %add3A_92 = arith.addi %add3A_56, %add3A_91 : i32
          %mul3A_93 = arith.constant 256 : i32
          %mul3A_94 = arith.muli %add3A_92, %mul3A_93 : i32
          %dma_start3A_95 = tpu.memref_slice %arg7[%mul3A_94] : memref<3584xi32, #tpu.memory_space<vmem>> -> memref<256xi32, #tpu.memory_space<vmem>>
          %dma_start3A_96 = arith.constant 0 : i32
          %dma_start3A_97 = arith.constant 0 : i32
          %dma_start3A_98 = tpu.memref_slice %arg2[%dma_start3A_96, %dma_start3A_97] : memref<50176x32xf32, #tpu.memory_space<hbm>> -> memref<50176x32xf32, #tpu.memory_space<hbm>>
          tpu.enqueue_indirect_dma source(%dma_start3A_98 : memref<50176x32xf32, #tpu.memory_space<hbm>>) target(%arg9 : memref<256x32xf32, #tpu.memory_space<vmem>>) offsets(%dma_start3A_95 : memref<256xi32, #tpu.memory_space<vmem>>) semaphore(%arg12 : memref<!tpu.dma_semaphore, #tpu.memory_space<semaphore_mem>>)
        } else {
        }
        %add3A_79 = arith.constant 1 : i32
        %add3A_80 = arith.addi %add3A_56, %add3A_79 : i32
        %mul3A_81 = arith.constant 256 : i32
        %mul3A_82 = arith.muli %add3A_80, %mul3A_81 : i32
        %dma_wait3A_83 = tpu.memref_slice %arg7[%mul3A_82] : memref<3584xi32, #tpu.memory_space<vmem>> -> memref<256xi32, #tpu.memory_space<vmem>>
        %dma_wait3A_84 = arith.constant 0 : i32
        %dma_wait3A_85 = arith.constant 0 : i32
        %dma_wait3A_86 = tpu.memref_slice %arg2[%dma_wait3A_84, %dma_wait3A_85] : memref<50176x32xf32, #tpu.memory_space<hbm>> -> memref<50176x32xf32, #tpu.memory_space<hbm>>
        tpu.wait_indirect_dma semaphore(%arg13 : memref<!tpu.dma_semaphore, #tpu.memory_space<semaphore_mem>>) src(%dma_wait3A_86 : memref<50176x32xf32, #tpu.memory_space<hbm>>) dst(%arg10 : memref<256x32xf32, #tpu.memory_space<vmem>>)
        %add3A_87 = arith.constant 1 : i32
        %add3A_88 = arith.addi %add3A_56, %add3A_87 : i32
        %mul3A_89 = arith.constant 256 : i32
        %mul3A_90 = arith.muli %add3A_88, %mul3A_89 : i32
        "tpu.region"() ({
          %run_scoped3A = tpu.sem_alloc : memref<!tpu.dma_semaphore, #tpu.memory_space<semaphore_mem>>
          %dma_start3A_91 = tpu.memref_slice %arg8[%mul3A_90] : memref<3584xi32, #tpu.memory_space<vmem>> -> memref<256xi32, #tpu.memory_space<vmem>>
          %dma_start3A_92 = arith.constant 0 : i32
          %dma_start3A_93 = arith.constant 0 : i32
          %dma_start3A_94 = tpu.memref_slice %arg11[%dma_start3A_92, %dma_start3A_93] : memref<50176x32xf32, #tpu.memory_space<vmem_shared>> -> memref<50176x32xf32, #tpu.memory_space<vmem_shared>>
          tpu.enqueue_indirect_dma source(%arg10 : memref<256x32xf32, #tpu.memory_space<vmem>>) target(%dma_start3A_94 : memref<50176x32xf32, #tpu.memory_space<vmem_shared>>) offsets(%dma_start3A_91 : memref<256xi32, #tpu.memory_space<vmem>>) semaphore(%run_scoped3A : memref<!tpu.dma_semaphore, #tpu.memory_space<semaphore_mem>>) {add = true}
          %dma_wait3A_95 = tpu.memref_slice %arg8[%mul3A_90] : memref<3584xi32, #tpu.memory_space<vmem>> -> memref<256xi32, #tpu.memory_space<vmem>>
          %dma_wait3A_96 = arith.constant 0 : i32
          %dma_wait3A_97 = arith.constant 0 : i32
          %dma_wait3A_98 = tpu.memref_slice %arg11[%dma_wait3A_96, %dma_wait3A_97] : memref<50176x32xf32, #tpu.memory_space<vmem_shared>> -> memref<50176x32xf32, #tpu.memory_space<vmem_shared>>
          tpu.wait_indirect_dma semaphore(%run_scoped3A : memref<!tpu.dma_semaphore, #tpu.memory_space<semaphore_mem>>) src(%arg10 : memref<256x32xf32, #tpu.memory_space<vmem>>) dst(%dma_wait3A_98 : memref<50176x32xf32, #tpu.memory_space<vmem_shared>>)
          tpu.yield
        }) : () -> ()
      }
      %scan3A_51 = arith.constant 7 : i32
    }
    %barrier3A_22 = arith.constant 0 : index
    tpu.barrier barrier_id(%barrier3A_22)
    %mul3A_23 = arith.constant 3136 : i32
    %mul3A_24 = arith.muli %arg1, %mul3A_23 : i32
    %mul3A_25 = arith.constant 3136 : i32
    %mul3A_26 = arith.muli %arg1, %mul3A_25 : i32
    "tpu.region"() ({
      %run_scoped3A = tpu.sem_alloc : memref<!tpu.dma_semaphore, #tpu.memory_space<semaphore_mem>>
      %dma_start3A = arith.constant 0 : i32
      %dma_start3A_27 = tpu.memref_slice %arg6[%arg0, %mul3A_26, %dma_start3A] : memref<2x50176x32xf32, #tpu.memory_space<hbm>> -> memref<1x3136x32xf32, #tpu.memory_space<hbm>>
      %dma_start3A_28 = tpu.memref_squeeze %dma_start3A_27 : memref<1x3136x32xf32, #tpu.memory_space<hbm>> -> memref<3136x32xf32, #tpu.memory_space<hbm>>
      %dma_start3A_29 = arith.constant 0 : i32
      %dma_start3A_30 = tpu.memref_slice %arg11[%mul3A_24, %dma_start3A_29] : memref<50176x32xf32, #tpu.memory_space<vmem_shared>> -> memref<3136x32xf32, #tpu.memory_space<vmem_shared>>
      tpu.enqueue_dma source(%dma_start3A_30 : memref<3136x32xf32, #tpu.memory_space<vmem_shared>>) target(%dma_start3A_28 : memref<3136x32xf32, #tpu.memory_space<hbm>>) target_semaphore(%run_scoped3A : memref<!tpu.dma_semaphore, #tpu.memory_space<semaphore_mem>>)
      %dma_wait3A = arith.constant 0 : i32
      %dma_wait3A_31 = tpu.memref_slice %arg6[%arg0, %mul3A_26, %dma_wait3A] : memref<2x50176x32xf32, #tpu.memory_space<hbm>> -> memref<1x3136x32xf32, #tpu.memory_space<hbm>>
      %dma_wait3A_32 = tpu.memref_squeeze %dma_wait3A_31 : memref<1x3136x32xf32, #tpu.memory_space<hbm>> -> memref<3136x32xf32, #tpu.memory_space<hbm>>
      %dma_wait3A_33 = arith.constant 0 : i32
      %dma_wait3A_34 = tpu.memref_slice %arg11[%mul3A_24, %dma_wait3A_33] : memref<50176x32xf32, #tpu.memory_space<vmem_shared>> -> memref<3136x32xf32, #tpu.memory_space<vmem_shared>>
      tpu.wait_dma2 semaphore(%run_scoped3A : memref<!tpu.dma_semaphore, #tpu.memory_space<semaphore_mem>>) src(%dma_wait3A_34 : memref<3136x32xf32, #tpu.memory_space<vmem_shared>>) dst(%dma_wait3A_32 : memref<3136x32xf32, #tpu.memory_space<hbm>>)
      tpu.yield
    }) : () -> ()
    return
  }
}

#map = affine_map<(d0, d1) -> (0, 0)>
#map1 = affine_map<(d0, d1) -> (0, 0, 0)>
module attributes {stable_mosaic.version = 14 : i64} {
  func.func @_sc_prop_body(%arg0: i32, %arg1: i32, %arg2: memref<50176x32xf32, #tpu.memory_space<hbm>>, %arg3: memref<2x800000xi32, #tpu.memory_space<hbm>>, %arg4: memref<2x3584xi32, #tpu.memory_space<hbm>>, %arg5: memref<50176x32xf32, #tpu.memory_space<hbm>>, %arg6: memref<2x50176x32xf32, #tpu.memory_space<hbm>>, %arg7: memref<3584xi32, #tpu.memory_space<vmem>>, %arg8: memref<3584xi32, #tpu.memory_space<vmem>>, %arg9: memref<256x32xf32, #tpu.memory_space<vmem>>, %arg10: memref<256x32xf32, #tpu.memory_space<vmem>>, %arg11: memref<50176x32xf32, #tpu.memory_space<vmem_shared>>, %arg12: memref<!tpu.dma_semaphore, #tpu.memory_space<semaphore_mem>>, %arg13: memref<!tpu.dma_semaphore, #tpu.memory_space<semaphore_mem>>) attributes {dimension_semantics = [#tpu.dimension_semantics<core_parallel>, #tpu.dimension_semantics<subcore_parallel>], iteration_bounds = array<i64: 2, 16>, scalar_prefetch = 0 : i64, scratch_operands = 7 : i64, tpu.core_type = #tpu.core_type<sc_vector_subcore>, window_params = [{transform_indices = #map}, {transform_indices = #map}, {transform_indices = #map}, {transform_indices = #map}, {transform_indices = #map1}]} {
    %mul3A = arith.constant 3136 : i32
    %mul3A_0 = arith.muli %arg1, %mul3A : i32
    %mul3A_1 = arith.constant 3136 : i32
    %mul3A_2 = arith.muli %arg1, %mul3A_1 : i32
    "tpu.region"() ({
      %run_scoped3A = tpu.sem_alloc : memref<!tpu.dma_semaphore, #tpu.memory_space<semaphore_mem>>
      %dma_start3A = arith.constant 0 : i32
      %dma_start3A_27 = tpu.memref_slice %arg11[%mul3A_2, %dma_start3A] : memref<50176x32xf32, #tpu.memory_space<vmem_shared>> -> memref<3136x32xf32, #tpu.memory_space<vmem_shared>>
      %dma_start3A_28 = arith.constant 0 : i32
      %dma_start3A_29 = tpu.memref_slice %arg5[%mul3A_0, %dma_start3A_28] : memref<50176x32xf32, #tpu.memory_space<hbm>> -> memref<3136x32xf32, #tpu.memory_space<hbm>>
      tpu.enqueue_dma source(%dma_start3A_29 : memref<3136x32xf32, #tpu.memory_space<hbm>>) target(%dma_start3A_27 : memref<3136x32xf32, #tpu.memory_space<vmem_shared>>) target_semaphore(%run_scoped3A : memref<!tpu.dma_semaphore, #tpu.memory_space<semaphore_mem>>)
      %dma_wait3A = arith.constant 0 : i32
      %dma_wait3A_30 = tpu.memref_slice %arg11[%mul3A_2, %dma_wait3A] : memref<50176x32xf32, #tpu.memory_space<vmem_shared>> -> memref<3136x32xf32, #tpu.memory_space<vmem_shared>>
      %dma_wait3A_31 = arith.constant 0 : i32
      %dma_wait3A_32 = tpu.memref_slice %arg5[%mul3A_0, %dma_wait3A_31] : memref<50176x32xf32, #tpu.memory_space<hbm>> -> memref<3136x32xf32, #tpu.memory_space<hbm>>
      tpu.wait_dma2 semaphore(%run_scoped3A : memref<!tpu.dma_semaphore, #tpu.memory_space<semaphore_mem>>) src(%dma_wait3A_32 : memref<3136x32xf32, #tpu.memory_space<hbm>>) dst(%dma_wait3A_30 : memref<3136x32xf32, #tpu.memory_space<vmem_shared>>)
      tpu.yield
    }) : () -> ()
    %barrier3A = arith.constant 0 : index
    tpu.barrier barrier_id(%barrier3A)
    %mul3A_3 = arith.constant 2 : i32
    %mul3A_4 = arith.muli %mul3A_3, %arg0 : i32
    %sub3A = arith.constant 8 : i32
    %sub3A_5 = arith.subi %sub3A, %mul3A_4 : i32
    %sub3A_6 = arith.constant 0 : i32
    %sub3A_7 = arith.subi %sub3A_5, %sub3A_6 : i32
    %sub3A_8 = arith.constant 1 : i32
    %sub3A_9 = arith.constant 1 : i32
    %sub3A_10 = arith.subi %sub3A_8, %sub3A_9 : i32
    %add3A = arith.addi %sub3A_7, %sub3A_10 : i32
    %div3A = arith.constant 1 : i32
    %div3A_11 = arith.divsi %add3A, %div3A : i32
    %while3A = arith.constant 1 : i32
    %while3A_12 = arith.constant 0 : i32
    %while3A_13 = arith.constant 0 : i32
    %while3A_14 = arith.subi %div3A_11, %while3A_13 : i32
    %while3A_15 = arith.addi %while3A_13, %while3A_14 : i32
    %while3A_16 = arith.constant 1 : i32
    %while3A_17 = arith.divsi %while3A_14, %while3A_16 : i32
    %while3A_18 = arith.muli %while3A_17, %while3A_16 : i32
    %while3A_19 = arith.addi %while3A_13, %while3A_18 : i32
    %while3A_20 = arith.constant 1 : i32
    scf.for %while3A_27 = %while3A_13 to %while3A_19 step %while3A_20  : i32 {
      %mul3A_28 = arith.muli %while3A_27, %while3A : i32
      %add3A_29 = arith.addi %while3A_12, %mul3A_28 : i32
      %mul3A_30 = arith.constant 50176 : i32
      %mul3A_31 = arith.muli %arg1, %mul3A_30 : i32
      %mul3A_32 = arith.constant 28672 : i32
      %mul3A_33 = arith.muli %arg0, %mul3A_32 : i32
      %add3A_34 = arith.addi %mul3A_31, %mul3A_33 : i32
      %mul3A_35 = arith.constant 3584 : i32
      %mul3A_36 = arith.muli %add3A_29, %mul3A_35 : i32
      %add3A_37 = arith.addi %add3A_34, %mul3A_36 : i32
      %lt3A = arith.constant 799232 : i32
      %lt3A_38 = arith.cmpi slt, %add3A_37, %lt3A : i32
      %convert_element_type3A = arith.extui %lt3A_38 : i1 to i32
      %cond3A = arith.constant 0 : i32
      %cond3A_39 = arith.cmpi ne, %convert_element_type3A, %cond3A : i32
      scf.if %cond3A_39 {
        %run_scoped3A = arith.constant 0 : i32
        "tpu.region"() ({
          %run_scoped3A_53 = tpu.sem_alloc : memref<!tpu.dma_semaphore, #tpu.memory_space<semaphore_mem>>
          %dma_start3A_54 = tpu.memref_slice %arg3[%run_scoped3A, %add3A_37] : memref<2x800000xi32, #tpu.memory_space<hbm>> -> memref<1x3584xi32, #tpu.memory_space<hbm>>
          %dma_start3A_55 = tpu.memref_squeeze %dma_start3A_54 : memref<1x3584xi32, #tpu.memory_space<hbm>> -> memref<3584xi32, #tpu.memory_space<hbm>>
          %dma_start3A_56 = tpu.memref_slice %arg3[%run_scoped3A, %add3A_37] : memref<2x800000xi32, #tpu.memory_space<hbm>> -> memref<1x3584xi32, #tpu.memory_space<hbm>>
          %dma_start3A_57 = tpu.memref_squeeze %dma_start3A_56 : memref<1x3584xi32, #tpu.memory_space<hbm>> -> memref<3584xi32, #tpu.memory_space<hbm>>
          tpu.enqueue_dma source(%dma_start3A_57 : memref<3584xi32, #tpu.memory_space<hbm>>) target(%arg7 : memref<3584xi32, #tpu.memory_space<vmem>>) target_semaphore(%run_scoped3A_53 : memref<!tpu.dma_semaphore, #tpu.memory_space<semaphore_mem>>)
          %dma_wait3A = tpu.memref_slice %arg3[%run_scoped3A, %add3A_37] : memref<2x800000xi32, #tpu.memory_space<hbm>> -> memref<1x3584xi32, #tpu.memory_space<hbm>>
          %dma_wait3A_58 = tpu.memref_squeeze %dma_wait3A : memref<1x3584xi32, #tpu.memory_space<hbm>> -> memref<3584xi32, #tpu.memory_space<hbm>>
          %dma_wait3A_59 = tpu.memref_slice %arg3[%run_scoped3A, %add3A_37] : memref<2x800000xi32, #tpu.memory_space<hbm>> -> memref<1x3584xi32, #tpu.memory_space<hbm>>
          %dma_wait3A_60 = tpu.memref_squeeze %dma_wait3A_59 : memref<1x3584xi32, #tpu.memory_space<hbm>> -> memref<3584xi32, #tpu.memory_space<hbm>>
          tpu.wait_dma2 semaphore(%run_scoped3A_53 : memref<!tpu.dma_semaphore, #tpu.memory_space<semaphore_mem>>) src(%dma_wait3A_60 : memref<3584xi32, #tpu.memory_space<hbm>>) dst(%arg7 : memref<3584xi32, #tpu.memory_space<vmem>>)
          tpu.yield
        }) : () -> ()
        %run_scoped3A_52 = arith.constant 1 : i32
        "tpu.region"() ({
          %run_scoped3A_53 = tpu.sem_alloc : memref<!tpu.dma_semaphore, #tpu.memory_space<semaphore_mem>>
          %dma_start3A_54 = tpu.memref_slice %arg3[%run_scoped3A_52, %add3A_37] : memref<2x800000xi32, #tpu.memory_space<hbm>> -> memref<1x3584xi32, #tpu.memory_space<hbm>>
          %dma_start3A_55 = tpu.memref_squeeze %dma_start3A_54 : memref<1x3584xi32, #tpu.memory_space<hbm>> -> memref<3584xi32, #tpu.memory_space<hbm>>
          %dma_start3A_56 = tpu.memref_slice %arg3[%run_scoped3A_52, %add3A_37] : memref<2x800000xi32, #tpu.memory_space<hbm>> -> memref<1x3584xi32, #tpu.memory_space<hbm>>
          %dma_start3A_57 = tpu.memref_squeeze %dma_start3A_56 : memref<1x3584xi32, #tpu.memory_space<hbm>> -> memref<3584xi32, #tpu.memory_space<hbm>>
          tpu.enqueue_dma source(%dma_start3A_57 : memref<3584xi32, #tpu.memory_space<hbm>>) target(%arg8 : memref<3584xi32, #tpu.memory_space<vmem>>) target_semaphore(%run_scoped3A_53 : memref<!tpu.dma_semaphore, #tpu.memory_space<semaphore_mem>>)
          %dma_wait3A = tpu.memref_slice %arg3[%run_scoped3A_52, %add3A_37] : memref<2x800000xi32, #tpu.memory_space<hbm>> -> memref<1x3584xi32, #tpu.memory_space<hbm>>
          %dma_wait3A_58 = tpu.memref_squeeze %dma_wait3A : memref<1x3584xi32, #tpu.memory_space<hbm>> -> memref<3584xi32, #tpu.memory_space<hbm>>
          %dma_wait3A_59 = tpu.memref_slice %arg3[%run_scoped3A_52, %add3A_37] : memref<2x800000xi32, #tpu.memory_space<hbm>> -> memref<1x3584xi32, #tpu.memory_space<hbm>>
          %dma_wait3A_60 = tpu.memref_squeeze %dma_wait3A_59 : memref<1x3584xi32, #tpu.memory_space<hbm>> -> memref<3584xi32, #tpu.memory_space<hbm>>
          tpu.wait_dma2 semaphore(%run_scoped3A_53 : memref<!tpu.dma_semaphore, #tpu.memory_space<semaphore_mem>>) src(%dma_wait3A_60 : memref<3584xi32, #tpu.memory_space<hbm>>) dst(%arg8 : memref<3584xi32, #tpu.memory_space<vmem>>)
          tpu.yield
        }) : () -> ()
      } else {
      }
      %ge3A = arith.constant 799232 : i32
      %ge3A_40 = arith.cmpi sge, %add3A_37, %ge3A : i32
      %convert_element_type3A_41 = arith.extui %ge3A_40 : i1 to i32
      %cond3A_42 = arith.constant 0 : i32
      %cond3A_43 = arith.cmpi ne, %convert_element_type3A_41, %cond3A_42 : i32
      scf.if %cond3A_43 {
        %run_scoped3A = arith.constant 0 : i32
        "tpu.region"() ({
          %run_scoped3A_53 = tpu.sem_alloc : memref<!tpu.dma_semaphore, #tpu.memory_space<semaphore_mem>>
          %dma_start3A_54 = arith.constant 0 : i32
          %dma_start3A_55 = tpu.memref_slice %arg4[%run_scoped3A, %dma_start3A_54] : memref<2x3584xi32, #tpu.memory_space<hbm>> -> memref<1x3584xi32, #tpu.memory_space<hbm>>
          %dma_start3A_56 = tpu.memref_squeeze %dma_start3A_55 : memref<1x3584xi32, #tpu.memory_space<hbm>> -> memref<3584xi32, #tpu.memory_space<hbm>>
          %dma_start3A_57 = arith.constant 0 : i32
          %dma_start3A_58 = tpu.memref_slice %arg4[%run_scoped3A, %dma_start3A_57] : memref<2x3584xi32, #tpu.memory_space<hbm>> -> memref<1x3584xi32, #tpu.memory_space<hbm>>
          %dma_start3A_59 = tpu.memref_squeeze %dma_start3A_58 : memref<1x3584xi32, #tpu.memory_space<hbm>> -> memref<3584xi32, #tpu.memory_space<hbm>>
          tpu.enqueue_dma source(%dma_start3A_59 : memref<3584xi32, #tpu.memory_space<hbm>>) target(%arg7 : memref<3584xi32, #tpu.memory_space<vmem>>) target_semaphore(%run_scoped3A_53 : memref<!tpu.dma_semaphore, #tpu.memory_space<semaphore_mem>>)
          %dma_wait3A = arith.constant 0 : i32
          %dma_wait3A_60 = tpu.memref_slice %arg4[%run_scoped3A, %dma_wait3A] : memref<2x3584xi32, #tpu.memory_space<hbm>> -> memref<1x3584xi32, #tpu.memory_space<hbm>>
          %dma_wait3A_61 = tpu.memref_squeeze %dma_wait3A_60 : memref<1x3584xi32, #tpu.memory_space<hbm>> -> memref<3584xi32, #tpu.memory_space<hbm>>
          %dma_wait3A_62 = arith.constant 0 : i32
          %dma_wait3A_63 = tpu.memref_slice %arg4[%run_scoped3A, %dma_wait3A_62] : memref<2x3584xi32, #tpu.memory_space<hbm>> -> memref<1x3584xi32, #tpu.memory_space<hbm>>
          %dma_wait3A_64 = tpu.memref_squeeze %dma_wait3A_63 : memref<1x3584xi32, #tpu.memory_space<hbm>> -> memref<3584xi32, #tpu.memory_space<hbm>>
          tpu.wait_dma2 semaphore(%run_scoped3A_53 : memref<!tpu.dma_semaphore, #tpu.memory_space<semaphore_mem>>) src(%dma_wait3A_64 : memref<3584xi32, #tpu.memory_space<hbm>>) dst(%arg7 : memref<3584xi32, #tpu.memory_space<vmem>>)
          tpu.yield
        }) : () -> ()
        %run_scoped3A_52 = arith.constant 1 : i32
        "tpu.region"() ({
          %run_scoped3A_53 = tpu.sem_alloc : memref<!tpu.dma_semaphore, #tpu.memory_space<semaphore_mem>>
          %dma_start3A_54 = arith.constant 0 : i32
          %dma_start3A_55 = tpu.memref_slice %arg4[%run_scoped3A_52, %dma_start3A_54] : memref<2x3584xi32, #tpu.memory_space<hbm>> -> memref<1x3584xi32, #tpu.memory_space<hbm>>
          %dma_start3A_56 = tpu.memref_squeeze %dma_start3A_55 : memref<1x3584xi32, #tpu.memory_space<hbm>> -> memref<3584xi32, #tpu.memory_space<hbm>>
          %dma_start3A_57 = arith.constant 0 : i32
          %dma_start3A_58 = tpu.memref_slice %arg4[%run_scoped3A_52, %dma_start3A_57] : memref<2x3584xi32, #tpu.memory_space<hbm>> -> memref<1x3584xi32, #tpu.memory_space<hbm>>
          %dma_start3A_59 = tpu.memref_squeeze %dma_start3A_58 : memref<1x3584xi32, #tpu.memory_space<hbm>> -> memref<3584xi32, #tpu.memory_space<hbm>>
          tpu.enqueue_dma source(%dma_start3A_59 : memref<3584xi32, #tpu.memory_space<hbm>>) target(%arg8 : memref<3584xi32, #tpu.memory_space<vmem>>) target_semaphore(%run_scoped3A_53 : memref<!tpu.dma_semaphore, #tpu.memory_space<semaphore_mem>>)
          %dma_wait3A = arith.constant 0 : i32
          %dma_wait3A_60 = tpu.memref_slice %arg4[%run_scoped3A_52, %dma_wait3A] : memref<2x3584xi32, #tpu.memory_space<hbm>> -> memref<1x3584xi32, #tpu.memory_space<hbm>>
          %dma_wait3A_61 = tpu.memref_squeeze %dma_wait3A_60 : memref<1x3584xi32, #tpu.memory_space<hbm>> -> memref<3584xi32, #tpu.memory_space<hbm>>
          %dma_wait3A_62 = arith.constant 0 : i32
          %dma_wait3A_63 = tpu.memref_slice %arg4[%run_scoped3A_52, %dma_wait3A_62] : memref<2x3584xi32, #tpu.memory_space<hbm>> -> memref<1x3584xi32, #tpu.memory_space<hbm>>
          %dma_wait3A_64 = tpu.memref_squeeze %dma_wait3A_63 : memref<1x3584xi32, #tpu.memory_space<hbm>> -> memref<3584xi32, #tpu.memory_space<hbm>>
          tpu.wait_dma2 semaphore(%run_scoped3A_53 : memref<!tpu.dma_semaphore, #tpu.memory_space<semaphore_mem>>) src(%dma_wait3A_64 : memref<3584xi32, #tpu.memory_space<hbm>>) dst(%arg8 : memref<3584xi32, #tpu.memory_space<vmem>>)
          tpu.yield
        }) : () -> ()
      } else {
      }
      %dma_start3A = arith.constant 0 : i32
      %dma_start3A_44 = tpu.memref_slice %arg7[%dma_start3A] : memref<3584xi32, #tpu.memory_space<vmem>> -> memref<256xi32, #tpu.memory_space<vmem>>
      %dma_start3A_45 = arith.constant 0 : i32
      %dma_start3A_46 = arith.constant 0 : i32
      %dma_start3A_47 = tpu.memref_slice %arg2[%dma_start3A_45, %dma_start3A_46] : memref<50176x32xf32, #tpu.memory_space<hbm>> -> memref<50176x32xf32, #tpu.memory_space<hbm>>
      tpu.enqueue_indirect_dma source(%dma_start3A_47 : memref<50176x32xf32, #tpu.memory_space<hbm>>) target(%arg9 : memref<256x32xf32, #tpu.memory_space<vmem>>) offsets(%dma_start3A_44 : memref<256xi32, #tpu.memory_space<vmem>>) semaphore(%arg12 : memref<!tpu.dma_semaphore, #tpu.memory_space<semaphore_mem>>)
      %scan3A = arith.constant 0 : i32
      %scan3A_48 = arith.constant 7 : i32
      %scan3A_49 = arith.addi %scan3A, %scan3A_48 : i32
      %scan3A_50 = arith.constant 1 : i32
      scf.for %scan3A_52 = %scan3A to %scan3A_49 step %scan3A_50  : i32 {
        %mul3A_53 = arith.constant 2 : i32
        %mul3A_54 = arith.muli %scan3A_52, %mul3A_53 : i32
        %add3A_55 = arith.constant 0 : i32
        %add3A_56 = arith.addi %add3A_55, %mul3A_54 : i32
        %add3A_57 = arith.constant 1 : i32
        %add3A_58 = arith.addi %add3A_56, %add3A_57 : i32
        %mul3A_59 = arith.constant 256 : i32
        %mul3A_60 = arith.muli %add3A_58, %mul3A_59 : i32
        %dma_start3A_61 = tpu.memref_slice %arg7[%mul3A_60] : memref<3584xi32, #tpu.memory_space<vmem>> -> memref<256xi32, #tpu.memory_space<vmem>>
        %dma_start3A_62 = arith.constant 0 : i32
        %dma_start3A_63 = arith.constant 0 : i32
        %dma_start3A_64 = tpu.memref_slice %arg2[%dma_start3A_62, %dma_start3A_63] : memref<50176x32xf32, #tpu.memory_space<hbm>> -> memref<50176x32xf32, #tpu.memory_space<hbm>>
        tpu.enqueue_indirect_dma source(%dma_start3A_64 : memref<50176x32xf32, #tpu.memory_space<hbm>>) target(%arg10 : memref<256x32xf32, #tpu.memory_space<vmem>>) offsets(%dma_start3A_61 : memref<256xi32, #tpu.memory_space<vmem>>) semaphore(%arg13 : memref<!tpu.dma_semaphore, #tpu.memory_space<semaphore_mem>>)
        %mul3A_65 = arith.constant 256 : i32
        %mul3A_66 = arith.muli %add3A_56, %mul3A_65 : i32
        %dma_wait3A = tpu.memref_slice %arg7[%mul3A_66] : memref<3584xi32, #tpu.memory_space<vmem>> -> memref<256xi32, #tpu.memory_space<vmem>>
        %dma_wait3A_67 = arith.constant 0 : i32
        %dma_wait3A_68 = arith.constant 0 : i32
        %dma_wait3A_69 = tpu.memref_slice %arg2[%dma_wait3A_67, %dma_wait3A_68] : memref<50176x32xf32, #tpu.memory_space<hbm>> -> memref<50176x32xf32, #tpu.memory_space<hbm>>
        tpu.wait_indirect_dma semaphore(%arg12 : memref<!tpu.dma_semaphore, #tpu.memory_space<semaphore_mem>>) src(%dma_wait3A_69 : memref<50176x32xf32, #tpu.memory_space<hbm>>) dst(%arg9 : memref<256x32xf32, #tpu.memory_space<vmem>>)
        %mul3A_70 = arith.constant 256 : i32
        %mul3A_71 = arith.muli %add3A_56, %mul3A_70 : i32
        "tpu.region"() ({
          %run_scoped3A = tpu.sem_alloc : memref<!tpu.dma_semaphore, #tpu.memory_space<semaphore_mem>>
          %dma_start3A_91 = tpu.memref_slice %arg8[%mul3A_71] : memref<3584xi32, #tpu.memory_space<vmem>> -> memref<256xi32, #tpu.memory_space<vmem>>
          %dma_start3A_92 = arith.constant 0 : i32
          %dma_start3A_93 = arith.constant 0 : i32
          %dma_start3A_94 = tpu.memref_slice %arg11[%dma_start3A_92, %dma_start3A_93] : memref<50176x32xf32, #tpu.memory_space<vmem_shared>> -> memref<50176x32xf32, #tpu.memory_space<vmem_shared>>
          tpu.enqueue_indirect_dma source(%arg9 : memref<256x32xf32, #tpu.memory_space<vmem>>) target(%dma_start3A_94 : memref<50176x32xf32, #tpu.memory_space<vmem_shared>>) offsets(%dma_start3A_91 : memref<256xi32, #tpu.memory_space<vmem>>) semaphore(%run_scoped3A : memref<!tpu.dma_semaphore, #tpu.memory_space<semaphore_mem>>) {add = true}
          %dma_wait3A_95 = tpu.memref_slice %arg8[%mul3A_71] : memref<3584xi32, #tpu.memory_space<vmem>> -> memref<256xi32, #tpu.memory_space<vmem>>
          %dma_wait3A_96 = arith.constant 0 : i32
          %dma_wait3A_97 = arith.constant 0 : i32
          %dma_wait3A_98 = tpu.memref_slice %arg11[%dma_wait3A_96, %dma_wait3A_97] : memref<50176x32xf32, #tpu.memory_space<vmem_shared>> -> memref<50176x32xf32, #tpu.memory_space<vmem_shared>>
          tpu.wait_indirect_dma semaphore(%run_scoped3A : memref<!tpu.dma_semaphore, #tpu.memory_space<semaphore_mem>>) src(%arg9 : memref<256x32xf32, #tpu.memory_space<vmem>>) dst(%dma_wait3A_98 : memref<50176x32xf32, #tpu.memory_space<vmem_shared>>)
          tpu.yield
        }) : () -> ()
        %add3A_72 = arith.constant 2 : i32
        %add3A_73 = arith.addi %add3A_56, %add3A_72 : i32
        %lt3A_74 = arith.constant 14 : i32
        %lt3A_75 = arith.cmpi slt, %add3A_73, %lt3A_74 : i32
        %convert_element_type3A_76 = arith.extui %lt3A_75 : i1 to i32
        %cond3A_77 = arith.constant 0 : i32
        %cond3A_78 = arith.cmpi ne, %convert_element_type3A_76, %cond3A_77 : i32
        scf.if %cond3A_78 {
          %add3A_91 = arith.constant 2 : i32
          %add3A_92 = arith.addi %add3A_56, %add3A_91 : i32
          %mul3A_93 = arith.constant 256 : i32
          %mul3A_94 = arith.muli %add3A_92, %mul3A_93 : i32
          %dma_start3A_95 = tpu.memref_slice %arg7[%mul3A_94] : memref<3584xi32, #tpu.memory_space<vmem>> -> memref<256xi32, #tpu.memory_space<vmem>>
          %dma_start3A_96 = arith.constant 0 : i32
          %dma_start3A_97 = arith.constant 0 : i32
          %dma_start3A_98 = tpu.memref_slice %arg2[%dma_start3A_96, %dma_start3A_97] : memref<50176x32xf32, #tpu.memory_space<hbm>> -> memref<50176x32xf32, #tpu.memory_space<hbm>>
          tpu.enqueue_indirect_dma source(%dma_start3A_98 : memref<50176x32xf32, #tpu.memory_space<hbm>>) target(%arg9 : memref<256x32xf32, #tpu.memory_space<vmem>>) offsets(%dma_start3A_95 : memref<256xi32, #tpu.memory_space<vmem>>) semaphore(%arg12 : memref<!tpu.dma_semaphore, #tpu.memory_space<semaphore_mem>>)
        } else {
        }
        %add3A_79 = arith.constant 1 : i32
        %add3A_80 = arith.addi %add3A_56, %add3A_79 : i32
        %mul3A_81 = arith.constant 256 : i32
        %mul3A_82 = arith.muli %add3A_80, %mul3A_81 : i32
        %dma_wait3A_83 = tpu.memref_slice %arg7[%mul3A_82] : memref<3584xi32, #tpu.memory_space<vmem>> -> memref<256xi32, #tpu.memory_space<vmem>>
        %dma_wait3A_84 = arith.constant 0 : i32
        %dma_wait3A_85 = arith.constant 0 : i32
        %dma_wait3A_86 = tpu.memref_slice %arg2[%dma_wait3A_84, %dma_wait3A_85] : memref<50176x32xf32, #tpu.memory_space<hbm>> -> memref<50176x32xf32, #tpu.memory_space<hbm>>
        tpu.wait_indirect_dma semaphore(%arg13 : memref<!tpu.dma_semaphore, #tpu.memory_space<semaphore_mem>>) src(%dma_wait3A_86 : memref<50176x32xf32, #tpu.memory_space<hbm>>) dst(%arg10 : memref<256x32xf32, #tpu.memory_space<vmem>>)
        %add3A_87 = arith.constant 1 : i32
        %add3A_88 = arith.addi %add3A_56, %add3A_87 : i32
        %mul3A_89 = arith.constant 256 : i32
        %mul3A_90 = arith.muli %add3A_88, %mul3A_89 : i32
        "tpu.region"() ({
          %run_scoped3A = tpu.sem_alloc : memref<!tpu.dma_semaphore, #tpu.memory_space<semaphore_mem>>
          %dma_start3A_91 = tpu.memref_slice %arg8[%mul3A_90] : memref<3584xi32, #tpu.memory_space<vmem>> -> memref<256xi32, #tpu.memory_space<vmem>>
          %dma_start3A_92 = arith.constant 0 : i32
          %dma_start3A_93 = arith.constant 0 : i32
          %dma_start3A_94 = tpu.memref_slice %arg11[%dma_start3A_92, %dma_start3A_93] : memref<50176x32xf32, #tpu.memory_space<vmem_shared>> -> memref<50176x32xf32, #tpu.memory_space<vmem_shared>>
          tpu.enqueue_indirect_dma source(%arg10 : memref<256x32xf32, #tpu.memory_space<vmem>>) target(%dma_start3A_94 : memref<50176x32xf32, #tpu.memory_space<vmem_shared>>) offsets(%dma_start3A_91 : memref<256xi32, #tpu.memory_space<vmem>>) semaphore(%run_scoped3A : memref<!tpu.dma_semaphore, #tpu.memory_space<semaphore_mem>>) {add = true}
          %dma_wait3A_95 = tpu.memref_slice %arg8[%mul3A_90] : memref<3584xi32, #tpu.memory_space<vmem>> -> memref<256xi32, #tpu.memory_space<vmem>>
          %dma_wait3A_96 = arith.constant 0 : i32
          %dma_wait3A_97 = arith.constant 0 : i32
          %dma_wait3A_98 = tpu.memref_slice %arg11[%dma_wait3A_96, %dma_wait3A_97] : memref<50176x32xf32, #tpu.memory_space<vmem_shared>> -> memref<50176x32xf32, #tpu.memory_space<vmem_shared>>
          tpu.wait_indirect_dma semaphore(%run_scoped3A : memref<!tpu.dma_semaphore, #tpu.memory_space<semaphore_mem>>) src(%arg10 : memref<256x32xf32, #tpu.memory_space<vmem>>) dst(%dma_wait3A_98 : memref<50176x32xf32, #tpu.memory_space<vmem_shared>>)
          tpu.yield
        }) : () -> ()
      }
      %scan3A_51 = arith.constant 7 : i32
    }
    %while3A_21 = arith.constant 1 : i32
    scf.for %while3A_27 = %while3A_19 to %while3A_15 step %while3A_21  : i32 {
      %mul3A_28 = arith.muli %while3A_27, %while3A : i32
      %add3A_29 = arith.addi %while3A_12, %mul3A_28 : i32
      %mul3A_30 = arith.constant 50176 : i32
      %mul3A_31 = arith.muli %arg1, %mul3A_30 : i32
      %mul3A_32 = arith.constant 28672 : i32
      %mul3A_33 = arith.muli %arg0, %mul3A_32 : i32
      %add3A_34 = arith.addi %mul3A_31, %mul3A_33 : i32
      %mul3A_35 = arith.constant 3584 : i32
      %mul3A_36 = arith.muli %add3A_29, %mul3A_35 : i32
      %add3A_37 = arith.addi %add3A_34, %mul3A_36 : i32
      %lt3A = arith.constant 799232 : i32
      %lt3A_38 = arith.cmpi slt, %add3A_37, %lt3A : i32
      %convert_element_type3A = arith.extui %lt3A_38 : i1 to i32
      %cond3A = arith.constant 0 : i32
      %cond3A_39 = arith.cmpi ne, %convert_element_type3A, %cond3A : i32
      scf.if %cond3A_39 {
        %run_scoped3A = arith.constant 0 : i32
        "tpu.region"() ({
          %run_scoped3A_53 = tpu.sem_alloc : memref<!tpu.dma_semaphore, #tpu.memory_space<semaphore_mem>>
          %dma_start3A_54 = tpu.memref_slice %arg3[%run_scoped3A, %add3A_37] : memref<2x800000xi32, #tpu.memory_space<hbm>> -> memref<1x3584xi32, #tpu.memory_space<hbm>>
          %dma_start3A_55 = tpu.memref_squeeze %dma_start3A_54 : memref<1x3584xi32, #tpu.memory_space<hbm>> -> memref<3584xi32, #tpu.memory_space<hbm>>
          %dma_start3A_56 = tpu.memref_slice %arg3[%run_scoped3A, %add3A_37] : memref<2x800000xi32, #tpu.memory_space<hbm>> -> memref<1x3584xi32, #tpu.memory_space<hbm>>
          %dma_start3A_57 = tpu.memref_squeeze %dma_start3A_56 : memref<1x3584xi32, #tpu.memory_space<hbm>> -> memref<3584xi32, #tpu.memory_space<hbm>>
          tpu.enqueue_dma source(%dma_start3A_57 : memref<3584xi32, #tpu.memory_space<hbm>>) target(%arg7 : memref<3584xi32, #tpu.memory_space<vmem>>) target_semaphore(%run_scoped3A_53 : memref<!tpu.dma_semaphore, #tpu.memory_space<semaphore_mem>>)
          %dma_wait3A = tpu.memref_slice %arg3[%run_scoped3A, %add3A_37] : memref<2x800000xi32, #tpu.memory_space<hbm>> -> memref<1x3584xi32, #tpu.memory_space<hbm>>
          %dma_wait3A_58 = tpu.memref_squeeze %dma_wait3A : memref<1x3584xi32, #tpu.memory_space<hbm>> -> memref<3584xi32, #tpu.memory_space<hbm>>
          %dma_wait3A_59 = tpu.memref_slice %arg3[%run_scoped3A, %add3A_37] : memref<2x800000xi32, #tpu.memory_space<hbm>> -> memref<1x3584xi32, #tpu.memory_space<hbm>>
          %dma_wait3A_60 = tpu.memref_squeeze %dma_wait3A_59 : memref<1x3584xi32, #tpu.memory_space<hbm>> -> memref<3584xi32, #tpu.memory_space<hbm>>
          tpu.wait_dma2 semaphore(%run_scoped3A_53 : memref<!tpu.dma_semaphore, #tpu.memory_space<semaphore_mem>>) src(%dma_wait3A_60 : memref<3584xi32, #tpu.memory_space<hbm>>) dst(%arg7 : memref<3584xi32, #tpu.memory_space<vmem>>)
          tpu.yield
        }) : () -> ()
        %run_scoped3A_52 = arith.constant 1 : i32
        "tpu.region"() ({
          %run_scoped3A_53 = tpu.sem_alloc : memref<!tpu.dma_semaphore, #tpu.memory_space<semaphore_mem>>
          %dma_start3A_54 = tpu.memref_slice %arg3[%run_scoped3A_52, %add3A_37] : memref<2x800000xi32, #tpu.memory_space<hbm>> -> memref<1x3584xi32, #tpu.memory_space<hbm>>
          %dma_start3A_55 = tpu.memref_squeeze %dma_start3A_54 : memref<1x3584xi32, #tpu.memory_space<hbm>> -> memref<3584xi32, #tpu.memory_space<hbm>>
          %dma_start3A_56 = tpu.memref_slice %arg3[%run_scoped3A_52, %add3A_37] : memref<2x800000xi32, #tpu.memory_space<hbm>> -> memref<1x3584xi32, #tpu.memory_space<hbm>>
          %dma_start3A_57 = tpu.memref_squeeze %dma_start3A_56 : memref<1x3584xi32, #tpu.memory_space<hbm>> -> memref<3584xi32, #tpu.memory_space<hbm>>
          tpu.enqueue_dma source(%dma_start3A_57 : memref<3584xi32, #tpu.memory_space<hbm>>) target(%arg8 : memref<3584xi32, #tpu.memory_space<vmem>>) target_semaphore(%run_scoped3A_53 : memref<!tpu.dma_semaphore, #tpu.memory_space<semaphore_mem>>)
          %dma_wait3A = tpu.memref_slice %arg3[%run_scoped3A_52, %add3A_37] : memref<2x800000xi32, #tpu.memory_space<hbm>> -> memref<1x3584xi32, #tpu.memory_space<hbm>>
          %dma_wait3A_58 = tpu.memref_squeeze %dma_wait3A : memref<1x3584xi32, #tpu.memory_space<hbm>> -> memref<3584xi32, #tpu.memory_space<hbm>>
          %dma_wait3A_59 = tpu.memref_slice %arg3[%run_scoped3A_52, %add3A_37] : memref<2x800000xi32, #tpu.memory_space<hbm>> -> memref<1x3584xi32, #tpu.memory_space<hbm>>
          %dma_wait3A_60 = tpu.memref_squeeze %dma_wait3A_59 : memref<1x3584xi32, #tpu.memory_space<hbm>> -> memref<3584xi32, #tpu.memory_space<hbm>>
          tpu.wait_dma2 semaphore(%run_scoped3A_53 : memref<!tpu.dma_semaphore, #tpu.memory_space<semaphore_mem>>) src(%dma_wait3A_60 : memref<3584xi32, #tpu.memory_space<hbm>>) dst(%arg8 : memref<3584xi32, #tpu.memory_space<vmem>>)
          tpu.yield
        }) : () -> ()
      } else {
      }
      %ge3A = arith.constant 799232 : i32
      %ge3A_40 = arith.cmpi sge, %add3A_37, %ge3A : i32
      %convert_element_type3A_41 = arith.extui %ge3A_40 : i1 to i32
      %cond3A_42 = arith.constant 0 : i32
      %cond3A_43 = arith.cmpi ne, %convert_element_type3A_41, %cond3A_42 : i32
      scf.if %cond3A_43 {
        %run_scoped3A = arith.constant 0 : i32
        "tpu.region"() ({
          %run_scoped3A_53 = tpu.sem_alloc : memref<!tpu.dma_semaphore, #tpu.memory_space<semaphore_mem>>
          %dma_start3A_54 = arith.constant 0 : i32
          %dma_start3A_55 = tpu.memref_slice %arg4[%run_scoped3A, %dma_start3A_54] : memref<2x3584xi32, #tpu.memory_space<hbm>> -> memref<1x3584xi32, #tpu.memory_space<hbm>>
          %dma_start3A_56 = tpu.memref_squeeze %dma_start3A_55 : memref<1x3584xi32, #tpu.memory_space<hbm>> -> memref<3584xi32, #tpu.memory_space<hbm>>
          %dma_start3A_57 = arith.constant 0 : i32
          %dma_start3A_58 = tpu.memref_slice %arg4[%run_scoped3A, %dma_start3A_57] : memref<2x3584xi32, #tpu.memory_space<hbm>> -> memref<1x3584xi32, #tpu.memory_space<hbm>>
          %dma_start3A_59 = tpu.memref_squeeze %dma_start3A_58 : memref<1x3584xi32, #tpu.memory_space<hbm>> -> memref<3584xi32, #tpu.memory_space<hbm>>
          tpu.enqueue_dma source(%dma_start3A_59 : memref<3584xi32, #tpu.memory_space<hbm>>) target(%arg7 : memref<3584xi32, #tpu.memory_space<vmem>>) target_semaphore(%run_scoped3A_53 : memref<!tpu.dma_semaphore, #tpu.memory_space<semaphore_mem>>)
          %dma_wait3A = arith.constant 0 : i32
          %dma_wait3A_60 = tpu.memref_slice %arg4[%run_scoped3A, %dma_wait3A] : memref<2x3584xi32, #tpu.memory_space<hbm>> -> memref<1x3584xi32, #tpu.memory_space<hbm>>
          %dma_wait3A_61 = tpu.memref_squeeze %dma_wait3A_60 : memref<1x3584xi32, #tpu.memory_space<hbm>> -> memref<3584xi32, #tpu.memory_space<hbm>>
          %dma_wait3A_62 = arith.constant 0 : i32
          %dma_wait3A_63 = tpu.memref_slice %arg4[%run_scoped3A, %dma_wait3A_62] : memref<2x3584xi32, #tpu.memory_space<hbm>> -> memref<1x3584xi32, #tpu.memory_space<hbm>>
          %dma_wait3A_64 = tpu.memref_squeeze %dma_wait3A_63 : memref<1x3584xi32, #tpu.memory_space<hbm>> -> memref<3584xi32, #tpu.memory_space<hbm>>
          tpu.wait_dma2 semaphore(%run_scoped3A_53 : memref<!tpu.dma_semaphore, #tpu.memory_space<semaphore_mem>>) src(%dma_wait3A_64 : memref<3584xi32, #tpu.memory_space<hbm>>) dst(%arg7 : memref<3584xi32, #tpu.memory_space<vmem>>)
          tpu.yield
        }) : () -> ()
        %run_scoped3A_52 = arith.constant 1 : i32
        "tpu.region"() ({
          %run_scoped3A_53 = tpu.sem_alloc : memref<!tpu.dma_semaphore, #tpu.memory_space<semaphore_mem>>
          %dma_start3A_54 = arith.constant 0 : i32
          %dma_start3A_55 = tpu.memref_slice %arg4[%run_scoped3A_52, %dma_start3A_54] : memref<2x3584xi32, #tpu.memory_space<hbm>> -> memref<1x3584xi32, #tpu.memory_space<hbm>>
          %dma_start3A_56 = tpu.memref_squeeze %dma_start3A_55 : memref<1x3584xi32, #tpu.memory_space<hbm>> -> memref<3584xi32, #tpu.memory_space<hbm>>
          %dma_start3A_57 = arith.constant 0 : i32
          %dma_start3A_58 = tpu.memref_slice %arg4[%run_scoped3A_52, %dma_start3A_57] : memref<2x3584xi32, #tpu.memory_space<hbm>> -> memref<1x3584xi32, #tpu.memory_space<hbm>>
          %dma_start3A_59 = tpu.memref_squeeze %dma_start3A_58 : memref<1x3584xi32, #tpu.memory_space<hbm>> -> memref<3584xi32, #tpu.memory_space<hbm>>
          tpu.enqueue_dma source(%dma_start3A_59 : memref<3584xi32, #tpu.memory_space<hbm>>) target(%arg8 : memref<3584xi32, #tpu.memory_space<vmem>>) target_semaphore(%run_scoped3A_53 : memref<!tpu.dma_semaphore, #tpu.memory_space<semaphore_mem>>)
          %dma_wait3A = arith.constant 0 : i32
          %dma_wait3A_60 = tpu.memref_slice %arg4[%run_scoped3A_52, %dma_wait3A] : memref<2x3584xi32, #tpu.memory_space<hbm>> -> memref<1x3584xi32, #tpu.memory_space<hbm>>
          %dma_wait3A_61 = tpu.memref_squeeze %dma_wait3A_60 : memref<1x3584xi32, #tpu.memory_space<hbm>> -> memref<3584xi32, #tpu.memory_space<hbm>>
          %dma_wait3A_62 = arith.constant 0 : i32
          %dma_wait3A_63 = tpu.memref_slice %arg4[%run_scoped3A_52, %dma_wait3A_62] : memref<2x3584xi32, #tpu.memory_space<hbm>> -> memref<1x3584xi32, #tpu.memory_space<hbm>>
          %dma_wait3A_64 = tpu.memref_squeeze %dma_wait3A_63 : memref<1x3584xi32, #tpu.memory_space<hbm>> -> memref<3584xi32, #tpu.memory_space<hbm>>
          tpu.wait_dma2 semaphore(%run_scoped3A_53 : memref<!tpu.dma_semaphore, #tpu.memory_space<semaphore_mem>>) src(%dma_wait3A_64 : memref<3584xi32, #tpu.memory_space<hbm>>) dst(%arg8 : memref<3584xi32, #tpu.memory_space<vmem>>)
          tpu.yield
        }) : () -> ()
      } else {
      }
      %dma_start3A = arith.constant 0 : i32
      %dma_start3A_44 = tpu.memref_slice %arg7[%dma_start3A] : memref<3584xi32, #tpu.memory_space<vmem>> -> memref<256xi32, #tpu.memory_space<vmem>>
      %dma_start3A_45 = arith.constant 0 : i32
      %dma_start3A_46 = arith.constant 0 : i32
      %dma_start3A_47 = tpu.memref_slice %arg2[%dma_start3A_45, %dma_start3A_46] : memref<50176x32xf32, #tpu.memory_space<hbm>> -> memref<50176x32xf32, #tpu.memory_space<hbm>>
      tpu.enqueue_indirect_dma source(%dma_start3A_47 : memref<50176x32xf32, #tpu.memory_space<hbm>>) target(%arg9 : memref<256x32xf32, #tpu.memory_space<vmem>>) offsets(%dma_start3A_44 : memref<256xi32, #tpu.memory_space<vmem>>) semaphore(%arg12 : memref<!tpu.dma_semaphore, #tpu.memory_space<semaphore_mem>>)
      %scan3A = arith.constant 0 : i32
      %scan3A_48 = arith.constant 7 : i32
      %scan3A_49 = arith.addi %scan3A, %scan3A_48 : i32
      %scan3A_50 = arith.constant 1 : i32
      scf.for %scan3A_52 = %scan3A to %scan3A_49 step %scan3A_50  : i32 {
        %mul3A_53 = arith.constant 2 : i32
        %mul3A_54 = arith.muli %scan3A_52, %mul3A_53 : i32
        %add3A_55 = arith.constant 0 : i32
        %add3A_56 = arith.addi %add3A_55, %mul3A_54 : i32
        %add3A_57 = arith.constant 1 : i32
        %add3A_58 = arith.addi %add3A_56, %add3A_57 : i32
        %mul3A_59 = arith.constant 256 : i32
        %mul3A_60 = arith.muli %add3A_58, %mul3A_59 : i32
        %dma_start3A_61 = tpu.memref_slice %arg7[%mul3A_60] : memref<3584xi32, #tpu.memory_space<vmem>> -> memref<256xi32, #tpu.memory_space<vmem>>
        %dma_start3A_62 = arith.constant 0 : i32
        %dma_start3A_63 = arith.constant 0 : i32
        %dma_start3A_64 = tpu.memref_slice %arg2[%dma_start3A_62, %dma_start3A_63] : memref<50176x32xf32, #tpu.memory_space<hbm>> -> memref<50176x32xf32, #tpu.memory_space<hbm>>
        tpu.enqueue_indirect_dma source(%dma_start3A_64 : memref<50176x32xf32, #tpu.memory_space<hbm>>) target(%arg10 : memref<256x32xf32, #tpu.memory_space<vmem>>) offsets(%dma_start3A_61 : memref<256xi32, #tpu.memory_space<vmem>>) semaphore(%arg13 : memref<!tpu.dma_semaphore, #tpu.memory_space<semaphore_mem>>)
        %mul3A_65 = arith.constant 256 : i32
        %mul3A_66 = arith.muli %add3A_56, %mul3A_65 : i32
        %dma_wait3A = tpu.memref_slice %arg7[%mul3A_66] : memref<3584xi32, #tpu.memory_space<vmem>> -> memref<256xi32, #tpu.memory_space<vmem>>
        %dma_wait3A_67 = arith.constant 0 : i32
        %dma_wait3A_68 = arith.constant 0 : i32
        %dma_wait3A_69 = tpu.memref_slice %arg2[%dma_wait3A_67, %dma_wait3A_68] : memref<50176x32xf32, #tpu.memory_space<hbm>> -> memref<50176x32xf32, #tpu.memory_space<hbm>>
        tpu.wait_indirect_dma semaphore(%arg12 : memref<!tpu.dma_semaphore, #tpu.memory_space<semaphore_mem>>) src(%dma_wait3A_69 : memref<50176x32xf32, #tpu.memory_space<hbm>>) dst(%arg9 : memref<256x32xf32, #tpu.memory_space<vmem>>)
        %mul3A_70 = arith.constant 256 : i32
        %mul3A_71 = arith.muli %add3A_56, %mul3A_70 : i32
        "tpu.region"() ({
          %run_scoped3A = tpu.sem_alloc : memref<!tpu.dma_semaphore, #tpu.memory_space<semaphore_mem>>
          %dma_start3A_91 = tpu.memref_slice %arg8[%mul3A_71] : memref<3584xi32, #tpu.memory_space<vmem>> -> memref<256xi32, #tpu.memory_space<vmem>>
          %dma_start3A_92 = arith.constant 0 : i32
          %dma_start3A_93 = arith.constant 0 : i32
          %dma_start3A_94 = tpu.memref_slice %arg11[%dma_start3A_92, %dma_start3A_93] : memref<50176x32xf32, #tpu.memory_space<vmem_shared>> -> memref<50176x32xf32, #tpu.memory_space<vmem_shared>>
          tpu.enqueue_indirect_dma source(%arg9 : memref<256x32xf32, #tpu.memory_space<vmem>>) target(%dma_start3A_94 : memref<50176x32xf32, #tpu.memory_space<vmem_shared>>) offsets(%dma_start3A_91 : memref<256xi32, #tpu.memory_space<vmem>>) semaphore(%run_scoped3A : memref<!tpu.dma_semaphore, #tpu.memory_space<semaphore_mem>>) {add = true}
          %dma_wait3A_95 = tpu.memref_slice %arg8[%mul3A_71] : memref<3584xi32, #tpu.memory_space<vmem>> -> memref<256xi32, #tpu.memory_space<vmem>>
          %dma_wait3A_96 = arith.constant 0 : i32
          %dma_wait3A_97 = arith.constant 0 : i32
          %dma_wait3A_98 = tpu.memref_slice %arg11[%dma_wait3A_96, %dma_wait3A_97] : memref<50176x32xf32, #tpu.memory_space<vmem_shared>> -> memref<50176x32xf32, #tpu.memory_space<vmem_shared>>
          tpu.wait_indirect_dma semaphore(%run_scoped3A : memref<!tpu.dma_semaphore, #tpu.memory_space<semaphore_mem>>) src(%arg9 : memref<256x32xf32, #tpu.memory_space<vmem>>) dst(%dma_wait3A_98 : memref<50176x32xf32, #tpu.memory_space<vmem_shared>>)
          tpu.yield
        }) : () -> ()
        %add3A_72 = arith.constant 2 : i32
        %add3A_73 = arith.addi %add3A_56, %add3A_72 : i32
        %lt3A_74 = arith.constant 14 : i32
        %lt3A_75 = arith.cmpi slt, %add3A_73, %lt3A_74 : i32
        %convert_element_type3A_76 = arith.extui %lt3A_75 : i1 to i32
        %cond3A_77 = arith.constant 0 : i32
        %cond3A_78 = arith.cmpi ne, %convert_element_type3A_76, %cond3A_77 : i32
        scf.if %cond3A_78 {
          %add3A_91 = arith.constant 2 : i32
          %add3A_92 = arith.addi %add3A_56, %add3A_91 : i32
          %mul3A_93 = arith.constant 256 : i32
          %mul3A_94 = arith.muli %add3A_92, %mul3A_93 : i32
          %dma_start3A_95 = tpu.memref_slice %arg7[%mul3A_94] : memref<3584xi32, #tpu.memory_space<vmem>> -> memref<256xi32, #tpu.memory_space<vmem>>
          %dma_start3A_96 = arith.constant 0 : i32
          %dma_start3A_97 = arith.constant 0 : i32
          %dma_start3A_98 = tpu.memref_slice %arg2[%dma_start3A_96, %dma_start3A_97] : memref<50176x32xf32, #tpu.memory_space<hbm>> -> memref<50176x32xf32, #tpu.memory_space<hbm>>
          tpu.enqueue_indirect_dma source(%dma_start3A_98 : memref<50176x32xf32, #tpu.memory_space<hbm>>) target(%arg9 : memref<256x32xf32, #tpu.memory_space<vmem>>) offsets(%dma_start3A_95 : memref<256xi32, #tpu.memory_space<vmem>>) semaphore(%arg12 : memref<!tpu.dma_semaphore, #tpu.memory_space<semaphore_mem>>)
        } else {
        }
        %add3A_79 = arith.constant 1 : i32
        %add3A_80 = arith.addi %add3A_56, %add3A_79 : i32
        %mul3A_81 = arith.constant 256 : i32
        %mul3A_82 = arith.muli %add3A_80, %mul3A_81 : i32
        %dma_wait3A_83 = tpu.memref_slice %arg7[%mul3A_82] : memref<3584xi32, #tpu.memory_space<vmem>> -> memref<256xi32, #tpu.memory_space<vmem>>
        %dma_wait3A_84 = arith.constant 0 : i32
        %dma_wait3A_85 = arith.constant 0 : i32
        %dma_wait3A_86 = tpu.memref_slice %arg2[%dma_wait3A_84, %dma_wait3A_85] : memref<50176x32xf32, #tpu.memory_space<hbm>> -> memref<50176x32xf32, #tpu.memory_space<hbm>>
        tpu.wait_indirect_dma semaphore(%arg13 : memref<!tpu.dma_semaphore, #tpu.memory_space<semaphore_mem>>) src(%dma_wait3A_86 : memref<50176x32xf32, #tpu.memory_space<hbm>>) dst(%arg10 : memref<256x32xf32, #tpu.memory_space<vmem>>)
        %add3A_87 = arith.constant 1 : i32
        %add3A_88 = arith.addi %add3A_56, %add3A_87 : i32
        %mul3A_89 = arith.constant 256 : i32
        %mul3A_90 = arith.muli %add3A_88, %mul3A_89 : i32
        "tpu.region"() ({
          %run_scoped3A = tpu.sem_alloc : memref<!tpu.dma_semaphore, #tpu.memory_space<semaphore_mem>>
          %dma_start3A_91 = tpu.memref_slice %arg8[%mul3A_90] : memref<3584xi32, #tpu.memory_space<vmem>> -> memref<256xi32, #tpu.memory_space<vmem>>
          %dma_start3A_92 = arith.constant 0 : i32
          %dma_start3A_93 = arith.constant 0 : i32
          %dma_start3A_94 = tpu.memref_slice %arg11[%dma_start3A_92, %dma_start3A_93] : memref<50176x32xf32, #tpu.memory_space<vmem_shared>> -> memref<50176x32xf32, #tpu.memory_space<vmem_shared>>
          tpu.enqueue_indirect_dma source(%arg10 : memref<256x32xf32, #tpu.memory_space<vmem>>) target(%dma_start3A_94 : memref<50176x32xf32, #tpu.memory_space<vmem_shared>>) offsets(%dma_start3A_91 : memref<256xi32, #tpu.memory_space<vmem>>) semaphore(%run_scoped3A : memref<!tpu.dma_semaphore, #tpu.memory_space<semaphore_mem>>) {add = true}
          %dma_wait3A_95 = tpu.memref_slice %arg8[%mul3A_90] : memref<3584xi32, #tpu.memory_space<vmem>> -> memref<256xi32, #tpu.memory_space<vmem>>
          %dma_wait3A_96 = arith.constant 0 : i32
          %dma_wait3A_97 = arith.constant 0 : i32
          %dma_wait3A_98 = tpu.memref_slice %arg11[%dma_wait3A_96, %dma_wait3A_97] : memref<50176x32xf32, #tpu.memory_space<vmem_shared>> -> memref<50176x32xf32, #tpu.memory_space<vmem_shared>>
          tpu.wait_indirect_dma semaphore(%run_scoped3A : memref<!tpu.dma_semaphore, #tpu.memory_space<semaphore_mem>>) src(%arg10 : memref<256x32xf32, #tpu.memory_space<vmem>>) dst(%dma_wait3A_98 : memref<50176x32xf32, #tpu.memory_space<vmem_shared>>)
          tpu.yield
        }) : () -> ()
      }
      %scan3A_51 = arith.constant 7 : i32
    }
    %barrier3A_22 = arith.constant 0 : index
    tpu.barrier barrier_id(%barrier3A_22)
    %mul3A_23 = arith.constant 3136 : i32
    %mul3A_24 = arith.muli %arg1, %mul3A_23 : i32
    %mul3A_25 = arith.constant 3136 : i32
    %mul3A_26 = arith.muli %arg1, %mul3A_25 : i32
    "tpu.region"() ({
      %run_scoped3A = tpu.sem_alloc : memref<!tpu.dma_semaphore, #tpu.memory_space<semaphore_mem>>
      %dma_start3A = arith.constant 0 : i32
      %dma_start3A_27 = tpu.memref_slice %arg6[%arg0, %mul3A_26, %dma_start3A] : memref<2x50176x32xf32, #tpu.memory_space<hbm>> -> memref<1x3136x32xf32, #tpu.memory_space<hbm>>
      %dma_start3A_28 = tpu.memref_squeeze %dma_start3A_27 : memref<1x3136x32xf32, #tpu.memory_space<hbm>> -> memref<3136x32xf32, #tpu.memory_space<hbm>>
      %dma_start3A_29 = arith.constant 0 : i32
      %dma_start3A_30 = tpu.memref_slice %arg11[%mul3A_24, %dma_start3A_29] : memref<50176x32xf32, #tpu.memory_space<vmem_shared>> -> memref<3136x32xf32, #tpu.memory_space<vmem_shared>>
      tpu.enqueue_dma source(%dma_start3A_30 : memref<3136x32xf32, #tpu.memory_space<vmem_shared>>) target(%dma_start3A_28 : memref<3136x32xf32, #tpu.memory_space<hbm>>) target_semaphore(%run_scoped3A : memref<!tpu.dma_semaphore, #tpu.memory_space<semaphore_mem>>)
      %dma_wait3A = arith.constant 0 : i32
      %dma_wait3A_31 = tpu.memref_slice %arg6[%arg0, %mul3A_26, %dma_wait3A] : memref<2x50176x32xf32, #tpu.memory_space<hbm>> -> memref<1x3136x32xf32, #tpu.memory_space<hbm>>
      %dma_wait3A_32 = tpu.memref_squeeze %dma_wait3A_31 : memref<1x3136x32xf32, #tpu.memory_space<hbm>> -> memref<3136x32xf32, #tpu.memory_space<hbm>>
      %dma_wait3A_33 = arith.constant 0 : i32
      %dma_wait3A_34 = tpu.memref_slice %arg11[%mul3A_24, %dma_wait3A_33] : memref<50176x32xf32, #tpu.memory_space<vmem_shared>> -> memref<3136x32xf32, #tpu.memory_space<vmem_shared>>
      tpu.wait_dma2 semaphore(%run_scoped3A : memref<!tpu.dma_semaphore, #tpu.memory_space<semaphore_mem>>) src(%dma_wait3A_34 : memref<3136x32xf32, #tpu.memory_space<vmem_shared>>) dst(%dma_wait3A_32 : memref<3136x32xf32, #tpu.memory_space<hbm>>)
      tpu.yield
    }) : () -> ()
    return
  }
}

#map = affine_map<(d0, d1) -> (0, 0)>
#map1 = affine_map<(d0, d1) -> (0, 0, 0)>
module attributes {stable_mosaic.version = 14 : i64} {
  func.func @_sc_prop_body(%arg0: i32, %arg1: i32, %arg2: memref<50176x32xf32, #tpu.memory_space<hbm>>, %arg3: memref<2x800000xi32, #tpu.memory_space<hbm>>, %arg4: memref<2x3584xi32, #tpu.memory_space<hbm>>, %arg5: memref<50176x32xf32, #tpu.memory_space<hbm>>, %arg6: memref<2x50176x32xf32, #tpu.memory_space<hbm>>, %arg7: memref<3584xi32, #tpu.memory_space<vmem>>, %arg8: memref<3584xi32, #tpu.memory_space<vmem>>, %arg9: memref<256x32xf32, #tpu.memory_space<vmem>>, %arg10: memref<256x32xf32, #tpu.memory_space<vmem>>, %arg11: memref<50176x32xf32, #tpu.memory_space<vmem_shared>>, %arg12: memref<!tpu.dma_semaphore, #tpu.memory_space<semaphore_mem>>, %arg13: memref<!tpu.dma_semaphore, #tpu.memory_space<semaphore_mem>>) attributes {dimension_semantics = [#tpu.dimension_semantics<core_parallel>, #tpu.dimension_semantics<subcore_parallel>], iteration_bounds = array<i64: 2, 16>, scalar_prefetch = 0 : i64, scratch_operands = 7 : i64, tpu.core_type = #tpu.core_type<sc_vector_subcore>, window_params = [{transform_indices = #map}, {transform_indices = #map}, {transform_indices = #map}, {transform_indices = #map}, {transform_indices = #map1}]} {
    %mul3A = arith.constant 3136 : i32
    %mul3A_0 = arith.muli %arg1, %mul3A : i32
    %mul3A_1 = arith.constant 3136 : i32
    %mul3A_2 = arith.muli %arg1, %mul3A_1 : i32
    "tpu.region"() ({
      %run_scoped3A = tpu.sem_alloc : memref<!tpu.dma_semaphore, #tpu.memory_space<semaphore_mem>>
      %dma_start3A = arith.constant 0 : i32
      %dma_start3A_27 = tpu.memref_slice %arg11[%mul3A_2, %dma_start3A] : memref<50176x32xf32, #tpu.memory_space<vmem_shared>> -> memref<3136x32xf32, #tpu.memory_space<vmem_shared>>
      %dma_start3A_28 = arith.constant 0 : i32
      %dma_start3A_29 = tpu.memref_slice %arg5[%mul3A_0, %dma_start3A_28] : memref<50176x32xf32, #tpu.memory_space<hbm>> -> memref<3136x32xf32, #tpu.memory_space<hbm>>
      tpu.enqueue_dma source(%dma_start3A_29 : memref<3136x32xf32, #tpu.memory_space<hbm>>) target(%dma_start3A_27 : memref<3136x32xf32, #tpu.memory_space<vmem_shared>>) target_semaphore(%run_scoped3A : memref<!tpu.dma_semaphore, #tpu.memory_space<semaphore_mem>>)
      %dma_wait3A = arith.constant 0 : i32
      %dma_wait3A_30 = tpu.memref_slice %arg11[%mul3A_2, %dma_wait3A] : memref<50176x32xf32, #tpu.memory_space<vmem_shared>> -> memref<3136x32xf32, #tpu.memory_space<vmem_shared>>
      %dma_wait3A_31 = arith.constant 0 : i32
      %dma_wait3A_32 = tpu.memref_slice %arg5[%mul3A_0, %dma_wait3A_31] : memref<50176x32xf32, #tpu.memory_space<hbm>> -> memref<3136x32xf32, #tpu.memory_space<hbm>>
      tpu.wait_dma2 semaphore(%run_scoped3A : memref<!tpu.dma_semaphore, #tpu.memory_space<semaphore_mem>>) src(%dma_wait3A_32 : memref<3136x32xf32, #tpu.memory_space<hbm>>) dst(%dma_wait3A_30 : memref<3136x32xf32, #tpu.memory_space<vmem_shared>>)
      tpu.yield
    }) : () -> ()
    %barrier3A = arith.constant 0 : index
    tpu.barrier barrier_id(%barrier3A)
    %mul3A_3 = arith.constant 2 : i32
    %mul3A_4 = arith.muli %mul3A_3, %arg0 : i32
    %sub3A = arith.constant 8 : i32
    %sub3A_5 = arith.subi %sub3A, %mul3A_4 : i32
    %sub3A_6 = arith.constant 0 : i32
    %sub3A_7 = arith.subi %sub3A_5, %sub3A_6 : i32
    %sub3A_8 = arith.constant 1 : i32
    %sub3A_9 = arith.constant 1 : i32
    %sub3A_10 = arith.subi %sub3A_8, %sub3A_9 : i32
    %add3A = arith.addi %sub3A_7, %sub3A_10 : i32
    %div3A = arith.constant 1 : i32
    %div3A_11 = arith.divsi %add3A, %div3A : i32
    %while3A = arith.constant 1 : i32
    %while3A_12 = arith.constant 0 : i32
    %while3A_13 = arith.constant 0 : i32
    %while3A_14 = arith.subi %div3A_11, %while3A_13 : i32
    %while3A_15 = arith.addi %while3A_13, %while3A_14 : i32
    %while3A_16 = arith.constant 1 : i32
    %while3A_17 = arith.divsi %while3A_14, %while3A_16 : i32
    %while3A_18 = arith.muli %while3A_17, %while3A_16 : i32
    %while3A_19 = arith.addi %while3A_13, %while3A_18 : i32
    %while3A_20 = arith.constant 1 : i32
    scf.for %while3A_27 = %while3A_13 to %while3A_19 step %while3A_20  : i32 {
      %mul3A_28 = arith.muli %while3A_27, %while3A : i32
      %add3A_29 = arith.addi %while3A_12, %mul3A_28 : i32
      %mul3A_30 = arith.constant 50176 : i32
      %mul3A_31 = arith.muli %arg1, %mul3A_30 : i32
      %mul3A_32 = arith.constant 28672 : i32
      %mul3A_33 = arith.muli %arg0, %mul3A_32 : i32
      %add3A_34 = arith.addi %mul3A_31, %mul3A_33 : i32
      %mul3A_35 = arith.constant 3584 : i32
      %mul3A_36 = arith.muli %add3A_29, %mul3A_35 : i32
      %add3A_37 = arith.addi %add3A_34, %mul3A_36 : i32
      %lt3A = arith.constant 799232 : i32
      %lt3A_38 = arith.cmpi slt, %add3A_37, %lt3A : i32
      %convert_element_type3A = arith.extui %lt3A_38 : i1 to i32
      %cond3A = arith.constant 0 : i32
      %cond3A_39 = arith.cmpi ne, %convert_element_type3A, %cond3A : i32
      scf.if %cond3A_39 {
        %run_scoped3A = arith.constant 0 : i32
        "tpu.region"() ({
          %run_scoped3A_53 = tpu.sem_alloc : memref<!tpu.dma_semaphore, #tpu.memory_space<semaphore_mem>>
          %dma_start3A_54 = tpu.memref_slice %arg3[%run_scoped3A, %add3A_37] : memref<2x800000xi32, #tpu.memory_space<hbm>> -> memref<1x3584xi32, #tpu.memory_space<hbm>>
          %dma_start3A_55 = tpu.memref_squeeze %dma_start3A_54 : memref<1x3584xi32, #tpu.memory_space<hbm>> -> memref<3584xi32, #tpu.memory_space<hbm>>
          %dma_start3A_56 = tpu.memref_slice %arg3[%run_scoped3A, %add3A_37] : memref<2x800000xi32, #tpu.memory_space<hbm>> -> memref<1x3584xi32, #tpu.memory_space<hbm>>
          %dma_start3A_57 = tpu.memref_squeeze %dma_start3A_56 : memref<1x3584xi32, #tpu.memory_space<hbm>> -> memref<3584xi32, #tpu.memory_space<hbm>>
          tpu.enqueue_dma source(%dma_start3A_57 : memref<3584xi32, #tpu.memory_space<hbm>>) target(%arg7 : memref<3584xi32, #tpu.memory_space<vmem>>) target_semaphore(%run_scoped3A_53 : memref<!tpu.dma_semaphore, #tpu.memory_space<semaphore_mem>>)
          %dma_wait3A = tpu.memref_slice %arg3[%run_scoped3A, %add3A_37] : memref<2x800000xi32, #tpu.memory_space<hbm>> -> memref<1x3584xi32, #tpu.memory_space<hbm>>
          %dma_wait3A_58 = tpu.memref_squeeze %dma_wait3A : memref<1x3584xi32, #tpu.memory_space<hbm>> -> memref<3584xi32, #tpu.memory_space<hbm>>
          %dma_wait3A_59 = tpu.memref_slice %arg3[%run_scoped3A, %add3A_37] : memref<2x800000xi32, #tpu.memory_space<hbm>> -> memref<1x3584xi32, #tpu.memory_space<hbm>>
          %dma_wait3A_60 = tpu.memref_squeeze %dma_wait3A_59 : memref<1x3584xi32, #tpu.memory_space<hbm>> -> memref<3584xi32, #tpu.memory_space<hbm>>
          tpu.wait_dma2 semaphore(%run_scoped3A_53 : memref<!tpu.dma_semaphore, #tpu.memory_space<semaphore_mem>>) src(%dma_wait3A_60 : memref<3584xi32, #tpu.memory_space<hbm>>) dst(%arg7 : memref<3584xi32, #tpu.memory_space<vmem>>)
          tpu.yield
        }) : () -> ()
        %run_scoped3A_52 = arith.constant 1 : i32
        "tpu.region"() ({
          %run_scoped3A_53 = tpu.sem_alloc : memref<!tpu.dma_semaphore, #tpu.memory_space<semaphore_mem>>
          %dma_start3A_54 = tpu.memref_slice %arg3[%run_scoped3A_52, %add3A_37] : memref<2x800000xi32, #tpu.memory_space<hbm>> -> memref<1x3584xi32, #tpu.memory_space<hbm>>
          %dma_start3A_55 = tpu.memref_squeeze %dma_start3A_54 : memref<1x3584xi32, #tpu.memory_space<hbm>> -> memref<3584xi32, #tpu.memory_space<hbm>>
          %dma_start3A_56 = tpu.memref_slice %arg3[%run_scoped3A_52, %add3A_37] : memref<2x800000xi32, #tpu.memory_space<hbm>> -> memref<1x3584xi32, #tpu.memory_space<hbm>>
          %dma_start3A_57 = tpu.memref_squeeze %dma_start3A_56 : memref<1x3584xi32, #tpu.memory_space<hbm>> -> memref<3584xi32, #tpu.memory_space<hbm>>
          tpu.enqueue_dma source(%dma_start3A_57 : memref<3584xi32, #tpu.memory_space<hbm>>) target(%arg8 : memref<3584xi32, #tpu.memory_space<vmem>>) target_semaphore(%run_scoped3A_53 : memref<!tpu.dma_semaphore, #tpu.memory_space<semaphore_mem>>)
          %dma_wait3A = tpu.memref_slice %arg3[%run_scoped3A_52, %add3A_37] : memref<2x800000xi32, #tpu.memory_space<hbm>> -> memref<1x3584xi32, #tpu.memory_space<hbm>>
          %dma_wait3A_58 = tpu.memref_squeeze %dma_wait3A : memref<1x3584xi32, #tpu.memory_space<hbm>> -> memref<3584xi32, #tpu.memory_space<hbm>>
          %dma_wait3A_59 = tpu.memref_slice %arg3[%run_scoped3A_52, %add3A_37] : memref<2x800000xi32, #tpu.memory_space<hbm>> -> memref<1x3584xi32, #tpu.memory_space<hbm>>
          %dma_wait3A_60 = tpu.memref_squeeze %dma_wait3A_59 : memref<1x3584xi32, #tpu.memory_space<hbm>> -> memref<3584xi32, #tpu.memory_space<hbm>>
          tpu.wait_dma2 semaphore(%run_scoped3A_53 : memref<!tpu.dma_semaphore, #tpu.memory_space<semaphore_mem>>) src(%dma_wait3A_60 : memref<3584xi32, #tpu.memory_space<hbm>>) dst(%arg8 : memref<3584xi32, #tpu.memory_space<vmem>>)
          tpu.yield
        }) : () -> ()
      } else {
      }
      %ge3A = arith.constant 799232 : i32
      %ge3A_40 = arith.cmpi sge, %add3A_37, %ge3A : i32
      %convert_element_type3A_41 = arith.extui %ge3A_40 : i1 to i32
      %cond3A_42 = arith.constant 0 : i32
      %cond3A_43 = arith.cmpi ne, %convert_element_type3A_41, %cond3A_42 : i32
      scf.if %cond3A_43 {
        %run_scoped3A = arith.constant 0 : i32
        "tpu.region"() ({
          %run_scoped3A_53 = tpu.sem_alloc : memref<!tpu.dma_semaphore, #tpu.memory_space<semaphore_mem>>
          %dma_start3A_54 = arith.constant 0 : i32
          %dma_start3A_55 = tpu.memref_slice %arg4[%run_scoped3A, %dma_start3A_54] : memref<2x3584xi32, #tpu.memory_space<hbm>> -> memref<1x3584xi32, #tpu.memory_space<hbm>>
          %dma_start3A_56 = tpu.memref_squeeze %dma_start3A_55 : memref<1x3584xi32, #tpu.memory_space<hbm>> -> memref<3584xi32, #tpu.memory_space<hbm>>
          %dma_start3A_57 = arith.constant 0 : i32
          %dma_start3A_58 = tpu.memref_slice %arg4[%run_scoped3A, %dma_start3A_57] : memref<2x3584xi32, #tpu.memory_space<hbm>> -> memref<1x3584xi32, #tpu.memory_space<hbm>>
          %dma_start3A_59 = tpu.memref_squeeze %dma_start3A_58 : memref<1x3584xi32, #tpu.memory_space<hbm>> -> memref<3584xi32, #tpu.memory_space<hbm>>
          tpu.enqueue_dma source(%dma_start3A_59 : memref<3584xi32, #tpu.memory_space<hbm>>) target(%arg7 : memref<3584xi32, #tpu.memory_space<vmem>>) target_semaphore(%run_scoped3A_53 : memref<!tpu.dma_semaphore, #tpu.memory_space<semaphore_mem>>)
          %dma_wait3A = arith.constant 0 : i32
          %dma_wait3A_60 = tpu.memref_slice %arg4[%run_scoped3A, %dma_wait3A] : memref<2x3584xi32, #tpu.memory_space<hbm>> -> memref<1x3584xi32, #tpu.memory_space<hbm>>
          %dma_wait3A_61 = tpu.memref_squeeze %dma_wait3A_60 : memref<1x3584xi32, #tpu.memory_space<hbm>> -> memref<3584xi32, #tpu.memory_space<hbm>>
          %dma_wait3A_62 = arith.constant 0 : i32
          %dma_wait3A_63 = tpu.memref_slice %arg4[%run_scoped3A, %dma_wait3A_62] : memref<2x3584xi32, #tpu.memory_space<hbm>> -> memref<1x3584xi32, #tpu.memory_space<hbm>>
          %dma_wait3A_64 = tpu.memref_squeeze %dma_wait3A_63 : memref<1x3584xi32, #tpu.memory_space<hbm>> -> memref<3584xi32, #tpu.memory_space<hbm>>
          tpu.wait_dma2 semaphore(%run_scoped3A_53 : memref<!tpu.dma_semaphore, #tpu.memory_space<semaphore_mem>>) src(%dma_wait3A_64 : memref<3584xi32, #tpu.memory_space<hbm>>) dst(%arg7 : memref<3584xi32, #tpu.memory_space<vmem>>)
          tpu.yield
        }) : () -> ()
        %run_scoped3A_52 = arith.constant 1 : i32
        "tpu.region"() ({
          %run_scoped3A_53 = tpu.sem_alloc : memref<!tpu.dma_semaphore, #tpu.memory_space<semaphore_mem>>
          %dma_start3A_54 = arith.constant 0 : i32
          %dma_start3A_55 = tpu.memref_slice %arg4[%run_scoped3A_52, %dma_start3A_54] : memref<2x3584xi32, #tpu.memory_space<hbm>> -> memref<1x3584xi32, #tpu.memory_space<hbm>>
          %dma_start3A_56 = tpu.memref_squeeze %dma_start3A_55 : memref<1x3584xi32, #tpu.memory_space<hbm>> -> memref<3584xi32, #tpu.memory_space<hbm>>
          %dma_start3A_57 = arith.constant 0 : i32
          %dma_start3A_58 = tpu.memref_slice %arg4[%run_scoped3A_52, %dma_start3A_57] : memref<2x3584xi32, #tpu.memory_space<hbm>> -> memref<1x3584xi32, #tpu.memory_space<hbm>>
          %dma_start3A_59 = tpu.memref_squeeze %dma_start3A_58 : memref<1x3584xi32, #tpu.memory_space<hbm>> -> memref<3584xi32, #tpu.memory_space<hbm>>
          tpu.enqueue_dma source(%dma_start3A_59 : memref<3584xi32, #tpu.memory_space<hbm>>) target(%arg8 : memref<3584xi32, #tpu.memory_space<vmem>>) target_semaphore(%run_scoped3A_53 : memref<!tpu.dma_semaphore, #tpu.memory_space<semaphore_mem>>)
          %dma_wait3A = arith.constant 0 : i32
          %dma_wait3A_60 = tpu.memref_slice %arg4[%run_scoped3A_52, %dma_wait3A] : memref<2x3584xi32, #tpu.memory_space<hbm>> -> memref<1x3584xi32, #tpu.memory_space<hbm>>
          %dma_wait3A_61 = tpu.memref_squeeze %dma_wait3A_60 : memref<1x3584xi32, #tpu.memory_space<hbm>> -> memref<3584xi32, #tpu.memory_space<hbm>>
          %dma_wait3A_62 = arith.constant 0 : i32
          %dma_wait3A_63 = tpu.memref_slice %arg4[%run_scoped3A_52, %dma_wait3A_62] : memref<2x3584xi32, #tpu.memory_space<hbm>> -> memref<1x3584xi32, #tpu.memory_space<hbm>>
          %dma_wait3A_64 = tpu.memref_squeeze %dma_wait3A_63 : memref<1x3584xi32, #tpu.memory_space<hbm>> -> memref<3584xi32, #tpu.memory_space<hbm>>
          tpu.wait_dma2 semaphore(%run_scoped3A_53 : memref<!tpu.dma_semaphore, #tpu.memory_space<semaphore_mem>>) src(%dma_wait3A_64 : memref<3584xi32, #tpu.memory_space<hbm>>) dst(%arg8 : memref<3584xi32, #tpu.memory_space<vmem>>)
          tpu.yield
        }) : () -> ()
      } else {
      }
      %dma_start3A = arith.constant 0 : i32
      %dma_start3A_44 = tpu.memref_slice %arg7[%dma_start3A] : memref<3584xi32, #tpu.memory_space<vmem>> -> memref<256xi32, #tpu.memory_space<vmem>>
      %dma_start3A_45 = arith.constant 0 : i32
      %dma_start3A_46 = arith.constant 0 : i32
      %dma_start3A_47 = tpu.memref_slice %arg2[%dma_start3A_45, %dma_start3A_46] : memref<50176x32xf32, #tpu.memory_space<hbm>> -> memref<50176x32xf32, #tpu.memory_space<hbm>>
      tpu.enqueue_indirect_dma source(%dma_start3A_47 : memref<50176x32xf32, #tpu.memory_space<hbm>>) target(%arg9 : memref<256x32xf32, #tpu.memory_space<vmem>>) offsets(%dma_start3A_44 : memref<256xi32, #tpu.memory_space<vmem>>) semaphore(%arg12 : memref<!tpu.dma_semaphore, #tpu.memory_space<semaphore_mem>>)
      %scan3A = arith.constant 0 : i32
      %scan3A_48 = arith.constant 7 : i32
      %scan3A_49 = arith.addi %scan3A, %scan3A_48 : i32
      %scan3A_50 = arith.constant 1 : i32
      scf.for %scan3A_52 = %scan3A to %scan3A_49 step %scan3A_50  : i32 {
        %mul3A_53 = arith.constant 2 : i32
        %mul3A_54 = arith.muli %scan3A_52, %mul3A_53 : i32
        %add3A_55 = arith.constant 0 : i32
        %add3A_56 = arith.addi %add3A_55, %mul3A_54 : i32
        %add3A_57 = arith.constant 1 : i32
        %add3A_58 = arith.addi %add3A_56, %add3A_57 : i32
        %mul3A_59 = arith.constant 256 : i32
        %mul3A_60 = arith.muli %add3A_58, %mul3A_59 : i32
        %dma_start3A_61 = tpu.memref_slice %arg7[%mul3A_60] : memref<3584xi32, #tpu.memory_space<vmem>> -> memref<256xi32, #tpu.memory_space<vmem>>
        %dma_start3A_62 = arith.constant 0 : i32
        %dma_start3A_63 = arith.constant 0 : i32
        %dma_start3A_64 = tpu.memref_slice %arg2[%dma_start3A_62, %dma_start3A_63] : memref<50176x32xf32, #tpu.memory_space<hbm>> -> memref<50176x32xf32, #tpu.memory_space<hbm>>
        tpu.enqueue_indirect_dma source(%dma_start3A_64 : memref<50176x32xf32, #tpu.memory_space<hbm>>) target(%arg10 : memref<256x32xf32, #tpu.memory_space<vmem>>) offsets(%dma_start3A_61 : memref<256xi32, #tpu.memory_space<vmem>>) semaphore(%arg13 : memref<!tpu.dma_semaphore, #tpu.memory_space<semaphore_mem>>)
        %mul3A_65 = arith.constant 256 : i32
        %mul3A_66 = arith.muli %add3A_56, %mul3A_65 : i32
        %dma_wait3A = tpu.memref_slice %arg7[%mul3A_66] : memref<3584xi32, #tpu.memory_space<vmem>> -> memref<256xi32, #tpu.memory_space<vmem>>
        %dma_wait3A_67 = arith.constant 0 : i32
        %dma_wait3A_68 = arith.constant 0 : i32
        %dma_wait3A_69 = tpu.memref_slice %arg2[%dma_wait3A_67, %dma_wait3A_68] : memref<50176x32xf32, #tpu.memory_space<hbm>> -> memref<50176x32xf32, #tpu.memory_space<hbm>>
        tpu.wait_indirect_dma semaphore(%arg12 : memref<!tpu.dma_semaphore, #tpu.memory_space<semaphore_mem>>) src(%dma_wait3A_69 : memref<50176x32xf32, #tpu.memory_space<hbm>>) dst(%arg9 : memref<256x32xf32, #tpu.memory_space<vmem>>)
        %mul3A_70 = arith.constant 256 : i32
        %mul3A_71 = arith.muli %add3A_56, %mul3A_70 : i32
        "tpu.region"() ({
          %run_scoped3A = tpu.sem_alloc : memref<!tpu.dma_semaphore, #tpu.memory_space<semaphore_mem>>
          %dma_start3A_91 = tpu.memref_slice %arg8[%mul3A_71] : memref<3584xi32, #tpu.memory_space<vmem>> -> memref<256xi32, #tpu.memory_space<vmem>>
          %dma_start3A_92 = arith.constant 0 : i32
          %dma_start3A_93 = arith.constant 0 : i32
          %dma_start3A_94 = tpu.memref_slice %arg11[%dma_start3A_92, %dma_start3A_93] : memref<50176x32xf32, #tpu.memory_space<vmem_shared>> -> memref<50176x32xf32, #tpu.memory_space<vmem_shared>>
          tpu.enqueue_indirect_dma source(%arg9 : memref<256x32xf32, #tpu.memory_space<vmem>>) target(%dma_start3A_94 : memref<50176x32xf32, #tpu.memory_space<vmem_shared>>) offsets(%dma_start3A_91 : memref<256xi32, #tpu.memory_space<vmem>>) semaphore(%run_scoped3A : memref<!tpu.dma_semaphore, #tpu.memory_space<semaphore_mem>>) {add = true}
          %dma_wait3A_95 = tpu.memref_slice %arg8[%mul3A_71] : memref<3584xi32, #tpu.memory_space<vmem>> -> memref<256xi32, #tpu.memory_space<vmem>>
          %dma_wait3A_96 = arith.constant 0 : i32
          %dma_wait3A_97 = arith.constant 0 : i32
          %dma_wait3A_98 = tpu.memref_slice %arg11[%dma_wait3A_96, %dma_wait3A_97] : memref<50176x32xf32, #tpu.memory_space<vmem_shared>> -> memref<50176x32xf32, #tpu.memory_space<vmem_shared>>
          tpu.wait_indirect_dma semaphore(%run_scoped3A : memref<!tpu.dma_semaphore, #tpu.memory_space<semaphore_mem>>) src(%arg9 : memref<256x32xf32, #tpu.memory_space<vmem>>) dst(%dma_wait3A_98 : memref<50176x32xf32, #tpu.memory_space<vmem_shared>>)
          tpu.yield
        }) : () -> ()
        %add3A_72 = arith.constant 2 : i32
        %add3A_73 = arith.addi %add3A_56, %add3A_72 : i32
        %lt3A_74 = arith.constant 14 : i32
        %lt3A_75 = arith.cmpi slt, %add3A_73, %lt3A_74 : i32
        %convert_element_type3A_76 = arith.extui %lt3A_75 : i1 to i32
        %cond3A_77 = arith.constant 0 : i32
        %cond3A_78 = arith.cmpi ne, %convert_element_type3A_76, %cond3A_77 : i32
        scf.if %cond3A_78 {
          %add3A_91 = arith.constant 2 : i32
          %add3A_92 = arith.addi %add3A_56, %add3A_91 : i32
          %mul3A_93 = arith.constant 256 : i32
          %mul3A_94 = arith.muli %add3A_92, %mul3A_93 : i32
          %dma_start3A_95 = tpu.memref_slice %arg7[%mul3A_94] : memref<3584xi32, #tpu.memory_space<vmem>> -> memref<256xi32, #tpu.memory_space<vmem>>
          %dma_start3A_96 = arith.constant 0 : i32
          %dma_start3A_97 = arith.constant 0 : i32
          %dma_start3A_98 = tpu.memref_slice %arg2[%dma_start3A_96, %dma_start3A_97] : memref<50176x32xf32, #tpu.memory_space<hbm>> -> memref<50176x32xf32, #tpu.memory_space<hbm>>
          tpu.enqueue_indirect_dma source(%dma_start3A_98 : memref<50176x32xf32, #tpu.memory_space<hbm>>) target(%arg9 : memref<256x32xf32, #tpu.memory_space<vmem>>) offsets(%dma_start3A_95 : memref<256xi32, #tpu.memory_space<vmem>>) semaphore(%arg12 : memref<!tpu.dma_semaphore, #tpu.memory_space<semaphore_mem>>)
        } else {
        }
        %add3A_79 = arith.constant 1 : i32
        %add3A_80 = arith.addi %add3A_56, %add3A_79 : i32
        %mul3A_81 = arith.constant 256 : i32
        %mul3A_82 = arith.muli %add3A_80, %mul3A_81 : i32
        %dma_wait3A_83 = tpu.memref_slice %arg7[%mul3A_82] : memref<3584xi32, #tpu.memory_space<vmem>> -> memref<256xi32, #tpu.memory_space<vmem>>
        %dma_wait3A_84 = arith.constant 0 : i32
        %dma_wait3A_85 = arith.constant 0 : i32
        %dma_wait3A_86 = tpu.memref_slice %arg2[%dma_wait3A_84, %dma_wait3A_85] : memref<50176x32xf32, #tpu.memory_space<hbm>> -> memref<50176x32xf32, #tpu.memory_space<hbm>>
        tpu.wait_indirect_dma semaphore(%arg13 : memref<!tpu.dma_semaphore, #tpu.memory_space<semaphore_mem>>) src(%dma_wait3A_86 : memref<50176x32xf32, #tpu.memory_space<hbm>>) dst(%arg10 : memref<256x32xf32, #tpu.memory_space<vmem>>)
        %add3A_87 = arith.constant 1 : i32
        %add3A_88 = arith.addi %add3A_56, %add3A_87 : i32
        %mul3A_89 = arith.constant 256 : i32
        %mul3A_90 = arith.muli %add3A_88, %mul3A_89 : i32
        "tpu.region"() ({
          %run_scoped3A = tpu.sem_alloc : memref<!tpu.dma_semaphore, #tpu.memory_space<semaphore_mem>>
          %dma_start3A_91 = tpu.memref_slice %arg8[%mul3A_90] : memref<3584xi32, #tpu.memory_space<vmem>> -> memref<256xi32, #tpu.memory_space<vmem>>
          %dma_start3A_92 = arith.constant 0 : i32
          %dma_start3A_93 = arith.constant 0 : i32
          %dma_start3A_94 = tpu.memref_slice %arg11[%dma_start3A_92, %dma_start3A_93] : memref<50176x32xf32, #tpu.memory_space<vmem_shared>> -> memref<50176x32xf32, #tpu.memory_space<vmem_shared>>
          tpu.enqueue_indirect_dma source(%arg10 : memref<256x32xf32, #tpu.memory_space<vmem>>) target(%dma_start3A_94 : memref<50176x32xf32, #tpu.memory_space<vmem_shared>>) offsets(%dma_start3A_91 : memref<256xi32, #tpu.memory_space<vmem>>) semaphore(%run_scoped3A : memref<!tpu.dma_semaphore, #tpu.memory_space<semaphore_mem>>) {add = true}
          %dma_wait3A_95 = tpu.memref_slice %arg8[%mul3A_90] : memref<3584xi32, #tpu.memory_space<vmem>> -> memref<256xi32, #tpu.memory_space<vmem>>
          %dma_wait3A_96 = arith.constant 0 : i32
          %dma_wait3A_97 = arith.constant 0 : i32
          %dma_wait3A_98 = tpu.memref_slice %arg11[%dma_wait3A_96, %dma_wait3A_97] : memref<50176x32xf32, #tpu.memory_space<vmem_shared>> -> memref<50176x32xf32, #tpu.memory_space<vmem_shared>>
          tpu.wait_indirect_dma semaphore(%run_scoped3A : memref<!tpu.dma_semaphore, #tpu.memory_space<semaphore_mem>>) src(%arg10 : memref<256x32xf32, #tpu.memory_space<vmem>>) dst(%dma_wait3A_98 : memref<50176x32xf32, #tpu.memory_space<vmem_shared>>)
          tpu.yield
        }) : () -> ()
      }
      %scan3A_51 = arith.constant 7 : i32
    }
    %while3A_21 = arith.constant 1 : i32
    scf.for %while3A_27 = %while3A_19 to %while3A_15 step %while3A_21  : i32 {
      %mul3A_28 = arith.muli %while3A_27, %while3A : i32
      %add3A_29 = arith.addi %while3A_12, %mul3A_28 : i32
      %mul3A_30 = arith.constant 50176 : i32
      %mul3A_31 = arith.muli %arg1, %mul3A_30 : i32
      %mul3A_32 = arith.constant 28672 : i32
      %mul3A_33 = arith.muli %arg0, %mul3A_32 : i32
      %add3A_34 = arith.addi %mul3A_31, %mul3A_33 : i32
      %mul3A_35 = arith.constant 3584 : i32
      %mul3A_36 = arith.muli %add3A_29, %mul3A_35 : i32
      %add3A_37 = arith.addi %add3A_34, %mul3A_36 : i32
      %lt3A = arith.constant 799232 : i32
      %lt3A_38 = arith.cmpi slt, %add3A_37, %lt3A : i32
      %convert_element_type3A = arith.extui %lt3A_38 : i1 to i32
      %cond3A = arith.constant 0 : i32
      %cond3A_39 = arith.cmpi ne, %convert_element_type3A, %cond3A : i32
      scf.if %cond3A_39 {
        %run_scoped3A = arith.constant 0 : i32
        "tpu.region"() ({
          %run_scoped3A_53 = tpu.sem_alloc : memref<!tpu.dma_semaphore, #tpu.memory_space<semaphore_mem>>
          %dma_start3A_54 = tpu.memref_slice %arg3[%run_scoped3A, %add3A_37] : memref<2x800000xi32, #tpu.memory_space<hbm>> -> memref<1x3584xi32, #tpu.memory_space<hbm>>
          %dma_start3A_55 = tpu.memref_squeeze %dma_start3A_54 : memref<1x3584xi32, #tpu.memory_space<hbm>> -> memref<3584xi32, #tpu.memory_space<hbm>>
          %dma_start3A_56 = tpu.memref_slice %arg3[%run_scoped3A, %add3A_37] : memref<2x800000xi32, #tpu.memory_space<hbm>> -> memref<1x3584xi32, #tpu.memory_space<hbm>>
          %dma_start3A_57 = tpu.memref_squeeze %dma_start3A_56 : memref<1x3584xi32, #tpu.memory_space<hbm>> -> memref<3584xi32, #tpu.memory_space<hbm>>
          tpu.enqueue_dma source(%dma_start3A_57 : memref<3584xi32, #tpu.memory_space<hbm>>) target(%arg7 : memref<3584xi32, #tpu.memory_space<vmem>>) target_semaphore(%run_scoped3A_53 : memref<!tpu.dma_semaphore, #tpu.memory_space<semaphore_mem>>)
          %dma_wait3A = tpu.memref_slice %arg3[%run_scoped3A, %add3A_37] : memref<2x800000xi32, #tpu.memory_space<hbm>> -> memref<1x3584xi32, #tpu.memory_space<hbm>>
          %dma_wait3A_58 = tpu.memref_squeeze %dma_wait3A : memref<1x3584xi32, #tpu.memory_space<hbm>> -> memref<3584xi32, #tpu.memory_space<hbm>>
          %dma_wait3A_59 = tpu.memref_slice %arg3[%run_scoped3A, %add3A_37] : memref<2x800000xi32, #tpu.memory_space<hbm>> -> memref<1x3584xi32, #tpu.memory_space<hbm>>
          %dma_wait3A_60 = tpu.memref_squeeze %dma_wait3A_59 : memref<1x3584xi32, #tpu.memory_space<hbm>> -> memref<3584xi32, #tpu.memory_space<hbm>>
          tpu.wait_dma2 semaphore(%run_scoped3A_53 : memref<!tpu.dma_semaphore, #tpu.memory_space<semaphore_mem>>) src(%dma_wait3A_60 : memref<3584xi32, #tpu.memory_space<hbm>>) dst(%arg7 : memref<3584xi32, #tpu.memory_space<vmem>>)
          tpu.yield
        }) : () -> ()
        %run_scoped3A_52 = arith.constant 1 : i32
        "tpu.region"() ({
          %run_scoped3A_53 = tpu.sem_alloc : memref<!tpu.dma_semaphore, #tpu.memory_space<semaphore_mem>>
          %dma_start3A_54 = tpu.memref_slice %arg3[%run_scoped3A_52, %add3A_37] : memref<2x800000xi32, #tpu.memory_space<hbm>> -> memref<1x3584xi32, #tpu.memory_space<hbm>>
          %dma_start3A_55 = tpu.memref_squeeze %dma_start3A_54 : memref<1x3584xi32, #tpu.memory_space<hbm>> -> memref<3584xi32, #tpu.memory_space<hbm>>
          %dma_start3A_56 = tpu.memref_slice %arg3[%run_scoped3A_52, %add3A_37] : memref<2x800000xi32, #tpu.memory_space<hbm>> -> memref<1x3584xi32, #tpu.memory_space<hbm>>
          %dma_start3A_57 = tpu.memref_squeeze %dma_start3A_56 : memref<1x3584xi32, #tpu.memory_space<hbm>> -> memref<3584xi32, #tpu.memory_space<hbm>>
          tpu.enqueue_dma source(%dma_start3A_57 : memref<3584xi32, #tpu.memory_space<hbm>>) target(%arg8 : memref<3584xi32, #tpu.memory_space<vmem>>) target_semaphore(%run_scoped3A_53 : memref<!tpu.dma_semaphore, #tpu.memory_space<semaphore_mem>>)
          %dma_wait3A = tpu.memref_slice %arg3[%run_scoped3A_52, %add3A_37] : memref<2x800000xi32, #tpu.memory_space<hbm>> -> memref<1x3584xi32, #tpu.memory_space<hbm>>
          %dma_wait3A_58 = tpu.memref_squeeze %dma_wait3A : memref<1x3584xi32, #tpu.memory_space<hbm>> -> memref<3584xi32, #tpu.memory_space<hbm>>
          %dma_wait3A_59 = tpu.memref_slice %arg3[%run_scoped3A_52, %add3A_37] : memref<2x800000xi32, #tpu.memory_space<hbm>> -> memref<1x3584xi32, #tpu.memory_space<hbm>>
          %dma_wait3A_60 = tpu.memref_squeeze %dma_wait3A_59 : memref<1x3584xi32, #tpu.memory_space<hbm>> -> memref<3584xi32, #tpu.memory_space<hbm>>
          tpu.wait_dma2 semaphore(%run_scoped3A_53 : memref<!tpu.dma_semaphore, #tpu.memory_space<semaphore_mem>>) src(%dma_wait3A_60 : memref<3584xi32, #tpu.memory_space<hbm>>) dst(%arg8 : memref<3584xi32, #tpu.memory_space<vmem>>)
          tpu.yield
        }) : () -> ()
      } else {
      }
      %ge3A = arith.constant 799232 : i32
      %ge3A_40 = arith.cmpi sge, %add3A_37, %ge3A : i32
      %convert_element_type3A_41 = arith.extui %ge3A_40 : i1 to i32
      %cond3A_42 = arith.constant 0 : i32
      %cond3A_43 = arith.cmpi ne, %convert_element_type3A_41, %cond3A_42 : i32
      scf.if %cond3A_43 {
        %run_scoped3A = arith.constant 0 : i32
        "tpu.region"() ({
          %run_scoped3A_53 = tpu.sem_alloc : memref<!tpu.dma_semaphore, #tpu.memory_space<semaphore_mem>>
          %dma_start3A_54 = arith.constant 0 : i32
          %dma_start3A_55 = tpu.memref_slice %arg4[%run_scoped3A, %dma_start3A_54] : memref<2x3584xi32, #tpu.memory_space<hbm>> -> memref<1x3584xi32, #tpu.memory_space<hbm>>
          %dma_start3A_56 = tpu.memref_squeeze %dma_start3A_55 : memref<1x3584xi32, #tpu.memory_space<hbm>> -> memref<3584xi32, #tpu.memory_space<hbm>>
          %dma_start3A_57 = arith.constant 0 : i32
          %dma_start3A_58 = tpu.memref_slice %arg4[%run_scoped3A, %dma_start3A_57] : memref<2x3584xi32, #tpu.memory_space<hbm>> -> memref<1x3584xi32, #tpu.memory_space<hbm>>
          %dma_start3A_59 = tpu.memref_squeeze %dma_start3A_58 : memref<1x3584xi32, #tpu.memory_space<hbm>> -> memref<3584xi32, #tpu.memory_space<hbm>>
          tpu.enqueue_dma source(%dma_start3A_59 : memref<3584xi32, #tpu.memory_space<hbm>>) target(%arg7 : memref<3584xi32, #tpu.memory_space<vmem>>) target_semaphore(%run_scoped3A_53 : memref<!tpu.dma_semaphore, #tpu.memory_space<semaphore_mem>>)
          %dma_wait3A = arith.constant 0 : i32
          %dma_wait3A_60 = tpu.memref_slice %arg4[%run_scoped3A, %dma_wait3A] : memref<2x3584xi32, #tpu.memory_space<hbm>> -> memref<1x3584xi32, #tpu.memory_space<hbm>>
          %dma_wait3A_61 = tpu.memref_squeeze %dma_wait3A_60 : memref<1x3584xi32, #tpu.memory_space<hbm>> -> memref<3584xi32, #tpu.memory_space<hbm>>
          %dma_wait3A_62 = arith.constant 0 : i32
          %dma_wait3A_63 = tpu.memref_slice %arg4[%run_scoped3A, %dma_wait3A_62] : memref<2x3584xi32, #tpu.memory_space<hbm>> -> memref<1x3584xi32, #tpu.memory_space<hbm>>
          %dma_wait3A_64 = tpu.memref_squeeze %dma_wait3A_63 : memref<1x3584xi32, #tpu.memory_space<hbm>> -> memref<3584xi32, #tpu.memory_space<hbm>>
          tpu.wait_dma2 semaphore(%run_scoped3A_53 : memref<!tpu.dma_semaphore, #tpu.memory_space<semaphore_mem>>) src(%dma_wait3A_64 : memref<3584xi32, #tpu.memory_space<hbm>>) dst(%arg7 : memref<3584xi32, #tpu.memory_space<vmem>>)
          tpu.yield
        }) : () -> ()
        %run_scoped3A_52 = arith.constant 1 : i32
        "tpu.region"() ({
          %run_scoped3A_53 = tpu.sem_alloc : memref<!tpu.dma_semaphore, #tpu.memory_space<semaphore_mem>>
          %dma_start3A_54 = arith.constant 0 : i32
          %dma_start3A_55 = tpu.memref_slice %arg4[%run_scoped3A_52, %dma_start3A_54] : memref<2x3584xi32, #tpu.memory_space<hbm>> -> memref<1x3584xi32, #tpu.memory_space<hbm>>
          %dma_start3A_56 = tpu.memref_squeeze %dma_start3A_55 : memref<1x3584xi32, #tpu.memory_space<hbm>> -> memref<3584xi32, #tpu.memory_space<hbm>>
          %dma_start3A_57 = arith.constant 0 : i32
          %dma_start3A_58 = tpu.memref_slice %arg4[%run_scoped3A_52, %dma_start3A_57] : memref<2x3584xi32, #tpu.memory_space<hbm>> -> memref<1x3584xi32, #tpu.memory_space<hbm>>
          %dma_start3A_59 = tpu.memref_squeeze %dma_start3A_58 : memref<1x3584xi32, #tpu.memory_space<hbm>> -> memref<3584xi32, #tpu.memory_space<hbm>>
          tpu.enqueue_dma source(%dma_start3A_59 : memref<3584xi32, #tpu.memory_space<hbm>>) target(%arg8 : memref<3584xi32, #tpu.memory_space<vmem>>) target_semaphore(%run_scoped3A_53 : memref<!tpu.dma_semaphore, #tpu.memory_space<semaphore_mem>>)
          %dma_wait3A = arith.constant 0 : i32
          %dma_wait3A_60 = tpu.memref_slice %arg4[%run_scoped3A_52, %dma_wait3A] : memref<2x3584xi32, #tpu.memory_space<hbm>> -> memref<1x3584xi32, #tpu.memory_space<hbm>>
          %dma_wait3A_61 = tpu.memref_squeeze %dma_wait3A_60 : memref<1x3584xi32, #tpu.memory_space<hbm>> -> memref<3584xi32, #tpu.memory_space<hbm>>
          %dma_wait3A_62 = arith.constant 0 : i32
          %dma_wait3A_63 = tpu.memref_slice %arg4[%run_scoped3A_52, %dma_wait3A_62] : memref<2x3584xi32, #tpu.memory_space<hbm>> -> memref<1x3584xi32, #tpu.memory_space<hbm>>
          %dma_wait3A_64 = tpu.memref_squeeze %dma_wait3A_63 : memref<1x3584xi32, #tpu.memory_space<hbm>> -> memref<3584xi32, #tpu.memory_space<hbm>>
          tpu.wait_dma2 semaphore(%run_scoped3A_53 : memref<!tpu.dma_semaphore, #tpu.memory_space<semaphore_mem>>) src(%dma_wait3A_64 : memref<3584xi32, #tpu.memory_space<hbm>>) dst(%arg8 : memref<3584xi32, #tpu.memory_space<vmem>>)
          tpu.yield
        }) : () -> ()
      } else {
      }
      %dma_start3A = arith.constant 0 : i32
      %dma_start3A_44 = tpu.memref_slice %arg7[%dma_start3A] : memref<3584xi32, #tpu.memory_space<vmem>> -> memref<256xi32, #tpu.memory_space<vmem>>
      %dma_start3A_45 = arith.constant 0 : i32
      %dma_start3A_46 = arith.constant 0 : i32
      %dma_start3A_47 = tpu.memref_slice %arg2[%dma_start3A_45, %dma_start3A_46] : memref<50176x32xf32, #tpu.memory_space<hbm>> -> memref<50176x32xf32, #tpu.memory_space<hbm>>
      tpu.enqueue_indirect_dma source(%dma_start3A_47 : memref<50176x32xf32, #tpu.memory_space<hbm>>) target(%arg9 : memref<256x32xf32, #tpu.memory_space<vmem>>) offsets(%dma_start3A_44 : memref<256xi32, #tpu.memory_space<vmem>>) semaphore(%arg12 : memref<!tpu.dma_semaphore, #tpu.memory_space<semaphore_mem>>)
      %scan3A = arith.constant 0 : i32
      %scan3A_48 = arith.constant 7 : i32
      %scan3A_49 = arith.addi %scan3A, %scan3A_48 : i32
      %scan3A_50 = arith.constant 1 : i32
      scf.for %scan3A_52 = %scan3A to %scan3A_49 step %scan3A_50  : i32 {
        %mul3A_53 = arith.constant 2 : i32
        %mul3A_54 = arith.muli %scan3A_52, %mul3A_53 : i32
        %add3A_55 = arith.constant 0 : i32
        %add3A_56 = arith.addi %add3A_55, %mul3A_54 : i32
        %add3A_57 = arith.constant 1 : i32
        %add3A_58 = arith.addi %add3A_56, %add3A_57 : i32
        %mul3A_59 = arith.constant 256 : i32
        %mul3A_60 = arith.muli %add3A_58, %mul3A_59 : i32
        %dma_start3A_61 = tpu.memref_slice %arg7[%mul3A_60] : memref<3584xi32, #tpu.memory_space<vmem>> -> memref<256xi32, #tpu.memory_space<vmem>>
        %dma_start3A_62 = arith.constant 0 : i32
        %dma_start3A_63 = arith.constant 0 : i32
        %dma_start3A_64 = tpu.memref_slice %arg2[%dma_start3A_62, %dma_start3A_63] : memref<50176x32xf32, #tpu.memory_space<hbm>> -> memref<50176x32xf32, #tpu.memory_space<hbm>>
        tpu.enqueue_indirect_dma source(%dma_start3A_64 : memref<50176x32xf32, #tpu.memory_space<hbm>>) target(%arg10 : memref<256x32xf32, #tpu.memory_space<vmem>>) offsets(%dma_start3A_61 : memref<256xi32, #tpu.memory_space<vmem>>) semaphore(%arg13 : memref<!tpu.dma_semaphore, #tpu.memory_space<semaphore_mem>>)
        %mul3A_65 = arith.constant 256 : i32
        %mul3A_66 = arith.muli %add3A_56, %mul3A_65 : i32
        %dma_wait3A = tpu.memref_slice %arg7[%mul3A_66] : memref<3584xi32, #tpu.memory_space<vmem>> -> memref<256xi32, #tpu.memory_space<vmem>>
        %dma_wait3A_67 = arith.constant 0 : i32
        %dma_wait3A_68 = arith.constant 0 : i32
        %dma_wait3A_69 = tpu.memref_slice %arg2[%dma_wait3A_67, %dma_wait3A_68] : memref<50176x32xf32, #tpu.memory_space<hbm>> -> memref<50176x32xf32, #tpu.memory_space<hbm>>
        tpu.wait_indirect_dma semaphore(%arg12 : memref<!tpu.dma_semaphore, #tpu.memory_space<semaphore_mem>>) src(%dma_wait3A_69 : memref<50176x32xf32, #tpu.memory_space<hbm>>) dst(%arg9 : memref<256x32xf32, #tpu.memory_space<vmem>>)
        %mul3A_70 = arith.constant 256 : i32
        %mul3A_71 = arith.muli %add3A_56, %mul3A_70 : i32
        "tpu.region"() ({
          %run_scoped3A = tpu.sem_alloc : memref<!tpu.dma_semaphore, #tpu.memory_space<semaphore_mem>>
          %dma_start3A_91 = tpu.memref_slice %arg8[%mul3A_71] : memref<3584xi32, #tpu.memory_space<vmem>> -> memref<256xi32, #tpu.memory_space<vmem>>
          %dma_start3A_92 = arith.constant 0 : i32
          %dma_start3A_93 = arith.constant 0 : i32
          %dma_start3A_94 = tpu.memref_slice %arg11[%dma_start3A_92, %dma_start3A_93] : memref<50176x32xf32, #tpu.memory_space<vmem_shared>> -> memref<50176x32xf32, #tpu.memory_space<vmem_shared>>
          tpu.enqueue_indirect_dma source(%arg9 : memref<256x32xf32, #tpu.memory_space<vmem>>) target(%dma_start3A_94 : memref<50176x32xf32, #tpu.memory_space<vmem_shared>>) offsets(%dma_start3A_91 : memref<256xi32, #tpu.memory_space<vmem>>) semaphore(%run_scoped3A : memref<!tpu.dma_semaphore, #tpu.memory_space<semaphore_mem>>) {add = true}
          %dma_wait3A_95 = tpu.memref_slice %arg8[%mul3A_71] : memref<3584xi32, #tpu.memory_space<vmem>> -> memref<256xi32, #tpu.memory_space<vmem>>
          %dma_wait3A_96 = arith.constant 0 : i32
          %dma_wait3A_97 = arith.constant 0 : i32
          %dma_wait3A_98 = tpu.memref_slice %arg11[%dma_wait3A_96, %dma_wait3A_97] : memref<50176x32xf32, #tpu.memory_space<vmem_shared>> -> memref<50176x32xf32, #tpu.memory_space<vmem_shared>>
          tpu.wait_indirect_dma semaphore(%run_scoped3A : memref<!tpu.dma_semaphore, #tpu.memory_space<semaphore_mem>>) src(%arg9 : memref<256x32xf32, #tpu.memory_space<vmem>>) dst(%dma_wait3A_98 : memref<50176x32xf32, #tpu.memory_space<vmem_shared>>)
          tpu.yield
        }) : () -> ()
        %add3A_72 = arith.constant 2 : i32
        %add3A_73 = arith.addi %add3A_56, %add3A_72 : i32
        %lt3A_74 = arith.constant 14 : i32
        %lt3A_75 = arith.cmpi slt, %add3A_73, %lt3A_74 : i32
        %convert_element_type3A_76 = arith.extui %lt3A_75 : i1 to i32
        %cond3A_77 = arith.constant 0 : i32
        %cond3A_78 = arith.cmpi ne, %convert_element_type3A_76, %cond3A_77 : i32
        scf.if %cond3A_78 {
          %add3A_91 = arith.constant 2 : i32
          %add3A_92 = arith.addi %add3A_56, %add3A_91 : i32
          %mul3A_93 = arith.constant 256 : i32
          %mul3A_94 = arith.muli %add3A_92, %mul3A_93 : i32
          %dma_start3A_95 = tpu.memref_slice %arg7[%mul3A_94] : memref<3584xi32, #tpu.memory_space<vmem>> -> memref<256xi32, #tpu.memory_space<vmem>>
          %dma_start3A_96 = arith.constant 0 : i32
          %dma_start3A_97 = arith.constant 0 : i32
          %dma_start3A_98 = tpu.memref_slice %arg2[%dma_start3A_96, %dma_start3A_97] : memref<50176x32xf32, #tpu.memory_space<hbm>> -> memref<50176x32xf32, #tpu.memory_space<hbm>>
          tpu.enqueue_indirect_dma source(%dma_start3A_98 : memref<50176x32xf32, #tpu.memory_space<hbm>>) target(%arg9 : memref<256x32xf32, #tpu.memory_space<vmem>>) offsets(%dma_start3A_95 : memref<256xi32, #tpu.memory_space<vmem>>) semaphore(%arg12 : memref<!tpu.dma_semaphore, #tpu.memory_space<semaphore_mem>>)
        } else {
        }
        %add3A_79 = arith.constant 1 : i32
        %add3A_80 = arith.addi %add3A_56, %add3A_79 : i32
        %mul3A_81 = arith.constant 256 : i32
        %mul3A_82 = arith.muli %add3A_80, %mul3A_81 : i32
        %dma_wait3A_83 = tpu.memref_slice %arg7[%mul3A_82] : memref<3584xi32, #tpu.memory_space<vmem>> -> memref<256xi32, #tpu.memory_space<vmem>>
        %dma_wait3A_84 = arith.constant 0 : i32
        %dma_wait3A_85 = arith.constant 0 : i32
        %dma_wait3A_86 = tpu.memref_slice %arg2[%dma_wait3A_84, %dma_wait3A_85] : memref<50176x32xf32, #tpu.memory_space<hbm>> -> memref<50176x32xf32, #tpu.memory_space<hbm>>
        tpu.wait_indirect_dma semaphore(%arg13 : memref<!tpu.dma_semaphore, #tpu.memory_space<semaphore_mem>>) src(%dma_wait3A_86 : memref<50176x32xf32, #tpu.memory_space<hbm>>) dst(%arg10 : memref<256x32xf32, #tpu.memory_space<vmem>>)
        %add3A_87 = arith.constant 1 : i32
        %add3A_88 = arith.addi %add3A_56, %add3A_87 : i32
        %mul3A_89 = arith.constant 256 : i32
        %mul3A_90 = arith.muli %add3A_88, %mul3A_89 : i32
        "tpu.region"() ({
          %run_scoped3A = tpu.sem_alloc : memref<!tpu.dma_semaphore, #tpu.memory_space<semaphore_mem>>
          %dma_start3A_91 = tpu.memref_slice %arg8[%mul3A_90] : memref<3584xi32, #tpu.memory_space<vmem>> -> memref<256xi32, #tpu.memory_space<vmem>>
          %dma_start3A_92 = arith.constant 0 : i32
          %dma_start3A_93 = arith.constant 0 : i32
          %dma_start3A_94 = tpu.memref_slice %arg11[%dma_start3A_92, %dma_start3A_93] : memref<50176x32xf32, #tpu.memory_space<vmem_shared>> -> memref<50176x32xf32, #tpu.memory_space<vmem_shared>>
          tpu.enqueue_indirect_dma source(%arg10 : memref<256x32xf32, #tpu.memory_space<vmem>>) target(%dma_start3A_94 : memref<50176x32xf32, #tpu.memory_space<vmem_shared>>) offsets(%dma_start3A_91 : memref<256xi32, #tpu.memory_space<vmem>>) semaphore(%run_scoped3A : memref<!tpu.dma_semaphore, #tpu.memory_space<semaphore_mem>>) {add = true}
          %dma_wait3A_95 = tpu.memref_slice %arg8[%mul3A_90] : memref<3584xi32, #tpu.memory_space<vmem>> -> memref<256xi32, #tpu.memory_space<vmem>>
          %dma_wait3A_96 = arith.constant 0 : i32
          %dma_wait3A_97 = arith.constant 0 : i32
          %dma_wait3A_98 = tpu.memref_slice %arg11[%dma_wait3A_96, %dma_wait3A_97] : memref<50176x32xf32, #tpu.memory_space<vmem_shared>> -> memref<50176x32xf32, #tpu.memory_space<vmem_shared>>
          tpu.wait_indirect_dma semaphore(%run_scoped3A : memref<!tpu.dma_semaphore, #tpu.memory_space<semaphore_mem>>) src(%arg10 : memref<256x32xf32, #tpu.memory_space<vmem>>) dst(%dma_wait3A_98 : memref<50176x32xf32, #tpu.memory_space<vmem_shared>>)
          tpu.yield
        }) : () -> ()
      }
      %scan3A_51 = arith.constant 7 : i32
    }
    %barrier3A_22 = arith.constant 0 : index
    tpu.barrier barrier_id(%barrier3A_22)
    %mul3A_23 = arith.constant 3136 : i32
    %mul3A_24 = arith.muli %arg1, %mul3A_23 : i32
    %mul3A_25 = arith.constant 3136 : i32
    %mul3A_26 = arith.muli %arg1, %mul3A_25 : i32
    "tpu.region"() ({
      %run_scoped3A = tpu.sem_alloc : memref<!tpu.dma_semaphore, #tpu.memory_space<semaphore_mem>>
      %dma_start3A = arith.constant 0 : i32
      %dma_start3A_27 = tpu.memref_slice %arg6[%arg0, %mul3A_26, %dma_start3A] : memref<2x50176x32xf32, #tpu.memory_space<hbm>> -> memref<1x3136x32xf32, #tpu.memory_space<hbm>>
      %dma_start3A_28 = tpu.memref_squeeze %dma_start3A_27 : memref<1x3136x32xf32, #tpu.memory_space<hbm>> -> memref<3136x32xf32, #tpu.memory_space<hbm>>
      %dma_start3A_29 = arith.constant 0 : i32
      %dma_start3A_30 = tpu.memref_slice %arg11[%mul3A_24, %dma_start3A_29] : memref<50176x32xf32, #tpu.memory_space<vmem_shared>> -> memref<3136x32xf32, #tpu.memory_space<vmem_shared>>
      tpu.enqueue_dma source(%dma_start3A_30 : memref<3136x32xf32, #tpu.memory_space<vmem_shared>>) target(%dma_start3A_28 : memref<3136x32xf32, #tpu.memory_space<hbm>>) target_semaphore(%run_scoped3A : memref<!tpu.dma_semaphore, #tpu.memory_space<semaphore_mem>>)
      %dma_wait3A = arith.constant 0 : i32
      %dma_wait3A_31 = tpu.memref_slice %arg6[%arg0, %mul3A_26, %dma_wait3A] : memref<2x50176x32xf32, #tpu.memory_space<hbm>> -> memref<1x3136x32xf32, #tpu.memory_space<hbm>>
      %dma_wait3A_32 = tpu.memref_squeeze %dma_wait3A_31 : memref<1x3136x32xf32, #tpu.memory_space<hbm>> -> memref<3136x32xf32, #tpu.memory_space<hbm>>
      %dma_wait3A_33 = arith.constant 0 : i32
      %dma_wait3A_34 = tpu.memref_slice %arg11[%mul3A_24, %dma_wait3A_33] : memref<50176x32xf32, #tpu.memory_space<vmem_shared>> -> memref<3136x32xf32, #tpu.memory_space<vmem_shared>>
      tpu.wait_dma2 semaphore(%run_scoped3A : memref<!tpu.dma_semaphore, #tpu.memory_space<semaphore_mem>>) src(%dma_wait3A_34 : memref<3136x32xf32, #tpu.memory_space<vmem_shared>>) dst(%dma_wait3A_32 : memref<3136x32xf32, #tpu.memory_space<hbm>>)
      tpu.yield
    }) : () -> ()
    return
  }
}

module attributes {stable_mosaic.version = 14 : i64} {
  func.func @_stage0_body(%arg0: i32, %arg1: memref<896x512xf32, #tpu.memory_space<vmem>>, %arg2: memref<512x128xf32, #tpu.memory_space<vmem>>, %arg3: memref<1x128xf32, #tpu.memory_space<vmem>>, %arg4: memref<2x896x32xf32, #tpu.memory_space<vmem>>, %arg5: memref<32x128xf32, #tpu.memory_space<vmem>>, %arg6: memref<896x128xf32, #tpu.memory_space<vmem>>, %arg7: memref<896x128xf32, #tpu.memory_space<vmem>>) attributes {dimension_semantics = [#tpu.dimension_semantics<arbitrary>], iteration_bounds = array<i64: 14>, scalar_prefetch = 0 : i64, scratch_operands = 0 : i64, tpu.core_type = #tpu.core_type<tc>, window_params = [{transform_indices = @transform_0, window_bounds = array<i64: 896, 512>}, {pipeline_mode = #tpu.pipeline_mode<synchronous>, transform_indices = @transform_1, window_bounds = array<i64: 512, 128>}, {pipeline_mode = #tpu.pipeline_mode<synchronous>, transform_indices = @transform_2, window_bounds = array<i64: 1, 128>}, {transform_indices = @transform_3, window_bounds = array<i64: 2, 896, 32>}, {pipeline_mode = #tpu.pipeline_mode<synchronous>, transform_indices = @transform_4, window_bounds = array<i64: 32, 128>}, {transform_indices = @transform_5, window_bounds = array<i64: 896, 128>}, {transform_indices = @transform_6, window_bounds = array<i64: 896, 128>}]} {
    %get3A = arith.constant 0 : index
    %get3A_0 = arith.constant 0 : index
    %get3A_1 = vector.load %arg1[%get3A, %get3A_0] : memref<896x512xf32, #tpu.memory_space<vmem>>, vector<896x512xf32>
    %get3A_2 = arith.constant 0 : index
    %get3A_3 = arith.constant 0 : index
    %get3A_4 = vector.load %arg2[%get3A_2, %get3A_3] : memref<512x128xf32, #tpu.memory_space<vmem>>, vector<512x128xf32>
    %dot_general3A = arith.constant dense<0.000000e+00> : vector<896x128xf32>
    %dot_general3A_5 = tpu.matmul %get3A_1, %get3A_4, %dot_general3A {dimension_numbers = #tpu.dot_dimension_numbers<[1], [0], [0], [1], [0, 0, 1, 1], [], []>, transpose_lhs_hint = false} : vector<896x512xf32>, vector<512x128xf32>, vector<896x128xf32> -> vector<896x128xf32>
    %get3A_6 = arith.constant 0 : index
    %get3A_7 = arith.constant 0 : index
    %get3A_8 = vector.load %arg3[%get3A_6, %get3A_7] : memref<1x128xf32, #tpu.memory_space<vmem>>, vector<1x128xf32>
    %add3A = vector.broadcast %get3A_8 : vector<1x128xf32> to vector<896x128xf32>
    %add3A_9 = arith.addf %dot_general3A_5, %add3A : vector<896x128xf32>
    %get3A_10 = arith.constant 0 : index
    %get3A_11 = arith.constant 0 : index
    %get3A_12 = arith.constant 0 : index
    %get3A_13 = vector.load %arg4[%get3A_10, %get3A_11, %get3A_12] : memref<2x896x32xf32, #tpu.memory_space<vmem>>, vector<1x896x32xf32>
    %get3A_14 = vector.shape_cast %get3A_13 : vector<1x896x32xf32> to vector<896x32xf32>
    %get3A_15 = arith.constant 1 : index
    %get3A_16 = arith.constant 0 : index
    %get3A_17 = arith.constant 0 : index
    %get3A_18 = vector.load %arg4[%get3A_15, %get3A_16, %get3A_17] : memref<2x896x32xf32, #tpu.memory_space<vmem>>, vector<1x896x32xf32>
    %get3A_19 = vector.shape_cast %get3A_18 : vector<1x896x32xf32> to vector<896x32xf32>
    %add3A_20 = arith.addf %get3A_14, %get3A_19 : vector<896x32xf32>
    %get3A_21 = arith.constant 0 : index
    %get3A_22 = arith.constant 0 : index
    %get3A_23 = vector.load %arg5[%get3A_21, %get3A_22] : memref<32x128xf32, #tpu.memory_space<vmem>>, vector<32x128xf32>
    %dot_general3A_24 = arith.constant dense<0.000000e+00> : vector<896x128xf32>
    %dot_general3A_25 = tpu.matmul %add3A_20, %get3A_23, %dot_general3A_24 {dimension_numbers = #tpu.dot_dimension_numbers<[1], [0], [0], [1], [0, 0, 1, 1], [], []>, transpose_lhs_hint = false} : vector<896x32xf32>, vector<32x128xf32>, vector<896x128xf32> -> vector<896x128xf32>
    %add3A_26 = arith.constant 1.000000e+00 : f32
    %add3A_27 = vector.broadcast %add3A_26 : f32 to vector<896x128xf32>
    %add3A_28 = arith.addf %dot_general3A_25, %add3A_27 : vector<896x128xf32>
    %iota3A = tpu.iota {dimensions = array<i32: 0>} : vector<896x128xi32>
    %iota3A_29 = tpu.iota {dimensions = array<i32: 1>} : vector<896x128xi32>
    %mul3A = arith.constant 896 : i32
    %mul3A_30 = arith.muli %arg0, %mul3A : i32
    %add3A_31 = vector.broadcast %mul3A_30 : i32 to vector<896x128xi32>
    %add3A_32 = arith.addi %add3A_31, %iota3A : vector<896x128xi32>
    %mul3A_33 = arith.constant 4 : i32
    %mul3A_34 = vector.broadcast %mul3A_33 : i32 to vector<896x128xi32>
    %mul3A_35 = arith.muli %mul3A_34, %add3A_32 : vector<896x128xi32>
    %jit3A = arith.constant 32 : i32
    %div3A = vector.broadcast %jit3A : i32 to vector<896x128xi32>
    %div3A_36 = arith.divsi %iota3A_29, %div3A : vector<896x128xi32>
    %sign3A = arith.constant 0 : i32
    %sign3A_37 = vector.broadcast %sign3A : i32 to vector<896x128xi32>
    %sign3A_38 = arith.cmpi sgt, %iota3A_29, %sign3A_37 : vector<896x128xi32>
    %sign3A_39 = arith.extui %sign3A_38 : vector<896x128xi1> to vector<896x128xi32>
    %sign3A_40 = arith.constant 0 : i32
    %sign3A_41 = vector.broadcast %sign3A_40 : i32 to vector<896x128xi32>
    %sign3A_42 = arith.cmpi slt, %iota3A_29, %sign3A_41 : vector<896x128xi32>
    %sign3A_43 = arith.extui %sign3A_42 : vector<896x128xi1> to vector<896x128xi32>
    %sign3A_44 = arith.subi %sign3A_39, %sign3A_43 : vector<896x128xi32>
    %sign3A_45 = arith.constant 0 : i32
    %sign3A_46 = arith.cmpi sgt, %jit3A, %sign3A_45 : i32
    %sign3A_47 = arith.extui %sign3A_46 : i1 to i32
    %sign3A_48 = arith.constant 0 : i32
    %sign3A_49 = arith.cmpi slt, %jit3A, %sign3A_48 : i32
    %sign3A_50 = arith.extui %sign3A_49 : i1 to i32
    %sign3A_51 = arith.subi %sign3A_47, %sign3A_50 : i32
    %ne3A = vector.broadcast %sign3A_51 : i32 to vector<896x128xi32>
    %ne3A_52 = arith.cmpi ne, %sign3A_44, %ne3A : vector<896x128xi32>
    %rem3A = vector.broadcast %jit3A : i32 to vector<896x128xi32>
    %rem3A_53 = arith.remsi %iota3A_29, %rem3A : vector<896x128xi32>
    %ne3A_54 = arith.constant 0 : i32
    %ne3A_55 = vector.broadcast %ne3A_54 : i32 to vector<896x128xi32>
    %ne3A_56 = arith.cmpi ne, %rem3A_53, %ne3A_55 : vector<896x128xi32>
    %and3A = arith.andi %ne3A_52, %ne3A_56 : vector<896x128xi1>
    %sub3A = arith.constant 1 : i32
    %sub3A_57 = vector.broadcast %sub3A : i32 to vector<896x128xi32>
    %sub3A_58 = arith.subi %div3A_36, %sub3A_57 : vector<896x128xi32>
    %select_n3A = arith.select %and3A, %sub3A_58, %div3A_36 : vector<896x128xi1>, vector<896x128xi32>
    %add3A_59 = arith.addi %mul3A_35, %select_n3A : vector<896x128xi32>
    %lt3A = arith.constant 50000 : i32
    %lt3A_60 = vector.broadcast %lt3A : i32 to vector<896x128xi32>
    %lt3A_61 = arith.cmpi slt, %add3A_59, %lt3A_60 : vector<896x128xi32>
    %rsqrt3A = math.rsqrt %add3A_28 : vector<896x128xf32>
    %jit3A_62 = arith.constant 0.000000e+00 : f32
    %broadcast_in_dim3A = vector.broadcast %jit3A_62 : f32 to vector<896x128xf32>
    %select_n3A_63 = arith.select %lt3A_61, %rsqrt3A, %broadcast_in_dim3A : vector<896x128xi1>, vector<896x128xf32>
    %mul3A_64 = arith.mulf %select_n3A_63, %add3A_9 : vector<896x128xf32>
    %swap3A = arith.constant 0 : index
    %swap3A_65 = arith.constant 0 : index
    %swap3A_66 = vector.load %arg6[%swap3A, %swap3A_65] : memref<896x128xf32, #tpu.memory_space<vmem>>, vector<896x128xf32>
    tpu.vector_store %arg6[%swap3A, %swap3A_65], %mul3A_64 {strides = array<i32>} : memref<896x128xf32, #tpu.memory_space<vmem>>, vector<896x128xf32>,
    %swap3A_67 = arith.constant 0 : index
    %swap3A_68 = arith.constant 0 : index
    %swap3A_69 = vector.load %arg7[%swap3A_67, %swap3A_68] : memref<896x128xf32, #tpu.memory_space<vmem>>, vector<896x128xf32>
    tpu.vector_store %arg7[%swap3A_67, %swap3A_68], %select_n3A_63 {strides = array<i32>} : memref<896x128xf32, #tpu.memory_space<vmem>>, vector<896x128xf32>,
    return
  }
  func.func @transform_0(%arg0: i32) -> (i32, i32) {
    %c0_i32 = arith.constant 0 : i32
    %c0_i32_0 = arith.constant 0 : i32
    return %arg0, %c0_i32 : i32, i32
  }
  func.func @transform_1(%arg0: i32) -> (i32, i32) {
    %c0_i32 = arith.constant 0 : i32
    %c0_i32_0 = arith.constant 0 : i32
    %c0_i32_1 = arith.constant 0 : i32
    return %c0_i32, %c0_i32_0 : i32, i32
  }
  func.func @transform_2(%arg0: i32) -> (i32, i32) {
    %c0_i32 = arith.constant 0 : i32
    %c0_i32_0 = arith.constant 0 : i32
    %c0_i32_1 = arith.constant 0 : i32
    return %c0_i32, %c0_i32_0 : i32, i32
  }
  func.func @transform_3(%arg0: i32) -> (i32, i32, i32) {
    %c0_i32 = arith.constant 0 : i32
    %c0_i32_0 = arith.constant 0 : i32
    %c0_i32_1 = arith.constant 0 : i32
    return %c0_i32, %arg0, %c0_i32_0 : i32, i32, i32
  }
  func.func @transform_4(%arg0: i32) -> (i32, i32) {
    %c0_i32 = arith.constant 0 : i32
    %c0_i32_0 = arith.constant 0 : i32
    %c0_i32_1 = arith.constant 0 : i32
    return %c0_i32, %c0_i32_0 : i32, i32
  }
  func.func @transform_5(%arg0: i32) -> (i32, i32) {
    %c0_i32 = arith.constant 0 : i32
    %c0_i32_0 = arith.constant 0 : i32
    return %arg0, %c0_i32 : i32, i32
  }
  func.func @transform_6(%arg0: i32) -> (i32, i32) {
    %c0_i32 = arith.constant 0 : i32
    %c0_i32_0 = arith.constant 0 : i32
    return %arg0, %c0_i32 : i32, i32
  }
}

module attributes {stable_mosaic.version = 14 : i64} {
  func.func @_layer1_body(%arg0: i32, %arg1: memref<2x896x128xf32, #tpu.memory_space<vmem>>, %arg2: memref<896x128xf32, #tpu.memory_space<vmem>>, %arg3: memref<896x128xf32, #tpu.memory_space<vmem>>, %arg4: memref<128x256xf32, #tpu.memory_space<vmem>>, %arg5: memref<1x256xf32, #tpu.memory_space<vmem>>, %arg6: memref<256x128xf32, #tpu.memory_space<vmem>>, %arg7: memref<256x128xf32, #tpu.memory_space<vmem>>, %arg8: memref<896x128xf32, #tpu.memory_space<vmem>>, %arg9: memref<896x128xf32, #tpu.memory_space<vmem>>) attributes {dimension_semantics = [#tpu.dimension_semantics<arbitrary>], iteration_bounds = array<i64: 14>, scalar_prefetch = 0 : i64, scratch_operands = 0 : i64, tpu.core_type = #tpu.core_type<tc>, window_params = [{transform_indices = @transform_0, window_bounds = array<i64: 2, 896, 128>}, {transform_indices = @transform_1, window_bounds = array<i64: 896, 128>}, {transform_indices = @transform_2, window_bounds = array<i64: 896, 128>}, {pipeline_mode = #tpu.pipeline_mode<synchronous>, transform_indices = @transform_3, window_bounds = array<i64: 128, 256>}, {pipeline_mode = #tpu.pipeline_mode<synchronous>, transform_indices = @transform_4, window_bounds = array<i64: 1, 256>}, {pipeline_mode = #tpu.pipeline_mode<synchronous>, transform_indices = @transform_5, window_bounds = array<i64: 256, 128>}, {pipeline_mode = #tpu.pipeline_mode<synchronous>, transform_indices = @transform_6, window_bounds = array<i64: 256, 128>}, {transform_indices = @transform_7, window_bounds = array<i64: 896, 128>}, {transform_indices = @transform_8, window_bounds = array<i64: 896, 128>}]} {
    %get3A = arith.constant 0 : index
    %get3A_0 = arith.constant 0 : index
    %get3A_1 = vector.load %arg3[%get3A, %get3A_0] : memref<896x128xf32, #tpu.memory_space<vmem>>, vector<896x128xf32>
    %get3A_2 = arith.constant 0 : index
    %get3A_3 = arith.constant 0 : index
    %get3A_4 = arith.constant 0 : index
    %get3A_5 = vector.load %arg1[%get3A_2, %get3A_3, %get3A_4] : memref<2x896x128xf32, #tpu.memory_space<vmem>>, vector<1x896x128xf32>
    %get3A_6 = vector.shape_cast %get3A_5 : vector<1x896x128xf32> to vector<896x128xf32>
    %get3A_7 = arith.constant 1 : index
    %get3A_8 = arith.constant 0 : index
    %get3A_9 = arith.constant 0 : index
    %get3A_10 = vector.load %arg1[%get3A_7, %get3A_8, %get3A_9] : memref<2x896x128xf32, #tpu.memory_space<vmem>>, vector<1x896x128xf32>
    %get3A_11 = vector.shape_cast %get3A_10 : vector<1x896x128xf32> to vector<896x128xf32>
    %add3A = arith.addf %get3A_6, %get3A_11 : vector<896x128xf32>
    %get3A_12 = arith.constant 0 : index
    %get3A_13 = arith.constant 0 : index
    %get3A_14 = vector.load %arg2[%get3A_12, %get3A_13] : memref<896x128xf32, #tpu.memory_space<vmem>>, vector<896x128xf32>
    %add3A_15 = arith.addf %add3A, %get3A_14 : vector<896x128xf32>
    %mul3A = arith.mulf %get3A_1, %add3A_15 : vector<896x128xf32>
    %get3A_16 = arith.constant 0 : index
    %get3A_17 = arith.constant 0 : index
    %get3A_18 = vector.load %arg4[%get3A_16, %get3A_17] : memref<128x256xf32, #tpu.memory_space<vmem>>, vector<128x256xf32>
    %dot_general3A = arith.constant dense<0.000000e+00> : vector<896x256xf32>
    %dot_general3A_19 = tpu.matmul %mul3A, %get3A_18, %dot_general3A {dimension_numbers = #tpu.dot_dimension_numbers<[1], [0], [0], [1], [0, 0, 1, 1], [], []>, transpose_lhs_hint = false} : vector<896x128xf32>, vector<128x256xf32>, vector<896x256xf32> -> vector<896x256xf32>
    %get3A_20 = arith.constant 0 : index
    %get3A_21 = arith.constant 0 : index
    %get3A_22 = vector.load %arg5[%get3A_20, %get3A_21] : memref<1x256xf32, #tpu.memory_space<vmem>>, vector<1x256xf32>
    %add3A_23 = vector.broadcast %get3A_22 : vector<1x256xf32> to vector<896x256xf32>
    %add3A_24 = arith.addf %dot_general3A_19, %add3A_23 : vector<896x256xf32>
    %max3A = arith.constant 0.000000e+00 : f32
    %max3A_25 = vector.broadcast %max3A : f32 to vector<896x256xf32>
    %max3A_26 = arith.maximumf %add3A_24, %max3A_25 : vector<896x256xf32>
    %get3A_27 = arith.constant 0 : index
    %get3A_28 = arith.constant 0 : index
    %get3A_29 = vector.load %arg6[%get3A_27, %get3A_28] : memref<256x128xf32, #tpu.memory_space<vmem>>, vector<256x128xf32>
    %dot_general3A_30 = arith.constant dense<0.000000e+00> : vector<896x128xf32>
    %dot_general3A_31 = tpu.matmul %max3A_26, %get3A_29, %dot_general3A_30 {dimension_numbers = #tpu.dot_dimension_numbers<[1], [0], [0], [1], [0, 0, 1, 1], [], []>, transpose_lhs_hint = false} : vector<896x256xf32>, vector<256x128xf32>, vector<896x128xf32> -> vector<896x128xf32>
    %mul3A_32 = arith.mulf %get3A_1, %dot_general3A_31 : vector<896x128xf32>
    %swap3A = arith.constant 0 : index
    %swap3A_33 = arith.constant 0 : index
    %swap3A_34 = vector.load %arg8[%swap3A, %swap3A_33] : memref<896x128xf32, #tpu.memory_space<vmem>>, vector<896x128xf32>
    tpu.vector_store %arg8[%swap3A, %swap3A_33], %mul3A_32 {strides = array<i32>} : memref<896x128xf32, #tpu.memory_space<vmem>>, vector<896x128xf32>,
    %get3A_35 = arith.constant 0 : index
    %get3A_36 = arith.constant 0 : index
    %get3A_37 = vector.load %arg7[%get3A_35, %get3A_36] : memref<256x128xf32, #tpu.memory_space<vmem>>, vector<256x128xf32>
    %dot_general3A_38 = arith.constant dense<0.000000e+00> : vector<896x128xf32>
    %dot_general3A_39 = tpu.matmul %max3A_26, %get3A_37, %dot_general3A_38 {dimension_numbers = #tpu.dot_dimension_numbers<[1], [0], [0], [1], [0, 0, 1, 1], [], []>, transpose_lhs_hint = false} : vector<896x256xf32>, vector<256x128xf32>, vector<896x128xf32> -> vector<896x128xf32>
    %mul3A_40 = arith.mulf %get3A_1, %dot_general3A_39 : vector<896x128xf32>
    %swap3A_41 = arith.constant 0 : index
    %swap3A_42 = arith.constant 0 : index
    %swap3A_43 = vector.load %arg9[%swap3A_41, %swap3A_42] : memref<896x128xf32, #tpu.memory_space<vmem>>, vector<896x128xf32>
    tpu.vector_store %arg9[%swap3A_41, %swap3A_42], %mul3A_40 {strides = array<i32>} : memref<896x128xf32, #tpu.memory_space<vmem>>, vector<896x128xf32>,
    return
  }
  func.func @transform_0(%arg0: i32) -> (i32, i32, i32) {
    %c0_i32 = arith.constant 0 : i32
    %c0_i32_0 = arith.constant 0 : i32
    %c0_i32_1 = arith.constant 0 : i32
    return %c0_i32, %arg0, %c0_i32_0 : i32, i32, i32
  }
  func.func @transform_1(%arg0: i32) -> (i32, i32) {
    %c0_i32 = arith.constant 0 : i32
    %c0_i32_0 = arith.constant 0 : i32
    return %arg0, %c0_i32 : i32, i32
  }
  func.func @transform_2(%arg0: i32) -> (i32, i32) {
    %c0_i32 = arith.constant 0 : i32
    %c0_i32_0 = arith.constant 0 : i32
    return %arg0, %c0_i32 : i32, i32
  }
  func.func @transform_3(%arg0: i32) -> (i32, i32) {
    %c0_i32 = arith.constant 0 : i32
    %c0_i32_0 = arith.constant 0 : i32
    %c0_i32_1 = arith.constant 0 : i32
    return %c0_i32, %c0_i32_0 : i32, i32
  }
  func.func @transform_4(%arg0: i32) -> (i32, i32) {
    %c0_i32 = arith.constant 0 : i32
    %c0_i32_0 = arith.constant 0 : i32
    %c0_i32_1 = arith.constant 0 : i32
    return %c0_i32, %c0_i32_0 : i32, i32
  }
  func.func @transform_5(%arg0: i32) -> (i32, i32) {
    %c0_i32 = arith.constant 0 : i32
    %c0_i32_0 = arith.constant 0 : i32
    %c0_i32_1 = arith.constant 0 : i32
    return %c0_i32, %c0_i32_0 : i32, i32
  }
  func.func @transform_6(%arg0: i32) -> (i32, i32) {
    %c0_i32 = arith.constant 0 : i32
    %c0_i32_0 = arith.constant 0 : i32
    %c0_i32_1 = arith.constant 0 : i32
    return %c0_i32, %c0_i32_0 : i32, i32
  }
  func.func @transform_7(%arg0: i32) -> (i32, i32) {
    %c0_i32 = arith.constant 0 : i32
    %c0_i32_0 = arith.constant 0 : i32
    return %arg0, %c0_i32 : i32, i32
  }
  func.func @transform_8(%arg0: i32) -> (i32, i32) {
    %c0_i32 = arith.constant 0 : i32
    %c0_i32_0 = arith.constant 0 : i32
    return %arg0, %c0_i32 : i32, i32
  }
}

module attributes {stable_mosaic.version = 14 : i64} {
  func.func @_layer2_body(%arg0: i32, %arg1: memref<2x896x128xf32, #tpu.memory_space<vmem>>, %arg2: memref<2x896x128xf32, #tpu.memory_space<vmem>>, %arg3: memref<896x128xf32, #tpu.memory_space<vmem>>, %arg4: memref<896x128xf32, #tpu.memory_space<vmem>>, %arg5: memref<896x128xf32, #tpu.memory_space<vmem>>, %arg6: memref<128x256xf32, #tpu.memory_space<vmem>>, %arg7: memref<128x256xf32, #tpu.memory_space<vmem>>, %arg8: memref<1x256xf32, #tpu.memory_space<vmem>>, %arg9: memref<256x128xf32, #tpu.memory_space<vmem>>, %arg10: memref<896x128xf32, #tpu.memory_space<vmem>>) attributes {dimension_semantics = [#tpu.dimension_semantics<arbitrary>], iteration_bounds = array<i64: 14>, scalar_prefetch = 0 : i64, scratch_operands = 0 : i64, tpu.core_type = #tpu.core_type<tc>, window_params = [{transform_indices = @transform_0, window_bounds = array<i64: 2, 896, 128>}, {transform_indices = @transform_1, window_bounds = array<i64: 2, 896, 128>}, {transform_indices = @transform_2, window_bounds = array<i64: 896, 128>}, {transform_indices = @transform_3, window_bounds = array<i64: 896, 128>}, {transform_indices = @transform_4, window_bounds = array<i64: 896, 128>}, {pipeline_mode = #tpu.pipeline_mode<synchronous>, transform_indices = @transform_5, window_bounds = array<i64: 128, 256>}, {pipeline_mode = #tpu.pipeline_mode<synchronous>, transform_indices = @transform_6, window_bounds = array<i64: 128, 256>}, {pipeline_mode = #tpu.pipeline_mode<synchronous>, transform_indices = @transform_7, window_bounds = array<i64: 1, 256>}, {pipeline_mode = #tpu.pipeline_mode<synchronous>, transform_indices = @transform_8, window_bounds = array<i64: 256, 128>}, {transform_indices = @transform_9, window_bounds = array<i64: 896, 128>}]} {
    %get3A = arith.constant 0 : index
    %get3A_0 = arith.constant 0 : index
    %get3A_1 = vector.load %arg5[%get3A, %get3A_0] : memref<896x128xf32, #tpu.memory_space<vmem>>, vector<896x128xf32>
    %get3A_2 = arith.constant 0 : index
    %get3A_3 = arith.constant 0 : index
    %get3A_4 = arith.constant 0 : index
    %get3A_5 = vector.load %arg1[%get3A_2, %get3A_3, %get3A_4] : memref<2x896x128xf32, #tpu.memory_space<vmem>>, vector<1x896x128xf32>
    %get3A_6 = vector.shape_cast %get3A_5 : vector<1x896x128xf32> to vector<896x128xf32>
    %get3A_7 = arith.constant 1 : index
    %get3A_8 = arith.constant 0 : index
    %get3A_9 = arith.constant 0 : index
    %get3A_10 = vector.load %arg1[%get3A_7, %get3A_8, %get3A_9] : memref<2x896x128xf32, #tpu.memory_space<vmem>>, vector<1x896x128xf32>
    %get3A_11 = vector.shape_cast %get3A_10 : vector<1x896x128xf32> to vector<896x128xf32>
    %add3A = arith.addf %get3A_6, %get3A_11 : vector<896x128xf32>
    %get3A_12 = arith.constant 0 : index
    %get3A_13 = arith.constant 0 : index
    %get3A_14 = vector.load %arg3[%get3A_12, %get3A_13] : memref<896x128xf32, #tpu.memory_space<vmem>>, vector<896x128xf32>
    %add3A_15 = arith.addf %add3A, %get3A_14 : vector<896x128xf32>
    %mul3A = arith.mulf %get3A_1, %add3A_15 : vector<896x128xf32>
    %get3A_16 = arith.constant 0 : index
    %get3A_17 = arith.constant 0 : index
    %get3A_18 = arith.constant 0 : index
    %get3A_19 = vector.load %arg2[%get3A_16, %get3A_17, %get3A_18] : memref<2x896x128xf32, #tpu.memory_space<vmem>>, vector<1x896x128xf32>
    %get3A_20 = vector.shape_cast %get3A_19 : vector<1x896x128xf32> to vector<896x128xf32>
    %get3A_21 = arith.constant 1 : index
    %get3A_22 = arith.constant 0 : index
    %get3A_23 = arith.constant 0 : index
    %get3A_24 = vector.load %arg2[%get3A_21, %get3A_22, %get3A_23] : memref<2x896x128xf32, #tpu.memory_space<vmem>>, vector<1x896x128xf32>
    %get3A_25 = vector.shape_cast %get3A_24 : vector<1x896x128xf32> to vector<896x128xf32>
    %add3A_26 = arith.addf %get3A_20, %get3A_25 : vector<896x128xf32>
    %get3A_27 = arith.constant 0 : index
    %get3A_28 = arith.constant 0 : index
    %get3A_29 = vector.load %arg4[%get3A_27, %get3A_28] : memref<896x128xf32, #tpu.memory_space<vmem>>, vector<896x128xf32>
    %add3A_30 = arith.addf %add3A_26, %get3A_29 : vector<896x128xf32>
    %mul3A_31 = arith.mulf %get3A_1, %add3A_30 : vector<896x128xf32>
    %get3A_32 = arith.constant 0 : index
    %get3A_33 = arith.constant 0 : index
    %get3A_34 = vector.load %arg6[%get3A_32, %get3A_33] : memref<128x256xf32, #tpu.memory_space<vmem>>, vector<128x256xf32>
    %dot_general3A = arith.constant dense<0.000000e+00> : vector<896x256xf32>
    %dot_general3A_35 = tpu.matmul %mul3A, %get3A_34, %dot_general3A {dimension_numbers = #tpu.dot_dimension_numbers<[1], [0], [0], [1], [0, 0, 1, 1], [], []>, transpose_lhs_hint = false} : vector<896x128xf32>, vector<128x256xf32>, vector<896x256xf32> -> vector<896x256xf32>
    %get3A_36 = arith.constant 0 : index
    %get3A_37 = arith.constant 0 : index
    %get3A_38 = vector.load %arg7[%get3A_36, %get3A_37] : memref<128x256xf32, #tpu.memory_space<vmem>>, vector<128x256xf32>
    %dot_general3A_39 = arith.constant dense<0.000000e+00> : vector<896x256xf32>
    %dot_general3A_40 = tpu.matmul %mul3A_31, %get3A_38, %dot_general3A_39 {dimension_numbers = #tpu.dot_dimension_numbers<[1], [0], [0], [1], [0, 0, 1, 1], [], []>, transpose_lhs_hint = false} : vector<896x128xf32>, vector<128x256xf32>, vector<896x256xf32> -> vector<896x256xf32>
    %add3A_41 = arith.addf %dot_general3A_35, %dot_general3A_40 : vector<896x256xf32>
    %get3A_42 = arith.constant 0 : index
    %get3A_43 = arith.constant 0 : index
    %get3A_44 = vector.load %arg8[%get3A_42, %get3A_43] : memref<1x256xf32, #tpu.memory_space<vmem>>, vector<1x256xf32>
    %add3A_45 = vector.broadcast %get3A_44 : vector<1x256xf32> to vector<896x256xf32>
    %add3A_46 = arith.addf %add3A_41, %add3A_45 : vector<896x256xf32>
    %max3A = arith.constant 0.000000e+00 : f32
    %max3A_47 = vector.broadcast %max3A : f32 to vector<896x256xf32>
    %max3A_48 = arith.maximumf %add3A_46, %max3A_47 : vector<896x256xf32>
    %get3A_49 = arith.constant 0 : index
    %get3A_50 = arith.constant 0 : index
    %get3A_51 = vector.load %arg9[%get3A_49, %get3A_50] : memref<256x128xf32, #tpu.memory_space<vmem>>, vector<256x128xf32>
    %dot_general3A_52 = arith.constant dense<0.000000e+00> : vector<896x128xf32>
    %dot_general3A_53 = tpu.matmul %max3A_48, %get3A_51, %dot_general3A_52 {dimension_numbers = #tpu.dot_dimension_numbers<[1], [0], [0], [1], [0, 0, 1, 1], [], []>, transpose_lhs_hint = false} : vector<896x256xf32>, vector<256x128xf32>, vector<896x128xf32> -> vector<896x128xf32>
    %mul3A_54 = arith.mulf %get3A_1, %dot_general3A_53 : vector<896x128xf32>
    %swap3A = arith.constant 0 : index
    %swap3A_55 = arith.constant 0 : index
    %swap3A_56 = vector.load %arg10[%swap3A, %swap3A_55] : memref<896x128xf32, #tpu.memory_space<vmem>>, vector<896x128xf32>
    tpu.vector_store %arg10[%swap3A, %swap3A_55], %mul3A_54 {strides = array<i32>} : memref<896x128xf32, #tpu.memory_space<vmem>>, vector<896x128xf32>,
    return
  }
  func.func @transform_0(%arg0: i32) -> (i32, i32, i32) {
    %c0_i32 = arith.constant 0 : i32
    %c0_i32_0 = arith.constant 0 : i32
    %c0_i32_1 = arith.constant 0 : i32
    return %c0_i32, %arg0, %c0_i32_0 : i32, i32, i32
  }
  func.func @transform_1(%arg0: i32) -> (i32, i32, i32) {
    %c0_i32 = arith.constant 0 : i32
    %c0_i32_0 = arith.constant 0 : i32
    %c0_i32_1 = arith.constant 0 : i32
    return %c0_i32, %arg0, %c0_i32_0 : i32, i32, i32
  }
  func.func @transform_2(%arg0: i32) -> (i32, i32) {
    %c0_i32 = arith.constant 0 : i32
    %c0_i32_0 = arith.constant 0 : i32
    return %arg0, %c0_i32 : i32, i32
  }
  func.func @transform_3(%arg0: i32) -> (i32, i32) {
    %c0_i32 = arith.constant 0 : i32
    %c0_i32_0 = arith.constant 0 : i32
    return %arg0, %c0_i32 : i32, i32
  }
  func.func @transform_4(%arg0: i32) -> (i32, i32) {
    %c0_i32 = arith.constant 0 : i32
    %c0_i32_0 = arith.constant 0 : i32
    return %arg0, %c0_i32 : i32, i32
  }
  func.func @transform_5(%arg0: i32) -> (i32, i32) {
    %c0_i32 = arith.constant 0 : i32
    %c0_i32_0 = arith.constant 0 : i32
    %c0_i32_1 = arith.constant 0 : i32
    return %c0_i32, %c0_i32_0 : i32, i32
  }
  func.func @transform_6(%arg0: i32) -> (i32, i32) {
    %c0_i32 = arith.constant 0 : i32
    %c0_i32_0 = arith.constant 0 : i32
    %c0_i32_1 = arith.constant 0 : i32
    return %c0_i32, %c0_i32_0 : i32, i32
  }
  func.func @transform_7(%arg0: i32) -> (i32, i32) {
    %c0_i32 = arith.constant 0 : i32
    %c0_i32_0 = arith.constant 0 : i32
    %c0_i32_1 = arith.constant 0 : i32
    return %c0_i32, %c0_i32_0 : i32, i32
  }
  func.func @transform_8(%arg0: i32) -> (i32, i32) {
    %c0_i32 = arith.constant 0 : i32
    %c0_i32_0 = arith.constant 0 : i32
    %c0_i32_1 = arith.constant 0 : i32
    return %c0_i32, %c0_i32_0 : i32, i32
  }
  func.func @transform_9(%arg0: i32) -> (i32, i32) {
    %c0_i32 = arith.constant 0 : i32
    %c0_i32_0 = arith.constant 0 : i32
    return %arg0, %c0_i32 : i32, i32
  }
}

module attributes {stable_mosaic.version = 14 : i64} {
  func.func @_pool_body(%arg0: i32, %arg1: memref<2x896x128xf32, #tpu.memory_space<vmem>>, %arg2: memref<896x128xf32, #tpu.memory_space<vmem>>, %arg3: memref<896x128xf32, #tpu.memory_space<vmem>>, %arg4: memref<1x128xf32, #tpu.memory_space<vmem>>, %arg5: memref<8x896xi32, #tpu.memory_space<vmem>>, %arg6: memref<64x32xf32, #tpu.memory_space<vmem>>, %arg7: memref<64x32xf32, #tpu.memory_space<vmem>>) attributes {dimension_semantics = [#tpu.dimension_semantics<arbitrary>], iteration_bounds = array<i64: 14>, scalar_prefetch = 0 : i64, scratch_operands = 0 : i64, tpu.core_type = #tpu.core_type<tc>, window_params = [{transform_indices = @transform_0, window_bounds = array<i64: 2, 896, 128>}, {transform_indices = @transform_1, window_bounds = array<i64: 896, 128>}, {transform_indices = @transform_2, window_bounds = array<i64: 896, 128>}, {pipeline_mode = #tpu.pipeline_mode<synchronous>, transform_indices = @transform_3, window_bounds = array<i64: 1, 128>}, {transform_indices = @transform_4, window_bounds = array<i64: 8, 896>}, {pipeline_mode = #tpu.pipeline_mode<synchronous>, transform_indices = @transform_5, window_bounds = array<i64: 64, 32>}, {pipeline_mode = #tpu.pipeline_mode<synchronous>, transform_indices = @transform_6, window_bounds = array<i64: 64, 32>}]} {
    %get3A = arith.constant 0 : index
    %get3A_0 = arith.constant 0 : index
    %get3A_1 = vector.load %arg3[%get3A, %get3A_0] : memref<896x128xf32, #tpu.memory_space<vmem>>, vector<896x128xf32>
    %get3A_2 = arith.constant 0 : index
    %get3A_3 = arith.constant 0 : index
    %get3A_4 = arith.constant 0 : index
    %get3A_5 = vector.load %arg1[%get3A_2, %get3A_3, %get3A_4] : memref<2x896x128xf32, #tpu.memory_space<vmem>>, vector<1x896x128xf32>
    %get3A_6 = vector.shape_cast %get3A_5 : vector<1x896x128xf32> to vector<896x128xf32>
    %get3A_7 = arith.constant 1 : index
    %get3A_8 = arith.constant 0 : index
    %get3A_9 = arith.constant 0 : index
    %get3A_10 = vector.load %arg1[%get3A_7, %get3A_8, %get3A_9] : memref<2x896x128xf32, #tpu.memory_space<vmem>>, vector<1x896x128xf32>
    %get3A_11 = vector.shape_cast %get3A_10 : vector<1x896x128xf32> to vector<896x128xf32>
    %add3A = arith.addf %get3A_6, %get3A_11 : vector<896x128xf32>
    %get3A_12 = arith.constant 0 : index
    %get3A_13 = arith.constant 0 : index
    %get3A_14 = vector.load %arg2[%get3A_12, %get3A_13] : memref<896x128xf32, #tpu.memory_space<vmem>>, vector<896x128xf32>
    %add3A_15 = arith.addf %add3A, %get3A_14 : vector<896x128xf32>
    %mul3A = arith.mulf %get3A_1, %add3A_15 : vector<896x128xf32>
    %get3A_16 = arith.constant 0 : index
    %get3A_17 = arith.constant 0 : index
    %get3A_18 = vector.load %arg4[%get3A_16, %get3A_17] : memref<1x128xf32, #tpu.memory_space<vmem>>, vector<1x128xf32>
    %add3A_19 = vector.broadcast %get3A_18 : vector<1x128xf32> to vector<896x128xf32>
    %add3A_20 = arith.addf %mul3A, %add3A_19 : vector<896x128xf32>
    %iota3A = tpu.iota {dimensions = array<i32: 0>} : vector<64x896xi32>
    %broadcast_in_dim3A = arith.constant 1.000000e+00 : f32
    %broadcast_in_dim3A_21 = vector.broadcast %broadcast_in_dim3A : f32 to vector<896x32xf32>
    %broadcast_in_dim3A_22 = arith.constant 0.000000e+00 : f32
    %broadcast_in_dim3A_23 = vector.broadcast %broadcast_in_dim3A_22 : f32 to vector<64x32xf32>
    %broadcast_in_dim3A_24 = arith.constant 0.000000e+00 : f32
    %broadcast_in_dim3A_25 = vector.broadcast %broadcast_in_dim3A_24 : f32 to vector<64x32xf32>
    %get3A_26 = arith.constant 0 : index
    %get3A_27 = arith.constant 0 : index
    %get3A_28 = vector.load %arg5[%get3A_26, %get3A_27] : memref<8x896xi32, #tpu.memory_space<vmem>>, vector<1x896xi32>
    %eq3A = vector.broadcast %get3A_28 : vector<1x896xi32> to vector<64x896xi32>
    %eq3A_29 = arith.cmpi eq, %eq3A, %iota3A : vector<64x896xi32>
    %jit3A = arith.constant 1.000000e+00 : f32
    %jit3A_30 = arith.constant 0.000000e+00 : f32
    %broadcast_in_dim3A_31 = vector.broadcast %jit3A : f32 to vector<64x896xf32>
    %broadcast_in_dim3A_32 = vector.broadcast %jit3A_30 : f32 to vector<64x896xf32>
    %select_n3A = arith.select %eq3A_29, %broadcast_in_dim3A_31, %broadcast_in_dim3A_32 : vector<64x896xi1>, vector<64x896xf32>
    %slice3A = vector.extract_strided_slice %add3A_20 {offsets = [0, 0], sizes = [896, 32], strides = [1, 1]} : vector<896x128xf32> to vector<896x32xf32>
    %dot_general3A = arith.constant dense<0.000000e+00> : vector<64x32xf32>
    %dot_general3A_33 = tpu.matmul %select_n3A, %slice3A, %dot_general3A {dimension_numbers = #tpu.dot_dimension_numbers<[1], [0], [0], [1], [0, 0, 1, 1], [], []>, transpose_lhs_hint = false} : vector<64x896xf32>, vector<896x32xf32>, vector<64x32xf32> -> vector<64x32xf32>
    %add3A_34 = arith.addf %broadcast_in_dim3A_23, %dot_general3A_33 : vector<64x32xf32>
    %dot_general3A_35 = arith.constant dense<0.000000e+00> : vector<64x32xf32>
    %dot_general3A_36 = tpu.matmul %select_n3A, %broadcast_in_dim3A_21, %dot_general3A_35 {dimension_numbers = #tpu.dot_dimension_numbers<[1], [0], [0], [1], [0, 0, 1, 1], [], []>, transpose_lhs_hint = false} : vector<64x896xf32>, vector<896x32xf32>, vector<64x32xf32> -> vector<64x32xf32>
    %add3A_37 = arith.addf %broadcast_in_dim3A_25, %dot_general3A_36 : vector<64x32xf32>
    %get3A_38 = arith.constant 1 : index
    %get3A_39 = arith.constant 0 : index
    %get3A_40 = vector.load %arg5[%get3A_38, %get3A_39] : memref<8x896xi32, #tpu.memory_space<vmem>>, vector<1x896xi32>
    %eq3A_41 = vector.broadcast %get3A_40 : vector<1x896xi32> to vector<64x896xi32>
    %eq3A_42 = arith.cmpi eq, %eq3A_41, %iota3A : vector<64x896xi32>
    %jit3A_43 = arith.constant 1.000000e+00 : f32
    %jit3A_44 = arith.constant 0.000000e+00 : f32
    %broadcast_in_dim3A_45 = vector.broadcast %jit3A_43 : f32 to vector<64x896xf32>
    %broadcast_in_dim3A_46 = vector.broadcast %jit3A_44 : f32 to vector<64x896xf32>
    %select_n3A_47 = arith.select %eq3A_42, %broadcast_in_dim3A_45, %broadcast_in_dim3A_46 : vector<64x896xi1>, vector<64x896xf32>
    %slice3A_48 = vector.extract_strided_slice %add3A_20 {offsets = [0, 32], sizes = [896, 32], strides = [1, 1]} : vector<896x128xf32> to vector<896x32xf32>
    %dot_general3A_49 = arith.constant dense<0.000000e+00> : vector<64x32xf32>
    %dot_general3A_50 = tpu.matmul %select_n3A_47, %slice3A_48, %dot_general3A_49 {dimension_numbers = #tpu.dot_dimension_numbers<[1], [0], [0], [1], [0, 0, 1, 1], [], []>, transpose_lhs_hint = false} : vector<64x896xf32>, vector<896x32xf32>, vector<64x32xf32> -> vector<64x32xf32>
    %add3A_51 = arith.addf %add3A_34, %dot_general3A_50 : vector<64x32xf32>
    %dot_general3A_52 = arith.constant dense<0.000000e+00> : vector<64x32xf32>
    %dot_general3A_53 = tpu.matmul %select_n3A_47, %broadcast_in_dim3A_21, %dot_general3A_52 {dimension_numbers = #tpu.dot_dimension_numbers<[1], [0], [0], [1], [0, 0, 1, 1], [], []>, transpose_lhs_hint = false} : vector<64x896xf32>, vector<896x32xf32>, vector<64x32xf32> -> vector<64x32xf32>
    %add3A_54 = arith.addf %add3A_37, %dot_general3A_53 : vector<64x32xf32>
    %get3A_55 = arith.constant 2 : index
    %get3A_56 = arith.constant 0 : index
    %get3A_57 = vector.load %arg5[%get3A_55, %get3A_56] : memref<8x896xi32, #tpu.memory_space<vmem>>, vector<1x896xi32>
    %eq3A_58 = vector.broadcast %get3A_57 : vector<1x896xi32> to vector<64x896xi32>
    %eq3A_59 = arith.cmpi eq, %eq3A_58, %iota3A : vector<64x896xi32>
    %jit3A_60 = arith.constant 1.000000e+00 : f32
    %jit3A_61 = arith.constant 0.000000e+00 : f32
    %broadcast_in_dim3A_62 = vector.broadcast %jit3A_60 : f32 to vector<64x896xf32>
    %broadcast_in_dim3A_63 = vector.broadcast %jit3A_61 : f32 to vector<64x896xf32>
    %select_n3A_64 = arith.select %eq3A_59, %broadcast_in_dim3A_62, %broadcast_in_dim3A_63 : vector<64x896xi1>, vector<64x896xf32>
    %slice3A_65 = vector.extract_strided_slice %add3A_20 {offsets = [0, 64], sizes = [896, 32], strides = [1, 1]} : vector<896x128xf32> to vector<896x32xf32>
    %dot_general3A_66 = arith.constant dense<0.000000e+00> : vector<64x32xf32>
    %dot_general3A_67 = tpu.matmul %select_n3A_64, %slice3A_65, %dot_general3A_66 {dimension_numbers = #tpu.dot_dimension_numbers<[1], [0], [0], [1], [0, 0, 1, 1], [], []>, transpose_lhs_hint = false} : vector<64x896xf32>, vector<896x32xf32>, vector<64x32xf32> -> vector<64x32xf32>
    %add3A_68 = arith.addf %add3A_51, %dot_general3A_67 : vector<64x32xf32>
    %dot_general3A_69 = arith.constant dense<0.000000e+00> : vector<64x32xf32>
    %dot_general3A_70 = tpu.matmul %select_n3A_64, %broadcast_in_dim3A_21, %dot_general3A_69 {dimension_numbers = #tpu.dot_dimension_numbers<[1], [0], [0], [1], [0, 0, 1, 1], [], []>, transpose_lhs_hint = false} : vector<64x896xf32>, vector<896x32xf32>, vector<64x32xf32> -> vector<64x32xf32>
    %add3A_71 = arith.addf %add3A_54, %dot_general3A_70 : vector<64x32xf32>
    %get3A_72 = arith.constant 3 : index
    %get3A_73 = arith.constant 0 : index
    %get3A_74 = vector.load %arg5[%get3A_72, %get3A_73] : memref<8x896xi32, #tpu.memory_space<vmem>>, vector<1x896xi32>
    %eq3A_75 = vector.broadcast %get3A_74 : vector<1x896xi32> to vector<64x896xi32>
    %eq3A_76 = arith.cmpi eq, %eq3A_75, %iota3A : vector<64x896xi32>
    %jit3A_77 = arith.constant 1.000000e+00 : f32
    %jit3A_78 = arith.constant 0.000000e+00 : f32
    %broadcast_in_dim3A_79 = vector.broadcast %jit3A_77 : f32 to vector<64x896xf32>
    %broadcast_in_dim3A_80 = vector.broadcast %jit3A_78 : f32 to vector<64x896xf32>
    %select_n3A_81 = arith.select %eq3A_76, %broadcast_in_dim3A_79, %broadcast_in_dim3A_80 : vector<64x896xi1>, vector<64x896xf32>
    %slice3A_82 = vector.extract_strided_slice %add3A_20 {offsets = [0, 96], sizes = [896, 32], strides = [1, 1]} : vector<896x128xf32> to vector<896x32xf32>
    %dot_general3A_83 = arith.constant dense<0.000000e+00> : vector<64x32xf32>
    %dot_general3A_84 = tpu.matmul %select_n3A_81, %slice3A_82, %dot_general3A_83 {dimension_numbers = #tpu.dot_dimension_numbers<[1], [0], [0], [1], [0, 0, 1, 1], [], []>, transpose_lhs_hint = false} : vector<64x896xf32>, vector<896x32xf32>, vector<64x32xf32> -> vector<64x32xf32>
    %add3A_85 = arith.addf %add3A_68, %dot_general3A_84 : vector<64x32xf32>
    %dot_general3A_86 = arith.constant dense<0.000000e+00> : vector<64x32xf32>
    %dot_general3A_87 = tpu.matmul %select_n3A_81, %broadcast_in_dim3A_21, %dot_general3A_86 {dimension_numbers = #tpu.dot_dimension_numbers<[1], [0], [0], [1], [0, 0, 1, 1], [], []>, transpose_lhs_hint = false} : vector<64x896xf32>, vector<896x32xf32>, vector<64x32xf32> -> vector<64x32xf32>
    %add3A_88 = arith.addf %add3A_71, %dot_general3A_87 : vector<64x32xf32>
    %eq3A_89 = arith.constant 0 : i32
    %eq3A_90 = arith.cmpi eq, %arg0, %eq3A_89 : i32
    %convert_element_type3A = arith.extui %eq3A_90 : i1 to i32
    %cond3A = arith.constant 0 : i32
    %cond3A_91 = arith.cmpi ne, %convert_element_type3A, %cond3A : i32
    scf.if %cond3A_91 {
      %broadcast_in_dim3A_105 = arith.constant 0.000000e+00 : f32
      %broadcast_in_dim3A_106 = vector.broadcast %broadcast_in_dim3A_105 : f32 to vector<64x32xf32>
      %swap3A_107 = arith.constant 0 : index
      %swap3A_108 = arith.constant 0 : index
      %swap3A_109 = vector.load %arg6[%swap3A_107, %swap3A_108] : memref<64x32xf32, #tpu.memory_space<vmem>>, vector<64x32xf32>
      tpu.vector_store %arg6[%swap3A_107, %swap3A_108], %broadcast_in_dim3A_106 {strides = array<i32>} : memref<64x32xf32, #tpu.memory_space<vmem>>, vector<64x32xf32>,
      %broadcast_in_dim3A_110 = arith.constant 0.000000e+00 : f32
      %broadcast_in_dim3A_111 = vector.broadcast %broadcast_in_dim3A_110 : f32 to vector<64x32xf32>
      %swap3A_112 = arith.constant 0 : index
      %swap3A_113 = arith.constant 0 : index
      %swap3A_114 = vector.load %arg7[%swap3A_112, %swap3A_113] : memref<64x32xf32, #tpu.memory_space<vmem>>, vector<64x32xf32>
      tpu.vector_store %arg7[%swap3A_112, %swap3A_113], %broadcast_in_dim3A_111 {strides = array<i32>} : memref<64x32xf32, #tpu.memory_space<vmem>>, vector<64x32xf32>,
    } else {
    }
    %get3A_92 = arith.constant 0 : index
    %get3A_93 = arith.constant 0 : index
    %get3A_94 = vector.load %arg6[%get3A_92, %get3A_93] : memref<64x32xf32, #tpu.memory_space<vmem>>, vector<64x32xf32>
    %add3A_95 = arith.addf %get3A_94, %add3A_85 : vector<64x32xf32>
    %swap3A = arith.constant 0 : index
    %swap3A_96 = arith.constant 0 : index
    %swap3A_97 = vector.load %arg6[%swap3A, %swap3A_96] : memref<64x32xf32, #tpu.memory_space<vmem>>, vector<64x32xf32>
    tpu.vector_store %arg6[%swap3A, %swap3A_96], %add3A_95 {strides = array<i32>} : memref<64x32xf32, #tpu.memory_space<vmem>>, vector<64x32xf32>,
    %get3A_98 = arith.constant 0 : index
    %get3A_99 = arith.constant 0 : index
    %get3A_100 = vector.load %arg7[%get3A_98, %get3A_99] : memref<64x32xf32, #tpu.memory_space<vmem>>, vector<64x32xf32>
    %add3A_101 = arith.addf %get3A_100, %add3A_88 : vector<64x32xf32>
    %swap3A_102 = arith.constant 0 : index
    %swap3A_103 = arith.constant 0 : index
    %swap3A_104 = vector.load %arg7[%swap3A_102, %swap3A_103] : memref<64x32xf32, #tpu.memory_space<vmem>>, vector<64x32xf32>
    tpu.vector_store %arg7[%swap3A_102, %swap3A_103], %add3A_101 {strides = array<i32>} : memref<64x32xf32, #tpu.memory_space<vmem>>, vector<64x32xf32>,
    return
  }
  func.func @transform_0(%arg0: i32) -> (i32, i32, i32) {
    %c0_i32 = arith.constant 0 : i32
    %c0_i32_0 = arith.constant 0 : i32
    %c0_i32_1 = arith.constant 0 : i32
    return %c0_i32, %arg0, %c0_i32_0 : i32, i32, i32
  }
  func.func @transform_1(%arg0: i32) -> (i32, i32) {
    %c0_i32 = arith.constant 0 : i32
    %c0_i32_0 = arith.constant 0 : i32
    return %arg0, %c0_i32 : i32, i32
  }
  func.func @transform_2(%arg0: i32) -> (i32, i32) {
    %c0_i32 = arith.constant 0 : i32
    %c0_i32_0 = arith.constant 0 : i32
    return %arg0, %c0_i32 : i32, i32
  }
  func.func @transform_3(%arg0: i32) -> (i32, i32) {
    %c0_i32 = arith.constant 0 : i32
    %c0_i32_0 = arith.constant 0 : i32
    %c0_i32_1 = arith.constant 0 : i32
    return %c0_i32, %c0_i32_0 : i32, i32
  }
  func.func @transform_4(%arg0: i32) -> (i32, i32) {
    %c0_i32 = arith.constant 0 : i32
    %c0_i32_0 = arith.constant 0 : i32
    return %c0_i32, %arg0 : i32, i32
  }
  func.func @transform_5(%arg0: i32) -> (i32, i32) {
    %c0_i32 = arith.constant 0 : i32
    %c0_i32_0 = arith.constant 0 : i32
    %c0_i32_1 = arith.constant 0 : i32
    return %c0_i32, %c0_i32_0 : i32, i32
  }
  func.func @transform_6(%arg0: i32) -> (i32, i32) {
    %c0_i32 = arith.constant 0 : i32
    %c0_i32_0 = arith.constant 0 : i32
    %c0_i32_1 = arith.constant 0 : i32
    return %c0_i32, %c0_i32_0 : i32, i32
  }
}

module attributes {stable_mosaic.version = 14 : i64} {
  func.func @_heads_body(%arg0: memref<64x32xf32, #tpu.memory_space<vmem>>, %arg1: memref<64x32xf32, #tpu.memory_space<vmem>>, %arg2: memref<32x32xf32, #tpu.memory_space<vmem>>, %arg3: memref<1x32xf32, #tpu.memory_space<vmem>>, %arg4: memref<32x32xf32, #tpu.memory_space<vmem>>, %arg5: memref<1x32xf32, #tpu.memory_space<vmem>>, %arg6: memref<64x32xf32, #tpu.memory_space<vmem>>, %arg7: memref<1x64xf32, #tpu.memory_space<vmem>>, %arg8: memref<32x64xf32, #tpu.memory_space<vmem>>, %arg9: memref<1x32xf32, #tpu.memory_space<vmem>>, %arg10: memref<8x32xf32, #tpu.memory_space<vmem>>, %arg11: memref<1x1xf32, #tpu.memory_space<vmem>>, %arg12: memref<64x32xf32, #tpu.memory_space<vmem>>, %arg13: memref<1x64xf32, #tpu.memory_space<vmem>>, %arg14: memref<32x64xf32, #tpu.memory_space<vmem>>, %arg15: memref<1x32xf32, #tpu.memory_space<vmem>>, %arg16: memref<8x32xf32, #tpu.memory_space<vmem>>, %arg17: memref<1x1xf32, #tpu.memory_space<vmem>>, %arg18: memref<64x32xf32, #tpu.memory_space<vmem>>, %arg19: memref<1x64xf32, #tpu.memory_space<vmem>>, %arg20: memref<8x64xf32, #tpu.memory_space<vmem>>, %arg21: memref<1x8xf32, #tpu.memory_space<vmem>>, %arg22: memref<64x1xf32, #tpu.memory_space<vmem>>, %arg23: memref<64x1xf32, #tpu.memory_space<vmem>>, %arg24: memref<64x2xf32, #tpu.memory_space<vmem>>, %arg25: memref<64x32xf32, #tpu.memory_space<vmem>>) attributes {dimension_semantics = [], scalar_prefetch = 0 : i64, scratch_operands = 0 : i64, tpu.core_type = #tpu.core_type<tc>} {
    %get3A = arith.constant 0 : index
    %get3A_0 = arith.constant 0 : index
    %get3A_1 = vector.load %arg0[%get3A, %get3A_0] : memref<64x32xf32, #tpu.memory_space<vmem>>, vector<64x32xf32>
    %get3A_2 = arith.constant 0 : index
    %get3A_3 = arith.constant 0 : index
    %get3A_4 = vector.load %arg1[%get3A_2, %get3A_3] : memref<64x32xf32, #tpu.memory_space<vmem>>, vector<64x32xf32>
    %max3A = arith.constant 1.000000e+00 : f32
    %max3A_5 = vector.broadcast %max3A : f32 to vector<64x32xf32>
    %max3A_6 = arith.maximumf %get3A_4, %max3A_5 : vector<64x32xf32>
    %div3A = arith.divf %get3A_1, %max3A_6 : vector<64x32xf32>
    %get3A_7 = arith.constant 0 : index
    %get3A_8 = arith.constant 0 : index
    %get3A_9 = vector.load %arg2[%get3A_7, %get3A_8] : memref<32x32xf32, #tpu.memory_space<vmem>>, vector<32x32xf32>
    %dot_general3A = arith.constant dense<0.000000e+00> : vector<64x32xf32>
    %dot_general3A_10 = tpu.matmul %div3A, %get3A_9, %dot_general3A {dimension_numbers = #tpu.dot_dimension_numbers<[1], [1], [0], [0], [0, 0, 1, 0], [], []>, transpose_lhs_hint = false} : vector<64x32xf32>, vector<32x32xf32>, vector<64x32xf32> -> vector<64x32xf32>
    %get3A_11 = arith.constant 0 : index
    %get3A_12 = arith.constant 0 : index
    %get3A_13 = vector.load %arg3[%get3A_11, %get3A_12] : memref<1x32xf32, #tpu.memory_space<vmem>>, vector<1x32xf32>
    %add3A = vector.broadcast %get3A_13 : vector<1x32xf32> to vector<64x32xf32>
    %add3A_14 = arith.addf %dot_general3A_10, %add3A : vector<64x32xf32>
    %get3A_15 = arith.constant 0 : index
    %get3A_16 = arith.constant 0 : index
    %get3A_17 = vector.load %arg4[%get3A_15, %get3A_16] : memref<32x32xf32, #tpu.memory_space<vmem>>, vector<32x32xf32>
    %dot_general3A_18 = arith.constant dense<0.000000e+00> : vector<64x32xf32>
    %dot_general3A_19 = tpu.matmul %add3A_14, %get3A_17, %dot_general3A_18 {dimension_numbers = #tpu.dot_dimension_numbers<[1], [1], [0], [0], [0, 0, 1, 0], [], []>, transpose_lhs_hint = false} : vector<64x32xf32>, vector<32x32xf32>, vector<64x32xf32> -> vector<64x32xf32>
    %get3A_20 = arith.constant 0 : index
    %get3A_21 = arith.constant 0 : index
    %get3A_22 = vector.load %arg5[%get3A_20, %get3A_21] : memref<1x32xf32, #tpu.memory_space<vmem>>, vector<1x32xf32>
    %add3A_23 = vector.broadcast %get3A_22 : vector<1x32xf32> to vector<64x32xf32>
    %add3A_24 = arith.addf %dot_general3A_19, %add3A_23 : vector<64x32xf32>
    %swap3A = arith.constant 0 : index
    %swap3A_25 = arith.constant 0 : index
    %swap3A_26 = vector.load %arg25[%swap3A, %swap3A_25] : memref<64x32xf32, #tpu.memory_space<vmem>>, vector<64x32xf32>
    tpu.vector_store %arg25[%swap3A, %swap3A_25], %add3A_24 {strides = array<i32>} : memref<64x32xf32, #tpu.memory_space<vmem>>, vector<64x32xf32>,
    %get3A_27 = arith.constant 0 : index
    %get3A_28 = arith.constant 0 : index
    %get3A_29 = vector.load %arg6[%get3A_27, %get3A_28] : memref<64x32xf32, #tpu.memory_space<vmem>>, vector<64x32xf32>
    %dot_general3A_30 = arith.constant dense<0.000000e+00> : vector<64x64xf32>
    %dot_general3A_31 = tpu.matmul %add3A_24, %get3A_29, %dot_general3A_30 {dimension_numbers = #tpu.dot_dimension_numbers<[1], [1], [0], [0], [0, 0, 1, 0], [], []>, transpose_lhs_hint = false} : vector<64x32xf32>, vector<64x32xf32>, vector<64x64xf32> -> vector<64x64xf32>
    %get3A_32 = arith.constant 0 : index
    %get3A_33 = arith.constant 0 : index
    %get3A_34 = vector.load %arg7[%get3A_32, %get3A_33] : memref<1x64xf32, #tpu.memory_space<vmem>>, vector<1x64xf32>
    %add3A_35 = vector.broadcast %get3A_34 : vector<1x64xf32> to vector<64x64xf32>
    %add3A_36 = arith.addf %dot_general3A_31, %add3A_35 : vector<64x64xf32>
    %max3A_37 = arith.constant 0.000000e+00 : f32
    %max3A_38 = vector.broadcast %max3A_37 : f32 to vector<64x64xf32>
    %max3A_39 = arith.maximumf %add3A_36, %max3A_38 : vector<64x64xf32>
    %get3A_40 = arith.constant 0 : index
    %get3A_41 = arith.constant 0 : index
    %get3A_42 = vector.load %arg8[%get3A_40, %get3A_41] : memref<32x64xf32, #tpu.memory_space<vmem>>, vector<32x64xf32>
    %dot_general3A_43 = arith.constant dense<0.000000e+00> : vector<64x32xf32>
    %dot_general3A_44 = tpu.matmul %max3A_39, %get3A_42, %dot_general3A_43 {dimension_numbers = #tpu.dot_dimension_numbers<[1], [1], [0], [0], [0, 0, 1, 0], [], []>, transpose_lhs_hint = false} : vector<64x64xf32>, vector<32x64xf32>, vector<64x32xf32> -> vector<64x32xf32>
    %get3A_45 = arith.constant 0 : index
    %get3A_46 = arith.constant 0 : index
    %get3A_47 = vector.load %arg9[%get3A_45, %get3A_46] : memref<1x32xf32, #tpu.memory_space<vmem>>, vector<1x32xf32>
    %add3A_48 = vector.broadcast %get3A_47 : vector<1x32xf32> to vector<64x32xf32>
    %add3A_49 = arith.addf %dot_general3A_44, %add3A_48 : vector<64x32xf32>
    %max3A_50 = arith.constant 0.000000e+00 : f32
    %max3A_51 = vector.broadcast %max3A_50 : f32 to vector<64x32xf32>
    %max3A_52 = arith.maximumf %add3A_49, %max3A_51 : vector<64x32xf32>
    %get3A_53 = arith.constant 0 : index
    %get3A_54 = arith.constant 0 : index
    %get3A_55 = vector.load %arg10[%get3A_53, %get3A_54] : memref<8x32xf32, #tpu.memory_space<vmem>>, vector<8x32xf32>
    %dot_general3A_56 = arith.constant dense<0.000000e+00> : vector<64x8xf32>
    %dot_general3A_57 = tpu.matmul %max3A_52, %get3A_55, %dot_general3A_56 {dimension_numbers = #tpu.dot_dimension_numbers<[1], [1], [0], [0], [0, 0, 1, 0], [], []>, transpose_lhs_hint = false} : vector<64x32xf32>, vector<8x32xf32>, vector<64x8xf32> -> vector<64x8xf32>
    %get3A_58 = arith.constant 0 : index
    %get3A_59 = arith.constant 0 : index
    %get3A_60 = vector.load %arg11[%get3A_58, %get3A_59] : memref<1x1xf32, #tpu.memory_space<vmem>>, vector<1x1xf32>
    %get3A_61 = vector.extract %get3A_60[0, 0] : f32 from vector<1x1xf32>
    %add3A_62 = vector.broadcast %get3A_61 : f32 to vector<64x8xf32>
    %add3A_63 = arith.addf %dot_general3A_57, %add3A_62 : vector<64x8xf32>
    %logistic3A = arith.negf %add3A_63 : vector<64x8xf32>
    %logistic3A_64 = math.exp %logistic3A : vector<64x8xf32>
    %logistic3A_65 = arith.constant 1.000000e+00 : f32
    %logistic3A_66 = vector.broadcast %logistic3A_65 : f32 to vector<64x8xf32>
    %logistic3A_67 = arith.addf %logistic3A_66, %logistic3A_64 : vector<64x8xf32>
    %logistic3A_68 = arith.divf %logistic3A_66, %logistic3A_67 : vector<64x8xf32>
    %slice3A = vector.extract_strided_slice %logistic3A_68 {offsets = [0, 0], sizes = [64, 1], strides = [1, 1]} : vector<64x8xf32> to vector<64x1xf32>
    %swap3A_69 = arith.constant 0 : index
    %swap3A_70 = arith.constant 0 : index
    %swap3A_71 = vector.load %arg22[%swap3A_69, %swap3A_70] : memref<64x1xf32, #tpu.memory_space<vmem>>, vector<64x1xf32>
    tpu.vector_store %arg22[%swap3A_69, %swap3A_70], %slice3A {strides = array<i32>} : memref<64x1xf32, #tpu.memory_space<vmem>>, vector<64x1xf32>,
    %get3A_72 = arith.constant 0 : index
    %get3A_73 = arith.constant 0 : index
    %get3A_74 = vector.load %arg12[%get3A_72, %get3A_73] : memref<64x32xf32, #tpu.memory_space<vmem>>, vector<64x32xf32>
    %dot_general3A_75 = arith.constant dense<0.000000e+00> : vector<64x64xf32>
    %dot_general3A_76 = tpu.matmul %add3A_24, %get3A_74, %dot_general3A_75 {dimension_numbers = #tpu.dot_dimension_numbers<[1], [1], [0], [0], [0, 0, 1, 0], [], []>, transpose_lhs_hint = false} : vector<64x32xf32>, vector<64x32xf32>, vector<64x64xf32> -> vector<64x64xf32>
    %get3A_77 = arith.constant 0 : index
    %get3A_78 = arith.constant 0 : index
    %get3A_79 = vector.load %arg13[%get3A_77, %get3A_78] : memref<1x64xf32, #tpu.memory_space<vmem>>, vector<1x64xf32>
    %add3A_80 = vector.broadcast %get3A_79 : vector<1x64xf32> to vector<64x64xf32>
    %add3A_81 = arith.addf %dot_general3A_76, %add3A_80 : vector<64x64xf32>
    %max3A_82 = arith.constant 0.000000e+00 : f32
    %max3A_83 = vector.broadcast %max3A_82 : f32 to vector<64x64xf32>
    %max3A_84 = arith.maximumf %add3A_81, %max3A_83 : vector<64x64xf32>
    %get3A_85 = arith.constant 0 : index
    %get3A_86 = arith.constant 0 : index
    %get3A_87 = vector.load %arg14[%get3A_85, %get3A_86] : memref<32x64xf32, #tpu.memory_space<vmem>>, vector<32x64xf32>
    %dot_general3A_88 = arith.constant dense<0.000000e+00> : vector<64x32xf32>
    %dot_general3A_89 = tpu.matmul %max3A_84, %get3A_87, %dot_general3A_88 {dimension_numbers = #tpu.dot_dimension_numbers<[1], [1], [0], [0], [0, 0, 1, 0], [], []>, transpose_lhs_hint = false} : vector<64x64xf32>, vector<32x64xf32>, vector<64x32xf32> -> vector<64x32xf32>
    %get3A_90 = arith.constant 0 : index
    %get3A_91 = arith.constant 0 : index
    %get3A_92 = vector.load %arg15[%get3A_90, %get3A_91] : memref<1x32xf32, #tpu.memory_space<vmem>>, vector<1x32xf32>
    %add3A_93 = vector.broadcast %get3A_92 : vector<1x32xf32> to vector<64x32xf32>
    %add3A_94 = arith.addf %dot_general3A_89, %add3A_93 : vector<64x32xf32>
    %max3A_95 = arith.constant 0.000000e+00 : f32
    %max3A_96 = vector.broadcast %max3A_95 : f32 to vector<64x32xf32>
    %max3A_97 = arith.maximumf %add3A_94, %max3A_96 : vector<64x32xf32>
    %get3A_98 = arith.constant 0 : index
    %get3A_99 = arith.constant 0 : index
    %get3A_100 = vector.load %arg16[%get3A_98, %get3A_99] : memref<8x32xf32, #tpu.memory_space<vmem>>, vector<8x32xf32>
    %dot_general3A_101 = arith.constant dense<0.000000e+00> : vector<64x8xf32>
    %dot_general3A_102 = tpu.matmul %max3A_97, %get3A_100, %dot_general3A_101 {dimension_numbers = #tpu.dot_dimension_numbers<[1], [1], [0], [0], [0, 0, 1, 0], [], []>, transpose_lhs_hint = false} : vector<64x32xf32>, vector<8x32xf32>, vector<64x8xf32> -> vector<64x8xf32>
    %get3A_103 = arith.constant 0 : index
    %get3A_104 = arith.constant 0 : index
    %get3A_105 = vector.load %arg17[%get3A_103, %get3A_104] : memref<1x1xf32, #tpu.memory_space<vmem>>, vector<1x1xf32>
    %get3A_106 = vector.extract %get3A_105[0, 0] : f32 from vector<1x1xf32>
    %add3A_107 = vector.broadcast %get3A_106 : f32 to vector<64x8xf32>
    %add3A_108 = arith.addf %dot_general3A_102, %add3A_107 : vector<64x8xf32>
    %max3A_109 = arith.constant 0.000000e+00 : f32
    %max3A_110 = vector.broadcast %max3A_109 : f32 to vector<64x8xf32>
    %max3A_111 = arith.maximumf %add3A_108, %max3A_110 : vector<64x8xf32>
    %slice3A_112 = vector.extract_strided_slice %max3A_111 {offsets = [0, 0], sizes = [64, 1], strides = [1, 1]} : vector<64x8xf32> to vector<64x1xf32>
    %swap3A_113 = arith.constant 0 : index
    %swap3A_114 = arith.constant 0 : index
    %swap3A_115 = vector.load %arg23[%swap3A_113, %swap3A_114] : memref<64x1xf32, #tpu.memory_space<vmem>>, vector<64x1xf32>
    tpu.vector_store %arg23[%swap3A_113, %swap3A_114], %slice3A_112 {strides = array<i32>} : memref<64x1xf32, #tpu.memory_space<vmem>>, vector<64x1xf32>,
    %get3A_116 = arith.constant 0 : index
    %get3A_117 = arith.constant 0 : index
    %get3A_118 = vector.load %arg18[%get3A_116, %get3A_117] : memref<64x32xf32, #tpu.memory_space<vmem>>, vector<64x32xf32>
    %dot_general3A_119 = arith.constant dense<0.000000e+00> : vector<64x64xf32>
    %dot_general3A_120 = tpu.matmul %add3A_24, %get3A_118, %dot_general3A_119 {dimension_numbers = #tpu.dot_dimension_numbers<[1], [1], [0], [0], [0, 0, 1, 0], [], []>, transpose_lhs_hint = false} : vector<64x32xf32>, vector<64x32xf32>, vector<64x64xf32> -> vector<64x64xf32>
    %get3A_121 = arith.constant 0 : index
    %get3A_122 = arith.constant 0 : index
    %get3A_123 = vector.load %arg19[%get3A_121, %get3A_122] : memref<1x64xf32, #tpu.memory_space<vmem>>, vector<1x64xf32>
    %add3A_124 = vector.broadcast %get3A_123 : vector<1x64xf32> to vector<64x64xf32>
    %add3A_125 = arith.addf %dot_general3A_120, %add3A_124 : vector<64x64xf32>
    %max3A_126 = arith.constant 0.000000e+00 : f32
    %max3A_127 = vector.broadcast %max3A_126 : f32 to vector<64x64xf32>
    %max3A_128 = arith.maximumf %add3A_125, %max3A_127 : vector<64x64xf32>
    %get3A_129 = arith.constant 0 : index
    %get3A_130 = arith.constant 0 : index
    %get3A_131 = vector.load %arg20[%get3A_129, %get3A_130] : memref<8x64xf32, #tpu.memory_space<vmem>>, vector<8x64xf32>
    %dot_general3A_132 = arith.constant dense<0.000000e+00> : vector<64x8xf32>
    %dot_general3A_133 = tpu.matmul %max3A_128, %get3A_131, %dot_general3A_132 {dimension_numbers = #tpu.dot_dimension_numbers<[1], [1], [0], [0], [0, 0, 1, 0], [], []>, transpose_lhs_hint = false} : vector<64x64xf32>, vector<8x64xf32>, vector<64x8xf32> -> vector<64x8xf32>
    %get3A_134 = arith.constant 0 : index
    %get3A_135 = arith.constant 0 : index
    %get3A_136 = vector.load %arg21[%get3A_134, %get3A_135] : memref<1x8xf32, #tpu.memory_space<vmem>>, vector<1x8xf32>
    %add3A_137 = vector.broadcast %get3A_136 : vector<1x8xf32> to vector<64x8xf32>
    %add3A_138 = arith.addf %dot_general3A_133, %add3A_137 : vector<64x8xf32>
    %slice3A_139 = vector.extract_strided_slice %add3A_138 {offsets = [0, 0], sizes = [64, 1], strides = [1, 1]} : vector<64x8xf32> to vector<64x1xf32>
    %slice3A_140 = vector.extract_strided_slice %add3A_138 {offsets = [0, 1], sizes = [64, 1], strides = [1, 1]} : vector<64x8xf32> to vector<64x1xf32>
    %max3A_141 = arith.maximumf %slice3A_139, %slice3A_140 : vector<64x1xf32>
    %sub3A = arith.subf %slice3A_139, %max3A_141 : vector<64x1xf32>
    %exp3A = math.exp %sub3A : vector<64x1xf32>
    %sub3A_142 = arith.subf %slice3A_140, %max3A_141 : vector<64x1xf32>
    %exp3A_143 = math.exp %sub3A_142 : vector<64x1xf32>
    %add3A_144 = arith.addf %exp3A, %exp3A_143 : vector<64x1xf32>
    %div3A_145 = arith.divf %exp3A, %add3A_144 : vector<64x1xf32>
    %div3A_146 = arith.divf %exp3A_143, %add3A_144 : vector<64x1xf32>
    %concatenate3A = tpu.concatenate %div3A_145, %div3A_146 in 1 : vector<64x1xf32>, vector<64x1xf32> -> vector<64x2xf32>
    %swap3A_147 = arith.constant 0 : index
    %swap3A_148 = arith.constant 0 : index
    %swap3A_149 = vector.load %arg24[%swap3A_147, %swap3A_148] : memref<64x2xf32, #tpu.memory_space<vmem>>, vector<64x2xf32>
    tpu.vector_store %arg24[%swap3A_147, %swap3A_148], %concatenate3A {strides = array<i32>} : memref<64x2xf32, #tpu.memory_space<vmem>>, vector<64x2xf32>,
    return
  }
}

</mosaic_0001>

<sc_bundles>
// kernel: kernel.12.cloned.1.call-start
scs
__scs_entry_jumppad:
0x0: {  	(pc) =	sbr.rel $0x88, $3  }
0x1: {  	(tag) =	ssettag $0x0;
	lr =	simm.s32 $0x1  }
0x2: {  	[smem:$0x3F82] =	sst lr;
	_ =	strace $0xD0000000  }
0x3: {  	_ = 	snop  }
0x4: {  	_ = 	snop  }
0x5: {  	_ = 	snop  }
0x6: {  	_ = 	snop  }
0x7: {  	_ = 	snop  }
__scs_overlays_trampoline_lowered:
0x8: {  	[smem:$0x3F91] =	sst s0  }
0x9: {  	[smem:$0x3F92] =	sst s1  }
0xa: {  	[smem:$0x3F93] =	sst s2  }
0xb: {  	[smem:$0x3F94] =	sst s3  }
0xc: {  	[smem:$0x3F95] =	sst s4  }
0xd: {  	[smem:$0x3F96] =	sst s5  }
0xe: {  	[smem:$0x3F97] =	sst s6  }
0xf: {  	[smem:$0x3F98] =	sst s7  }
0x10: {  	[smem:$0x3F99] =	sst s8  }
0x11: {  	[smem:$0x3F9A] =	sst s9;
	s0 =	simm.s32 @!p0 $0x0  }
0x12: {  	s1 =	sld [smem:$0x3F80];
	s0 =	simm.s32 @p0 $0x1  }
0x13: {  	[smem:$0x3F9B] =	sst s0;
	s0 =	simm.s32 @!p1 $0x0  }
0x14: {  	s2 =	sld [smem:$0x3F7F];
	s0 =	simm.s32 @p1 $0x1  }
0x15: {  	[smem:$0x3F9C] =	sst s0;
	s0 =	simm.s32 @!p2 $0x0  }
0x16: {  	s3 =	sld [smem:$0x3FDB];
	s0 =	simm.s32 @p2 $0x1  }
0x17: {  	s4 =	simm.s32 $0x1BF5;
	[smem:$0x3F9E] =	sst s0  }
0x18: {  	s0 =	sld [smem:$0x3F81];
	_ =	swait.ge [sflag:s4], $0x0  }
0x19: {  	s7 =	sld [smem:$0x3F82]  }
0x1a: {  	s8 =	sadd.s32 $0xFFFFE003, lr  }
0x1b: {  	s9 =	sadd.s32 $0xFFFFFEF7, lr;
	s5 =	simm.s32 $0xFFFFFFFF;
	p2 =	slt.u32 s8, $0xFFFFF086  }
0x1c: {  	p1 =	slt.u32 s9, $0xF7A;
	s5 =	simm.s32 @!p2 $0x0  }
0x1d: {  	s5 =	simm.s32 @p1 $0x1;
	p0 =	seq.s32 s7, s2  }
0x1e: {  	s7 =	smul.u32 @!p0 $0xF7A, s2;
	p2 =	seq.s32 @!p0 s5, $0x0  }
0x1f: {  	s9 =	smul.u32 $0xF7A, s1;
	s8 =	simm.s32 @!p0 $0x1BF5;
	p2 =	por !p2, p0  }
0x20: {  	[sflag:s8] =	ssyncset.s32 @!p0 $0xFFFFF086;
	s6 =	sadd.s32 @!p0 s3, s7;
	s7 =	simm.s32 @!p0 $0x108  }
0x21: {  	s3 =	sadd.s32 s3, s9;
	s6 =	sadd.s32 @!p0 $0x88, s6;
	s7 =	simm.s32 @p2 $0x1082  }
0x22: {  	[simem:s7], [sflag:s8] =	dma.local @!p0 [hbm:s6], $0xF7A  }
0x23: {  	s9 =	sor.u32 $0xD0000000, s2;
	s6 =	simm.s32 $0x108;
	_ =	swait.ge @!p0 [sflag:s8], $0x0  }
0x24: {  	s3 =	sadd.s32 $0x88, s3;
	s6 =	simm.s32 @!p1 $0x1082;
	[sflag:s4] =	ssyncset.s32 $0xFFFFF086  }
0x25: {  	[simem:s6], [sflag:s4] =	dma.local [hbm:s3], $0xF7A  }
0x26: {  	[smem:$0x3F82] =	sst s1;
	(tag) =	ssettag s2;
	_ =	strace s9  }
0x27: {  	s1 =	sld [smem:$0x3F92]  }
0x28: {  	s2 =	sld [smem:$0x3F93]  }
0x29: {  	s4 =	sld [smem:$0x3F95]  }
0x2a: {  	p0 =	seq.s32 s5, $0x0;
	s5 =	sld [smem:$0x3F96]  }
0x2b: {  	s6 =	sld [smem:$0x3F97]  }
0x2c: {  	s7 =	sld [smem:$0x3F98]  }
0x2d: {  	s3 =	simm.s32 $0x108;
	s8 =	sld [smem:$0x3F99]  }
0x2e: {  	s3 =	simm.s32 @!p0 $0x1082;
	s9 =	sld [smem:$0x3F9A]  }
0x2f: {  	lr =	sadd.s32 s0, s3;
	s0 =	sld [smem:$0x3F91]  }
0x30: {  	s3 =	sld [smem:$0x3F94]  }
0x31: {  	[smem:$0x3F9D] =	sst s10  }
0x32: {  	s10 =	sld [smem:$0x3F9B];
	_ =	sdelay $0x3  }
0x33: {  	p0 =	seq.s32 s10, $0x1;
	s10 =	sld [smem:$0x3F9D];
	_ =	sdelay $0x3  }
0x34: {  	[smem:$0x3F9D] =	sst s10  }
0x35: {  	s10 =	sld [smem:$0x3F9C];
	_ =	sdelay $0x3  }
0x36: {  	p1 =	seq.s32 s10, $0x1;
	s10 =	sld [smem:$0x3F9D];
	_ =	sdelay $0x3  }
0x37: {  	[smem:$0x3F9D] =	sst s10  }
0x38: {  	s10 =	sld [smem:$0x3F9E]  }
0x39: {  	_ = 	snop;
	(pc) =	sbr.ind lr, $3  }
0x3a: {  	_ = 	snop  }
0x3b: {  	_ = 	snop  }
0x3c: {  	p2 =	seq.s32 s10, $0x1;
	s10 =	sld [smem:$0x3F9D]  }
0x3d: {  	_ =	shalt  }
0x3e: {  	_ =	shalt  }
0x3f: {  	_ =	shalt  }
0x40: {  	_ =	shalt  }
0x41: {  	_ =	shalt  }
0x42: {  	_ =	shalt  }
0x43: {  	_ =	shalt  }
0x44: {  	_ =	shalt  }
0x45: {  	_ =	shalt  }
0x46: {  	_ =	shalt  }
0x47: {  	_ =	shalt  }
0x48: {  	_ =	shalt  }
0x49: {  	_ =	shalt  }
0x4a: {  	_ =	shalt  }
0x4b: {  	_ =	shalt  }
0x4c: {  	_ =	shalt  }
0x4d: {  	_ =	shalt  }
0x4e: {  	_ =	shalt  }
0x4f: {  	_ =	shalt  }
0x50: {  	_ =	shalt  }
0x51: {  	_ =	shalt  }
0x52: {  	_ =	shalt  }
0x53: {  	_ =	shalt  }
0x54: {  	_ =	shalt  }
0x55: {  	_ =	shalt  }
0x56: {  	_ =	shalt  }
0x57: {  	_ =	shalt  }
0x58: {  	_ =	shalt  }
0x59: {  	_ =	shalt  }
0x5a: {  	_ =	shalt  }
0x5b: {  	_ =	shalt  }
0x5c: {  	_ =	shalt  }
0x5d: {  	_ =	shalt  }
0x5e: {  	_ =	shalt  }
0x5f: {  	_ =	shalt  }
0x60: {  	_ =	shalt  }
0x61: {  	_ =	shalt  }
0x62: {  	_ =	shalt  }
0x63: {  	_ =	shalt  }
0x64: {  	_ =	shalt  }
0x65: {  	_ =	shalt  }
0x66: {  	_ =	shalt  }
0x67: {  	_ =	shalt  }
0x68: {  	_ =	shalt  }
0x69: {  	_ =	shalt  }
0x6a: {  	_ =	shalt  }
0x6b: {  	_ =	shalt  }
0x6c: {  	_ =	shalt  }
0x6d: {  	_ =	shalt  }
0x6e: {  	_ =	shalt  }
0x6f: {  	_ =	shalt  }
0x70: {  	_ =	shalt  }
0x71: {  	_ =	shalt  }
0x72: {  	_ =	shalt  }
0x73: {  	_ =	shalt  }
0x74: {  	_ =	shalt  }
0x75: {  	_ =	shalt  }
0x76: {  	_ =	shalt  }
0x77: {  	_ =	shalt  }
0x78: {  	_ =	shalt  }
0x79: {  	_ =	shalt  }
0x7a: {  	_ =	shalt  }
0x7b: {  	_ =	shalt  }
0x7c: {  	_ =	shalt  }
0x7d: {  	_ =	shalt  }
0x7e: {  	_ =	shalt  }
0x7f: {  	_ =	shalt  }
0x80: {  	_ =	shalt  }
0x81: {  	_ =	shalt  }
0x82: {  	_ =	shalt  }
0x83: {  	_ =	shalt  }
0x84: {  	_ =	shalt  }
0x85: {  	_ =	shalt  }
0x86: {  	_ =	shalt  }
0x87: {  	_ =	shalt  }
.Lfunc_end0:
.L_simem_size_0:
called_computation_lowered:
.L_overlay_start_0:
0x88: {  	s2 =	sld [smem:$0x3FD9]  }
0x89: {  	s3 =	sld [smem:$0x3FFE];
	_ =	sdelay $0x1  }
0x8a: {  	s1 =	srdreg.scid  }
0x8b: {  	s0 =	sand.u32 $0x1, s1  }
0x8c: {  	s14 =	sshll.u32 s0, $0xA;
	s2 =	sadd.s32 s3, s2  }
0x8d: {  	s2 =	sadd.s32 s2, s14  }
0x8e: {  	[smem:$0x3FA9] =	sst s2  }
0x8f: {  	_ = 	snop  }
0x90: {  	s2 =	sld [smem:$0x3FD0];
	_ =	sdelay $0x2  }
0x91: {  	s15 =	simm.s32 $0xB;
	s4 =	simm.s32 $0x10  }
0x92: {  	[smem:s4], [sflag:s15] =	dma.local [hbm:s2], $0x1  }
0x93: {  	_ =	swait.eq [sflag:s15], $0x1  }
0x94: {  	[sflag:s15] =	ssyncset.done $0x0  }
0x95: {  	[sflag:s15] =	ssyncadd.s32 $0xFFFFFFFF  }
0x96: {  	s16 =	sld [smem:$0x13];
	(tm) =	ssettm $0x1  }
0x97: {  	s17 =	sld [smem:$0x3FFB];
	_ =	sdelay $0x3  }
0x98: {  	_ =	strace s17  }
0x99: {  	s3 =	sld [smem:$0x3FFC];
	_ =	sdelay $0x3  }
0x9a: {  	_ =	strace s3  }
0x9b: {  	s3 =	sld [smem:$0x3FFD];
	_ =	sdelay $0x3  }
0x9c: {  	_ =	strace s3  }
0x9d: {  	_ =	strace $0x8FFFFFFF  }
0x9e: {  	s18 =	sld [smem:$0x3FDB];
	_ =	sdelay $0x1  }
0x9f: {  	s19 =	simm.s32 $_scs_section_size  }
0xa0: {  	s5 =	simm.s32 $_size__tile_overlayer_lowered;
	s6 =	simm.s32 $_tile_overlayer_lowered  }
0xa1: {  	s22 =	simm.s32 $0x1BFF;
	s21 =	sshll.u32 s6, $0x1;
	s3 =	sadd.s32 s19, s18  }
0xa2: {  	s7 =	simm.s32 $0x0;
	s20 =	sshll.u32 s5, $0x1;
	s5 =	sadd.s32 s21, s3  }
0xa3: {  	[timem:s7], [sflag:s22] =	dma.local [hbm:s5], s20  }
0xa4: {  	_ =	swait.ge [sflag:s22], s20  }
0xa5: {  	s4 =	ssub.s32 $0x0, s20;
	[sflag:s22] =	ssyncset.done $0x0  }
0xa6: {  	[sflag:s22] =	ssyncadd.s32 s4;
	_ =	sdelay $0x1  }
0xa7: {  	s23 =	simm.s32 $0x1B8B  }
0xa8: {  	_ =	swait.ge [sflag:s23], $0x1  }
0xa9: {  	[sflag:s23] =	ssyncset.done $0x0  }
0xaa: {  	s25 =	simm.s32 $0x1B8E;
	s24 =	sld [smem:$0x3FFE];
	[sflag:s23] =	ssyncadd.s32 $0xFFFFFFFF  }
0xab: {  	s26 =	simm.s32 $execute0_lowered;
	[smem:$0x3FD2] =	sst s25  }
0xac: {  	s5 =	sshll.u32 s26, $0x1;
	_ =	strace $0x80000046;
	[dreg:$0x1] =	wrdreg $0xFFFFFFFF  }
0xad: {  	s28 =	simm.s32 $_size_execute0_lowered;
	s3 =	sadd.s32 s3, s5;
	[dreg:$0x0] =	wrdreg $0x0  }
0xae: {  	s5 =	sshll.u32 s28, $0x1;
	[dreg:$0x2] =	wrdreg s3  }
0xaf: {  	[dreg:$0x3] =	wrdreg s5  }
0xb0: {  	[dreg:$0x4] =	wrdreg $0xC0  }
0xb1: {  	_ =	task [dreg:s7], $0x5FFFF  }
0xb2: {  	[dreg:$0x1] =	wrdreg $0xFFFFFFFF  }
0xb3: {  	[dreg:$0x0] =	wrdreg $0x60  }
0xb4: {  	[dreg:$0x2] =	wrdreg s24  }
0xb5: {  	[dreg:$0x3] =	wrdreg s16  }
0xb6: {  	[dreg:$0x4] =	wrdreg $0x16000  }
0xb7: {  	[dreg:$0x5] =	wrdreg $0x9  }
0xb8: {  	_ =	task.clear_ibuf [dreg:s7], $0x6FFFF;
	_ =	strace $0x90000046  }
0xb9: {  	s29 =	simm.s32 $0x9;
	_ =	strace $0x80000048  }
0xba: {  	_ =	swait.ge [sflag:s29], $0x1  }
0xbb: {  	[sflag:s29] =	ssyncadd.s32 $0xFFFFFFFF  }
0xbc: {  	_ =	strace $0x90000048  }
0xbd: {  	_ =	sfence  }
0xbe: {  	s30 =	sld [smem:$0x0];
	_ =	sdelay $0x2  }
0xbf: {  	s31 =	sshll.u32 s1, $0xD;
	s1 =	sshrl.u32 s1, $0x2  }
0xc0: {  	s3 =	sand.u32 $0x4000, s31;
	s1 =	sadd.s32 s1, s30  }
0xc1: {  	s0 =	sor.u32 s3, s0;
	s1 =	sshll.u32 s1, $0x11  }
0xc2: {  	s0 =	sor.u32 s1, s0  }
0xc3: {  	s0 =	sadd.s32 $0x8F2B, s0  }
0xc4: {  	[sflag:s0] =	ssyncadd.remote.s32 $0x1  }
0xc5: {  	_ =	sfence.sel $0xFFFF  }
0xc6: {  	[dreg:$0x0] =	wrdreg $0xFFFFFFFF;
	(pc) =	sbr.abs _section_cstart, $3  }
0xc7: {  	[dreg:$0x1] =	wrdreg $0xFFFFFFFF  }
0xc8: {  	_ =	task.clear_ibuf [dreg:s7], $0x2FFFF;
	_ =	strace $0x9FFFFFFF  }
0xc9: {  	(tm) =	ssettm $0x7FFFFFFF  }
tec
execute0_lowered:
.L_overlay_start_1:
0x0: {  	(tag) =	ssettag $0x1  }
0x1: {  	s0 =	rddreg [dreg:$0x0]  }
0x2: {  	s3 =	rddreg [dreg:$0x2];
	s13 =	stileid.u32  }
0x3: {  	s1 =	srdreg.scid;
	s4 =	simm.s32 $0x0;
	s14 =	simm.s32 $0x2  }
0x4: {  	s15 =	simm.s32 $0xE00;
	s16 =	simm.s32 $0x100;
	s17 =	simm.s32 $0x200  }
0x5: {  	s18 =	simm.s32 $0x300;
	s19 =	simm.s32 $0x400;
	s20 =	simm.s32 $0x500  }
0x6: {  	s21 =	simm.s32 $0x600;
	s22 =	simm.s32 $0x700;
	s28 =	simm.s32 $0xC00  }
0x7: {  	s29 =	simm.s32 $0xD00;
	s30 =	simm.s32 $0x1;
	s31 =	simm.s32 $0x0  }
0x8: {  	s2 =	smul.u32 $0x6200, s13;
	s1 =	sand.u32 $0x1, s1;
	[smem:$0x7FF] =	sst s4  }
0x9: {  	s5 =	sadd.s32 $0x7E00, s0;
	s12 =	smul.u32 $0xC400, s13;
	s23 =	sshll.u32 s13, $0x6  }
0xa: {  	s6 =	smul.u32 $0x62000, s1;
	_ =	strace $0x80000047;
	s8 =	ssub.s32 $0x2, s1  }
0xb: {  	s24 =	smul.u32 $0x7000, s1;
	s1 =	sshll.u32 s1, $0x1;
	s7 =	sshrl.u32 s2, $0x3  }
0xc: {  	s9 =	sshrl.u32 s8, $0x1;
	s6 =	sadd.s32 s2, s6;
	s7 =	sadd.s32 s7, s0  }
0xd: {  	s11 =	ssub.s32 s8, s9;
	s2 =	sadd.s32 s2, s3;
	s8 =	ssub.s32 $0x8, s1  }
0xe: {  	s9 =	sadd.s32 $0x38DC0, s0;
	s26 =	sadd.s32 s24, s12;
	s24 =	simm.s32 $0x900  }
0xf: {  	s6 =	sshrl.u32 s6, $0x3;
	s25 =	sadd.s32 $0x39000, s7;
	s7 =	sor.u32 $0x1C02, s23  }
0x10: {  	s11 =	smax.u32 s11, $0x1;
	s12 =	sadd.s32 $0xC3500, s26;
	s13 =	sshrl.u32 s2, $0x3  }
0x11: {  	s23 =	simm.s32 $0x800;
	s26 =	simm.s32 $0xB00;
	s10 =	sadd.s32 s6, s0  }
0x12: {  	[dreg:$0x4] =	wrdreg s25;
	s25 =	simm.s32 $0xA00;
	s10 =	sadd.s32 $0x45400, s10  }
.LBB2_1:
0x13: {  	s0 =	rddreg [dreg:$0x4]  }
0x14: {  	[spmem:s13], [sflag:s7] =	dma.local [hbm:s0], $0xC40  }
0x15: {  	_ =	swait.ge [sflag:s14], $0xC40  }
0x16: {  	[sflag:s14] =	ssyncset.done $0x0  }
0x17: {  	[sflag:s14] =	ssyncadd.s32 $0xFFFFF3C0  }
0x18: {  	p1 =	sne.s32 s8, $0x1;
	s2 =	rddreg [dreg:$0x1]  }
0x19: {  	[tilespmem:s15], [sflag:$0x2] =	stream.linear.gather [hbm4b:s2+s4], $0x800, $0x38;
	[tilespmem:$0x7800] =	vst v63  }
.Ltmp0:
0x1a: {  	_ =	swait.ge [sflag:s14], $0x800;
	(pc) =	sbr.rel @!p1 .LBB2_4-.Ltmp0, $4  }
0x1b: {  	[sflag:s14] =	ssyncset.done $0x0  }
0x1c: {  	s1 =	sadd.s32 $0xFFFFFFFF, s8;
	[sflag:s14] =	ssyncadd.s32 $0xFFFFF800  }
0x1d: {  	s6 =	sadd.s32 $0xFFF3CB00, s12;
	s2 =	sshrl.u32 s12, $0x3;
	[bflag:$0x0] =	sbarrier.arrive $0xFFFF  }
0x1e: {  	p0 =	por $0x0, $0x0;
	p2 =	slt.s32 s6, $0xC3200;
	s2 =	sadd.s32 s5, s2  }
0x1f: {  	s0 =	smov.u32 s9  }
0x20: {  	s0 =	smov.u32 @p2 s2  }
0x21: {  	[tilespmem:s4], [sflag:$0x2] =	stream.linear.gather [hbm4b:s0+s4], $0xE00, $0x38;
	[tilespmem:$0x7800] =	vst v63  }
0x22: {  	_ =	swait.ge [sflag:s14], $0xE00  }
0x23: {  	[sflag:s14] =	ssyncset.done $0x0  }
0x24: {  	[sflag:s14] =	ssyncadd.s32 $0xFFFFF200  }
0x25: {  	[spmem:s3] =	stream.indirect.scatter.add.f32 [tilespmem:s15], [sflag:$0x1], $0x8, s4, s16, $0xb8;
	[tilespmem:$0x7800] =	vst v63  }
0x26: {  	_ = 	snop  }
0x27: {  	[spmem:s3] =	stream.indirect.scatter.add.f32 [tilespmem:s15], [sflag:$0x1], $0x8, s16, s16, $0xb8;
	[tilespmem:$0x7800] =	vst v63  }
0x28: {  	_ = 	snop  }
0x29: {  	[spmem:s3] =	stream.indirect.scatter.add.f32 [tilespmem:s15], [sflag:$0x1], $0x8, s17, s16, $0xb8;
	[tilespmem:$0x7800] =	vst v63  }
0x2a: {  	_ = 	snop  }
0x2b: {  	[spmem:s3] =	stream.indirect.scatter.add.f32 [tilespmem:s15], [sflag:$0x1], $0x8, s18, s16, $0xb8;
	[tilespmem:$0x7800] =	vst v63  }
0x2c: {  	_ = 	snop  }
0x2d: {  	[spmem:s3] =	stream.indirect.scatter.add.f32 [tilespmem:s15], [sflag:$0x1], $0x8, s19, s16, $0xb8;
	[tilespmem:$0x7800] =	vst v63  }
0x2e: {  	_ = 	snop  }
0x2f: {  	[spmem:s3] =	stream.indirect.scatter.add.f32 [tilespmem:s15], [sflag:$0x1], $0x8, s20, s16, $0xb8;
	[tilespmem:$0x7800] =	vst v63  }
0x30: {  	_ = 	snop  }
0x31: {  	[spmem:s3] =	stream.indirect.scatter.add.f32 [tilespmem:s15], [sflag:$0x1], $0x8, s21, s16, $0xb8;
	[tilespmem:$0x7800] =	vst v63  }
0x32: {  	_ = 	snop  }
0x33: {  	[spmem:s3] =	stream.indirect.scatter.add.f32 [tilespmem:s15], [sflag:$0x1], $0x8, s22, s16, $0xb8;
	[tilespmem:$0x7800] =	vst v63  }
0x34: {  	_ = 	snop  }
0x35: {  	[spmem:s3] =	stream.indirect.scatter.add.f32 [tilespmem:s15], [sflag:$0x1], $0x8, s23, s16, $0xb8;
	[tilespmem:$0x7800] =	vst v63  }
0x36: {  	_ = 	snop  }
0x37: {  	[spmem:s3] =	stream.indirect.scatter.add.f32 [tilespmem:s15], [sflag:$0x1], $0x8, s24, s16, $0xb8;
	[tilespmem:$0x7800] =	vst v63  }
0x38: {  	_ = 	snop  }
0x39: {  	[spmem:s3] =	stream.indirect.scatter.add.f32 [tilespmem:s15], [sflag:$0x1], $0x8, s25, s16, $0xb8;
	[tilespmem:$0x7800] =	vst v63  }
0x3a: {  	_ = 	snop  }
0x3b: {  	[spmem:s3] =	stream.indirect.scatter.add.f32 [tilespmem:s15], [sflag:$0x1], $0x8, s26, s16, $0xb8;
	[tilespmem:$0x7800] =	vst v63  }
0x3c: {  	_ = 	snop  }
0x3d: {  	[spmem:s3] =	stream.indirect.scatter.add.f32 [tilespmem:s15], [sflag:$0x1], $0x8, s28, s16, $0xb8;
	[tilespmem:$0x7800] =	vst v63  }
0x3e: {  	_ = 	snop  }
0x3f: {  	[spmem:s3] =	stream.indirect.scatter.add.f32 [tilespmem:s15], [sflag:$0x1], $0x8, s29, s16, $0xb8;
	[tilespmem:$0x7800] =	vst v63  }
0x40: {  	_ =	swait.ge [sflag:s30], $0x800  }
0x41: {  	[sflag:s30] =	ssyncset.done $0x0  }
0x42: {  	[sflag:s30] =	ssyncadd.s32 $0xFFFFF800  }
0x43: {  	_ =	swait.ge [sflag:s30], $0x800  }
0x44: {  	[sflag:s30] =	ssyncset.done $0x0  }
0x45: {  	[sflag:s30] =	ssyncadd.s32 $0xFFFFF800  }
0x46: {  	_ =	swait.ge [sflag:s30], $0x800  }
0x47: {  	[sflag:s30] =	ssyncset.done $0x0  }
0x48: {  	[sflag:s30] =	ssyncadd.s32 $0xFFFFF800  }
0x49: {  	_ =	swait.ge [sflag:s30], $0x800  }
0x4a: {  	[sflag:s30] =	ssyncset.done $0x0  }
0x4b: {  	[sflag:s30] =	ssyncadd.s32 $0xFFFFF800  }
0x4c: {  	_ =	swait.ge [sflag:s30], $0x800  }
0x4d: {  	[sflag:s30] =	ssyncset.done $0x0  }
0x4e: {  	[sflag:s30] =	ssyncadd.s32 $0xFFFFF800  }
0x4f: {  	_ =	swait.ge [sflag:s30], $0x800  }
0x50: {  	[sflag:s30] =	ssyncset.done $0x0  }
0x51: {  	[sflag:s30] =	ssyncadd.s32 $0xFFFFF800  }
0x52: {  	_ =	swait.ge [sflag:s30], $0x800  }
0x53: {  	[sflag:s30] =	ssyncset.done $0x0  }
0x54: {  	[sflag:s30] =	ssyncadd.s32 $0xFFFFF800  }
0x55: {  	_ =	swait.ge [sflag:s30], $0x800  }
0x56: {  	[sflag:s30] =	ssyncset.done $0x0  }
0x57: {  	[sflag:s30] =	ssyncadd.s32 $0xFFFFF800  }
0x58: {  	_ =	swait.ge [sflag:s30], $0x800  }
0x59: {  	[sflag:s30] =	ssyncset.done $0x0  }
0x5a: {  	[sflag:s30] =	ssyncadd.s32 $0xFFFFF800  }
0x5b: {  	_ =	swait.ge [sflag:s30], $0x800  }
0x5c: {  	[sflag:s30] =	ssyncset.done $0x0  }
0x5d: {  	[sflag:s30] =	ssyncadd.s32 $0xFFFFF800  }
0x5e: {  	_ =	swait.ge [sflag:s30], $0x800  }
0x5f: {  	[sflag:s30] =	ssyncset.done $0x0  }
0x60: {  	[sflag:s30] =	ssyncadd.s32 $0xFFFFF800  }
0x61: {  	_ =	swait.ge [sflag:s30], $0x800  }
0x62: {  	[sflag:s30] =	ssyncset.done $0x0  }
0x63: {  	p1 =	sne.s32 s1, $0x1;
	[sflag:s30] =	ssyncadd.s32 $0xFFFFF800  }
.Ltmp1:
0x64: {  	_ =	swait.ge [sflag:s30], $0x800;
	(pc) =	sbr.rel @!p1 .LBB2_4-.Ltmp1, $4  }
0x65: {  	s1 =	sadd.s32 $0xFFFFFFFF, s1;
	[sflag:s30] =	ssyncset.done $0x0  }
0x66: {  	p0 =	por $0x1, $0x1;
	s0 =	sadd.s32 $0xE00, s12;
	[sflag:s30] =	ssyncadd.s32 $0xFFFFF800  }
0x67: {  	s2 =	sadd.s32 $0xFFF3CB00, s0;
	s6 =	sshrl.u32 s0, $0x3;
	_ =	swait.ge [sflag:s30], $0x800  }
0x68: {  	p2 =	slt.s32 s2, $0xC3200;
	s2 =	sadd.s32 s5, s6;
	[sflag:s30] =	ssyncset.done $0x0  }
.LBB2_3:
0x69: {  	s6 =	smov.u32 s9  }
0x6a: {  	p1 =	sne.s32 s1, $0x1;
	[sflag:s30] =	ssyncadd.s32 $0xFFFFF800;
	s6 =	smov.u32 @p2 s2  }
0x6b: {  	[tilespmem:s4], [sflag:$0x2] =	stream.linear.gather [hbm4b:s6+s4], $0xE00, $0x38;
	[tilespmem:$0x7800] =	vst v63  }
0x6c: {  	s1 =	sadd.s32 $0xFFFFFFFF, s1;
	_ =	swait.ge [sflag:s14], $0xE00  }
0x6d: {  	[sflag:s14] =	ssyncset.done $0x0  }
0x6e: {  	[sflag:s14] =	ssyncadd.s32 $0xFFFFF200  }
0x6f: {  	[spmem:s3] =	stream.indirect.scatter.add.f32 [tilespmem:s15], [sflag:$0x1], $0x8, s4, s16, $0xb8;
	[tilespmem:$0x7800] =	vst v63  }
0x70: {  	_ = 	snop  }
0x71: {  	[spmem:s3] =	stream.indirect.scatter.add.f32 [tilespmem:s15], [sflag:$0x1], $0x8, s16, s16, $0xb8;
	[tilespmem:$0x7800] =	vst v63  }
0x72: {  	_ = 	snop  }
0x73: {  	[spmem:s3] =	stream.indirect.scatter.add.f32 [tilespmem:s15], [sflag:$0x1], $0x8, s17, s16, $0xb8;
	[tilespmem:$0x7800] =	vst v63  }
0x74: {  	_ = 	snop  }
0x75: {  	[spmem:s3] =	stream.indirect.scatter.add.f32 [tilespmem:s15], [sflag:$0x1], $0x8, s18, s16, $0xb8;
	[tilespmem:$0x7800] =	vst v63  }
0x76: {  	_ = 	snop  }
0x77: {  	[spmem:s3] =	stream.indirect.scatter.add.f32 [tilespmem:s15], [sflag:$0x1], $0x8, s19, s16, $0xb8;
	[tilespmem:$0x7800] =	vst v63  }
0x78: {  	_ = 	snop  }
0x79: {  	[spmem:s3] =	stream.indirect.scatter.add.f32 [tilespmem:s15], [sflag:$0x1], $0x8, s20, s16, $0xb8;
	[tilespmem:$0x7800] =	vst v63  }
0x7a: {  	_ = 	snop  }
0x7b: {  	[spmem:s3] =	stream.indirect.scatter.add.f32 [tilespmem:s15], [sflag:$0x1], $0x8, s21, s16, $0xb8;
	[tilespmem:$0x7800] =	vst v63  }
0x7c: {  	_ = 	snop  }
0x7d: {  	[spmem:s3] =	stream.indirect.scatter.add.f32 [tilespmem:s15], [sflag:$0x1], $0x8, s22, s16, $0xb8;
	[tilespmem:$0x7800] =	vst v63  }
0x7e: {  	_ = 	snop  }
0x7f: {  	[spmem:s3] =	stream.indirect.scatter.add.f32 [tilespmem:s15], [sflag:$0x1], $0x8, s23, s16, $0xb8;
	[tilespmem:$0x7800] =	vst v63  }
0x80: {  	_ = 	snop  }
0x81: {  	[spmem:s3] =	stream.indirect.scatter.add.f32 [tilespmem:s15], [sflag:$0x1], $0x8, s24, s16, $0xb8;
	[tilespmem:$0x7800] =	vst v63  }
0x82: {  	_ = 	snop  }
0x83: {  	[spmem:s3] =	stream.indirect.scatter.add.f32 [tilespmem:s15], [sflag:$0x1], $0x8, s25, s16, $0xb8;
	[tilespmem:$0x7800] =	vst v63  }
0x84: {  	_ = 	snop  }
0x85: {  	[spmem:s3] =	stream.indirect.scatter.add.f32 [tilespmem:s15], [sflag:$0x1], $0x8, s26, s16, $0xb8;
	[tilespmem:$0x7800] =	vst v63  }
0x86: {  	_ = 	snop  }
0x87: {  	[spmem:s3] =	stream.indirect.scatter.add.f32 [tilespmem:s15], [sflag:$0x1], $0x8, s28, s16, $0xb8;
	[tilespmem:$0x7800] =	vst v63  }
0x88: {  	_ = 	snop  }
0x89: {  	[spmem:s3] =	stream.indirect.scatter.add.f32 [tilespmem:s15], [sflag:$0x1], $0x8, s29, s16, $0xb8;
	[tilespmem:$0x7800] =	vst v63  }
0x8a: {  	_ =	swait.ge [sflag:s30], $0x800  }
0x8b: {  	[sflag:s30] =	ssyncset.done $0x0  }
0x8c: {  	[sflag:s30] =	ssyncadd.s32 $0xFFFFF800  }
0x8d: {  	_ =	swait.ge [sflag:s30], $0x800  }
0x8e: {  	[sflag:s30] =	ssyncset.done $0x0  }
0x8f: {  	[sflag:s30] =	ssyncadd.s32 $0xFFFFF800  }
0x90: {  	_ =	swait.ge [sflag:s30], $0x800  }
0x91: {  	[sflag:s30] =	ssyncset.done $0x0  }
0x92: {  	[sflag:s30] =	ssyncadd.s32 $0xFFFFF800  }
0x93: {  	_ =	swait.ge [sflag:s30], $0x800  }
0x94: {  	[sflag:s30] =	ssyncset.done $0x0  }
0x95: {  	[sflag:s30] =	ssyncadd.s32 $0xFFFFF800  }
0x96: {  	_ =	swait.ge [sflag:s30], $0x800  }
0x97: {  	[sflag:s30] =	ssyncset.done $0x0  }
0x98: {  	[sflag:s30] =	ssyncadd.s32 $0xFFFFF800  }
0x99: {  	_ =	swait.ge [sflag:s30], $0x800  }
0x9a: {  	[sflag:s30] =	ssyncset.done $0x0  }
0x9b: {  	[sflag:s30] =	ssyncadd.s32 $0xFFFFF800  }
0x9c: {  	_ =	swait.ge [sflag:s30], $0x800  }
0x9d: {  	[sflag:s30] =	ssyncset.done $0x0  }
0x9e: {  	[sflag:s30] =	ssyncadd.s32 $0xFFFFF800  }
0x9f: {  	_ =	swait.ge [sflag:s30], $0x800  }
0xa0: {  	[sflag:s30] =	ssyncset.done $0x0  }
0xa1: {  	[sflag:s30] =	ssyncadd.s32 $0xFFFFF800  }
0xa2: {  	_ =	swait.ge [sflag:s30], $0x800  }
0xa3: {  	[sflag:s30] =	ssyncset.done $0x0  }
0xa4: {  	[sflag:s30] =	ssyncadd.s32 $0xFFFFF800  }
0xa5: {  	_ =	swait.ge [sflag:s30], $0x800  }
0xa6: {  	[sflag:s30] =	ssyncset.done $0x0  }
0xa7: {  	[sflag:s30] =	ssyncadd.s32 $0xFFFFF800  }
0xa8: {  	_ =	swait.ge [sflag:s30], $0x800  }
0xa9: {  	[sflag:s30] =	ssyncset.done $0x0  }
0xaa: {  	[sflag:s30] =	ssyncadd.s32 $0xFFFFF800  }
0xab: {  	_ =	swait.ge [sflag:s30], $0x800  }
0xac: {  	[sflag:s30] =	ssyncset.done $0x0  }
0xad: {  	[sflag:s30] =	ssyncadd.s32 $0xFFFFF800  }
.Ltmp2:
0xae: {  	_ =	swait.ge [sflag:s30], $0x800;
	(pc) =	sbr.rel @p1 .LBB2_3-.Ltmp2, $4  }
0xaf: {  	[sflag:s30] =	ssyncset.done $0x0  }
0xb0: {  	s0 =	sadd.s32 $0xE00, s0;
	[sflag:s30] =	ssyncadd.s32 $0xFFFFF800  }
0xb1: {  	s2 =	sadd.s32 $0xFFF3CB00, s0;
	s6 =	sshrl.u32 s0, $0x3;
	_ =	swait.ge [sflag:s30], $0x800  }
0xb2: {  	p2 =	slt.s32 s2, $0xC3200;
	s2 =	sadd.s32 s5, s6;
	[sflag:s30] =	ssyncset.done $0x0  }
.LBB2_4:
0xb3: {  	s0 =	smov.u32 s9  }
0xb4: {  	[sflag:s30] =	ssyncadd.s32 @p0 $0xFFFFF800;
	s0 =	smov.u32 @p2 s2  }
0xb5: {  	[tilespmem:s4], [sflag:$0x2] =	stream.linear.gather [hbm4b:s0+s4], $0xE00, $0x38;
	[tilespmem:$0x7800] =	vst v63  }
0xb6: {  	_ =	swait.ge [sflag:s14], $0xE00  }
0xb7: {  	[sflag:s14] =	ssyncset.done $0x0  }
0xb8: {  	[sflag:s14] =	ssyncadd.s32 $0xFFFFF200  }
0xb9: {  	[spmem:s3] =	stream.indirect.scatter.add.f32 [tilespmem:s15], [sflag:$0x1], $0x8, s4, s16, $0xb8;
	[tilespmem:$0x7800] =	vst v63  }
0xba: {  	_ = 	snop  }
0xbb: {  	[spmem:s3] =	stream.indirect.scatter.add.f32 [tilespmem:s15], [sflag:$0x1], $0x8, s16, s16, $0xb8;
	[tilespmem:$0x7800] =	vst v63  }
0xbc: {  	_ = 	snop  }
0xbd: {  	[spmem:s3] =	stream.indirect.scatter.add.f32 [tilespmem:s15], [sflag:$0x1], $0x8, s17, s16, $0xb8;
	[tilespmem:$0x7800] =	vst v63  }
0xbe: {  	_ = 	snop  }
0xbf: {  	[spmem:s3] =	stream.indirect.scatter.add.f32 [tilespmem:s15], [sflag:$0x1], $0x8, s18, s16, $0xb8;
	[tilespmem:$0x7800] =	vst v63  }
0xc0: {  	_ = 	snop  }
0xc1: {  	[spmem:s3] =	stream.indirect.scatter.add.f32 [tilespmem:s15], [sflag:$0x1], $0x8, s19, s16, $0xb8;
	[tilespmem:$0x7800] =	vst v63  }
0xc2: {  	_ = 	snop  }
0xc3: {  	[spmem:s3] =	stream.indirect.scatter.add.f32 [tilespmem:s15], [sflag:$0x1], $0x8, s20, s16, $0xb8;
	[tilespmem:$0x7800] =	vst v63  }
0xc4: {  	_ = 	snop  }
0xc5: {  	[spmem:s3] =	stream.indirect.scatter.add.f32 [tilespmem:s15], [sflag:$0x1], $0x8, s21, s16, $0xb8;
	[tilespmem:$0x7800] =	vst v63  }
0xc6: {  	_ = 	snop  }
0xc7: {  	[spmem:s3] =	stream.indirect.scatter.add.f32 [tilespmem:s15], [sflag:$0x1], $0x8, s22, s16, $0xb8;
	[tilespmem:$0x7800] =	vst v63  }
0xc8: {  	_ = 	snop  }
0xc9: {  	[spmem:s3] =	stream.indirect.scatter.add.f32 [tilespmem:s15], [sflag:$0x1], $0x8, s23, s16, $0xb8;
	[tilespmem:$0x7800] =	vst v63  }
0xca: {  	_ = 	snop  }
0xcb: {  	[spmem:s3] =	stream.indirect.scatter.add.f32 [tilespmem:s15], [sflag:$0x1], $0x8, s24, s16, $0xb8;
	[tilespmem:$0x7800] =	vst v63  }
0xcc: {  	_ = 	snop  }
0xcd: {  	[spmem:s3] =	stream.indirect.scatter.add.f32 [tilespmem:s15], [sflag:$0x1], $0x8, s25, s16, $0xb8;
	[tilespmem:$0x7800] =	vst v63  }
0xce: {  	_ = 	snop  }
0xcf: {  	[spmem:s3] =	stream.indirect.scatter.add.f32 [tilespmem:s15], [sflag:$0x1], $0x8, s26, s16, $0xb8;
	[tilespmem:$0x7800] =	vst v63  }
0xd0: {  	_ = 	snop  }
0xd1: {  	[spmem:s3] =	stream.indirect.scatter.add.f32 [tilespmem:s15], [sflag:$0x1], $0x8, s28, s16, $0xb8;
	[tilespmem:$0x7800] =	vst v63  }
0xd2: {  	_ = 	snop  }
0xd3: {  	[spmem:s3] =	stream.indirect.scatter.add.f32 [tilespmem:s15], [sflag:$0x1], $0x8, s29, s16, $0xb8;
	[tilespmem:$0x7800] =	vst v63  }
0xd4: {  	_ =	swait.ge [sflag:s30], $0x800  }
0xd5: {  	[sflag:s30] =	ssyncset.done $0x0  }
0xd6: {  	[sflag:s30] =	ssyncadd.s32 $0xFFFFF800  }
0xd7: {  	_ =	swait.ge [sflag:s30], $0x800  }
0xd8: {  	[sflag:s30] =	ssyncset.done $0x0  }
0xd9: {  	[sflag:s30] =	ssyncadd.s32 $0xFFFFF800  }
0xda: {  	_ =	swait.ge [sflag:s30], $0x800  }
0xdb: {  	[sflag:s30] =	ssyncset.done $0x0  }
0xdc: {  	[sflag:s30] =	ssyncadd.s32 $0xFFFFF800  }
0xdd: {  	_ =	swait.ge [sflag:s30], $0x800  }
0xde: {  	[sflag:s30] =	ssyncset.done $0x0  }
0xdf: {  	[sflag:s30] =	ssyncadd.s32 $0xFFFFF800  }
0xe0: {  	_ =	swait.ge [sflag:s30], $0x800  }
0xe1: {  	[sflag:s30] =	ssyncset.done $0x0  }
0xe2: {  	[sflag:s30] =	ssyncadd.s32 $0xFFFFF800  }
0xe3: {  	_ =	swait.ge [sflag:s30], $0x800  }
0xe4: {  	[sflag:s30] =	ssyncset.done $0x0  }
0xe5: {  	[sflag:s30] =	ssyncadd.s32 $0xFFFFF800  }
0xe6: {  	_ =	swait.ge [sflag:s30], $0x800  }
0xe7: {  	[sflag:s30] =	ssyncset.done $0x0  }
0xe8: {  	[sflag:s30] =	ssyncadd.s32 $0xFFFFF800  }
0xe9: {  	_ =	swait.ge [sflag:s30], $0x800  }
0xea: {  	[sflag:s30] =	ssyncset.done $0x0  }
0xeb: {  	[sflag:s30] =	ssyncadd.s32 $0xFFFFF800  }
0xec: {  	_ =	swait.ge [sflag:s30], $0x800  }
0xed: {  	[sflag:s30] =	ssyncset.done $0x0  }
0xee: {  	[sflag:s30] =	ssyncadd.s32 $0xFFFFF800  }
0xef: {  	_ =	swait.ge [sflag:s30], $0x800  }
0xf0: {  	[sflag:s30] =	ssyncset.done $0x0  }
0xf1: {  	[sflag:s30] =	ssyncadd.s32 $0xFFFFF800  }
0xf2: {  	_ =	swait.ge [sflag:s30], $0x800  }
0xf3: {  	[sflag:s30] =	ssyncset.done $0x0  }
0xf4: {  	[sflag:s30] =	ssyncadd.s32 $0xFFFFF800  }
0xf5: {  	_ =	swait.ge [sflag:s30], $0x800  }
0xf6: {  	[sflag:s30] =	ssyncset.done $0x0  }
0xf7: {  	[sflag:s30] =	ssyncadd.s32 $0xFFFFF800  }
0xf8: {  	_ =	swait.ge [sflag:s30], $0x800  }
0xf9: {  	[sflag:s30] =	ssyncset.done $0x0  }
0xfa: {  	[sflag:s30] =	ssyncadd.s32 $0xFFFFF800  }
0xfb: {  	_ =	swait.ge [sflag:s30], $0x800  }
0xfc: {  	s31 =	sadd.s32 $0x1, s31;
	[sflag:s30] =	ssyncset.done $0x0  }
0xfd: {  	p0 =	sne.s32 s31, s11;
	[sflag:s30] =	ssyncadd.s32 $0xFFFFF800  }
.Ltmp3:
0xfe: {  	[bflag:$0x0] =	sbarrier.arrive $0xFFFF;
	(pc) =	sbr.rel @p0 .LBB2_1-.Ltmp3, $4  }
0xff: {  	[hbm:s10], [sflag:s7] =	dma.local [spmem:s13], $0xC40  }
0x100: {  	_ =	swait.ge [sflag:s14], $0xC40  }
0x101: {  	[sflag:s14] =	ssyncset.done $0x0  }
0x102: {  	[sflag:s14] =	ssyncadd.s32 $0xFFFFF3C0  }
0x103: {  	_ =	sfence.sel $0x180000  }
0x104: {  	[bflag:$0x0] =	sbarrier.arrive $0xFFFF  }
0x105: {  	_ =	strace $0x90000047  }
0x106: {  	s0 =	stileid.u32;
	[bflag:$0x2] =	sbarrier.arrive $0xFFFF  }
0x107: {  	p0 =	sne.s32 s0, $0x0;
	s0 =	rddreg [dreg:$0x3]  }
0x108: {  	s0 =	sadd.s32 @!p0 $0x100000, s0  }
0x109: {  	[sflag:s0] =	ssyncadd.tile.s32 @!p0 $0x1;
	_ =	shalt  }
.Lfunc_end2:
_tile_overlayer_lowered:
.L_overlay_start_2:
0x10a: {  	(tag) =	ssettag $0x2  }
0x10b: {  	s0 =	rddreg [dreg:$0x0];
	s2 =	stileid.u32  }
0x10c: {  	s1 =	rddreg [dreg:$0x1];
	p0 =	sne.s32 s2, $0x0  }
0x10d: {  	s3 =	rddreg [dreg:$0x2];
	[bflag:$0x3] =	sbarrier.arrive $0xFFFF;
	s2 =	simm.s32 @!p0 $0x1C02  }
0x10e: {  	[timem:s3], [sflag:s2] =	dma.local @!p0 [hbm:s0], s1  }
0x10f: {  	s0 =	simm.s32 @!p0 $0x2  }
0x110: {  	_ =	swait.ge @!p0 [sflag:s0], s1  }
0x111: {  	s1 =	ssub.s32 @!p0 $0x0, s1;
	[sflag:s0] =	ssyncset.done @!p0 $0x0  }
0x112: {  	[sflag:s0] =	ssyncadd.s32 @!p0 s1  }
0x113: {  	[bflag:$0x3] =	sbarrier.arrive $0xFFFF  }
0x114: {  	_ =	shalt  }

// kernel: kernel.15.cloned.1.call-start
scs
__scs_entry_jumppad:
0x0: {  	(pc) =	sbr.rel $0x88, $3  }
0x1: {  	(tag) =	ssettag $0x0;
	lr =	simm.s32 $0x1  }
0x2: {  	[smem:$0x3F82] =	sst lr;
	_ =	strace $0xD0000000  }
0x3: {  	_ = 	snop  }
0x4: {  	_ = 	snop  }
0x5: {  	_ = 	snop  }
0x6: {  	_ = 	snop  }
0x7: {  	_ = 	snop  }
__scs_overlays_trampoline_lowered:
0x8: {  	[smem:$0x3F91] =	sst s0  }
0x9: {  	[smem:$0x3F92] =	sst s1  }
0xa: {  	[smem:$0x3F93] =	sst s2  }
0xb: {  	[smem:$0x3F94] =	sst s3  }
0xc: {  	[smem:$0x3F95] =	sst s4  }
0xd: {  	[smem:$0x3F96] =	sst s5  }
0xe: {  	[smem:$0x3F97] =	sst s6  }
0xf: {  	[smem:$0x3F98] =	sst s7  }
0x10: {  	[smem:$0x3F99] =	sst s8  }
0x11: {  	[smem:$0x3F9A] =	sst s9;
	s0 =	simm.s32 @!p0 $0x0  }
0x12: {  	s1 =	sld [smem:$0x3F80];
	s0 =	simm.s32 @p0 $0x1  }
0x13: {  	[smem:$0x3F9B] =	sst s0;
	s0 =	simm.s32 @!p1 $0x0  }
0x14: {  	s2 =	sld [smem:$0x3F7F];
	s0 =	simm.s32 @p1 $0x1  }
0x15: {  	[smem:$0x3F9C] =	sst s0;
	s0 =	simm.s32 @!p2 $0x0  }
0x16: {  	s3 =	sld [smem:$0x3FDB];
	s0 =	simm.s32 @p2 $0x1  }
0x17: {  	s4 =	simm.s32 $0x1BF5;
	[smem:$0x3F9E] =	sst s0  }
0x18: {  	s0 =	sld [smem:$0x3F81];
	_ =	swait.ge [sflag:s4], $0x0  }
0x19: {  	s7 =	sld [smem:$0x3F82]  }
0x1a: {  	s8 =	sadd.s32 $0xFFFFE003, lr  }
0x1b: {  	s9 =	sadd.s32 $0xFFFFFEF7, lr;
	s5 =	simm.s32 $0xFFFFFFFF;
	p2 =	slt.u32 s8, $0xFFFFF086  }
0x1c: {  	p1 =	slt.u32 s9, $0xF7A;
	s5 =	simm.s32 @!p2 $0x0  }
0x1d: {  	s5 =	simm.s32 @p1 $0x1;
	p0 =	seq.s32 s7, s2  }
0x1e: {  	s7 =	smul.u32 @!p0 $0xF7A, s2;
	p2 =	seq.s32 @!p0 s5, $0x0  }
0x1f: {  	s9 =	smul.u32 $0xF7A, s1;
	s8 =	simm.s32 @!p0 $0x1BF5;
	p2 =	por !p2, p0  }
0x20: {  	[sflag:s8] =	ssyncset.s32 @!p0 $0xFFFFF086;
	s6 =	sadd.s32 @!p0 s3, s7;
	s7 =	simm.s32 @!p0 $0x108  }
0x21: {  	s3 =	sadd.s32 s3, s9;
	s6 =	sadd.s32 @!p0 $0x88, s6;
	s7 =	simm.s32 @p2 $0x1082  }
0x22: {  	[simem:s7], [sflag:s8] =	dma.local @!p0 [hbm:s6], $0xF7A  }
0x23: {  	s9 =	sor.u32 $0xD0000000, s2;
	s6 =	simm.s32 $0x108;
	_ =	swait.ge @!p0 [sflag:s8], $0x0  }
0x24: {  	s3 =	sadd.s32 $0x88, s3;
	s6 =	simm.s32 @!p1 $0x1082;
	[sflag:s4] =	ssyncset.s32 $0xFFFFF086  }
0x25: {  	[simem:s6], [sflag:s4] =	dma.local [hbm:s3], $0xF7A  }
0x26: {  	[smem:$0x3F82] =	sst s1;
	(tag) =	ssettag s2;
	_ =	strace s9  }
0x27: {  	s1 =	sld [smem:$0x3F92]  }
0x28: {  	s2 =	sld [smem:$0x3F93]  }
0x29: {  	s4 =	sld [smem:$0x3F95]  }
0x2a: {  	p0 =	seq.s32 s5, $0x0;
	s5 =	sld [smem:$0x3F96]  }
0x2b: {  	s6 =	sld [smem:$0x3F97]  }
0x2c: {  	s7 =	sld [smem:$0x3F98]  }
0x2d: {  	s3 =	simm.s32 $0x108;
	s8 =	sld [smem:$0x3F99]  }
0x2e: {  	s3 =	simm.s32 @!p0 $0x1082;
	s9 =	sld [smem:$0x3F9A]  }
0x2f: {  	lr =	sadd.s32 s0, s3;
	s0 =	sld [smem:$0x3F91]  }
0x30: {  	s3 =	sld [smem:$0x3F94]  }
0x31: {  	[smem:$0x3F9D] =	sst s10  }
0x32: {  	s10 =	sld [smem:$0x3F9B];
	_ =	sdelay $0x3  }
0x33: {  	p0 =	seq.s32 s10, $0x1;
	s10 =	sld [smem:$0x3F9D];
	_ =	sdelay $0x3  }
0x34: {  	[smem:$0x3F9D] =	sst s10  }
0x35: {  	s10 =	sld [smem:$0x3F9C];
	_ =	sdelay $0x3  }
0x36: {  	p1 =	seq.s32 s10, $0x1;
	s10 =	sld [smem:$0x3F9D];
	_ =	sdelay $0x3  }
0x37: {  	[smem:$0x3F9D] =	sst s10  }
0x38: {  	s10 =	sld [smem:$0x3F9E]  }
0x39: {  	_ = 	snop;
	(pc) =	sbr.ind lr, $3  }
0x3a: {  	_ = 	snop  }
0x3b: {  	_ = 	snop  }
0x3c: {  	p2 =	seq.s32 s10, $0x1;
	s10 =	sld [smem:$0x3F9D]  }
0x3d: {  	_ =	shalt  }
0x3e: {  	_ =	shalt  }
0x3f: {  	_ =	shalt  }
0x40: {  	_ =	shalt  }
0x41: {  	_ =	shalt  }
0x42: {  	_ =	shalt  }
0x43: {  	_ =	shalt  }
0x44: {  	_ =	shalt  }
0x45: {  	_ =	shalt  }
0x46: {  	_ =	shalt  }
0x47: {  	_ =	shalt  }
0x48: {  	_ =	shalt  }
0x49: {  	_ =	shalt  }
0x4a: {  	_ =	shalt  }
0x4b: {  	_ =	shalt  }
0x4c: {  	_ =	shalt  }
0x4d: {  	_ =	shalt  }
0x4e: {  	_ =	shalt  }
0x4f: {  	_ =	shalt  }
0x50: {  	_ =	shalt  }
0x51: {  	_ =	shalt  }
0x52: {  	_ =	shalt  }
0x53: {  	_ =	shalt  }
0x54: {  	_ =	shalt  }
0x55: {  	_ =	shalt  }
0x56: {  	_ =	shalt  }
0x57: {  	_ =	shalt  }
0x58: {  	_ =	shalt  }
0x59: {  	_ =	shalt  }
0x5a: {  	_ =	shalt  }
0x5b: {  	_ =	shalt  }
0x5c: {  	_ =	shalt  }
0x5d: {  	_ =	shalt  }
0x5e: {  	_ =	shalt  }
0x5f: {  	_ =	shalt  }
0x60: {  	_ =	shalt  }
0x61: {  	_ =	shalt  }
0x62: {  	_ =	shalt  }
0x63: {  	_ =	shalt  }
0x64: {  	_ =	shalt  }
0x65: {  	_ =	shalt  }
0x66: {  	_ =	shalt  }
0x67: {  	_ =	shalt  }
0x68: {  	_ =	shalt  }
0x69: {  	_ =	shalt  }
0x6a: {  	_ =	shalt  }
0x6b: {  	_ =	shalt  }
0x6c: {  	_ =	shalt  }
0x6d: {  	_ =	shalt  }
0x6e: {  	_ =	shalt  }
0x6f: {  	_ =	shalt  }
0x70: {  	_ =	shalt  }
0x71: {  	_ =	shalt  }
0x72: {  	_ =	shalt  }
0x73: {  	_ =	shalt  }
0x74: {  	_ =	shalt  }
0x75: {  	_ =	shalt  }
0x76: {  	_ =	shalt  }
0x77: {  	_ =	shalt  }
0x78: {  	_ =	shalt  }
0x79: {  	_ =	shalt  }
0x7a: {  	_ =	shalt  }
0x7b: {  	_ =	shalt  }
0x7c: {  	_ =	shalt  }
0x7d: {  	_ =	shalt  }
0x7e: {  	_ =	shalt  }
0x7f: {  	_ =	shalt  }
0x80: {  	_ =	shalt  }
0x81: {  	_ =	shalt  }
0x82: {  	_ =	shalt  }
0x83: {  	_ =	shalt  }
0x84: {  	_ =	shalt  }
0x85: {  	_ =	shalt  }
0x86: {  	_ =	shalt  }
0x87: {  	_ =	shalt  }
.Lfunc_end0:
.L_simem_size_0:
called_computation.1_lowered:
.L_overlay_start_0:
0x88: {  	s2 =	sld [smem:$0x3FD9]  }
0x89: {  	s3 =	sld [smem:$0x3FFE];
	_ =	sdelay $0x1  }
0x8a: {  	s1 =	srdreg.scid  }
0x8b: {  	s0 =	sand.u32 $0x1, s1  }
0x8c: {  	s16 =	sshll.u32 s0, $0xA;
	s2 =	sadd.s32 s3, s2  }
0x8d: {  	s2 =	sadd.s32 s2, s16  }
0x8e: {  	[smem:$0x3FA9] =	sst s2  }
0x8f: {  	_ = 	snop  }
0x90: {  	(tm) =	ssettm $0x1  }
0x91: {  	s17 =	sld [smem:$0x3FFB];
	_ =	sdelay $0x3  }
0x92: {  	_ =	strace s17  }
0x93: {  	s2 =	sld [smem:$0x3FFC];
	_ =	sdelay $0x3  }
0x94: {  	_ =	strace s2  }
0x95: {  	s2 =	sld [smem:$0x3FFD];
	_ =	sdelay $0x3  }
0x96: {  	_ =	strace s2  }
0x97: {  	_ =	strace $0x8FFFFFFF  }
0x98: {  	s18 =	sld [smem:$0x3FDB];
	_ =	sdelay $0x1  }
0x99: {  	s19 =	simm.s32 $_scs_section_size  }
0x9a: {  	s4 =	simm.s32 $_size__tile_overlayer_lowered;
	s5 =	simm.s32 $_tile_overlayer_lowered  }
0x9b: {  	s22 =	simm.s32 $0x1BFF;
	s21 =	sshll.u32 s5, $0x1;
	s2 =	sadd.s32 s19, s18  }
0x9c: {  	s6 =	simm.s32 $0x0;
	s20 =	sshll.u32 s4, $0x1;
	s4 =	sadd.s32 s21, s2  }
0x9d: {  	[timem:s6], [sflag:s22] =	dma.local [hbm:s4], s20  }
0x9e: {  	_ =	swait.ge [sflag:s22], s20  }
0x9f: {  	s3 =	ssub.s32 $0x0, s20;
	[sflag:s22] =	ssyncset.done $0x0  }
0xa0: {  	[sflag:s22] =	ssyncadd.s32 s3;
	_ =	sdelay $0x1  }
0xa1: {  	s23 =	simm.s32 $0x1B8B  }
0xa2: {  	_ =	swait.ge [sflag:s23], $0x1  }
0xa3: {  	[sflag:s23] =	ssyncset.done $0x0  }
0xa4: {  	s25 =	simm.s32 $0x1B8E;
	s24 =	sld [smem:$0x3FFE];
	[sflag:s23] =	ssyncadd.s32 $0xFFFFFFFF  }
0xa5: {  	s26 =	simm.s32 $execute0_lowered;
	[smem:$0x3FD2] =	sst s25  }
0xa6: {  	s4 =	sshll.u32 s26, $0x1;
	_ =	strace $0x80000049;
	[dreg:$0x1] =	wrdreg $0xFFFFFFFF  }
0xa7: {  	s28 =	simm.s32 $_size_execute0_lowered;
	s2 =	sadd.s32 s2, s4;
	[dreg:$0x0] =	wrdreg $0x0  }
0xa8: {  	s4 =	sshll.u32 s28, $0x1;
	[dreg:$0x2] =	wrdreg s2  }
0xa9: {  	[dreg:$0x3] =	wrdreg s4  }
0xaa: {  	[dreg:$0x4] =	wrdreg $0xC0  }
0xab: {  	_ =	task [dreg:s6], $0x5FFFF  }
0xac: {  	[dreg:$0x1] =	wrdreg $0xFFFFFFFF  }
0xad: {  	[dreg:$0x0] =	wrdreg $0x60  }
0xae: {  	[dreg:$0x2] =	wrdreg s24  }
0xaf: {  	[dreg:$0x3] =	wrdreg $0x5C000  }
0xb0: {  	[dreg:$0x4] =	wrdreg $0x9  }
0xb1: {  	_ =	task.clear_ibuf [dreg:s6], $0x5FFFF;
	_ =	strace $0x90000049  }
0xb2: {  	s29 =	simm.s32 $0x9;
	_ =	strace $0x8000004B  }
0xb3: {  	_ =	swait.ge [sflag:s29], $0x1  }
0xb4: {  	[sflag:s29] =	ssyncadd.s32 $0xFFFFFFFF  }
0xb5: {  	_ =	strace $0x9000004B  }
0xb6: {  	_ =	sfence  }
0xb7: {  	s30 =	sld [smem:$0x0];
	_ =	sdelay $0x2  }
0xb8: {  	s31 =	sshll.u32 s1, $0xD;
	s1 =	sshrl.u32 s1, $0x2  }
0xb9: {  	s3 =	sand.u32 $0x4000, s31;
	s1 =	sadd.s32 s1, s30  }
0xba: {  	s0 =	sor.u32 s3, s0;
	s1 =	sshll.u32 s1, $0x11  }
0xbb: {  	s0 =	sor.u32 s1, s0  }
0xbc: {  	s0 =	sadd.s32 $0x8F2B, s0  }
0xbd: {  	[sflag:s0] =	ssyncadd.remote.s32 $0x1  }
0xbe: {  	_ =	sfence.sel $0xFFFF  }
0xbf: {  	[dreg:$0x0] =	wrdreg $0xFFFFFFFF;
	(pc) =	sbr.abs _section_cstart, $3  }
0xc0: {  	[dreg:$0x1] =	wrdreg $0xFFFFFFFF  }
0xc1: {  	_ =	task.clear_ibuf [dreg:s6], $0x2FFFF;
	_ =	strace $0x9FFFFFFF  }
0xc2: {  	(tm) =	ssettm $0x7FFFFFFF  }
0xc3: {  	_ =	shalt  }
tec
execute0_lowered:
.L_overlay_start_1:
0x0: {  	(tag) =	ssettag $0x1  }
0x1: {  	s0 =	rddreg [dreg:$0x0]  }
0x2: {  	s2 =	rddreg [dreg:$0x1];
	s3 =	simm.s32 $0x0  }
0x3: {  	s12 =	stileid.u32;
	s1 =	srdreg.scid;
	s26 =	simm.s32 $0x200  }
0x4: {  	s30 =	simm.s32 $0xF00;
	[smem:$0x7FF] =	sst s3;
	s7 =	sadd.s32 $0x38C00, s0  }
0x5: {  	s14 =	simm.s32 $0x400;
	_ =	strace $0x8000004A;
	[dreg:$0x3] =	wrdreg s7  }
0x6: {  	s15 =	simm.s32 $0x1100;
	s16 =	simm.s32 $0x500;
	[dreg:$0x5] =	wrdreg s26  }
0x7: {  	s17 =	simm.s32 $0x1200;
	s19 =	simm.s32 $0x600;
	[dreg:$0x6] =	wrdreg s30  }
0x8: {  	s21 =	simm.s32 $0x1300;
	s22 =	simm.s32 $0x700;
	[dreg:$0x9] =	wrdreg s14  }
0x9: {  	s23 =	simm.s32 $0x1400;
	s24 =	simm.s32 $0x800;
	[dreg:$0xa] =	wrdreg s15  }
0xa: {  	s28 =	simm.s32 $0x1B00;
	s29 =	simm.s32 $0x0;
	[dreg:$0xb] =	wrdreg s16  }
0xb: {  	s6 =	smul.u32 $0x18800, s12;
	s1 =	sand.u32 $0x1, s1;
	[dreg:$0xc] =	wrdreg s17  }
0xc: {  	s4 =	sadd.s32 $0x39000, s0;
	s5 =	sadd.s32 $0x7E00, s0;
	[dreg:$0xd] =	wrdreg s19  }
0xd: {  	s31 =	sshll.u32 s12, $0x6;
	s12 =	smul.u32 $0xC400, s12;
	[dreg:$0xe] =	wrdreg s21  }
0xe: {  	s8 =	smul.u32 $0x188000, s1;
	s9 =	ssub.s32 $0x2, s1;
	[dreg:$0xf] =	wrdreg s22  }
0xf: {  	s13 =	sshll.u32 s1, $0x1;
	s1 =	smul.u32 $0x7000, s1;
	[dreg:$0x10] =	wrdreg s23  }
0x10: {  	s14 =	simm.s32 $0xE00;
	[dreg:$0x11] =	wrdreg s24;
	s15 =	simm.s32 $0x100  }
0x11: {  	s26 =	simm.s32 $0x900;
	s16 =	simm.s32 $0x1C00;
	s30 =	simm.s32 $0x1600  }
0x12: {  	s17 =	simm.s32 $0x3C00;
	s19 =	simm.s32 $0x2;
	s21 =	simm.s32 $0xB00  }
0x13: {  	s22 =	simm.s32 $0x1800;
	s23 =	simm.s32 $0xC00;
	s24 =	simm.s32 $0x1900  }
0x14: {  	s25 =	sshrl.u32 s6, $0x3;
	s10 =	sshrl.u32 s9, $0x1;
	[dreg:$0x13] =	wrdreg s26  }
0x15: {  	[dreg:$0x14] =	wrdreg s30;
	s26 =	simm.s32 $0x1A00;
	s8 =	sadd.s32 s6, s8  }
0x16: {  	s7 =	sadd.s32 s25, s0;
	s10 =	ssub.s32 s9, s10;
	s9 =	simm.s32 $0x1000  }
0x17: {  	s6 =	sadd.s32 s6, s2;
	s25 =	simm.s32 $0x1500;
	[dreg:$0x8] =	wrdreg s9  }
0x18: {  	s8 =	sshrl.u32 s8, $0x3;
	s7 =	sadd.s32 $0x9B000, s7;
	[dreg:$0x12] =	wrdreg s25  }
0x19: {  	s20 =	smax.u32 s10, $0x1;
	s25 =	simm.s32 $0xD00;
	[dreg:$0x16] =	wrdreg s7  }
0x1a: {  	s11 =	sadd.s32 s8, s0;
	s0 =	sadd.s32 $0x38DC0, s0;
	[dreg:$0x19] =	wrdreg s20  }
0x1b: {  	s8 =	simm.s32 $0x300;
	s7 =	sor.u32 $0x1C03, s31;
	[dreg:$0x4] =	wrdreg s0  }
0x1c: {  	s31 =	simm.s32 $0xA00;
	s20 =	simm.s32 $0x1700;
	[dreg:$0x7] =	wrdreg s8  }
0x1d: {  	s8 =	ssub.s32 $0x8, s13;
	s18 =	sadd.s32 $0xCC000, s11;
	[dreg:$0x15] =	wrdreg s31  }
0x1e: {  	s11 =	sadd.s32 s1, s12;
	s12 =	sshrl.u32 s6, $0x3;
	[dreg:$0x17] =	wrdreg s8  }
0x1f: {  	s13 =	simm.s32 $0x3;
	[dreg:$0x18] =	wrdreg s18;
	s18 =	simm.s32 $0x1  }
.LBB2_1:
0x20: {  	s0 =	rddreg [dreg:$0x16]  }
0x21: {  	[spmem:s12], [sflag:s7] =	dma.local [hbm:s0], $0x3100  }
0x22: {  	_ =	swait.ge [sflag:s13], $0x3100  }
0x23: {  	[sflag:s13] =	ssyncset.done $0x0  }
0x24: {  	[sflag:s13] =	ssyncadd.s32 $0xFFFFCF00  }
0x25: {  	[bflag:$0x0] =	sbarrier.arrive $0xFFFF  }
0x26: {  	s10 =	rddreg [dreg:$0x17]  }
0x27: {  	s0 =	sadd.s32 $0xFFFFFFFF, s10  }
0x28: {  	p2 =	sne.s32 s0, $0x0  }
.Ltmp0:
0x29: {  	p0 =	sgt.s32 s11, $0xC31FF;
	(pc) =	sbr.rel @!p2 .LBB2_6-.Ltmp0, $4  }
0x2a: {  	s1 =	sshrl.u32 @!p0 s11, $0x3;
	s6 =	sadd.s32 @!p0 $0xC3500, s11  }
0x2b: {  	s31 =	sadd.s32 @!p0 s5, s1;
	s1 =	sshrl.u32 @!p0 s6, $0x3  }
0x2c: {  	p1 =	por $0x0, $0x0;
	s30 =	sadd.s32 @!p0 s5, s1  }
0x2d: {  	p0 =	por p0, p0;
	s1 =	sadd.s32 $0xE00, s11;
	s6 =	rddreg [dreg:$0x3]  }
0x2e: {  	s8 =	simm.s32 @p0 $0x0  }
0x2f: {  	[tilespmem:s8], [sflag:$0x3] =	stream.linear.gather @p0 [hbm4b:s6+s8], $0xE00, $0x38;
	[tilespmem:$0x1E400] =	vst v63  }
0x30: {  	s6 =	simm.s32 @p0 $0x3  }
0x31: {  	_ =	swait.ge @p0 [sflag:s6], $0xE00  }
0x32: {  	[sflag:s6] =	ssyncset.done @p0 $0x0  }
0x33: {  	[sflag:s6] =	ssyncadd.s32 @p0 $0xFFFFF200;
	s6 =	simm.s32 @!p0 $0x0  }
0x34: {  	[tilespmem:s6], [sflag:$0x3] =	stream.linear.gather @!p0 [hbm4b:s31+s6], $0xE00, $0x38;
	[tilespmem:$0x1E400] =	vst v63  }
0x35: {  	s6 =	simm.s32 @!p0 $0x3  }
0x36: {  	_ =	swait.ge @!p0 [sflag:s6], $0xE00  }
0x37: {  	s8 =	rddreg [dreg:$0x4];
	[sflag:s6] =	ssyncset.done @!p0 $0x0  }
0x38: {  	[sflag:s6] =	ssyncadd.s32 @!p0 $0xFFFFF200;
	s30 =	smov.u32 @p0 s8  }
0x39: {  	[tilespmem:s14], [sflag:$0x3] =	stream.linear.gather [hbm4b:s30+s3], $0xE00, $0x38;
	[tilespmem:$0x1E400] =	vst v63  }
0x3a: {  	_ =	swait.ge [sflag:s13], $0xE00  }
0x3b: {  	[sflag:s13] =	ssyncset.done $0x0  }
0x3c: {  	[sflag:s13] =	ssyncadd.s32 $0xFFFFF200  }
0x3d: {  	[tilespmem:s16], [sflag:$0x1] =	stream.indirect.gather [hbm4b:s4+s15], $0x20, s3, s15, $0xb8;
	[tilespmem:$0x1E400] =	vst v63  }
0x3e: {  	_ = 	snop  }
0x3f: {  	[tilespmem:s17], [sflag:$0x2] =	stream.indirect.gather [hbm4b:s4+s15], $0x20, s15, s15, $0xb8;
	[tilespmem:$0x1E400] =	vst v63  }
0x40: {  	_ =	swait.ge [sflag:s18], $0x2000  }
0x41: {  	[sflag:s18] =	ssyncset.done $0x0  }
0x42: {  	[sflag:s18] =	ssyncadd.s32 $0xFFFFE000  }
0x43: {  	[spmem:s2] =	stream.indirect.scatter.add.f32 [tilespmem:s16], [sflag:$0x3], $0x20, s14, s15, $0xb8;
	[tilespmem:$0x1E400] =	vst v63  }
0x44: {  	_ =	swait.ge [sflag:s13], $0x2000  }
0x45: {  	[sflag:s13] =	ssyncset.done $0x0  }
0x46: {  	s9 =	rddreg [dreg:$0x5];
	[sflag:s13] =	ssyncadd.s32 $0xFFFFE000  }
0x47: {  	[tilespmem:s16], [sflag:$0x1] =	stream.indirect.gather [hbm4b:s4+s15], $0x20, s9, s15, $0xb8;
	[tilespmem:$0x1E400] =	vst v63  }
0x48: {  	_ =	swait.ge [sflag:s19], $0x2000  }
0x49: {  	[sflag:s19] =	ssyncset.done $0x0  }
0x4a: {  	s10 =	rddreg [dreg:$0x6];
	[sflag:s19] =	ssyncadd.s32 $0xFFFFE000  }
0x4b: {  	[spmem:s2] =	stream.indirect.scatter.add.f32 [tilespmem:s17], [sflag:$0x3], $0x20, s10, s15, $0xb8;
	[tilespmem:$0x1E400] =	vst v63  }
0x4c: {  	_ =	swait.ge [sflag:s13], $0x2000  }
0x4d: {  	[sflag:s13] =	ssyncset.done $0x0  }
0x4e: {  	s8 =	rddreg [dreg:$0x7];
	[sflag:s13] =	ssyncadd.s32 $0xFFFFE000  }
0x4f: {  	[tilespmem:s17], [sflag:$0x2] =	stream.indirect.gather [hbm4b:s4+s15], $0x20, s8, s15, $0xb8;
	[tilespmem:$0x1E400] =	vst v63  }
0x50: {  	_ =	swait.ge [sflag:s18], $0x2000  }
0x51: {  	[sflag:s18] =	ssyncset.done $0x0  }
0x52: {  	s9 =	rddreg [dreg:$0x8];
	[sflag:s18] =	ssyncadd.s32 $0xFFFFE000  }
0x53: {  	[spmem:s2] =	stream.indirect.scatter.add.f32 [tilespmem:s16], [sflag:$0x3], $0x20, s9, s15, $0xb8;
	[tilespmem:$0x1E400] =	vst v63  }
0x54: {  	_ =	swait.ge [sflag:s13], $0x2000  }
0x55: {  	[sflag:s13] =	ssyncset.done $0x0  }
0x56: {  	s10 =	rddreg [dreg:$0x9];
	[sflag:s13] =	ssyncadd.s32 $0xFFFFE000  }
0x57: {  	[tilespmem:s16], [sflag:$0x1] =	stream.indirect.gather [hbm4b:s4+s15], $0x20, s10, s15, $0xb8;
	[tilespmem:$0x1E400] =	vst v63  }
0x58: {  	_ =	swait.ge [sflag:s19], $0x2000  }
0x59: {  	[sflag:s19] =	ssyncset.done $0x0  }
0x5a: {  	s8 =	rddreg [dreg:$0xa];
	[sflag:s19] =	ssyncadd.s32 $0xFFFFE000  }
0x5b: {  	[spmem:s2] =	stream.indirect.scatter.add.f32 [tilespmem:s17], [sflag:$0x3], $0x20, s8, s15, $0xb8;
	[tilespmem:$0x1E400] =	vst v63  }
0x5c: {  	_ =	swait.ge [sflag:s13], $0x2000  }
0x5d: {  	[sflag:s13] =	ssyncset.done $0x0  }
0x5e: {  	s9 =	rddreg [dreg:$0xb];
	[sflag:s13] =	ssyncadd.s32 $0xFFFFE000  }
0x5f: {  	[tilespmem:s17], [sflag:$0x2] =	stream.indirect.gather [hbm4b:s4+s15], $0x20, s9, s15, $0xb8;
	[tilespmem:$0x1E400] =	vst v63  }
0x60: {  	_ =	swait.ge [sflag:s18], $0x2000  }
0x61: {  	[sflag:s18] =	ssyncset.done $0x0  }
0x62: {  	s10 =	rddreg [dreg:$0xc];
	[sflag:s18] =	ssyncadd.s32 $0xFFFFE000  }
0x63: {  	[spmem:s2] =	stream.indirect.scatter.add.f32 [tilespmem:s16], [sflag:$0x3], $0x20, s10, s15, $0xb8;
	[tilespmem:$0x1E400] =	vst v63  }
0x64: {  	_ =	swait.ge [sflag:s13], $0x2000  }
0x65: {  	[sflag:s13] =	ssyncset.done $0x0  }
0x66: {  	s8 =	rddreg [dreg:$0xd];
	[sflag:s13] =	ssyncadd.s32 $0xFFFFE000  }
0x67: {  	[tilespmem:s16], [sflag:$0x1] =	stream.indirect.gather [hbm4b:s4+s15], $0x20, s8, s15, $0xb8;
	[tilespmem:$0x1E400] =	vst v63  }
0x68: {  	_ =	swait.ge [sflag:s19], $0x2000  }
0x69: {  	[sflag:s19] =	ssyncset.done $0x0  }
0x6a: {  	s9 =	rddreg [dreg:$0xe];
	[sflag:s19] =	ssyncadd.s32 $0xFFFFE000  }
0x6b: {  	[spmem:s2] =	stream.indirect.scatter.add.f32 [tilespmem:s17], [sflag:$0x3], $0x20, s9, s15, $0xb8;
	[tilespmem:$0x1E400] =	vst v63  }
0x6c: {  	_ =	swait.ge [sflag:s13], $0x2000  }
0x6d: {  	[sflag:s13] =	ssyncset.done $0x0  }
0x6e: {  	s10 =	rddreg [dreg:$0xf];
	[sflag:s13] =	ssyncadd.s32 $0xFFFFE000  }
0x6f: {  	[tilespmem:s17], [sflag:$0x2] =	stream.indirect.gather [hbm4b:s4+s15], $0x20, s10, s15, $0xb8;
	[tilespmem:$0x1E400] =	vst v63  }
0x70: {  	_ =	swait.ge [sflag:s18], $0x2000  }
0x71: {  	[sflag:s18] =	ssyncset.done $0x0  }
0x72: {  	s8 =	rddreg [dreg:$0x10];
	[sflag:s18] =	ssyncadd.s32 $0xFFFFE000  }
0x73: {  	[spmem:s2] =	stream.indirect.scatter.add.f32 [tilespmem:s16], [sflag:$0x3], $0x20, s8, s15, $0xb8;
	[tilespmem:$0x1E400] =	vst v63  }
0x74: {  	_ =	swait.ge [sflag:s13], $0x2000  }
0x75: {  	[sflag:s13] =	ssyncset.done $0x0  }
0x76: {  	s9 =	rddreg [dreg:$0x11];
	[sflag:s13] =	ssyncadd.s32 $0xFFFFE000  }
0x77: {  	[tilespmem:s16], [sflag:$0x1] =	stream.indirect.gather [hbm4b:s4+s15], $0x20, s9, s15, $0xb8;
	[tilespmem:$0x1E400] =	vst v63  }
0x78: {  	_ =	swait.ge [sflag:s19], $0x2000  }
0x79: {  	[sflag:s19] =	ssyncset.done $0x0  }
0x7a: {  	s10 =	rddreg [dreg:$0x12];
	[sflag:s19] =	ssyncadd.s32 $0xFFFFE000  }
0x7b: {  	[spmem:s2] =	stream.indirect.scatter.add.f32 [tilespmem:s17], [sflag:$0x3], $0x20, s10, s15, $0xb8;
	[tilespmem:$0x1E400] =	vst v63  }
0x7c: {  	_ =	swait.ge [sflag:s13], $0x2000  }
0x7d: {  	[sflag:s13] =	ssyncset.done $0x0  }
0x7e: {  	s8 =	rddreg [dreg:$0x13];
	[sflag:s13] =	ssyncadd.s32 $0xFFFFE000  }
0x7f: {  	[tilespmem:s17], [sflag:$0x2] =	stream.indirect.gather [hbm4b:s4+s15], $0x20, s8, s15, $0xb8;
	[tilespmem:$0x1E400] =	vst v63  }
0x80: {  	_ =	swait.ge [sflag:s18], $0x2000  }
0x81: {  	[sflag:s18] =	ssyncset.done $0x0  }
0x82: {  	s9 =	rddreg [dreg:$0x14];
	[sflag:s18] =	ssyncadd.s32 $0xFFFFE000  }
0x83: {  	[spmem:s2] =	stream.indirect.scatter.add.f32 [tilespmem:s16], [sflag:$0x3], $0x20, s9, s15, $0xb8;
	[tilespmem:$0x1E400] =	vst v63  }
0x84: {  	_ =	swait.ge [sflag:s13], $0x2000  }
0x85: {  	[sflag:s13] =	ssyncset.done $0x0  }
0x86: {  	s10 =	rddreg [dreg:$0x15];
	[sflag:s13] =	ssyncadd.s32 $0xFFFFE000  }
0x87: {  	[tilespmem:s16], [sflag:$0x1] =	stream.indirect.gather [hbm4b:s4+s15], $0x20, s10, s15, $0xb8;
	[tilespmem:$0x1E400] =	vst v63  }
0x88: {  	_ =	swait.ge [sflag:s19], $0x2000  }
0x89: {  	[sflag:s19] =	ssyncset.done $0x0  }
0x8a: {  	[sflag:s19] =	ssyncadd.s32 $0xFFFFE000  }
0x8b: {  	[spmem:s2] =	stream.indirect.scatter.add.f32 [tilespmem:s17], [sflag:$0x3], $0x20, s20, s15, $0xb8;
	[tilespmem:$0x1E400] =	vst v63  }
0x8c: {  	_ =	swait.ge [sflag:s13], $0x2000  }
0x8d: {  	[sflag:s13] =	ssyncset.done $0x0  }
0x8e: {  	[sflag:s13] =	ssyncadd.s32 $0xFFFFE000  }
0x8f: {  	[tilespmem:s17], [sflag:$0x2] =	stream.indirect.gather [hbm4b:s4+s15], $0x20, s21, s15, $0xb8;
	[tilespmem:$0x1E400] =	vst v63  }
0x90: {  	_ =	swait.ge [sflag:s18], $0x2000  }
0x91: {  	[sflag:s18] =	ssyncset.done $0x0  }
0x92: {  	[sflag:s18] =	ssyncadd.s32 $0xFFFFE000  }
0x93: {  	[spmem:s2] =	stream.indirect.scatter.add.f32 [tilespmem:s16], [sflag:$0x3], $0x20, s22, s15, $0xb8;
	[tilespmem:$0x1E400] =	vst v63  }
0x94: {  	_ =	swait.ge [sflag:s13], $0x2000  }
0x95: {  	[sflag:s13] =	ssyncset.done $0x0  }
0x96: {  	[sflag:s13] =	ssyncadd.s32 $0xFFFFE000  }
0x97: {  	[tilespmem:s16], [sflag:$0x1] =	stream.indirect.gather [hbm4b:s4+s15], $0x20, s23, s15, $0xb8;
	[tilespmem:$0x1E400] =	vst v63  }
0x98: {  	_ =	swait.ge [sflag:s19], $0x2000  }
0x99: {  	[sflag:s19] =	ssyncset.done $0x0  }
0x9a: {  	[sflag:s19] =	ssyncadd.s32 $0xFFFFE000  }
0x9b: {  	[spmem:s2] =	stream.indirect.scatter.add.f32 [tilespmem:s17], [sflag:$0x3], $0x20, s24, s15, $0xb8;
	[tilespmem:$0x1E400] =	vst v63  }
0x9c: {  	_ =	swait.ge [sflag:s13], $0x2000  }
0x9d: {  	[sflag:s13] =	ssyncset.done $0x0  }
0x9e: {  	[sflag:s13] =	ssyncadd.s32 $0xFFFFE000  }
0x9f: {  	[tilespmem:s17], [sflag:$0x2] =	stream.indirect.gather [hbm4b:s4+s15], $0x20, s25, s15, $0xb8;
	[tilespmem:$0x1E400] =	vst v63  }
0xa0: {  	_ =	swait.ge [sflag:s18], $0x2000  }
0xa1: {  	[sflag:s18] =	ssyncset.done $0x0  }
0xa2: {  	[sflag:s18] =	ssyncadd.s32 $0xFFFFE000  }
0xa3: {  	[spmem:s2] =	stream.indirect.scatter.add.f32 [tilespmem:s16], [sflag:$0x3], $0x20, s26, s15, $0xb8;
	[tilespmem:$0x1E400] =	vst v63  }
0xa4: {  	_ =	swait.ge [sflag:s13], $0x2000  }
0xa5: {  	p0 =	sgt.s32 s1, $0xC31FF;
	[sflag:s13] =	ssyncset.done $0x0  }
0xa6: {  	s30 =	sadd.s32 $0xFFFFFFFF, s0;
	s0 =	sshrl.u32 @!p0 s1, $0x3;
	[sflag:s13] =	ssyncadd.s32 $0xFFFFE000  }
0xa7: {  	s31 =	sadd.s32 @!p0 s5, s0;
	p2 =	sne.s32 s30, $0x0;
	_ =	swait.ge [sflag:s19], $0x2000  }
.Ltmp1:
0xa8: {  	s0 =	sadd.s32 @!p0 $0xC3500, s1;
	[sflag:s19] =	ssyncset.done $0x0;
	(pc) =	sbr.rel @!p2 .LBB2_3-.Ltmp1, $4  }
0xa9: {  	p1 =	por $0x1, $0x1;
	s0 =	sshrl.u32 @!p0 s0, $0x3;
	[sflag:s19] =	ssyncadd.s32 $0xFFFFE000  }
0xaa: {  	[spmem:s2] =	stream.indirect.scatter.add.f32 [tilespmem:s17], [sflag:$0x3], $0x20, s28, s15, $0xb8;
	[tilespmem:$0x1E400] =	vst v63  }
0xab: {  	s1 =	sadd.s32 $0xE00, s1;
	s0 =	sadd.s32 @!p0 s5, s0;
	_ =	swait.ge [sflag:s13], $0x2000  }
0xac: {  	p0 =	por p0, p0;
	s6 =	rddreg [dreg:$0x3];
	[sflag:s13] =	ssyncset.done $0x0  }
.LBB2_4:
0xad: {  	[sflag:s13] =	ssyncadd.s32 $0xFFFFE000;
	s9 =	simm.s32 @p0 $0x0;
	s10 =	simm.s32 @p0 $0x3  }
0xae: {  	[tilespmem:s9], [sflag:$0x3] =	stream.linear.gather @p0 [hbm4b:s6+s9], $0xE00, $0x38;
	[tilespmem:$0x1E400] =	vst v63  }
0xaf: {  	p3 =	sgt.s32 s1, $0xC31FF;
	_ =	swait.ge @p0 [sflag:s10], $0xE00  }
0xb0: {  	s8 =	sshrl.u32 @!p3 s1, $0x3;
	s9 =	simm.s32 @!p0 $0x0;
	[sflag:s10] =	ssyncset.done @p0 $0x0  }
0xb1: {  	s6 =	sadd.s32 @!p3 s5, s8;
	[sflag:s10] =	ssyncadd.s32 @p0 $0xFFFFF200;
	s10 =	simm.s32 @!p0 $0x3  }
0xb2: {  	[tilespmem:s9], [sflag:$0x3] =	stream.linear.gather @!p0 [hbm4b:s31+s9], $0xE00, $0x38;
	[tilespmem:$0x1E400] =	vst v63  }
0xb3: {  	s31 =	smov.u32 s6;
	_ =	swait.ge @!p0 [sflag:s10], $0xE00  }
0xb4: {  	s9 =	smov.u32 s0;
	s6 =	rddreg [dreg:$0x4];
	[sflag:s10] =	ssyncset.done @!p0 $0x0  }
0xb5: {  	[sflag:s10] =	ssyncadd.s32 @!p0 $0xFFFFF200;
	s9 =	smov.u32 @p0 s6  }
0xb6: {  	[tilespmem:s14], [sflag:$0x3] =	stream.linear.gather [hbm4b:s9+s3], $0xE00, $0x38;
	[tilespmem:$0x1E400] =	vst v63  }
0xb7: {  	_ =	swait.ge [sflag:s13], $0xE00  }
0xb8: {  	[sflag:s13] =	ssyncset.done $0x0  }
0xb9: {  	[sflag:s13] =	ssyncadd.s32 $0xFFFFF200  }
0xba: {  	[tilespmem:s16], [sflag:$0x1] =	stream.indirect.gather [hbm4b:s4+s15], $0x20, s3, s15, $0xb8;
	[tilespmem:$0x1E400] =	vst v63  }
0xbb: {  	_ = 	snop  }
0xbc: {  	[tilespmem:s17], [sflag:$0x2] =	stream.indirect.gather [hbm4b:s4+s15], $0x20, s15, s15, $0xb8;
	[tilespmem:$0x1E400] =	vst v63  }
0xbd: {  	_ =	swait.ge [sflag:s18], $0x2000  }
0xbe: {  	[sflag:s18] =	ssyncset.done $0x0  }
0xbf: {  	[sflag:s18] =	ssyncadd.s32 $0xFFFFE000  }
0xc0: {  	[spmem:s2] =	stream.indirect.scatter.add.f32 [tilespmem:s16], [sflag:$0x3], $0x20, s14, s15, $0xb8;
	[tilespmem:$0x1E400] =	vst v63  }
0xc1: {  	_ =	swait.ge [sflag:s13], $0x2000  }
0xc2: {  	[sflag:s13] =	ssyncset.done $0x0  }
0xc3: {  	s9 =	rddreg [dreg:$0x5];
	[sflag:s13] =	ssyncadd.s32 $0xFFFFE000  }
0xc4: {  	[tilespmem:s16], [sflag:$0x1] =	stream.indirect.gather [hbm4b:s4+s15], $0x20, s9, s15, $0xb8;
	[tilespmem:$0x1E400] =	vst v63  }
0xc5: {  	_ =	swait.ge [sflag:s19], $0x2000  }
0xc6: {  	[sflag:s19] =	ssyncset.done $0x0  }
0xc7: {  	s8 =	sadd.s32 @!p3 $0xC3500, s1;
	s10 =	rddreg [dreg:$0x6];
	[sflag:s19] =	ssyncadd.s32 $0xFFFFE000  }
0xc8: {  	[spmem:s2] =	stream.indirect.scatter.add.f32 [tilespmem:s17], [sflag:$0x3], $0x20, s10, s15, $0xb8;
	[tilespmem:$0x1E400] =	vst v63  }
0xc9: {  	s8 =	sshrl.u32 @!p3 s8, $0x3;
	_ =	swait.ge [sflag:s13], $0x2000  }
0xca: {  	s8 =	sadd.s32 @!p3 s5, s8;
	[sflag:s13] =	ssyncset.done $0x0  }
0xcb: {  	s0 =	smov.u32 s8;
	s8 =	rddreg [dreg:$0x7];
	[sflag:s13] =	ssyncadd.s32 $0xFFFFE000  }
0xcc: {  	[tilespmem:s17], [sflag:$0x2] =	stream.indirect.gather [hbm4b:s4+s15], $0x20, s8, s15, $0xb8;
	[tilespmem:$0x1E400] =	vst v63  }
0xcd: {  	_ =	swait.ge [sflag:s18], $0x2000  }
0xce: {  	[sflag:s18] =	ssyncset.done $0x0  }
0xcf: {  	s9 =	rddreg [dreg:$0x8];
	[sflag:s18] =	ssyncadd.s32 $0xFFFFE000  }
0xd0: {  	[spmem:s2] =	stream.indirect.scatter.add.f32 [tilespmem:s16], [sflag:$0x3], $0x20, s9, s15, $0xb8;
	[tilespmem:$0x1E400] =	vst v63  }
0xd1: {  	_ =	swait.ge [sflag:s13], $0x2000  }
0xd2: {  	[sflag:s13] =	ssyncset.done $0x0  }
0xd3: {  	s10 =	rddreg [dreg:$0x9];
	[sflag:s13] =	ssyncadd.s32 $0xFFFFE000  }
0xd4: {  	[tilespmem:s16], [sflag:$0x1] =	stream.indirect.gather [hbm4b:s4+s15], $0x20, s10, s15, $0xb8;
	[tilespmem:$0x1E400] =	vst v63  }
0xd5: {  	_ =	swait.ge [sflag:s19], $0x2000  }
0xd6: {  	[sflag:s19] =	ssyncset.done $0x0  }
0xd7: {  	s8 =	rddreg [dreg:$0xa];
	[sflag:s19] =	ssyncadd.s32 $0xFFFFE000  }
0xd8: {  	[spmem:s2] =	stream.indirect.scatter.add.f32 [tilespmem:s17], [sflag:$0x3], $0x20, s8, s15, $0xb8;
	[tilespmem:$0x1E400] =	vst v63  }
0xd9: {  	_ =	swait.ge [sflag:s13], $0x2000  }
0xda: {  	[sflag:s13] =	ssyncset.done $0x0  }
0xdb: {  	s9 =	rddreg [dreg:$0xb];
	[sflag:s13] =	ssyncadd.s32 $0xFFFFE000  }
0xdc: {  	[tilespmem:s17], [sflag:$0x2] =	stream.indirect.gather [hbm4b:s4+s15], $0x20, s9, s15, $0xb8;
	[tilespmem:$0x1E400] =	vst v63  }
0xdd: {  	_ =	swait.ge [sflag:s18], $0x2000  }
0xde: {  	[sflag:s18] =	ssyncset.done $0x0  }
0xdf: {  	s10 =	rddreg [dreg:$0xc];
	[sflag:s18] =	ssyncadd.s32 $0xFFFFE000  }
0xe0: {  	[spmem:s2] =	stream.indirect.scatter.add.f32 [tilespmem:s16], [sflag:$0x3], $0x20, s10, s15, $0xb8;
	[tilespmem:$0x1E400] =	vst v63  }
0xe1: {  	_ =	swait.ge [sflag:s13], $0x2000  }
0xe2: {  	[sflag:s13] =	ssyncset.done $0x0  }
0xe3: {  	s8 =	rddreg [dreg:$0xd];
	[sflag:s13] =	ssyncadd.s32 $0xFFFFE000  }
0xe4: {  	[tilespmem:s16], [sflag:$0x1] =	stream.indirect.gather [hbm4b:s4+s15], $0x20, s8, s15, $0xb8;
	[tilespmem:$0x1E400] =	vst v63  }
0xe5: {  	_ =	swait.ge [sflag:s19], $0x2000  }
0xe6: {  	[sflag:s19] =	ssyncset.done $0x0  }
0xe7: {  	s9 =	rddreg [dreg:$0xe];
	[sflag:s19] =	ssyncadd.s32 $0xFFFFE000  }
0xe8: {  	[spmem:s2] =	stream.indirect.scatter.add.f32 [tilespmem:s17], [sflag:$0x3], $0x20, s9, s15, $0xb8;
	[tilespmem:$0x1E400] =	vst v63  }
0xe9: {  	_ =	swait.ge [sflag:s13], $0x2000  }
0xea: {  	[sflag:s13] =	ssyncset.done $0x0  }
0xeb: {  	s10 =	rddreg [dreg:$0xf];
	[sflag:s13] =	ssyncadd.s32 $0xFFFFE000  }
0xec: {  	[tilespmem:s17], [sflag:$0x2] =	stream.indirect.gather [hbm4b:s4+s15], $0x20, s10, s15, $0xb8;
	[tilespmem:$0x1E400] =	vst v63  }
0xed: {  	_ =	swait.ge [sflag:s18], $0x2000  }
0xee: {  	[sflag:s18] =	ssyncset.done $0x0  }
0xef: {  	s8 =	rddreg [dreg:$0x10];
	[sflag:s18] =	ssyncadd.s32 $0xFFFFE000  }
0xf0: {  	[spmem:s2] =	stream.indirect.scatter.add.f32 [tilespmem:s16], [sflag:$0x3], $0x20, s8, s15, $0xb8;
	[tilespmem:$0x1E400] =	vst v63  }
0xf1: {  	_ =	swait.ge [sflag:s13], $0x2000  }
0xf2: {  	[sflag:s13] =	ssyncset.done $0x0  }
0xf3: {  	s9 =	rddreg [dreg:$0x11];
	[sflag:s13] =	ssyncadd.s32 $0xFFFFE000  }
0xf4: {  	[tilespmem:s16], [sflag:$0x1] =	stream.indirect.gather [hbm4b:s4+s15], $0x20, s9, s15, $0xb8;
	[tilespmem:$0x1E400] =	vst v63  }
0xf5: {  	_ =	swait.ge [sflag:s19], $0x2000  }
0xf6: {  	[sflag:s19] =	ssyncset.done $0x0  }
0xf7: {  	s10 =	rddreg [dreg:$0x12];
	[sflag:s19] =	ssyncadd.s32 $0xFFFFE000  }
0xf8: {  	[spmem:s2] =	stream.indirect.scatter.add.f32 [tilespmem:s17], [sflag:$0x3], $0x20, s10, s15, $0xb8;
	[tilespmem:$0x1E400] =	vst v63  }
0xf9: {  	_ =	swait.ge [sflag:s13], $0x2000  }
0xfa: {  	[sflag:s13] =	ssyncset.done $0x0  }
0xfb: {  	s8 =	rddreg [dreg:$0x13];
	[sflag:s13] =	ssyncadd.s32 $0xFFFFE000  }
0xfc: {  	[tilespmem:s17], [sflag:$0x2] =	stream.indirect.gather [hbm4b:s4+s15], $0x20, s8, s15, $0xb8;
	[tilespmem:$0x1E400] =	vst v63  }
0xfd: {  	_ =	swait.ge [sflag:s18], $0x2000  }
0xfe: {  	[sflag:s18] =	ssyncset.done $0x0  }
0xff: {  	s9 =	rddreg [dreg:$0x14];
	[sflag:s18] =	ssyncadd.s32 $0xFFFFE000  }
0x100: {  	[spmem:s2] =	stream.indirect.scatter.add.f32 [tilespmem:s16], [sflag:$0x3], $0x20, s9, s15, $0xb8;
	[tilespmem:$0x1E400] =	vst v63  }
0x101: {  	_ =	swait.ge [sflag:s13], $0x2000  }
0x102: {  	[sflag:s13] =	ssyncset.done $0x0  }
0x103: {  	s10 =	rddreg [dreg:$0x15];
	[sflag:s13] =	ssyncadd.s32 $0xFFFFE000  }
0x104: {  	[tilespmem:s16], [sflag:$0x1] =	stream.indirect.gather [hbm4b:s4+s15], $0x20, s10, s15, $0xb8;
	[tilespmem:$0x1E400] =	vst v63  }
0x105: {  	_ =	swait.ge [sflag:s19], $0x2000  }
0x106: {  	[sflag:s19] =	ssyncset.done $0x0  }
0x107: {  	[sflag:s19] =	ssyncadd.s32 $0xFFFFE000  }
0x108: {  	[spmem:s2] =	stream.indirect.scatter.add.f32 [tilespmem:s17], [sflag:$0x3], $0x20, s20, s15, $0xb8;
	[tilespmem:$0x1E400] =	vst v63  }
0x109: {  	_ =	swait.ge [sflag:s13], $0x2000  }
0x10a: {  	[sflag:s13] =	ssyncset.done $0x0  }
0x10b: {  	[sflag:s13] =	ssyncadd.s32 $0xFFFFE000  }
0x10c: {  	[tilespmem:s17], [sflag:$0x2] =	stream.indirect.gather [hbm4b:s4+s15], $0x20, s21, s15, $0xb8;
	[tilespmem:$0x1E400] =	vst v63  }
0x10d: {  	_ =	swait.ge [sflag:s18], $0x2000  }
0x10e: {  	[sflag:s18] =	ssyncset.done $0x0  }
0x10f: {  	[sflag:s18] =	ssyncadd.s32 $0xFFFFE000  }
0x110: {  	[spmem:s2] =	stream.indirect.scatter.add.f32 [tilespmem:s16], [sflag:$0x3], $0x20, s22, s15, $0xb8;
	[tilespmem:$0x1E400] =	vst v63  }
0x111: {  	_ =	swait.ge [sflag:s13], $0x2000  }
0x112: {  	[sflag:s13] =	ssyncset.done $0x0  }
0x113: {  	[sflag:s13] =	ssyncadd.s32 $0xFFFFE000  }
0x114: {  	[tilespmem:s16], [sflag:$0x1] =	stream.indirect.gather [hbm4b:s4+s15], $0x20, s23, s15, $0xb8;
	[tilespmem:$0x1E400] =	vst v63  }
0x115: {  	_ =	swait.ge [sflag:s19], $0x2000  }
0x116: {  	[sflag:s19] =	ssyncset.done $0x0  }
0x117: {  	[sflag:s19] =	ssyncadd.s32 $0xFFFFE000  }
0x118: {  	[spmem:s2] =	stream.indirect.scatter.add.f32 [tilespmem:s17], [sflag:$0x3], $0x20, s24, s15, $0xb8;
	[tilespmem:$0x1E400] =	vst v63  }
0x119: {  	_ =	swait.ge [sflag:s13], $0x2000  }
0x11a: {  	[sflag:s13] =	ssyncset.done $0x0  }
0x11b: {  	[sflag:s13] =	ssyncadd.s32 $0xFFFFE000  }
0x11c: {  	[tilespmem:s17], [sflag:$0x2] =	stream.indirect.gather [hbm4b:s4+s15], $0x20, s25, s15, $0xb8;
	[tilespmem:$0x1E400] =	vst v63  }
0x11d: {  	_ =	swait.ge [sflag:s18], $0x2000  }
0x11e: {  	[sflag:s18] =	ssyncset.done $0x0  }
0x11f: {  	[sflag:s18] =	ssyncadd.s32 $0xFFFFE000  }
0x120: {  	[spmem:s2] =	stream.indirect.scatter.add.f32 [tilespmem:s16], [sflag:$0x3], $0x20, s26, s15, $0xb8;
	[tilespmem:$0x1E400] =	vst v63  }
0x121: {  	_ =	swait.ge [sflag:s13], $0x2000  }
0x122: {  	[sflag:s13] =	ssyncset.done $0x0  }
0x123: {  	s30 =	sadd.s32 $0xFFFFFFFF, s30;
	[sflag:s13] =	ssyncadd.s32 $0xFFFFE000  }
0x124: {  	p2 =	sne.s32 s30, $0x0;
	_ =	swait.ge [sflag:s19], $0x2000  }
.Ltmp2:
0x125: {  	[sflag:s19] =	ssyncset.done $0x0;
	(pc) =	sbr.rel @p2 .LBB2_4-.Ltmp2, $4  }
0x126: {  	[sflag:s19] =	ssyncadd.s32 $0xFFFFE000  }
0x127: {  	[spmem:s2] =	stream.indirect.scatter.add.f32 [tilespmem:s17], [sflag:$0x3], $0x20, s28, s15, $0xb8;
	[tilespmem:$0x1E400] =	vst v63  }
0x128: {  	s1 =	sadd.s32 $0xE00, s1;
	_ =	swait.ge [sflag:s13], $0x2000  }
0x129: {  	p0 =	por p3, p3;
	s6 =	rddreg [dreg:$0x3];
	[sflag:s13] =	ssyncset.done $0x0  }
0x12a: {  	s30 =	smov.u32 s0  }
.LBB2_6:
0x12b: {  	[sflag:s13] =	ssyncadd.s32 @p1 $0xFFFFE000;
	s0 =	simm.s32 @p0 $0x0  }
0x12c: {  	[tilespmem:s0], [sflag:$0x3] =	stream.linear.gather @p0 [hbm4b:s6+s0], $0xE00, $0x38;
	[tilespmem:$0x1E400] =	vst v63  }
0x12d: {  	s0 =	simm.s32 @p0 $0x3  }
0x12e: {  	_ =	swait.ge @p0 [sflag:s0], $0xE00  }
0x12f: {  	[sflag:s0] =	ssyncset.done @p0 $0x0  }
0x130: {  	[sflag:s0] =	ssyncadd.s32 @p0 $0xFFFFF200;
	s0 =	simm.s32 @!p0 $0x0  }
0x131: {  	[tilespmem:s0], [sflag:$0x3] =	stream.linear.gather @!p0 [hbm4b:s31+s0], $0xE00, $0x38;
	[tilespmem:$0x1E400] =	vst v63  }
0x132: {  	s0 =	simm.s32 @!p0 $0x3  }
0x133: {  	_ =	swait.ge @!p0 [sflag:s0], $0xE00  }
0x134: {  	s1 =	rddreg [dreg:$0x4];
	[sflag:s0] =	ssyncset.done @!p0 $0x0  }
0x135: {  	[sflag:s0] =	ssyncadd.s32 @!p0 $0xFFFFF200;
	s30 =	smov.u32 @p0 s1  }
0x136: {  	[tilespmem:s14], [sflag:$0x3] =	stream.linear.gather [hbm4b:s30+s3], $0xE00, $0x38;
	[tilespmem:$0x1E400] =	vst v63  }
0x137: {  	_ =	swait.ge [sflag:s13], $0xE00  }
0x138: {  	[sflag:s13] =	ssyncset.done $0x0  }
0x139: {  	[sflag:s13] =	ssyncadd.s32 $0xFFFFF200  }
0x13a: {  	[tilespmem:s16], [sflag:$0x1] =	stream.indirect.gather [hbm4b:s4+s15], $0x20, s3, s15, $0xb8;
	[tilespmem:$0x1E400] =	vst v63  }
0x13b: {  	_ = 	snop  }
0x13c: {  	[tilespmem:s17], [sflag:$0x2] =	stream.indirect.gather [hbm4b:s4+s15], $0x20, s15, s15, $0xb8;
	[tilespmem:$0x1E400] =	vst v63  }
0x13d: {  	_ =	swait.ge [sflag:s18], $0x2000  }
0x13e: {  	[sflag:s18] =	ssyncset.done $0x0  }
0x13f: {  	[sflag:s18] =	ssyncadd.s32 $0xFFFFE000  }
0x140: {  	[spmem:s2] =	stream.indirect.scatter.add.f32 [tilespmem:s16], [sflag:$0x3], $0x20, s14, s15, $0xb8;
	[tilespmem:$0x1E400] =	vst v63  }
0x141: {  	_ =	swait.ge [sflag:s13], $0x2000  }
0x142: {  	[sflag:s13] =	ssyncset.done $0x0  }
0x143: {  	s8 =	rddreg [dreg:$0x5];
	[sflag:s13] =	ssyncadd.s32 $0xFFFFE000  }
0x144: {  	[tilespmem:s16], [sflag:$0x1] =	stream.indirect.gather [hbm4b:s4+s15], $0x20, s8, s15, $0xb8;
	[tilespmem:$0x1E400] =	vst v63  }
0x145: {  	_ =	swait.ge [sflag:s19], $0x2000  }
0x146: {  	[sflag:s19] =	ssyncset.done $0x0  }
0x147: {  	s9 =	rddreg [dreg:$0x6];
	[sflag:s19] =	ssyncadd.s32 $0xFFFFE000  }
0x148: {  	[spmem:s2] =	stream.indirect.scatter.add.f32 [tilespmem:s17], [sflag:$0x3], $0x20, s9, s15, $0xb8;
	[tilespmem:$0x1E400] =	vst v63  }
0x149: {  	_ =	swait.ge [sflag:s13], $0x2000  }
0x14a: {  	[sflag:s13] =	ssyncset.done $0x0  }
0x14b: {  	s10 =	rddreg [dreg:$0x7];
	[sflag:s13] =	ssyncadd.s32 $0xFFFFE000  }
0x14c: {  	[tilespmem:s17], [sflag:$0x2] =	stream.indirect.gather [hbm4b:s4+s15], $0x20, s10, s15, $0xb8;
	[tilespmem:$0x1E400] =	vst v63  }
0x14d: {  	_ =	swait.ge [sflag:s18], $0x2000  }
0x14e: {  	[sflag:s18] =	ssyncset.done $0x0  }
0x14f: {  	s30 =	rddreg [dreg:$0x8];
	[sflag:s18] =	ssyncadd.s32 $0xFFFFE000  }
0x150: {  	[spmem:s2] =	stream.indirect.scatter.add.f32 [tilespmem:s16], [sflag:$0x3], $0x20, s30, s15, $0xb8;
	[tilespmem:$0x1E400] =	vst v63  }
0x151: {  	_ =	swait.ge [sflag:s13], $0x2000  }
0x152: {  	[sflag:s13] =	ssyncset.done $0x0  }
0x153: {  	s31 =	rddreg [dreg:$0x9];
	[sflag:s13] =	ssyncadd.s32 $0xFFFFE000  }
0x154: {  	[tilespmem:s16], [sflag:$0x1] =	stream.indirect.gather [hbm4b:s4+s15], $0x20, s31, s15, $0xb8;
	[tilespmem:$0x1E400] =	vst v63  }
0x155: {  	_ =	swait.ge [sflag:s19], $0x2000  }
0x156: {  	[sflag:s19] =	ssyncset.done $0x0  }
0x157: {  	s1 =	rddreg [dreg:$0xa];
	[sflag:s19] =	ssyncadd.s32 $0xFFFFE000  }
0x158: {  	[spmem:s2] =	stream.indirect.scatter.add.f32 [tilespmem:s17], [sflag:$0x3], $0x20, s1, s15, $0xb8;
	[tilespmem:$0x1E400] =	vst v63  }
0x159: {  	_ =	swait.ge [sflag:s13], $0x2000  }
0x15a: {  	[sflag:s13] =	ssyncset.done $0x0  }
0x15b: {  	s6 =	rddreg [dreg:$0xb];
	[sflag:s13] =	ssyncadd.s32 $0xFFFFE000  }
0x15c: {  	[tilespmem:s17], [sflag:$0x2] =	stream.indirect.gather [hbm4b:s4+s15], $0x20, s6, s15, $0xb8;
	[tilespmem:$0x1E400] =	vst v63  }
0x15d: {  	_ =	swait.ge [sflag:s18], $0x2000  }
0x15e: {  	[sflag:s18] =	ssyncset.done $0x0  }
0x15f: {  	s8 =	rddreg [dreg:$0xc];
	[sflag:s18] =	ssyncadd.s32 $0xFFFFE000  }
0x160: {  	[spmem:s2] =	stream.indirect.scatter.add.f32 [tilespmem:s16], [sflag:$0x3], $0x20, s8, s15, $0xb8;
	[tilespmem:$0x1E400] =	vst v63  }
0x161: {  	_ =	swait.ge [sflag:s13], $0x2000  }
0x162: {  	[sflag:s13] =	ssyncset.done $0x0  }
0x163: {  	s9 =	rddreg [dreg:$0xd];
	[sflag:s13] =	ssyncadd.s32 $0xFFFFE000  }
0x164: {  	[tilespmem:s16], [sflag:$0x1] =	stream.indirect.gather [hbm4b:s4+s15], $0x20, s9, s15, $0xb8;
	[tilespmem:$0x1E400] =	vst v63  }
0x165: {  	_ =	swait.ge [sflag:s19], $0x2000  }
0x166: {  	[sflag:s19] =	ssyncset.done $0x0  }
0x167: {  	s10 =	rddreg [dreg:$0xe];
	[sflag:s19] =	ssyncadd.s32 $0xFFFFE000  }
0x168: {  	[spmem:s2] =	stream.indirect.scatter.add.f32 [tilespmem:s17], [sflag:$0x3], $0x20, s10, s15, $0xb8;
	[tilespmem:$0x1E400] =	vst v63  }
0x169: {  	_ =	swait.ge [sflag:s13], $0x2000  }
0x16a: {  	[sflag:s13] =	ssyncset.done $0x0  }
0x16b: {  	s30 =	rddreg [dreg:$0xf];
	[sflag:s13] =	ssyncadd.s32 $0xFFFFE000  }
0x16c: {  	[tilespmem:s17], [sflag:$0x2] =	stream.indirect.gather [hbm4b:s4+s15], $0x20, s30, s15, $0xb8;
	[tilespmem:$0x1E400] =	vst v63  }
0x16d: {  	_ =	swait.ge [sflag:s18], $0x2000  }
0x16e: {  	[sflag:s18] =	ssyncset.done $0x0  }
0x16f: {  	s31 =	rddreg [dreg:$0x10];
	[sflag:s18] =	ssyncadd.s32 $0xFFFFE000  }
0x170: {  	[spmem:s2] =	stream.indirect.scatter.add.f32 [tilespmem:s16], [sflag:$0x3], $0x20, s31, s15, $0xb8;
	[tilespmem:$0x1E400] =	vst v63  }
0x171: {  	_ =	swait.ge [sflag:s13], $0x2000  }
0x172: {  	[sflag:s13] =	ssyncset.done $0x0  }
0x173: {  	s1 =	rddreg [dreg:$0x11];
	[sflag:s13] =	ssyncadd.s32 $0xFFFFE000  }
0x174: {  	[tilespmem:s16], [sflag:$0x1] =	stream.indirect.gather [hbm4b:s4+s15], $0x20, s1, s15, $0xb8;
	[tilespmem:$0x1E400] =	vst v63  }
0x175: {  	_ =	swait.ge [sflag:s19], $0x2000  }
0x176: {  	[sflag:s19] =	ssyncset.done $0x0  }
0x177: {  	s6 =	rddreg [dreg:$0x12];
	[sflag:s19] =	ssyncadd.s32 $0xFFFFE000  }
0x178: {  	[spmem:s2] =	stream.indirect.scatter.add.f32 [tilespmem:s17], [sflag:$0x3], $0x20, s6, s15, $0xb8;
	[tilespmem:$0x1E400] =	vst v63  }
0x179: {  	_ =	swait.ge [sflag:s13], $0x2000  }
0x17a: {  	[sflag:s13] =	ssyncset.done $0x0  }
0x17b: {  	s8 =	rddreg [dreg:$0x13];
	[sflag:s13] =	ssyncadd.s32 $0xFFFFE000  }
0x17c: {  	[tilespmem:s17], [sflag:$0x2] =	stream.indirect.gather [hbm4b:s4+s15], $0x20, s8, s15, $0xb8;
	[tilespmem:$0x1E400] =	vst v63  }
0x17d: {  	_ =	swait.ge [sflag:s18], $0x2000  }
0x17e: {  	[sflag:s18] =	ssyncset.done $0x0  }
0x17f: {  	s9 =	rddreg [dreg:$0x14];
	[sflag:s18] =	ssyncadd.s32 $0xFFFFE000  }
0x180: {  	[spmem:s2] =	stream.indirect.scatter.add.f32 [tilespmem:s16], [sflag:$0x3], $0x20, s9, s15, $0xb8;
	[tilespmem:$0x1E400] =	vst v63  }
0x181: {  	_ =	swait.ge [sflag:s13], $0x2000  }
0x182: {  	[sflag:s13] =	ssyncset.done $0x0  }
0x183: {  	s10 =	rddreg [dreg:$0x15];
	[sflag:s13] =	ssyncadd.s32 $0xFFFFE000  }
0x184: {  	[tilespmem:s16], [sflag:$0x1] =	stream.indirect.gather [hbm4b:s4+s15], $0x20, s10, s15, $0xb8;
	[tilespmem:$0x1E400] =	vst v63  }
0x185: {  	_ =	swait.ge [sflag:s19], $0x2000  }
0x186: {  	[sflag:s19] =	ssyncset.done $0x0  }
0x187: {  	[sflag:s19] =	ssyncadd.s32 $0xFFFFE000  }
0x188: {  	[spmem:s2] =	stream.indirect.scatter.add.f32 [tilespmem:s17], [sflag:$0x3], $0x20, s20, s15, $0xb8;
	[tilespmem:$0x1E400] =	vst v63  }
0x189: {  	_ =	swait.ge [sflag:s13], $0x2000  }
0x18a: {  	[sflag:s13] =	ssyncset.done $0x0  }
0x18b: {  	[sflag:s13] =	ssyncadd.s32 $0xFFFFE000  }
0x18c: {  	[tilespmem:s17], [sflag:$0x2] =	stream.indirect.gather [hbm4b:s4+s15], $0x20, s21, s15, $0xb8;
	[tilespmem:$0x1E400] =	vst v63  }
0x18d: {  	_ =	swait.ge [sflag:s18], $0x2000  }
0x18e: {  	[sflag:s18] =	ssyncset.done $0x0  }
0x18f: {  	[sflag:s18] =	ssyncadd.s32 $0xFFFFE000  }
0x190: {  	[spmem:s2] =	stream.indirect.scatter.add.f32 [tilespmem:s16], [sflag:$0x3], $0x20, s22, s15, $0xb8;
	[tilespmem:$0x1E400] =	vst v63  }
0x191: {  	_ =	swait.ge [sflag:s13], $0x2000  }
0x192: {  	[sflag:s13] =	ssyncset.done $0x0  }
0x193: {  	[sflag:s13] =	ssyncadd.s32 $0xFFFFE000  }
0x194: {  	[tilespmem:s16], [sflag:$0x1] =	stream.indirect.gather [hbm4b:s4+s15], $0x20, s23, s15, $0xb8;
	[tilespmem:$0x1E400] =	vst v63  }
0x195: {  	_ =	swait.ge [sflag:s19], $0x2000  }
0x196: {  	[sflag:s19] =	ssyncset.done $0x0  }
0x197: {  	[sflag:s19] =	ssyncadd.s32 $0xFFFFE000  }
0x198: {  	[spmem:s2] =	stream.indirect.scatter.add.f32 [tilespmem:s17], [sflag:$0x3], $0x20, s24, s15, $0xb8;
	[tilespmem:$0x1E400] =	vst v63  }
0x199: {  	_ =	swait.ge [sflag:s13], $0x2000  }
0x19a: {  	[sflag:s13] =	ssyncset.done $0x0  }
0x19b: {  	[sflag:s13] =	ssyncadd.s32 $0xFFFFE000  }
0x19c: {  	[tilespmem:s17], [sflag:$0x2] =	stream.indirect.gather [hbm4b:s4+s15], $0x20, s25, s15, $0xb8;
	[tilespmem:$0x1E400] =	vst v63  }
0x19d: {  	_ =	swait.ge [sflag:s18], $0x2000  }
0x19e: {  	[sflag:s18] =	ssyncset.done $0x0  }
0x19f: {  	[sflag:s18] =	ssyncadd.s32 $0xFFFFE000  }
0x1a0: {  	[spmem:s2] =	stream.indirect.scatter.add.f32 [tilespmem:s16], [sflag:$0x3], $0x20, s26, s15, $0xb8;
	[tilespmem:$0x1E400] =	vst v63  }
0x1a1: {  	_ =	swait.ge [sflag:s13], $0x2000  }
0x1a2: {  	[sflag:s13] =	ssyncset.done $0x0  }
0x1a3: {  	[sflag:s13] =	ssyncadd.s32 $0xFFFFE000  }
0x1a4: {  	_ =	swait.ge [sflag:s19], $0x2000  }
0x1a5: {  	[sflag:s19] =	ssyncset.done $0x0  }
0x1a6: {  	[sflag:s19] =	ssyncadd.s32 $0xFFFFE000  }
0x1a7: {  	[spmem:s2] =	stream.indirect.scatter.add.f32 [tilespmem:s17], [sflag:$0x3], $0x20, s28, s15, $0xb8;
	[tilespmem:$0x1E400] =	vst v63  }
0x1a8: {  	_ =	swait.ge [sflag:s13], $0x2000  }
0x1a9: {  	[sflag:s13] =	ssyncset.done $0x0  }
0x1aa: {  	[sflag:s13] =	ssyncadd.s32 $0xFFFFE000  }
0x1ab: {  	[bflag:$0x0] =	sbarrier.arrive $0xFFFF  }
0x1ac: {  	s30 =	rddreg [dreg:$0x18]  }
0x1ad: {  	[hbm:s30], [sflag:s7] =	dma.local [spmem:s12], $0x3100  }
0x1ae: {  	_ =	swait.ge [sflag:s13], $0x3100  }
0x1af: {  	s29 =	sadd.s32 $0x1, s29;
	s31 =	rddreg [dreg:$0x19]  }
0x1b0: {  	p0 =	sne.s32 s29, s31  }
.Ltmp3:
0x1b1: {  	_ = 	snop;
	(pc) =	sbr.rel @p0 .LBB2_1-.Ltmp3, $4  }
.Ltmp4:
0x1b2: {  	_ = 	snop;
	(pc) =	sbr.rel @!p0 .LBB2_7-.Ltmp4, $4  }
0x1b3: {  	_ = 	snop  }
0x1b4: {  	[sflag:s13] =	ssyncset.done $0x0  }
0x1b5: {  	[sflag:s13] =	ssyncadd.s32 $0xFFFFCF00  }
0x1b6: {  	_ = 	snop  }
.LBB2_3:
.Ltmp5:
0x1b7: {  	(pc) =	sbr.rel .LBB2_6-.Ltmp5, $2  }
0x1b8: {  	_ =	sdelay $0x2  }
0x1b9: {  	s30 =	smov.u32 s0  }
.LBB2_7:
0x1ba: {  	_ =	sfence.sel $0x180000  }
0x1bb: {  	[bflag:$0x0] =	sbarrier.arrive $0xFFFF  }
0x1bc: {  	_ =	strace $0x9000004A  }
0x1bd: {  	s0 =	stileid.u32;
	[bflag:$0x2] =	sbarrier.arrive $0xFFFF  }
0x1be: {  	p0 =	sne.s32 s0, $0x0;
	s0 =	rddreg [dreg:$0x2]  }
0x1bf: {  	s0 =	sadd.s32 @!p0 $0x100000, s0  }
0x1c0: {  	[sflag:s0] =	ssyncadd.tile.s32 @!p0 $0x1;
	_ =	shalt  }
.Lfunc_end2:
_tile_overlayer_lowered:
.L_overlay_start_2:
0x1c1: {  	(tag) =	ssettag $0x2  }
0x1c2: {  	s0 =	rddreg [dreg:$0x0];
	s2 =	stileid.u32  }
0x1c3: {  	s1 =	rddreg [dreg:$0x1];
	p0 =	sne.s32 s2, $0x0  }
0x1c4: {  	s3 =	rddreg [dreg:$0x2];
	[bflag:$0x3] =	sbarrier.arrive $0xFFFF;
	s2 =	simm.s32 @!p0 $0x1C03  }
0x1c5: {  	[timem:s3], [sflag:s2] =	dma.local @!p0 [hbm:s0], s1  }
0x1c6: {  	s0 =	simm.s32 @!p0 $0x3  }
0x1c7: {  	_ =	swait.ge @!p0 [sflag:s0], s1  }
0x1c8: {  	s1 =	ssub.s32 @!p0 $0x0, s1;
	[sflag:s0] =	ssyncset.done @!p0 $0x0  }
0x1c9: {  	[sflag:s0] =	ssyncadd.s32 @!p0 s1  }
0x1ca: {  	[bflag:$0x3] =	sbarrier.arrive $0xFFFF  }
0x1cb: {  	_ =	shalt  }

// kernel: kernel.18.cloned.1.call-start
scs
__scs_entry_jumppad:
0x0: {  	(pc) =	sbr.rel $0x88, $3  }
0x1: {  	(tag) =	ssettag $0x0;
	lr =	simm.s32 $0x1  }
0x2: {  	[smem:$0x3F82] =	sst lr;
	_ =	strace $0xD0000000  }
0x3: {  	_ = 	snop  }
0x4: {  	_ = 	snop  }
0x5: {  	_ = 	snop  }
0x6: {  	_ = 	snop  }
0x7: {  	_ = 	snop  }
__scs_overlays_trampoline_lowered:
0x8: {  	[smem:$0x3F91] =	sst s0  }
0x9: {  	[smem:$0x3F92] =	sst s1  }
0xa: {  	[smem:$0x3F93] =	sst s2  }
0xb: {  	[smem:$0x3F94] =	sst s3  }
0xc: {  	[smem:$0x3F95] =	sst s4  }
0xd: {  	[smem:$0x3F96] =	sst s5  }
0xe: {  	[smem:$0x3F97] =	sst s6  }
0xf: {  	[smem:$0x3F98] =	sst s7  }
0x10: {  	[smem:$0x3F99] =	sst s8  }
0x11: {  	[smem:$0x3F9A] =	sst s9;
	s0 =	simm.s32 @!p0 $0x0  }
0x12: {  	s1 =	sld [smem:$0x3F80];
	s0 =	simm.s32 @p0 $0x1  }
0x13: {  	[smem:$0x3F9B] =	sst s0;
	s0 =	simm.s32 @!p1 $0x0  }
0x14: {  	s2 =	sld [smem:$0x3F7F];
	s0 =	simm.s32 @p1 $0x1  }
0x15: {  	[smem:$0x3F9C] =	sst s0;
	s0 =	simm.s32 @!p2 $0x0  }
0x16: {  	s3 =	sld [smem:$0x3FDB];
	s0 =	simm.s32 @p2 $0x1  }
0x17: {  	s4 =	simm.s32 $0x1BF5;
	[smem:$0x3F9E] =	sst s0  }
0x18: {  	s0 =	sld [smem:$0x3F81];
	_ =	swait.ge [sflag:s4], $0x0  }
0x19: {  	s7 =	sld [smem:$0x3F82]  }
0x1a: {  	s8 =	sadd.s32 $0xFFFFE003, lr  }
0x1b: {  	s9 =	sadd.s32 $0xFFFFFEF7, lr;
	s5 =	simm.s32 $0xFFFFFFFF;
	p2 =	slt.u32 s8, $0xFFFFF086  }
0x1c: {  	p1 =	slt.u32 s9, $0xF7A;
	s5 =	simm.s32 @!p2 $0x0  }
0x1d: {  	s5 =	simm.s32 @p1 $0x1;
	p0 =	seq.s32 s7, s2  }
0x1e: {  	s7 =	smul.u32 @!p0 $0xF7A, s2;
	p2 =	seq.s32 @!p0 s5, $0x0  }
0x1f: {  	s9 =	smul.u32 $0xF7A, s1;
	s8 =	simm.s32 @!p0 $0x1BF5;
	p2 =	por !p2, p0  }
0x20: {  	[sflag:s8] =	ssyncset.s32 @!p0 $0xFFFFF086;
	s6 =	sadd.s32 @!p0 s3, s7;
	s7 =	simm.s32 @!p0 $0x108  }
0x21: {  	s3 =	sadd.s32 s3, s9;
	s6 =	sadd.s32 @!p0 $0x88, s6;
	s7 =	simm.s32 @p2 $0x1082  }
0x22: {  	[simem:s7], [sflag:s8] =	dma.local @!p0 [hbm:s6], $0xF7A  }
0x23: {  	s9 =	sor.u32 $0xD0000000, s2;
	s6 =	simm.s32 $0x108;
	_ =	swait.ge @!p0 [sflag:s8], $0x0  }
0x24: {  	s3 =	sadd.s32 $0x88, s3;
	s6 =	simm.s32 @!p1 $0x1082;
	[sflag:s4] =	ssyncset.s32 $0xFFFFF086  }
0x25: {  	[simem:s6], [sflag:s4] =	dma.local [hbm:s3], $0xF7A  }
0x26: {  	[smem:$0x3F82] =	sst s1;
	(tag) =	ssettag s2;
	_ =	strace s9  }
0x27: {  	s1 =	sld [smem:$0x3F92]  }
0x28: {  	s2 =	sld [smem:$0x3F93]  }
0x29: {  	s4 =	sld [smem:$0x3F95]  }
0x2a: {  	p0 =	seq.s32 s5, $0x0;
	s5 =	sld [smem:$0x3F96]  }
0x2b: {  	s6 =	sld [smem:$0x3F97]  }
0x2c: {  	s7 =	sld [smem:$0x3F98]  }
0x2d: {  	s3 =	simm.s32 $0x108;
	s8 =	sld [smem:$0x3F99]  }
0x2e: {  	s3 =	simm.s32 @!p0 $0x1082;
	s9 =	sld [smem:$0x3F9A]  }
0x2f: {  	lr =	sadd.s32 s0, s3;
	s0 =	sld [smem:$0x3F91]  }
0x30: {  	s3 =	sld [smem:$0x3F94]  }
0x31: {  	[smem:$0x3F9D] =	sst s10  }
0x32: {  	s10 =	sld [smem:$0x3F9B];
	_ =	sdelay $0x3  }
0x33: {  	p0 =	seq.s32 s10, $0x1;
	s10 =	sld [smem:$0x3F9D];
	_ =	sdelay $0x3  }
0x34: {  	[smem:$0x3F9D] =	sst s10  }
0x35: {  	s10 =	sld [smem:$0x3F9C];
	_ =	sdelay $0x3  }
0x36: {  	p1 =	seq.s32 s10, $0x1;
	s10 =	sld [smem:$0x3F9D];
	_ =	sdelay $0x3  }
0x37: {  	[smem:$0x3F9D] =	sst s10  }
0x38: {  	s10 =	sld [smem:$0x3F9E]  }
0x39: {  	_ = 	snop;
	(pc) =	sbr.ind lr, $3  }
0x3a: {  	_ = 	snop  }
0x3b: {  	_ = 	snop  }
0x3c: {  	p2 =	seq.s32 s10, $0x1;
	s10 =	sld [smem:$0x3F9D]  }
0x3d: {  	_ =	shalt  }
0x3e: {  	_ =	shalt  }
0x3f: {  	_ =	shalt  }
0x40: {  	_ =	shalt  }
0x41: {  	_ =	shalt  }
0x42: {  	_ =	shalt  }
0x43: {  	_ =	shalt  }
0x44: {  	_ =	shalt  }
0x45: {  	_ =	shalt  }
0x46: {  	_ =	shalt  }
0x47: {  	_ =	shalt  }
0x48: {  	_ =	shalt  }
0x49: {  	_ =	shalt  }
0x4a: {  	_ =	shalt  }
0x4b: {  	_ =	shalt  }
0x4c: {  	_ =	shalt  }
0x4d: {  	_ =	shalt  }
0x4e: {  	_ =	shalt  }
0x4f: {  	_ =	shalt  }
0x50: {  	_ =	shalt  }
0x51: {  	_ =	shalt  }
0x52: {  	_ =	shalt  }
0x53: {  	_ =	shalt  }
0x54: {  	_ =	shalt  }
0x55: {  	_ =	shalt  }
0x56: {  	_ =	shalt  }
0x57: {  	_ =	shalt  }
0x58: {  	_ =	shalt  }
0x59: {  	_ =	shalt  }
0x5a: {  	_ =	shalt  }
0x5b: {  	_ =	shalt  }
0x5c: {  	_ =	shalt  }
0x5d: {  	_ =	shalt  }
0x5e: {  	_ =	shalt  }
0x5f: {  	_ =	shalt  }
0x60: {  	_ =	shalt  }
0x61: {  	_ =	shalt  }
0x62: {  	_ =	shalt  }
0x63: {  	_ =	shalt  }
0x64: {  	_ =	shalt  }
0x65: {  	_ =	shalt  }
0x66: {  	_ =	shalt  }
0x67: {  	_ =	shalt  }
0x68: {  	_ =	shalt  }
0x69: {  	_ =	shalt  }
0x6a: {  	_ =	shalt  }
0x6b: {  	_ =	shalt  }
0x6c: {  	_ =	shalt  }
0x6d: {  	_ =	shalt  }
0x6e: {  	_ =	shalt  }
0x6f: {  	_ =	shalt  }
0x70: {  	_ =	shalt  }
0x71: {  	_ =	shalt  }
0x72: {  	_ =	shalt  }
0x73: {  	_ =	shalt  }
0x74: {  	_ =	shalt  }
0x75: {  	_ =	shalt  }
0x76: {  	_ =	shalt  }
0x77: {  	_ =	shalt  }
0x78: {  	_ =	shalt  }
0x79: {  	_ =	shalt  }
0x7a: {  	_ =	shalt  }
0x7b: {  	_ =	shalt  }
0x7c: {  	_ =	shalt  }
0x7d: {  	_ =	shalt  }
0x7e: {  	_ =	shalt  }
0x7f: {  	_ =	shalt  }
0x80: {  	_ =	shalt  }
0x81: {  	_ =	shalt  }
0x82: {  	_ =	shalt  }
0x83: {  	_ =	shalt  }
0x84: {  	_ =	shalt  }
0x85: {  	_ =	shalt  }
0x86: {  	_ =	shalt  }
0x87: {  	_ =	shalt  }
.Lfunc_end0:
.L_simem_size_0:
called_computation.2_lowered:
.L_overlay_start_0:
0x88: {  	s2 =	sld [smem:$0x3FD9]  }
0x89: {  	s3 =	sld [smem:$0x3FFE];
	_ =	sdelay $0x1  }
0x8a: {  	s1 =	srdreg.scid  }
0x8b: {  	s0 =	sand.u32 $0x1, s1  }
0x8c: {  	s16 =	sshll.u32 s0, $0xA;
	s2 =	sadd.s32 s3, s2  }
0x8d: {  	s2 =	sadd.s32 s2, s16  }
0x8e: {  	[smem:$0x3FA9] =	sst s2  }
0x8f: {  	_ = 	snop  }
0x90: {  	(tm) =	ssettm $0x1  }
0x91: {  	s17 =	sld [smem:$0x3FFB];
	_ =	sdelay $0x3  }
0x92: {  	_ =	strace s17  }
0x93: {  	s2 =	sld [smem:$0x3FFC];
	_ =	sdelay $0x3  }
0x94: {  	_ =	strace s2  }
0x95: {  	s2 =	sld [smem:$0x3FFD];
	_ =	sdelay $0x3  }
0x96: {  	_ =	strace s2  }
0x97: {  	_ =	strace $0x8FFFFFFF  }
0x98: {  	s18 =	sld [smem:$0x3FDB];
	_ =	sdelay $0x1  }
0x99: {  	s19 =	simm.s32 $_scs_section_size  }
0x9a: {  	s4 =	simm.s32 $_size__tile_overlayer_lowered;
	s5 =	simm.s32 $_tile_overlayer_lowered  }
0x9b: {  	s22 =	simm.s32 $0x1BFF;
	s21 =	sshll.u32 s5, $0x1;
	s2 =	sadd.s32 s19, s18  }
0x9c: {  	s6 =	simm.s32 $0x0;
	s20 =	sshll.u32 s4, $0x1;
	s4 =	sadd.s32 s21, s2  }
0x9d: {  	[timem:s6], [sflag:s22] =	dma.local [hbm:s4], s20  }
0x9e: {  	_ =	swait.ge [sflag:s22], s20  }
0x9f: {  	s3 =	ssub.s32 $0x0, s20;
	[sflag:s22] =	ssyncset.done $0x0  }
0xa0: {  	[sflag:s22] =	ssyncadd.s32 s3;
	_ =	sdelay $0x1  }
0xa1: {  	s23 =	simm.s32 $0x1B8B  }
0xa2: {  	_ =	swait.ge [sflag:s23], $0x1  }
0xa3: {  	[sflag:s23] =	ssyncset.done $0x0  }
0xa4: {  	s25 =	simm.s32 $0x1B8E;
	s24 =	sld [smem:$0x3FFE];
	[sflag:s23] =	ssyncadd.s32 $0xFFFFFFFF  }
0xa5: {  	s26 =	simm.s32 $execute0_lowered;
	[smem:$0x3FD2] =	sst s25  }
0xa6: {  	s4 =	sshll.u32 s26, $0x1;
	_ =	strace $0x8000004C;
	[dreg:$0x1] =	wrdreg $0xFFFFFFFF  }
0xa7: {  	s28 =	simm.s32 $_size_execute0_lowered;
	s2 =	sadd.s32 s2, s4;
	[dreg:$0x0] =	wrdreg $0x0  }
0xa8: {  	s4 =	sshll.u32 s28, $0x1;
	[dreg:$0x2] =	wrdreg s2  }
0xa9: {  	[dreg:$0x3] =	wrdreg s4  }
0xaa: {  	[dreg:$0x4] =	wrdreg $0xC0  }
0xab: {  	_ =	task [dreg:s6], $0x5FFFF  }
0xac: {  	[dreg:$0x1] =	wrdreg $0xFFFFFFFF  }
0xad: {  	[dreg:$0x0] =	wrdreg $0x60  }
0xae: {  	[dreg:$0x2] =	wrdreg s24  }
0xaf: {  	[dreg:$0x3] =	wrdreg $0x5C000  }
0xb0: {  	[dreg:$0x4] =	wrdreg $0x9  }
0xb1: {  	_ =	task.clear_ibuf [dreg:s6], $0x5FFFF;
	_ =	strace $0x9000004C  }
0xb2: {  	s29 =	simm.s32 $0x9;
	_ =	strace $0x8000004E  }
0xb3: {  	_ =	swait.ge [sflag:s29], $0x1  }
0xb4: {  	[sflag:s29] =	ssyncadd.s32 $0xFFFFFFFF  }
0xb5: {  	_ =	strace $0x9000004E  }
0xb6: {  	_ =	sfence  }
0xb7: {  	s30 =	sld [smem:$0x0];
	_ =	sdelay $0x2  }
0xb8: {  	s31 =	sshll.u32 s1, $0xD;
	s1 =	sshrl.u32 s1, $0x2  }
0xb9: {  	s3 =	sand.u32 $0x4000, s31;
	s1 =	sadd.s32 s1, s30  }
0xba: {  	s0 =	sor.u32 s3, s0;
	s1 =	sshll.u32 s1, $0x11  }
0xbb: {  	s0 =	sor.u32 s1, s0  }
0xbc: {  	s0 =	sadd.s32 $0x8F2B, s0  }
0xbd: {  	[sflag:s0] =	ssyncadd.remote.s32 $0x1  }
0xbe: {  	_ =	sfence.sel $0xFFFF  }
0xbf: {  	[dreg:$0x0] =	wrdreg $0xFFFFFFFF;
	(pc) =	sbr.abs _section_cstart, $3  }
0xc0: {  	[dreg:$0x1] =	wrdreg $0xFFFFFFFF  }
0xc1: {  	_ =	task.clear_ibuf [dreg:s6], $0x2FFFF;
	_ =	strace $0x9FFFFFFF  }
0xc2: {  	(tm) =	ssettm $0x7FFFFFFF  }
0xc3: {  	_ =	shalt  }
tec
execute0_lowered:
.L_overlay_start_1:
0x0: {  	(tag) =	ssettag $0x1  }
0x1: {  	s0 =	rddreg [dreg:$0x0]  }
0x2: {  	s2 =	rddreg [dreg:$0x1];
	s3 =	simm.s32 $0x0  }
0x3: {  	s12 =	stileid.u32;
	s1 =	srdreg.scid;
	s26 =	simm.s32 $0x200  }
0x4: {  	s30 =	simm.s32 $0xF00;
	[smem:$0x7FF] =	sst s3;
	s7 =	sadd.s32 $0x38C00, s0  }
0x5: {  	s14 =	simm.s32 $0x400;
	_ =	strace $0x8000004D;
	[dreg:$0x3] =	wrdreg s7  }
0x6: {  	s15 =	simm.s32 $0x1100;
	s16 =	simm.s32 $0x500;
	[dreg:$0x5] =	wrdreg s26  }
0x7: {  	s17 =	simm.s32 $0x1200;
	s19 =	simm.s32 $0x600;
	[dreg:$0x6] =	wrdreg s30  }
0x8: {  	s21 =	simm.s32 $0x1300;
	s22 =	simm.s32 $0x700;
	[dreg:$0x9] =	wrdreg s14  }
0x9: {  	s23 =	simm.s32 $0x1400;
	s24 =	simm.s32 $0x800;
	[dreg:$0xa] =	wrdreg s15  }
0xa: {  	s28 =	simm.s32 $0x1B00;
	s29 =	simm.s32 $0x0;
	[dreg:$0xb] =	wrdreg s16  }
0xb: {  	s6 =	smul.u32 $0x18800, s12;
	s1 =	sand.u32 $0x1, s1;
	[dreg:$0xc] =	wrdreg s17  }
0xc: {  	s4 =	sadd.s32 $0x39000, s0;
	s5 =	sadd.s32 $0x7E00, s0;
	[dreg:$0xd] =	wrdreg s19  }
0xd: {  	s31 =	sshll.u32 s12, $0x6;
	s12 =	smul.u32 $0xC400, s12;
	[dreg:$0xe] =	wrdreg s21  }
0xe: {  	s8 =	smul.u32 $0x188000, s1;
	s9 =	ssub.s32 $0x2, s1;
	[dreg:$0xf] =	wrdreg s22  }
0xf: {  	s13 =	sshll.u32 s1, $0x1;
	s1 =	smul.u32 $0x7000, s1;
	[dreg:$0x10] =	wrdreg s23  }
0x10: {  	s14 =	simm.s32 $0xE00;
	[dreg:$0x11] =	wrdreg s24;
	s15 =	simm.s32 $0x100  }
0x11: {  	s26 =	simm.s32 $0x900;
	s16 =	simm.s32 $0x1C00;
	s30 =	simm.s32 $0x1600  }
0x12: {  	s17 =	simm.s32 $0x3C00;
	s19 =	simm.s32 $0x2;
	s21 =	simm.s32 $0xB00  }
0x13: {  	s22 =	simm.s32 $0x1800;
	s23 =	simm.s32 $0xC00;
	s24 =	simm.s32 $0x1900  }
0x14: {  	s25 =	sshrl.u32 s6, $0x3;
	s10 =	sshrl.u32 s9, $0x1;
	[dreg:$0x13] =	wrdreg s26  }
0x15: {  	[dreg:$0x14] =	wrdreg s30;
	s26 =	simm.s32 $0x1A00;
	s8 =	sadd.s32 s6, s8  }
0x16: {  	s7 =	sadd.s32 s25, s0;
	s10 =	ssub.s32 s9, s10;
	s9 =	simm.s32 $0x1000  }
0x17: {  	s6 =	sadd.s32 s6, s2;
	s25 =	simm.s32 $0x1500;
	[dreg:$0x8] =	wrdreg s9  }
0x18: {  	s8 =	sshrl.u32 s8, $0x3;
	s7 =	sadd.s32 $0x9B000, s7;
	[dreg:$0x12] =	wrdreg s25  }
0x19: {  	s20 =	smax.u32 s10, $0x1;
	s25 =	simm.s32 $0xD00;
	[dreg:$0x16] =	wrdreg s7  }
0x1a: {  	s11 =	sadd.s32 s8, s0;
	s0 =	sadd.s32 $0x38DC0, s0;
	[dreg:$0x19] =	wrdreg s20  }
0x1b: {  	s8 =	simm.s32 $0x300;
	s7 =	sor.u32 $0x1C03, s31;
	[dreg:$0x4] =	wrdreg s0  }
0x1c: {  	s31 =	simm.s32 $0xA00;
	s20 =	simm.s32 $0x1700;
	[dreg:$0x7] =	wrdreg s8  }
0x1d: {  	s8 =	ssub.s32 $0x8, s13;
	s18 =	sadd.s32 $0xFD000, s11;
	[dreg:$0x15] =	wrdreg s31  }
0x1e: {  	s11 =	sadd.s32 s1, s12;
	s12 =	sshrl.u32 s6, $0x3;
	[dreg:$0x17] =	wrdreg s8  }
0x1f: {  	s13 =	simm.s32 $0x3;
	[dreg:$0x18] =	wrdreg s18;
	s18 =	simm.s32 $0x1  }
.LBB2_1:
0x20: {  	s0 =	rddreg [dreg:$0x16]  }
0x21: {  	[spmem:s12], [sflag:s7] =	dma.local [hbm:s0], $0x3100  }
0x22: {  	_ =	swait.ge [sflag:s13], $0x3100  }
0x23: {  	[sflag:s13] =	ssyncset.done $0x0  }
0x24: {  	[sflag:s13] =	ssyncadd.s32 $0xFFFFCF00  }
0x25: {  	[bflag:$0x0] =	sbarrier.arrive $0xFFFF  }
0x26: {  	s10 =	rddreg [dreg:$0x17]  }
0x27: {  	s0 =	sadd.s32 $0xFFFFFFFF, s10  }
0x28: {  	p2 =	sne.s32 s0, $0x0  }
.Ltmp0:
0x29: {  	p0 =	sgt.s32 s11, $0xC31FF;
	(pc) =	sbr.rel @!p2 .LBB2_6-.Ltmp0, $4  }
0x2a: {  	s1 =	sshrl.u32 @!p0 s11, $0x3;
	s6 =	sadd.s32 @!p0 $0xC3500, s11  }
0x2b: {  	s31 =	sadd.s32 @!p0 s5, s1;
	s1 =	sshrl.u32 @!p0 s6, $0x3  }
0x2c: {  	p1 =	por $0x0, $0x0;
	s30 =	sadd.s32 @!p0 s5, s1  }
0x2d: {  	p0 =	por p0, p0;
	s1 =	sadd.s32 $0xE00, s11;
	s6 =	rddreg [dreg:$0x3]  }
0x2e: {  	s8 =	simm.s32 @p0 $0x0  }
0x2f: {  	[tilespmem:s8], [sflag:$0x3] =	stream.linear.gather @p0 [hbm4b:s6+s8], $0xE00, $0x38;
	[tilespmem:$0x1E400] =	vst v63  }
0x30: {  	s6 =	simm.s32 @p0 $0x3  }
0x31: {  	_ =	swait.ge @p0 [sflag:s6], $0xE00  }
0x32: {  	[sflag:s6] =	ssyncset.done @p0 $0x0  }
0x33: {  	[sflag:s6] =	ssyncadd.s32 @p0 $0xFFFFF200;
	s6 =	simm.s32 @!p0 $0x0  }
0x34: {  	[tilespmem:s6], [sflag:$0x3] =	stream.linear.gather @!p0 [hbm4b:s31+s6], $0xE00, $0x38;
	[tilespmem:$0x1E400] =	vst v63  }
0x35: {  	s6 =	simm.s32 @!p0 $0x3  }
0x36: {  	_ =	swait.ge @!p0 [sflag:s6], $0xE00  }
0x37: {  	s8 =	rddreg [dreg:$0x4];
	[sflag:s6] =	ssyncset.done @!p0 $0x0  }
0x38: {  	[sflag:s6] =	ssyncadd.s32 @!p0 $0xFFFFF200;
	s30 =	smov.u32 @p0 s8  }
0x39: {  	[tilespmem:s14], [sflag:$0x3] =	stream.linear.gather [hbm4b:s30+s3], $0xE00, $0x38;
	[tilespmem:$0x1E400] =	vst v63  }
0x3a: {  	_ =	swait.ge [sflag:s13], $0xE00  }
0x3b: {  	[sflag:s13] =	ssyncset.done $0x0  }
0x3c: {  	[sflag:s13] =	ssyncadd.s32 $0xFFFFF200  }
0x3d: {  	[tilespmem:s16], [sflag:$0x1] =	stream.indirect.gather [hbm4b:s4+s15], $0x20, s3, s15, $0xb8;
	[tilespmem:$0x1E400] =	vst v63  }
0x3e: {  	_ = 	snop  }
0x3f: {  	[tilespmem:s17], [sflag:$0x2] =	stream.indirect.gather [hbm4b:s4+s15], $0x20, s15, s15, $0xb8;
	[tilespmem:$0x1E400] =	vst v63  }
0x40: {  	_ =	swait.ge [sflag:s18], $0x2000  }
0x41: {  	[sflag:s18] =	ssyncset.done $0x0  }
0x42: {  	[sflag:s18] =	ssyncadd.s32 $0xFFFFE000  }
0x43: {  	[spmem:s2] =	stream.indirect.scatter.add.f32 [tilespmem:s16], [sflag:$0x3], $0x20, s14, s15, $0xb8;
	[tilespmem:$0x1E400] =	vst v63  }
0x44: {  	_ =	swait.ge [sflag:s13], $0x2000  }
0x45: {  	[sflag:s13] =	ssyncset.done $0x0  }
0x46: {  	s9 =	rddreg [dreg:$0x5];
	[sflag:s13] =	ssyncadd.s32 $0xFFFFE000  }
0x47: {  	[tilespmem:s16], [sflag:$0x1] =	stream.indirect.gather [hbm4b:s4+s15], $0x20, s9, s15, $0xb8;
	[tilespmem:$0x1E400] =	vst v63  }
0x48: {  	_ =	swait.ge [sflag:s19], $0x2000  }
0x49: {  	[sflag:s19] =	ssyncset.done $0x0  }
0x4a: {  	s10 =	rddreg [dreg:$0x6];
	[sflag:s19] =	ssyncadd.s32 $0xFFFFE000  }
0x4b: {  	[spmem:s2] =	stream.indirect.scatter.add.f32 [tilespmem:s17], [sflag:$0x3], $0x20, s10, s15, $0xb8;
	[tilespmem:$0x1E400] =	vst v63  }
0x4c: {  	_ =	swait.ge [sflag:s13], $0x2000  }
0x4d: {  	[sflag:s13] =	ssyncset.done $0x0  }
0x4e: {  	s8 =	rddreg [dreg:$0x7];
	[sflag:s13] =	ssyncadd.s32 $0xFFFFE000  }
0x4f: {  	[tilespmem:s17], [sflag:$0x2] =	stream.indirect.gather [hbm4b:s4+s15], $0x20, s8, s15, $0xb8;
	[tilespmem:$0x1E400] =	vst v63  }
0x50: {  	_ =	swait.ge [sflag:s18], $0x2000  }
0x51: {  	[sflag:s18] =	ssyncset.done $0x0  }
0x52: {  	s9 =	rddreg [dreg:$0x8];
	[sflag:s18] =	ssyncadd.s32 $0xFFFFE000  }
0x53: {  	[spmem:s2] =	stream.indirect.scatter.add.f32 [tilespmem:s16], [sflag:$0x3], $0x20, s9, s15, $0xb8;
	[tilespmem:$0x1E400] =	vst v63  }
0x54: {  	_ =	swait.ge [sflag:s13], $0x2000  }
0x55: {  	[sflag:s13] =	ssyncset.done $0x0  }
0x56: {  	s10 =	rddreg [dreg:$0x9];
	[sflag:s13] =	ssyncadd.s32 $0xFFFFE000  }
0x57: {  	[tilespmem:s16], [sflag:$0x1] =	stream.indirect.gather [hbm4b:s4+s15], $0x20, s10, s15, $0xb8;
	[tilespmem:$0x1E400] =	vst v63  }
0x58: {  	_ =	swait.ge [sflag:s19], $0x2000  }
0x59: {  	[sflag:s19] =	ssyncset.done $0x0  }
0x5a: {  	s8 =	rddreg [dreg:$0xa];
	[sflag:s19] =	ssyncadd.s32 $0xFFFFE000  }
0x5b: {  	[spmem:s2] =	stream.indirect.scatter.add.f32 [tilespmem:s17], [sflag:$0x3], $0x20, s8, s15, $0xb8;
	[tilespmem:$0x1E400] =	vst v63  }
0x5c: {  	_ =	swait.ge [sflag:s13], $0x2000  }
0x5d: {  	[sflag:s13] =	ssyncset.done $0x0  }
0x5e: {  	s9 =	rddreg [dreg:$0xb];
	[sflag:s13] =	ssyncadd.s32 $0xFFFFE000  }
0x5f: {  	[tilespmem:s17], [sflag:$0x2] =	stream.indirect.gather [hbm4b:s4+s15], $0x20, s9, s15, $0xb8;
	[tilespmem:$0x1E400] =	vst v63  }
0x60: {  	_ =	swait.ge [sflag:s18], $0x2000  }
0x61: {  	[sflag:s18] =	ssyncset.done $0x0  }
0x62: {  	s10 =	rddreg [dreg:$0xc];
	[sflag:s18] =	ssyncadd.s32 $0xFFFFE000  }
0x63: {  	[spmem:s2] =	stream.indirect.scatter.add.f32 [tilespmem:s16], [sflag:$0x3], $0x20, s10, s15, $0xb8;
	[tilespmem:$0x1E400] =	vst v63  }
0x64: {  	_ =	swait.ge [sflag:s13], $0x2000  }
0x65: {  	[sflag:s13] =	ssyncset.done $0x0  }
0x66: {  	s8 =	rddreg [dreg:$0xd];
	[sflag:s13] =	ssyncadd.s32 $0xFFFFE000  }
0x67: {  	[tilespmem:s16], [sflag:$0x1] =	stream.indirect.gather [hbm4b:s4+s15], $0x20, s8, s15, $0xb8;
	[tilespmem:$0x1E400] =	vst v63  }
0x68: {  	_ =	swait.ge [sflag:s19], $0x2000  }
0x69: {  	[sflag:s19] =	ssyncset.done $0x0  }
0x6a: {  	s9 =	rddreg [dreg:$0xe];
	[sflag:s19] =	ssyncadd.s32 $0xFFFFE000  }
0x6b: {  	[spmem:s2] =	stream.indirect.scatter.add.f32 [tilespmem:s17], [sflag:$0x3], $0x20, s9, s15, $0xb8;
	[tilespmem:$0x1E400] =	vst v63  }
0x6c: {  	_ =	swait.ge [sflag:s13], $0x2000  }
0x6d: {  	[sflag:s13] =	ssyncset.done $0x0  }
0x6e: {  	s10 =	rddreg [dreg:$0xf];
	[sflag:s13] =	ssyncadd.s32 $0xFFFFE000  }
0x6f: {  	[tilespmem:s17], [sflag:$0x2] =	stream.indirect.gather [hbm4b:s4+s15], $0x20, s10, s15, $0xb8;
	[tilespmem:$0x1E400] =	vst v63  }
0x70: {  	_ =	swait.ge [sflag:s18], $0x2000  }
0x71: {  	[sflag:s18] =	ssyncset.done $0x0  }
0x72: {  	s8 =	rddreg [dreg:$0x10];
	[sflag:s18] =	ssyncadd.s32 $0xFFFFE000  }
0x73: {  	[spmem:s2] =	stream.indirect.scatter.add.f32 [tilespmem:s16], [sflag:$0x3], $0x20, s8, s15, $0xb8;
	[tilespmem:$0x1E400] =	vst v63  }
0x74: {  	_ =	swait.ge [sflag:s13], $0x2000  }
0x75: {  	[sflag:s13] =	ssyncset.done $0x0  }
0x76: {  	s9 =	rddreg [dreg:$0x11];
	[sflag:s13] =	ssyncadd.s32 $0xFFFFE000  }
0x77: {  	[tilespmem:s16], [sflag:$0x1] =	stream.indirect.gather [hbm4b:s4+s15], $0x20, s9, s15, $0xb8;
	[tilespmem:$0x1E400] =	vst v63  }
0x78: {  	_ =	swait.ge [sflag:s19], $0x2000  }
0x79: {  	[sflag:s19] =	ssyncset.done $0x0  }
0x7a: {  	s10 =	rddreg [dreg:$0x12];
	[sflag:s19] =	ssyncadd.s32 $0xFFFFE000  }
0x7b: {  	[spmem:s2] =	stream.indirect.scatter.add.f32 [tilespmem:s17], [sflag:$0x3], $0x20, s10, s15, $0xb8;
	[tilespmem:$0x1E400] =	vst v63  }
0x7c: {  	_ =	swait.ge [sflag:s13], $0x2000  }
0x7d: {  	[sflag:s13] =	ssyncset.done $0x0  }
0x7e: {  	s8 =	rddreg [dreg:$0x13];
	[sflag:s13] =	ssyncadd.s32 $0xFFFFE000  }
0x7f: {  	[tilespmem:s17], [sflag:$0x2] =	stream.indirect.gather [hbm4b:s4+s15], $0x20, s8, s15, $0xb8;
	[tilespmem:$0x1E400] =	vst v63  }
0x80: {  	_ =	swait.ge [sflag:s18], $0x2000  }
0x81: {  	[sflag:s18] =	ssyncset.done $0x0  }
0x82: {  	s9 =	rddreg [dreg:$0x14];
	[sflag:s18] =	ssyncadd.s32 $0xFFFFE000  }
0x83: {  	[spmem:s2] =	stream.indirect.scatter.add.f32 [tilespmem:s16], [sflag:$0x3], $0x20, s9, s15, $0xb8;
	[tilespmem:$0x1E400] =	vst v63  }
0x84: {  	_ =	swait.ge [sflag:s13], $0x2000  }
0x85: {  	[sflag:s13] =	ssyncset.done $0x0  }
0x86: {  	s10 =	rddreg [dreg:$0x15];
	[sflag:s13] =	ssyncadd.s32 $0xFFFFE000  }
0x87: {  	[tilespmem:s16], [sflag:$0x1] =	stream.indirect.gather [hbm4b:s4+s15], $0x20, s10, s15, $0xb8;
	[tilespmem:$0x1E400] =	vst v63  }
0x88: {  	_ =	swait.ge [sflag:s19], $0x2000  }
0x89: {  	[sflag:s19] =	ssyncset.done $0x0  }
0x8a: {  	[sflag:s19] =	ssyncadd.s32 $0xFFFFE000  }
0x8b: {  	[spmem:s2] =	stream.indirect.scatter.add.f32 [tilespmem:s17], [sflag:$0x3], $0x20, s20, s15, $0xb8;
	[tilespmem:$0x1E400] =	vst v63  }
0x8c: {  	_ =	swait.ge [sflag:s13], $0x2000  }
0x8d: {  	[sflag:s13] =	ssyncset.done $0x0  }
0x8e: {  	[sflag:s13] =	ssyncadd.s32 $0xFFFFE000  }
0x8f: {  	[tilespmem:s17], [sflag:$0x2] =	stream.indirect.gather [hbm4b:s4+s15], $0x20, s21, s15, $0xb8;
	[tilespmem:$0x1E400] =	vst v63  }
0x90: {  	_ =	swait.ge [sflag:s18], $0x2000  }
0x91: {  	[sflag:s18] =	ssyncset.done $0x0  }
0x92: {  	[sflag:s18] =	ssyncadd.s32 $0xFFFFE000  }
0x93: {  	[spmem:s2] =	stream.indirect.scatter.add.f32 [tilespmem:s16], [sflag:$0x3], $0x20, s22, s15, $0xb8;
	[tilespmem:$0x1E400] =	vst v63  }
0x94: {  	_ =	swait.ge [sflag:s13], $0x2000  }
0x95: {  	[sflag:s13] =	ssyncset.done $0x0  }
0x96: {  	[sflag:s13] =	ssyncadd.s32 $0xFFFFE000  }
0x97: {  	[tilespmem:s16], [sflag:$0x1] =	stream.indirect.gather [hbm4b:s4+s15], $0x20, s23, s15, $0xb8;
	[tilespmem:$0x1E400] =	vst v63  }
0x98: {  	_ =	swait.ge [sflag:s19], $0x2000  }
0x99: {  	[sflag:s19] =	ssyncset.done $0x0  }
0x9a: {  	[sflag:s19] =	ssyncadd.s32 $0xFFFFE000  }
0x9b: {  	[spmem:s2] =	stream.indirect.scatter.add.f32 [tilespmem:s17], [sflag:$0x3], $0x20, s24, s15, $0xb8;
	[tilespmem:$0x1E400] =	vst v63  }
0x9c: {  	_ =	swait.ge [sflag:s13], $0x2000  }
0x9d: {  	[sflag:s13] =	ssyncset.done $0x0  }
0x9e: {  	[sflag:s13] =	ssyncadd.s32 $0xFFFFE000  }
0x9f: {  	[tilespmem:s17], [sflag:$0x2] =	stream.indirect.gather [hbm4b:s4+s15], $0x20, s25, s15, $0xb8;
	[tilespmem:$0x1E400] =	vst v63  }
0xa0: {  	_ =	swait.ge [sflag:s18], $0x2000  }
0xa1: {  	[sflag:s18] =	ssyncset.done $0x0  }
0xa2: {  	[sflag:s18] =	ssyncadd.s32 $0xFFFFE000  }
0xa3: {  	[spmem:s2] =	stream.indirect.scatter.add.f32 [tilespmem:s16], [sflag:$0x3], $0x20, s26, s15, $0xb8;
	[tilespmem:$0x1E400] =	vst v63  }
0xa4: {  	_ =	swait.ge [sflag:s13], $0x2000  }
0xa5: {  	p0 =	sgt.s32 s1, $0xC31FF;
	[sflag:s13] =	ssyncset.done $0x0  }
0xa6: {  	s30 =	sadd.s32 $0xFFFFFFFF, s0;
	s0 =	sshrl.u32 @!p0 s1, $0x3;
	[sflag:s13] =	ssyncadd.s32 $0xFFFFE000  }
0xa7: {  	s31 =	sadd.s32 @!p0 s5, s0;
	p2 =	sne.s32 s30, $0x0;
	_ =	swait.ge [sflag:s19], $0x2000  }
.Ltmp1:
0xa8: {  	s0 =	sadd.s32 @!p0 $0xC3500, s1;
	[sflag:s19] =	ssyncset.done $0x0;
	(pc) =	sbr.rel @!p2 .LBB2_3-.Ltmp1, $4  }
0xa9: {  	p1 =	por $0x1, $0x1;
	s0 =	sshrl.u32 @!p0 s0, $0x3;
	[sflag:s19] =	ssyncadd.s32 $0xFFFFE000  }
0xaa: {  	[spmem:s2] =	stream.indirect.scatter.add.f32 [tilespmem:s17], [sflag:$0x3], $0x20, s28, s15, $0xb8;
	[tilespmem:$0x1E400] =	vst v63  }
0xab: {  	s1 =	sadd.s32 $0xE00, s1;
	s0 =	sadd.s32 @!p0 s5, s0;
	_ =	swait.ge [sflag:s13], $0x2000  }
0xac: {  	p0 =	por p0, p0;
	s6 =	rddreg [dreg:$0x3];
	[sflag:s13] =	ssyncset.done $0x0  }
.LBB2_4:
0xad: {  	[sflag:s13] =	ssyncadd.s32 $0xFFFFE000;
	s9 =	simm.s32 @p0 $0x0;
	s10 =	simm.s32 @p0 $0x3  }
0xae: {  	[tilespmem:s9], [sflag:$0x3] =	stream.linear.gather @p0 [hbm4b:s6+s9], $0xE00, $0x38;
	[tilespmem:$0x1E400] =	vst v63  }
0xaf: {  	p3 =	sgt.s32 s1, $0xC31FF;
	_ =	swait.ge @p0 [sflag:s10], $0xE00  }
0xb0: {  	s8 =	sshrl.u32 @!p3 s1, $0x3;
	s9 =	simm.s32 @!p0 $0x0;
	[sflag:s10] =	ssyncset.done @p0 $0x0  }
0xb1: {  	s6 =	sadd.s32 @!p3 s5, s8;
	[sflag:s10] =	ssyncadd.s32 @p0 $0xFFFFF200;
	s10 =	simm.s32 @!p0 $0x3  }
0xb2: {  	[tilespmem:s9], [sflag:$0x3] =	stream.linear.gather @!p0 [hbm4b:s31+s9], $0xE00, $0x38;
	[tilespmem:$0x1E400] =	vst v63  }
0xb3: {  	s31 =	smov.u32 s6;
	_ =	swait.ge @!p0 [sflag:s10], $0xE00  }
0xb4: {  	s9 =	smov.u32 s0;
	s6 =	rddreg [dreg:$0x4];
	[sflag:s10] =	ssyncset.done @!p0 $0x0  }
0xb5: {  	[sflag:s10] =	ssyncadd.s32 @!p0 $0xFFFFF200;
	s9 =	smov.u32 @p0 s6  }
0xb6: {  	[tilespmem:s14], [sflag:$0x3] =	stream.linear.gather [hbm4b:s9+s3], $0xE00, $0x38;
	[tilespmem:$0x1E400] =	vst v63  }
0xb7: {  	_ =	swait.ge [sflag:s13], $0xE00  }
0xb8: {  	[sflag:s13] =	ssyncset.done $0x0  }
0xb9: {  	[sflag:s13] =	ssyncadd.s32 $0xFFFFF200  }
0xba: {  	[tilespmem:s16], [sflag:$0x1] =	stream.indirect.gather [hbm4b:s4+s15], $0x20, s3, s15, $0xb8;
	[tilespmem:$0x1E400] =	vst v63  }
0xbb: {  	_ = 	snop  }
0xbc: {  	[tilespmem:s17], [sflag:$0x2] =	stream.indirect.gather [hbm4b:s4+s15], $0x20, s15, s15, $0xb8;
	[tilespmem:$0x1E400] =	vst v63  }
0xbd: {  	_ =	swait.ge [sflag:s18], $0x2000  }
0xbe: {  	[sflag:s18] =	ssyncset.done $0x0  }
0xbf: {  	[sflag:s18] =	ssyncadd.s32 $0xFFFFE000  }
0xc0: {  	[spmem:s2] =	stream.indirect.scatter.add.f32 [tilespmem:s16], [sflag:$0x3], $0x20, s14, s15, $0xb8;
	[tilespmem:$0x1E400] =	vst v63  }
0xc1: {  	_ =	swait.ge [sflag:s13], $0x2000  }
0xc2: {  	[sflag:s13] =	ssyncset.done $0x0  }
0xc3: {  	s9 =	rddreg [dreg:$0x5];
	[sflag:s13] =	ssyncadd.s32 $0xFFFFE000  }
0xc4: {  	[tilespmem:s16], [sflag:$0x1] =	stream.indirect.gather [hbm4b:s4+s15], $0x20, s9, s15, $0xb8;
	[tilespmem:$0x1E400] =	vst v63  }
0xc5: {  	_ =	swait.ge [sflag:s19], $0x2000  }
0xc6: {  	[sflag:s19] =	ssyncset.done $0x0  }
0xc7: {  	s8 =	sadd.s32 @!p3 $0xC3500, s1;
	s10 =	rddreg [dreg:$0x6];
	[sflag:s19] =	ssyncadd.s32 $0xFFFFE000  }
0xc8: {  	[spmem:s2] =	stream.indirect.scatter.add.f32 [tilespmem:s17], [sflag:$0x3], $0x20, s10, s15, $0xb8;
	[tilespmem:$0x1E400] =	vst v63  }
0xc9: {  	s8 =	sshrl.u32 @!p3 s8, $0x3;
	_ =	swait.ge [sflag:s13], $0x2000  }
0xca: {  	s8 =	sadd.s32 @!p3 s5, s8;
	[sflag:s13] =	ssyncset.done $0x0  }
0xcb: {  	s0 =	smov.u32 s8;
	s8 =	rddreg [dreg:$0x7];
	[sflag:s13] =	ssyncadd.s32 $0xFFFFE000  }
0xcc: {  	[tilespmem:s17], [sflag:$0x2] =	stream.indirect.gather [hbm4b:s4+s15], $0x20, s8, s15, $0xb8;
	[tilespmem:$0x1E400] =	vst v63  }
0xcd: {  	_ =	swait.ge [sflag:s18], $0x2000  }
0xce: {  	[sflag:s18] =	ssyncset.done $0x0  }
0xcf: {  	s9 =	rddreg [dreg:$0x8];
	[sflag:s18] =	ssyncadd.s32 $0xFFFFE000  }
0xd0: {  	[spmem:s2] =	stream.indirect.scatter.add.f32 [tilespmem:s16], [sflag:$0x3], $0x20, s9, s15, $0xb8;
	[tilespmem:$0x1E400] =	vst v63  }
0xd1: {  	_ =	swait.ge [sflag:s13], $0x2000  }
0xd2: {  	[sflag:s13] =	ssyncset.done $0x0  }
0xd3: {  	s10 =	rddreg [dreg:$0x9];
	[sflag:s13] =	ssyncadd.s32 $0xFFFFE000  }
0xd4: {  	[tilespmem:s16], [sflag:$0x1] =	stream.indirect.gather [hbm4b:s4+s15], $0x20, s10, s15, $0xb8;
	[tilespmem:$0x1E400] =	vst v63  }
0xd5: {  	_ =	swait.ge [sflag:s19], $0x2000  }
0xd6: {  	[sflag:s19] =	ssyncset.done $0x0  }
0xd7: {  	s8 =	rddreg [dreg:$0xa];
	[sflag:s19] =	ssyncadd.s32 $0xFFFFE000  }
0xd8: {  	[spmem:s2] =	stream.indirect.scatter.add.f32 [tilespmem:s17], [sflag:$0x3], $0x20, s8, s15, $0xb8;
	[tilespmem:$0x1E400] =	vst v63  }
0xd9: {  	_ =	swait.ge [sflag:s13], $0x2000  }
0xda: {  	[sflag:s13] =	ssyncset.done $0x0  }
0xdb: {  	s9 =	rddreg [dreg:$0xb];
	[sflag:s13] =	ssyncadd.s32 $0xFFFFE000  }
0xdc: {  	[tilespmem:s17], [sflag:$0x2] =	stream.indirect.gather [hbm4b:s4+s15], $0x20, s9, s15, $0xb8;
	[tilespmem:$0x1E400] =	vst v63  }
0xdd: {  	_ =	swait.ge [sflag:s18], $0x2000  }
0xde: {  	[sflag:s18] =	ssyncset.done $0x0  }
0xdf: {  	s10 =	rddreg [dreg:$0xc];
	[sflag:s18] =	ssyncadd.s32 $0xFFFFE000  }
0xe0: {  	[spmem:s2] =	stream.indirect.scatter.add.f32 [tilespmem:s16], [sflag:$0x3], $0x20, s10, s15, $0xb8;
	[tilespmem:$0x1E400] =	vst v63  }
0xe1: {  	_ =	swait.ge [sflag:s13], $0x2000  }
0xe2: {  	[sflag:s13] =	ssyncset.done $0x0  }
0xe3: {  	s8 =	rddreg [dreg:$0xd];
	[sflag:s13] =	ssyncadd.s32 $0xFFFFE000  }
0xe4: {  	[tilespmem:s16], [sflag:$0x1] =	stream.indirect.gather [hbm4b:s4+s15], $0x20, s8, s15, $0xb8;
	[tilespmem:$0x1E400] =	vst v63  }
0xe5: {  	_ =	swait.ge [sflag:s19], $0x2000  }
0xe6: {  	[sflag:s19] =	ssyncset.done $0x0  }
0xe7: {  	s9 =	rddreg [dreg:$0xe];
	[sflag:s19] =	ssyncadd.s32 $0xFFFFE000  }
0xe8: {  	[spmem:s2] =	stream.indirect.scatter.add.f32 [tilespmem:s17], [sflag:$0x3], $0x20, s9, s15, $0xb8;
	[tilespmem:$0x1E400] =	vst v63  }
0xe9: {  	_ =	swait.ge [sflag:s13], $0x2000  }
0xea: {  	[sflag:s13] =	ssyncset.done $0x0  }
0xeb: {  	s10 =	rddreg [dreg:$0xf];
	[sflag:s13] =	ssyncadd.s32 $0xFFFFE000  }
0xec: {  	[tilespmem:s17], [sflag:$0x2] =	stream.indirect.gather [hbm4b:s4+s15], $0x20, s10, s15, $0xb8;
	[tilespmem:$0x1E400] =	vst v63  }
0xed: {  	_ =	swait.ge [sflag:s18], $0x2000  }
0xee: {  	[sflag:s18] =	ssyncset.done $0x0  }
0xef: {  	s8 =	rddreg [dreg:$0x10];
	[sflag:s18] =	ssyncadd.s32 $0xFFFFE000  }
0xf0: {  	[spmem:s2] =	stream.indirect.scatter.add.f32 [tilespmem:s16], [sflag:$0x3], $0x20, s8, s15, $0xb8;
	[tilespmem:$0x1E400] =	vst v63  }
0xf1: {  	_ =	swait.ge [sflag:s13], $0x2000  }
0xf2: {  	[sflag:s13] =	ssyncset.done $0x0  }
0xf3: {  	s9 =	rddreg [dreg:$0x11];
	[sflag:s13] =	ssyncadd.s32 $0xFFFFE000  }
0xf4: {  	[tilespmem:s16], [sflag:$0x1] =	stream.indirect.gather [hbm4b:s4+s15], $0x20, s9, s15, $0xb8;
	[tilespmem:$0x1E400] =	vst v63  }
0xf5: {  	_ =	swait.ge [sflag:s19], $0x2000  }
0xf6: {  	[sflag:s19] =	ssyncset.done $0x0  }
0xf7: {  	s10 =	rddreg [dreg:$0x12];
	[sflag:s19] =	ssyncadd.s32 $0xFFFFE000  }
0xf8: {  	[spmem:s2] =	stream.indirect.scatter.add.f32 [tilespmem:s17], [sflag:$0x3], $0x20, s10, s15, $0xb8;
	[tilespmem:$0x1E400] =	vst v63  }
0xf9: {  	_ =	swait.ge [sflag:s13], $0x2000  }
0xfa: {  	[sflag:s13] =	ssyncset.done $0x0  }
0xfb: {  	s8 =	rddreg [dreg:$0x13];
	[sflag:s13] =	ssyncadd.s32 $0xFFFFE000  }
0xfc: {  	[tilespmem:s17], [sflag:$0x2] =	stream.indirect.gather [hbm4b:s4+s15], $0x20, s8, s15, $0xb8;
	[tilespmem:$0x1E400] =	vst v63  }
0xfd: {  	_ =	swait.ge [sflag:s18], $0x2000  }
0xfe: {  	[sflag:s18] =	ssyncset.done $0x0  }
0xff: {  	s9 =	rddreg [dreg:$0x14];
	[sflag:s18] =	ssyncadd.s32 $0xFFFFE000  }
0x100: {  	[spmem:s2] =	stream.indirect.scatter.add.f32 [tilespmem:s16], [sflag:$0x3], $0x20, s9, s15, $0xb8;
	[tilespmem:$0x1E400] =	vst v63  }
0x101: {  	_ =	swait.ge [sflag:s13], $0x2000  }
0x102: {  	[sflag:s13] =	ssyncset.done $0x0  }
0x103: {  	s10 =	rddreg [dreg:$0x15];
	[sflag:s13] =	ssyncadd.s32 $0xFFFFE000  }
0x104: {  	[tilespmem:s16], [sflag:$0x1] =	stream.indirect.gather [hbm4b:s4+s15], $0x20, s10, s15, $0xb8;
	[tilespmem:$0x1E400] =	vst v63  }
0x105: {  	_ =	swait.ge [sflag:s19], $0x2000  }
0x106: {  	[sflag:s19] =	ssyncset.done $0x0  }
0x107: {  	[sflag:s19] =	ssyncadd.s32 $0xFFFFE000  }
0x108: {  	[spmem:s2] =	stream.indirect.scatter.add.f32 [tilespmem:s17], [sflag:$0x3], $0x20, s20, s15, $0xb8;
	[tilespmem:$0x1E400] =	vst v63  }
0x109: {  	_ =	swait.ge [sflag:s13], $0x2000  }
0x10a: {  	[sflag:s13] =	ssyncset.done $0x0  }
0x10b: {  	[sflag:s13] =	ssyncadd.s32 $0xFFFFE000  }
0x10c: {  	[tilespmem:s17], [sflag:$0x2] =	stream.indirect.gather [hbm4b:s4+s15], $0x20, s21, s15, $0xb8;
	[tilespmem:$0x1E400] =	vst v63  }
0x10d: {  	_ =	swait.ge [sflag:s18], $0x2000  }
0x10e: {  	[sflag:s18] =	ssyncset.done $0x0  }
0x10f: {  	[sflag:s18] =	ssyncadd.s32 $0xFFFFE000  }
0x110: {  	[spmem:s2] =	stream.indirect.scatter.add.f32 [tilespmem:s16], [sflag:$0x3], $0x20, s22, s15, $0xb8;
	[tilespmem:$0x1E400] =	vst v63  }
0x111: {  	_ =	swait.ge [sflag:s13], $0x2000  }
0x112: {  	[sflag:s13] =	ssyncset.done $0x0  }
0x113: {  	[sflag:s13] =	ssyncadd.s32 $0xFFFFE000  }
0x114: {  	[tilespmem:s16], [sflag:$0x1] =	stream.indirect.gather [hbm4b:s4+s15], $0x20, s23, s15, $0xb8;
	[tilespmem:$0x1E400] =	vst v63  }
0x115: {  	_ =	swait.ge [sflag:s19], $0x2000  }
0x116: {  	[sflag:s19] =	ssyncset.done $0x0  }
0x117: {  	[sflag:s19] =	ssyncadd.s32 $0xFFFFE000  }
0x118: {  	[spmem:s2] =	stream.indirect.scatter.add.f32 [tilespmem:s17], [sflag:$0x3], $0x20, s24, s15, $0xb8;
	[tilespmem:$0x1E400] =	vst v63  }
0x119: {  	_ =	swait.ge [sflag:s13], $0x2000  }
0x11a: {  	[sflag:s13] =	ssyncset.done $0x0  }
0x11b: {  	[sflag:s13] =	ssyncadd.s32 $0xFFFFE000  }
0x11c: {  	[tilespmem:s17], [sflag:$0x2] =	stream.indirect.gather [hbm4b:s4+s15], $0x20, s25, s15, $0xb8;
	[tilespmem:$0x1E400] =	vst v63  }
0x11d: {  	_ =	swait.ge [sflag:s18], $0x2000  }
0x11e: {  	[sflag:s18] =	ssyncset.done $0x0  }
0x11f: {  	[sflag:s18] =	ssyncadd.s32 $0xFFFFE000  }
0x120: {  	[spmem:s2] =	stream.indirect.scatter.add.f32 [tilespmem:s16], [sflag:$0x3], $0x20, s26, s15, $0xb8;
	[tilespmem:$0x1E400] =	vst v63  }
0x121: {  	_ =	swait.ge [sflag:s13], $0x2000  }
0x122: {  	[sflag:s13] =	ssyncset.done $0x0  }
0x123: {  	s30 =	sadd.s32 $0xFFFFFFFF, s30;
	[sflag:s13] =	ssyncadd.s32 $0xFFFFE000  }
0x124: {  	p2 =	sne.s32 s30, $0x0;
	_ =	swait.ge [sflag:s19], $0x2000  }
.Ltmp2:
0x125: {  	[sflag:s19] =	ssyncset.done $0x0;
	(pc) =	sbr.rel @p2 .LBB2_4-.Ltmp2, $4  }
0x126: {  	[sflag:s19] =	ssyncadd.s32 $0xFFFFE000  }
0x127: {  	[spmem:s2] =	stream.indirect.scatter.add.f32 [tilespmem:s17], [sflag:$0x3], $0x20, s28, s15, $0xb8;
	[tilespmem:$0x1E400] =	vst v63  }
0x128: {  	s1 =	sadd.s32 $0xE00, s1;
	_ =	swait.ge [sflag:s13], $0x2000  }
0x129: {  	p0 =	por p3, p3;
	s6 =	rddreg [dreg:$0x3];
	[sflag:s13] =	ssyncset.done $0x0  }
0x12a: {  	s30 =	smov.u32 s0  }
.LBB2_6:
0x12b: {  	[sflag:s13] =	ssyncadd.s32 @p1 $0xFFFFE000;
	s0 =	simm.s32 @p0 $0x0  }
0x12c: {  	[tilespmem:s0], [sflag:$0x3] =	stream.linear.gather @p0 [hbm4b:s6+s0], $0xE00, $0x38;
	[tilespmem:$0x1E400] =	vst v63  }
0x12d: {  	s0 =	simm.s32 @p0 $0x3  }
0x12e: {  	_ =	swait.ge @p0 [sflag:s0], $0xE00  }
0x12f: {  	[sflag:s0] =	ssyncset.done @p0 $0x0  }
0x130: {  	[sflag:s0] =	ssyncadd.s32 @p0 $0xFFFFF200;
	s0 =	simm.s32 @!p0 $0x0  }
0x131: {  	[tilespmem:s0], [sflag:$0x3] =	stream.linear.gather @!p0 [hbm4b:s31+s0], $0xE00, $0x38;
	[tilespmem:$0x1E400] =	vst v63  }
0x132: {  	s0 =	simm.s32 @!p0 $0x3  }
0x133: {  	_ =	swait.ge @!p0 [sflag:s0], $0xE00  }
0x134: {  	s1 =	rddreg [dreg:$0x4];
	[sflag:s0] =	ssyncset.done @!p0 $0x0  }
0x135: {  	[sflag:s0] =	ssyncadd.s32 @!p0 $0xFFFFF200;
	s30 =	smov.u32 @p0 s1  }
0x136: {  	[tilespmem:s14], [sflag:$0x3] =	stream.linear.gather [hbm4b:s30+s3], $0xE00, $0x38;
	[tilespmem:$0x1E400] =	vst v63  }
0x137: {  	_ =	swait.ge [sflag:s13], $0xE00  }
0x138: {  	[sflag:s13] =	ssyncset.done $0x0  }
0x139: {  	[sflag:s13] =	ssyncadd.s32 $0xFFFFF200  }
0x13a: {  	[tilespmem:s16], [sflag:$0x1] =	stream.indirect.gather [hbm4b:s4+s15], $0x20, s3, s15, $0xb8;
	[tilespmem:$0x1E400] =	vst v63  }
0x13b: {  	_ = 	snop  }
0x13c: {  	[tilespmem:s17], [sflag:$0x2] =	stream.indirect.gather [hbm4b:s4+s15], $0x20, s15, s15, $0xb8;
	[tilespmem:$0x1E400] =	vst v63  }
0x13d: {  	_ =	swait.ge [sflag:s18], $0x2000  }
0x13e: {  	[sflag:s18] =	ssyncset.done $0x0  }
0x13f: {  	[sflag:s18] =	ssyncadd.s32 $0xFFFFE000  }
0x140: {  	[spmem:s2] =	stream.indirect.scatter.add.f32 [tilespmem:s16], [sflag:$0x3], $0x20, s14, s15, $0xb8;
	[tilespmem:$0x1E400] =	vst v63  }
0x141: {  	_ =	swait.ge [sflag:s13], $0x2000  }
0x142: {  	[sflag:s13] =	ssyncset.done $0x0  }
0x143: {  	s8 =	rddreg [dreg:$0x5];
	[sflag:s13] =	ssyncadd.s32 $0xFFFFE000  }
0x144: {  	[tilespmem:s16], [sflag:$0x1] =	stream.indirect.gather [hbm4b:s4+s15], $0x20, s8, s15, $0xb8;
	[tilespmem:$0x1E400] =	vst v63  }
0x145: {  	_ =	swait.ge [sflag:s19], $0x2000  }
0x146: {  	[sflag:s19] =	ssyncset.done $0x0  }
0x147: {  	s9 =	rddreg [dreg:$0x6];
	[sflag:s19] =	ssyncadd.s32 $0xFFFFE000  }
0x148: {  	[spmem:s2] =	stream.indirect.scatter.add.f32 [tilespmem:s17], [sflag:$0x3], $0x20, s9, s15, $0xb8;
	[tilespmem:$0x1E400] =	vst v63  }
0x149: {  	_ =	swait.ge [sflag:s13], $0x2000  }
0x14a: {  	[sflag:s13] =	ssyncset.done $0x0  }
0x14b: {  	s10 =	rddreg [dreg:$0x7];
	[sflag:s13] =	ssyncadd.s32 $0xFFFFE000  }
0x14c: {  	[tilespmem:s17], [sflag:$0x2] =	stream.indirect.gather [hbm4b:s4+s15], $0x20, s10, s15, $0xb8;
	[tilespmem:$0x1E400] =	vst v63  }
0x14d: {  	_ =	swait.ge [sflag:s18], $0x2000  }
0x14e: {  	[sflag:s18] =	ssyncset.done $0x0  }
0x14f: {  	s30 =	rddreg [dreg:$0x8];
	[sflag:s18] =	ssyncadd.s32 $0xFFFFE000  }
0x150: {  	[spmem:s2] =	stream.indirect.scatter.add.f32 [tilespmem:s16], [sflag:$0x3], $0x20, s30, s15, $0xb8;
	[tilespmem:$0x1E400] =	vst v63  }
0x151: {  	_ =	swait.ge [sflag:s13], $0x2000  }
0x152: {  	[sflag:s13] =	ssyncset.done $0x0  }
0x153: {  	s31 =	rddreg [dreg:$0x9];
	[sflag:s13] =	ssyncadd.s32 $0xFFFFE000  }
0x154: {  	[tilespmem:s16], [sflag:$0x1] =	stream.indirect.gather [hbm4b:s4+s15], $0x20, s31, s15, $0xb8;
	[tilespmem:$0x1E400] =	vst v63  }
0x155: {  	_ =	swait.ge [sflag:s19], $0x2000  }
0x156: {  	[sflag:s19] =	ssyncset.done $0x0  }
0x157: {  	s1 =	rddreg [dreg:$0xa];
	[sflag:s19] =	ssyncadd.s32 $0xFFFFE000  }
0x158: {  	[spmem:s2] =	stream.indirect.scatter.add.f32 [tilespmem:s17], [sflag:$0x3], $0x20, s1, s15, $0xb8;
	[tilespmem:$0x1E400] =	vst v63  }
0x159: {  	_ =	swait.ge [sflag:s13], $0x2000  }
0x15a: {  	[sflag:s13] =	ssyncset.done $0x0  }
0x15b: {  	s6 =	rddreg [dreg:$0xb];
	[sflag:s13] =	ssyncadd.s32 $0xFFFFE000  }
0x15c: {  	[tilespmem:s17], [sflag:$0x2] =	stream.indirect.gather [hbm4b:s4+s15], $0x20, s6, s15, $0xb8;
	[tilespmem:$0x1E400] =	vst v63  }
0x15d: {  	_ =	swait.ge [sflag:s18], $0x2000  }
0x15e: {  	[sflag:s18] =	ssyncset.done $0x0  }
0x15f: {  	s8 =	rddreg [dreg:$0xc];
	[sflag:s18] =	ssyncadd.s32 $0xFFFFE000  }
0x160: {  	[spmem:s2] =	stream.indirect.scatter.add.f32 [tilespmem:s16], [sflag:$0x3], $0x20, s8, s15, $0xb8;
	[tilespmem:$0x1E400] =	vst v63  }
0x161: {  	_ =	swait.ge [sflag:s13], $0x2000  }
0x162: {  	[sflag:s13] =	ssyncset.done $0x0  }
0x163: {  	s9 =	rddreg [dreg:$0xd];
	[sflag:s13] =	ssyncadd.s32 $0xFFFFE000  }
0x164: {  	[tilespmem:s16], [sflag:$0x1] =	stream.indirect.gather [hbm4b:s4+s15], $0x20, s9, s15, $0xb8;
	[tilespmem:$0x1E400] =	vst v63  }
0x165: {  	_ =	swait.ge [sflag:s19], $0x2000  }
0x166: {  	[sflag:s19] =	ssyncset.done $0x0  }
0x167: {  	s10 =	rddreg [dreg:$0xe];
	[sflag:s19] =	ssyncadd.s32 $0xFFFFE000  }
0x168: {  	[spmem:s2] =	stream.indirect.scatter.add.f32 [tilespmem:s17], [sflag:$0x3], $0x20, s10, s15, $0xb8;
	[tilespmem:$0x1E400] =	vst v63  }
0x169: {  	_ =	swait.ge [sflag:s13], $0x2000  }
0x16a: {  	[sflag:s13] =	ssyncset.done $0x0  }
0x16b: {  	s30 =	rddreg [dreg:$0xf];
	[sflag:s13] =	ssyncadd.s32 $0xFFFFE000  }
0x16c: {  	[tilespmem:s17], [sflag:$0x2] =	stream.indirect.gather [hbm4b:s4+s15], $0x20, s30, s15, $0xb8;
	[tilespmem:$0x1E400] =	vst v63  }
0x16d: {  	_ =	swait.ge [sflag:s18], $0x2000  }
0x16e: {  	[sflag:s18] =	ssyncset.done $0x0  }
0x16f: {  	s31 =	rddreg [dreg:$0x10];
	[sflag:s18] =	ssyncadd.s32 $0xFFFFE000  }
0x170: {  	[spmem:s2] =	stream.indirect.scatter.add.f32 [tilespmem:s16], [sflag:$0x3], $0x20, s31, s15, $0xb8;
	[tilespmem:$0x1E400] =	vst v63  }
0x171: {  	_ =	swait.ge [sflag:s13], $0x2000  }
0x172: {  	[sflag:s13] =	ssyncset.done $0x0  }
0x173: {  	s1 =	rddreg [dreg:$0x11];
	[sflag:s13] =	ssyncadd.s32 $0xFFFFE000  }
0x174: {  	[tilespmem:s16], [sflag:$0x1] =	stream.indirect.gather [hbm4b:s4+s15], $0x20, s1, s15, $0xb8;
	[tilespmem:$0x1E400] =	vst v63  }
0x175: {  	_ =	swait.ge [sflag:s19], $0x2000  }
0x176: {  	[sflag:s19] =	ssyncset.done $0x0  }
0x177: {  	s6 =	rddreg [dreg:$0x12];
	[sflag:s19] =	ssyncadd.s32 $0xFFFFE000  }
0x178: {  	[spmem:s2] =	stream.indirect.scatter.add.f32 [tilespmem:s17], [sflag:$0x3], $0x20, s6, s15, $0xb8;
	[tilespmem:$0x1E400] =	vst v63  }
0x179: {  	_ =	swait.ge [sflag:s13], $0x2000  }
0x17a: {  	[sflag:s13] =	ssyncset.done $0x0  }
0x17b: {  	s8 =	rddreg [dreg:$0x13];
	[sflag:s13] =	ssyncadd.s32 $0xFFFFE000  }
0x17c: {  	[tilespmem:s17], [sflag:$0x2] =	stream.indirect.gather [hbm4b:s4+s15], $0x20, s8, s15, $0xb8;
	[tilespmem:$0x1E400] =	vst v63  }
0x17d: {  	_ =	swait.ge [sflag:s18], $0x2000  }
0x17e: {  	[sflag:s18] =	ssyncset.done $0x0  }
0x17f: {  	s9 =	rddreg [dreg:$0x14];
	[sflag:s18] =	ssyncadd.s32 $0xFFFFE000  }
0x180: {  	[spmem:s2] =	stream.indirect.scatter.add.f32 [tilespmem:s16], [sflag:$0x3], $0x20, s9, s15, $0xb8;
	[tilespmem:$0x1E400] =	vst v63  }
0x181: {  	_ =	swait.ge [sflag:s13], $0x2000  }
0x182: {  	[sflag:s13] =	ssyncset.done $0x0  }
0x183: {  	s10 =	rddreg [dreg:$0x15];
	[sflag:s13] =	ssyncadd.s32 $0xFFFFE000  }
0x184: {  	[tilespmem:s16], [sflag:$0x1] =	stream.indirect.gather [hbm4b:s4+s15], $0x20, s10, s15, $0xb8;
	[tilespmem:$0x1E400] =	vst v63  }
0x185: {  	_ =	swait.ge [sflag:s19], $0x2000  }
0x186: {  	[sflag:s19] =	ssyncset.done $0x0  }
0x187: {  	[sflag:s19] =	ssyncadd.s32 $0xFFFFE000  }
0x188: {  	[spmem:s2] =	stream.indirect.scatter.add.f32 [tilespmem:s17], [sflag:$0x3], $0x20, s20, s15, $0xb8;
	[tilespmem:$0x1E400] =	vst v63  }
0x189: {  	_ =	swait.ge [sflag:s13], $0x2000  }
0x18a: {  	[sflag:s13] =	ssyncset.done $0x0  }
0x18b: {  	[sflag:s13] =	ssyncadd.s32 $0xFFFFE000  }
0x18c: {  	[tilespmem:s17], [sflag:$0x2] =	stream.indirect.gather [hbm4b:s4+s15], $0x20, s21, s15, $0xb8;
	[tilespmem:$0x1E400] =	vst v63  }
0x18d: {  	_ =	swait.ge [sflag:s18], $0x2000  }
0x18e: {  	[sflag:s18] =	ssyncset.done $0x0  }
0x18f: {  	[sflag:s18] =	ssyncadd.s32 $0xFFFFE000  }
0x190: {  	[spmem:s2] =	stream.indirect.scatter.add.f32 [tilespmem:s16], [sflag:$0x3], $0x20, s22, s15, $0xb8;
	[tilespmem:$0x1E400] =	vst v63  }
0x191: {  	_ =	swait.ge [sflag:s13], $0x2000  }
0x192: {  	[sflag:s13] =	ssyncset.done $0x0  }
0x193: {  	[sflag:s13] =	ssyncadd.s32 $0xFFFFE000  }
0x194: {  	[tilespmem:s16], [sflag:$0x1] =	stream.indirect.gather [hbm4b:s4+s15], $0x20, s23, s15, $0xb8;
	[tilespmem:$0x1E400] =	vst v63  }
0x195: {  	_ =	swait.ge [sflag:s19], $0x2000  }
0x196: {  	[sflag:s19] =	ssyncset.done $0x0  }
0x197: {  	[sflag:s19] =	ssyncadd.s32 $0xFFFFE000  }
0x198: {  	[spmem:s2] =	stream.indirect.scatter.add.f32 [tilespmem:s17], [sflag:$0x3], $0x20, s24, s15, $0xb8;
	[tilespmem:$0x1E400] =	vst v63  }
0x199: {  	_ =	swait.ge [sflag:s13], $0x2000  }
0x19a: {  	[sflag:s13] =	ssyncset.done $0x0  }
0x19b: {  	[sflag:s13] =	ssyncadd.s32 $0xFFFFE000  }
0x19c: {  	[tilespmem:s17], [sflag:$0x2] =	stream.indirect.gather [hbm4b:s4+s15], $0x20, s25, s15, $0xb8;
	[tilespmem:$0x1E400] =	vst v63  }
0x19d: {  	_ =	swait.ge [sflag:s18], $0x2000  }
0x19e: {  	[sflag:s18] =	ssyncset.done $0x0  }
0x19f: {  	[sflag:s18] =	ssyncadd.s32 $0xFFFFE000  }
0x1a0: {  	[spmem:s2] =	stream.indirect.scatter.add.f32 [tilespmem:s16], [sflag:$0x3], $0x20, s26, s15, $0xb8;
	[tilespmem:$0x1E400] =	vst v63  }
0x1a1: {  	_ =	swait.ge [sflag:s13], $0x2000  }
0x1a2: {  	[sflag:s13] =	ssyncset.done $0x0  }
0x1a3: {  	[sflag:s13] =	ssyncadd.s32 $0xFFFFE000  }
0x1a4: {  	_ =	swait.ge [sflag:s19], $0x2000  }
0x1a5: {  	[sflag:s19] =	ssyncset.done $0x0  }
0x1a6: {  	[sflag:s19] =	ssyncadd.s32 $0xFFFFE000  }
0x1a7: {  	[spmem:s2] =	stream.indirect.scatter.add.f32 [tilespmem:s17], [sflag:$0x3], $0x20, s28, s15, $0xb8;
	[tilespmem:$0x1E400] =	vst v63  }
0x1a8: {  	_ =	swait.ge [sflag:s13], $0x2000  }
0x1a9: {  	[sflag:s13] =	ssyncset.done $0x0  }
0x1aa: {  	[sflag:s13] =	ssyncadd.s32 $0xFFFFE000  }
0x1ab: {  	[bflag:$0x0] =	sbarrier.arrive $0xFFFF  }
0x1ac: {  	s30 =	rddreg [dreg:$0x18]  }
0x1ad: {  	[hbm:s30], [sflag:s7] =	dma.local [spmem:s12], $0x3100  }
0x1ae: {  	_ =	swait.ge [sflag:s13], $0x3100  }
0x1af: {  	s29 =	sadd.s32 $0x1, s29;
	s31 =	rddreg [dreg:$0x19]  }
0x1b0: {  	p0 =	sne.s32 s29, s31  }
.Ltmp3:
0x1b1: {  	_ = 	snop;
	(pc) =	sbr.rel @p0 .LBB2_1-.Ltmp3, $4  }
.Ltmp4:
0x1b2: {  	_ = 	snop;
	(pc) =	sbr.rel @!p0 .LBB2_7-.Ltmp4, $4  }
0x1b3: {  	_ = 	snop  }
0x1b4: {  	[sflag:s13] =	ssyncset.done $0x0  }
0x1b5: {  	[sflag:s13] =	ssyncadd.s32 $0xFFFFCF00  }
0x1b6: {  	_ = 	snop  }
.LBB2_3:
.Ltmp5:
0x1b7: {  	(pc) =	sbr.rel .LBB2_6-.Ltmp5, $2  }
0x1b8: {  	_ =	sdelay $0x2  }
0x1b9: {  	s30 =	smov.u32 s0  }
.LBB2_7:
0x1ba: {  	_ =	sfence.sel $0x180000  }
0x1bb: {  	[bflag:$0x0] =	sbarrier.arrive $0xFFFF  }
0x1bc: {  	_ =	strace $0x9000004D  }
0x1bd: {  	s0 =	stileid.u32;
	[bflag:$0x2] =	sbarrier.arrive $0xFFFF  }
0x1be: {  	p0 =	sne.s32 s0, $0x0;
	s0 =	rddreg [dreg:$0x2]  }
0x1bf: {  	s0 =	sadd.s32 @!p0 $0x100000, s0  }
0x1c0: {  	[sflag:s0] =	ssyncadd.tile.s32 @!p0 $0x1;
	_ =	shalt  }
.Lfunc_end2:
_tile_overlayer_lowered:
.L_overlay_start_2:
0x1c1: {  	(tag) =	ssettag $0x2  }
0x1c2: {  	s0 =	rddreg [dreg:$0x0];
	s2 =	stileid.u32  }
0x1c3: {  	s1 =	rddreg [dreg:$0x1];
	p0 =	sne.s32 s2, $0x0  }
0x1c4: {  	s3 =	rddreg [dreg:$0x2];
	[bflag:$0x3] =	sbarrier.arrive $0xFFFF;
	s2 =	simm.s32 @!p0 $0x1C03  }
0x1c5: {  	[timem:s3], [sflag:s2] =	dma.local @!p0 [hbm:s0], s1  }
0x1c6: {  	s0 =	simm.s32 @!p0 $0x3  }
0x1c7: {  	_ =	swait.ge @!p0 [sflag:s0], s1  }
0x1c8: {  	s1 =	ssub.s32 @!p0 $0x0, s1;
	[sflag:s0] =	ssyncset.done @!p0 $0x0  }
0x1c9: {  	[sflag:s0] =	ssyncadd.s32 @!p0 s1  }
0x1ca: {  	[bflag:$0x3] =	sbarrier.arrive $0xFFFF  }
0x1cb: {  	_ =	shalt  }

// kernel: kernel.21.cloned.1.call-start
scs
__scs_entry_jumppad:
0x0: {  	(pc) =	sbr.rel $0x88, $3  }
0x1: {  	(tag) =	ssettag $0x0;
	lr =	simm.s32 $0x1  }
0x2: {  	[smem:$0x3F82] =	sst lr;
	_ =	strace $0xD0000000  }
0x3: {  	_ = 	snop  }
0x4: {  	_ = 	snop  }
0x5: {  	_ = 	snop  }
0x6: {  	_ = 	snop  }
0x7: {  	_ = 	snop  }
__scs_overlays_trampoline_lowered:
0x8: {  	[smem:$0x3F91] =	sst s0  }
0x9: {  	[smem:$0x3F92] =	sst s1  }
0xa: {  	[smem:$0x3F93] =	sst s2  }
0xb: {  	[smem:$0x3F94] =	sst s3  }
0xc: {  	[smem:$0x3F95] =	sst s4  }
0xd: {  	[smem:$0x3F96] =	sst s5  }
0xe: {  	[smem:$0x3F97] =	sst s6  }
0xf: {  	[smem:$0x3F98] =	sst s7  }
0x10: {  	[smem:$0x3F99] =	sst s8  }
0x11: {  	[smem:$0x3F9A] =	sst s9;
	s0 =	simm.s32 @!p0 $0x0  }
0x12: {  	s1 =	sld [smem:$0x3F80];
	s0 =	simm.s32 @p0 $0x1  }
0x13: {  	[smem:$0x3F9B] =	sst s0;
	s0 =	simm.s32 @!p1 $0x0  }
0x14: {  	s2 =	sld [smem:$0x3F7F];
	s0 =	simm.s32 @p1 $0x1  }
0x15: {  	[smem:$0x3F9C] =	sst s0;
	s0 =	simm.s32 @!p2 $0x0  }
0x16: {  	s3 =	sld [smem:$0x3FDB];
	s0 =	simm.s32 @p2 $0x1  }
0x17: {  	s4 =	simm.s32 $0x1BF5;
	[smem:$0x3F9E] =	sst s0  }
0x18: {  	s0 =	sld [smem:$0x3F81];
	_ =	swait.ge [sflag:s4], $0x0  }
0x19: {  	s7 =	sld [smem:$0x3F82]  }
0x1a: {  	s8 =	sadd.s32 $0xFFFFE003, lr  }
0x1b: {  	s9 =	sadd.s32 $0xFFFFFEF7, lr;
	s5 =	simm.s32 $0xFFFFFFFF;
	p2 =	slt.u32 s8, $0xFFFFF086  }
0x1c: {  	p1 =	slt.u32 s9, $0xF7A;
	s5 =	simm.s32 @!p2 $0x0  }
0x1d: {  	s5 =	simm.s32 @p1 $0x1;
	p0 =	seq.s32 s7, s2  }
0x1e: {  	s7 =	smul.u32 @!p0 $0xF7A, s2;
	p2 =	seq.s32 @!p0 s5, $0x0  }
0x1f: {  	s9 =	smul.u32 $0xF7A, s1;
	s8 =	simm.s32 @!p0 $0x1BF5;
	p2 =	por !p2, p0  }
0x20: {  	[sflag:s8] =	ssyncset.s32 @!p0 $0xFFFFF086;
	s6 =	sadd.s32 @!p0 s3, s7;
	s7 =	simm.s32 @!p0 $0x108  }
0x21: {  	s3 =	sadd.s32 s3, s9;
	s6 =	sadd.s32 @!p0 $0x88, s6;
	s7 =	simm.s32 @p2 $0x1082  }
0x22: {  	[simem:s7], [sflag:s8] =	dma.local @!p0 [hbm:s6], $0xF7A  }
0x23: {  	s9 =	sor.u32 $0xD0000000, s2;
	s6 =	simm.s32 $0x108;
	_ =	swait.ge @!p0 [sflag:s8], $0x0  }
0x24: {  	s3 =	sadd.s32 $0x88, s3;
	s6 =	simm.s32 @!p1 $0x1082;
	[sflag:s4] =	ssyncset.s32 $0xFFFFF086  }
0x25: {  	[simem:s6], [sflag:s4] =	dma.local [hbm:s3], $0xF7A  }
0x26: {  	[smem:$0x3F82] =	sst s1;
	(tag) =	ssettag s2;
	_ =	strace s9  }
0x27: {  	s1 =	sld [smem:$0x3F92]  }
0x28: {  	s2 =	sld [smem:$0x3F93]  }
0x29: {  	s4 =	sld [smem:$0x3F95]  }
0x2a: {  	p0 =	seq.s32 s5, $0x0;
	s5 =	sld [smem:$0x3F96]  }
0x2b: {  	s6 =	sld [smem:$0x3F97]  }
0x2c: {  	s7 =	sld [smem:$0x3F98]  }
0x2d: {  	s3 =	simm.s32 $0x108;
	s8 =	sld [smem:$0x3F99]  }
0x2e: {  	s3 =	simm.s32 @!p0 $0x1082;
	s9 =	sld [smem:$0x3F9A]  }
0x2f: {  	lr =	sadd.s32 s0, s3;
	s0 =	sld [smem:$0x3F91]  }
0x30: {  	s3 =	sld [smem:$0x3F94]  }
0x31: {  	[smem:$0x3F9D] =	sst s10  }
0x32: {  	s10 =	sld [smem:$0x3F9B];
	_ =	sdelay $0x3  }
0x33: {  	p0 =	seq.s32 s10, $0x1;
	s10 =	sld [smem:$0x3F9D];
	_ =	sdelay $0x3  }
0x34: {  	[smem:$0x3F9D] =	sst s10  }
0x35: {  	s10 =	sld [smem:$0x3F9C];
	_ =	sdelay $0x3  }
0x36: {  	p1 =	seq.s32 s10, $0x1;
	s10 =	sld [smem:$0x3F9D];
	_ =	sdelay $0x3  }
0x37: {  	[smem:$0x3F9D] =	sst s10  }
0x38: {  	s10 =	sld [smem:$0x3F9E]  }
0x39: {  	_ = 	snop;
	(pc) =	sbr.ind lr, $3  }
0x3a: {  	_ = 	snop  }
0x3b: {  	_ = 	snop  }
0x3c: {  	p2 =	seq.s32 s10, $0x1;
	s10 =	sld [smem:$0x3F9D]  }
0x3d: {  	_ =	shalt  }
0x3e: {  	_ =	shalt  }
0x3f: {  	_ =	shalt  }
0x40: {  	_ =	shalt  }
0x41: {  	_ =	shalt  }
0x42: {  	_ =	shalt  }
0x43: {  	_ =	shalt  }
0x44: {  	_ =	shalt  }
0x45: {  	_ =	shalt  }
0x46: {  	_ =	shalt  }
0x47: {  	_ =	shalt  }
0x48: {  	_ =	shalt  }
0x49: {  	_ =	shalt  }
0x4a: {  	_ =	shalt  }
0x4b: {  	_ =	shalt  }
0x4c: {  	_ =	shalt  }
0x4d: {  	_ =	shalt  }
0x4e: {  	_ =	shalt  }
0x4f: {  	_ =	shalt  }
0x50: {  	_ =	shalt  }
0x51: {  	_ =	shalt  }
0x52: {  	_ =	shalt  }
0x53: {  	_ =	shalt  }
0x54: {  	_ =	shalt  }
0x55: {  	_ =	shalt  }
0x56: {  	_ =	shalt  }
0x57: {  	_ =	shalt  }
0x58: {  	_ =	shalt  }
0x59: {  	_ =	shalt  }
0x5a: {  	_ =	shalt  }
0x5b: {  	_ =	shalt  }
0x5c: {  	_ =	shalt  }
0x5d: {  	_ =	shalt  }
0x5e: {  	_ =	shalt  }
0x5f: {  	_ =	shalt  }
0x60: {  	_ =	shalt  }
0x61: {  	_ =	shalt  }
0x62: {  	_ =	shalt  }
0x63: {  	_ =	shalt  }
0x64: {  	_ =	shalt  }
0x65: {  	_ =	shalt  }
0x66: {  	_ =	shalt  }
0x67: {  	_ =	shalt  }
0x68: {  	_ =	shalt  }
0x69: {  	_ =	shalt  }
0x6a: {  	_ =	shalt  }
0x6b: {  	_ =	shalt  }
0x6c: {  	_ =	shalt  }
0x6d: {  	_ =	shalt  }
0x6e: {  	_ =	shalt  }
0x6f: {  	_ =	shalt  }
0x70: {  	_ =	shalt  }
0x71: {  	_ =	shalt  }
0x72: {  	_ =	shalt  }
0x73: {  	_ =	shalt  }
0x74: {  	_ =	shalt  }
0x75: {  	_ =	shalt  }
0x76: {  	_ =	shalt  }
0x77: {  	_ =	shalt  }
0x78: {  	_ =	shalt  }
0x79: {  	_ =	shalt  }
0x7a: {  	_ =	shalt  }
0x7b: {  	_ =	shalt  }
0x7c: {  	_ =	shalt  }
0x7d: {  	_ =	shalt  }
0x7e: {  	_ =	shalt  }
0x7f: {  	_ =	shalt  }
0x80: {  	_ =	shalt  }
0x81: {  	_ =	shalt  }
0x82: {  	_ =	shalt  }
0x83: {  	_ =	shalt  }
0x84: {  	_ =	shalt  }
0x85: {  	_ =	shalt  }
0x86: {  	_ =	shalt  }
0x87: {  	_ =	shalt  }
.Lfunc_end0:
.L_simem_size_0:
called_computation.3_lowered:
.L_overlay_start_0:
0x88: {  	s2 =	sld [smem:$0x3FD9]  }
0x89: {  	s3 =	sld [smem:$0x3FFE];
	_ =	sdelay $0x1  }
0x8a: {  	s1 =	srdreg.scid  }
0x8b: {  	s0 =	sand.u32 $0x1, s1  }
0x8c: {  	s17 =	sshll.u32 s0, $0xA;
	s2 =	sadd.s32 s3, s2  }
0x8d: {  	s2 =	sadd.s32 s2, s17  }
0x8e: {  	[smem:$0x3FA9] =	sst s2  }
0x8f: {  	_ = 	snop  }
0x90: {  	(tm) =	ssettm $0x1  }
0x91: {  	s18 =	sld [smem:$0x3FFB];
	_ =	sdelay $0x3  }
0x92: {  	_ =	strace s18  }
0x93: {  	s2 =	sld [smem:$0x3FFC];
	_ =	sdelay $0x3  }
0x94: {  	_ =	strace s2  }
0x95: {  	s2 =	sld [smem:$0x3FFD];
	_ =	sdelay $0x3  }
0x96: {  	_ =	strace s2  }
0x97: {  	_ =	strace $0x8FFFFFFF  }
0x98: {  	s19 =	sld [smem:$0x3FDB];
	_ =	sdelay $0x1  }
0x99: {  	s20 =	simm.s32 $_scs_section_size  }
0x9a: {  	s4 =	simm.s32 $_size__tile_overlayer_lowered;
	s5 =	simm.s32 $_tile_overlayer_lowered  }
0x9b: {  	s6 =	simm.s32 $0x1BFF;
	s21 =	sshll.u32 s5, $0x1;
	s3 =	sadd.s32 s20, s19  }
0x9c: {  	s22 =	simm.s32 $0x0;
	s4 =	sshll.u32 s4, $0x1;
	s5 =	sadd.s32 s21, s3  }
0x9d: {  	[timem:s22], [sflag:s6] =	dma.local [hbm:s5], s4  }
0x9e: {  	_ =	swait.ge [sflag:s6], s4  }
0x9f: {  	s4 =	ssub.s32 $0x0, s4;
	[sflag:s6] =	ssyncset.done $0x0  }
0xa0: {  	[sflag:s6] =	ssyncadd.s32 s4;
	_ =	sdelay $0x1  }
0xa1: {  	s23 =	simm.s32 $0x1B8B  }
0xa2: {  	_ =	swait.ge [sflag:s23], $0x1  }
0xa3: {  	[sflag:s23] =	ssyncset.done $0x0  }
0xa4: {  	[sflag:s23] =	ssyncadd.s32 $0xFFFFFFFF  }
0xa5: {  	s4 =	sld [smem:$0x0]  }
0xa6: {  	s5 =	sand.u32 $0xFFFFFFFE, s1  }
0xa7: {  	p0 =	sne.s32 s1, s5  }
0xa8: {  	s5 =	sshll.u32 @p0 s5, $0xE  }
0xa9: {  	s5 =	sadd.s32 @p0 $0x11B8D, s5;
	s6 =	sshll.u32 @p0 s4, $0x11  }
0xaa: {  	s5 =	sor.u32 @p0 s6, s5  }
0xab: {  	[sflag:s5] =	ssyncadd.remote.s32 @p0 $0x1;
	_ =	sdelay $0x1  }
0xac: {  	s5 =	simm.s32 @p0 $0x1B8D  }
0xad: {  	_ =	swait.eq @p0 [sflag:s5], $0x1  }
0xae: {  	[sflag:s5] =	ssyncadd.s32 @p0 $0xFFFFFFFF  }
0xaf: {  	s6 =	sshll.u32 @!p0 s1, $0xE  }
0xb0: {  	s6 =	sor.u32 @!p0 $0x4000, s6;
	s5 =	simm.s32 @!p0 $0x1B8D  }
0xb1: {  	s4 =	sshll.u32 @!p0 s4, $0x11;
	s6 =	sadd.s32 @!p0 $0x11B8D, s6;
	_ =	swait.eq @!p0 [sflag:s5], $0x1  }
0xb2: {  	s4 =	sor.u32 @!p0 s4, s6;
	[sflag:s5] =	ssyncadd.s32 @!p0 $0xFFFFFFFF  }
0xb3: {  	s25 =	simm.s32 $0x1B8E;
	s24 =	sld [smem:$0x3FFE];
	[sflag:s4] =	ssyncadd.remote.s32 @!p0 $0x1  }
0xb4: {  	s26 =	simm.s32 $execute0_lowered;
	[smem:$0x3FD2] =	sst s25  }
0xb5: {  	s5 =	sshll.u32 s26, $0x1;
	_ =	strace $0x8000004F;
	[dreg:$0x1] =	wrdreg $0xFFFFFFFF  }
0xb6: {  	s28 =	simm.s32 $_size_execute0_lowered;
	s3 =	sadd.s32 s3, s5;
	[dreg:$0x0] =	wrdreg $0x0  }
0xb7: {  	s5 =	sshll.u32 s28, $0x1;
	[dreg:$0x2] =	wrdreg s3  }
0xb8: {  	[dreg:$0x3] =	wrdreg s5  }
0xb9: {  	[dreg:$0x4] =	wrdreg $0xC0  }
0xba: {  	_ =	task [dreg:s22], $0x5FFFF  }
0xbb: {  	[dreg:$0x1] =	wrdreg $0xFFFFFFFF  }
0xbc: {  	[dreg:$0x0] =	wrdreg $0x60  }
0xbd: {  	[dreg:$0x2] =	wrdreg s24  }
0xbe: {  	[dreg:$0x3] =	wrdreg $0x5C000  }
0xbf: {  	[dreg:$0x4] =	wrdreg $0xA  }
0xc0: {  	_ =	task.clear_ibuf [dreg:s22], $0x5FFFF;
	_ =	strace $0x9000004F  }
0xc1: {  	s29 =	simm.s32 $0xA;
	_ =	strace $0x80000051  }
0xc2: {  	_ =	swait.ge [sflag:s29], $0x1  }
0xc3: {  	[sflag:s29] =	ssyncadd.s32 $0xFFFFFFFF  }
0xc4: {  	_ =	strace $0x90000051  }
0xc5: {  	_ =	sfence  }
0xc6: {  	s30 =	sld [smem:$0x0];
	_ =	sdelay $0x2  }
0xc7: {  	s31 =	sshll.u32 s1, $0xD;
	s1 =	sshrl.u32 s1, $0x2  }
0xc8: {  	s4 =	sand.u32 $0x4000, s31;
	s1 =	sadd.s32 s1, s30  }
0xc9: {  	s0 =	sor.u32 s4, s0;
	s1 =	sshll.u32 s1, $0x11  }
0xca: {  	s0 =	sor.u32 s1, s0  }
0xcb: {  	s0 =	sadd.s32 $0x8F2B, s0  }
0xcc: {  	[sflag:s0] =	ssyncadd.remote.s32 $0x1  }
0xcd: {  	_ =	sfence.sel $0xFFFF  }
0xce: {  	[dreg:$0x0] =	wrdreg $0xFFFFFFFF;
	(pc) =	sbr.abs _section_cstart, $3  }
0xcf: {  	[dreg:$0x1] =	wrdreg $0xFFFFFFFF  }
0xd0: {  	_ =	task.clear_ibuf [dreg:s22], $0x2FFFF;
	_ =	strace $0x9FFFFFFF  }
0xd1: {  	(tm) =	ssettm $0x7FFFFFFF  }
tec
execute0_lowered:
.L_overlay_start_1:
0x0: {  	(tag) =	ssettag $0x1  }
0x1: {  	s0 =	rddreg [dreg:$0x0]  }
0x2: {  	s2 =	rddreg [dreg:$0x1];
	s3 =	simm.s32 $0x0  }
0x3: {  	s12 =	stileid.u32;
	s1 =	srdreg.scid;
	s26 =	simm.s32 $0x200  }
0x4: {  	s30 =	simm.s32 $0xF00;
	[smem:$0x7FF] =	sst s3;
	s7 =	sadd.s32 $0x38C00, s0  }
0x5: {  	s14 =	simm.s32 $0x400;
	_ =	strace $0x80000050;
	[dreg:$0x3] =	wrdreg s7  }
0x6: {  	s15 =	simm.s32 $0x1100;
	s16 =	simm.s32 $0x500;
	[dreg:$0x5] =	wrdreg s26  }
0x7: {  	s17 =	simm.s32 $0x1200;
	s19 =	simm.s32 $0x600;
	[dreg:$0x6] =	wrdreg s30  }
0x8: {  	s21 =	simm.s32 $0x1300;
	s22 =	simm.s32 $0x700;
	[dreg:$0x9] =	wrdreg s14  }
0x9: {  	s23 =	simm.s32 $0x1400;
	s24 =	simm.s32 $0x800;
	[dreg:$0xa] =	wrdreg s15  }
0xa: {  	s28 =	simm.s32 $0x1B00;
	s29 =	simm.s32 $0x0;
	[dreg:$0xb] =	wrdreg s16  }
0xb: {  	s6 =	smul.u32 $0x18800, s12;
	s1 =	sand.u32 $0x1, s1;
	[dreg:$0xc] =	wrdreg s17  }
0xc: {  	s4 =	sadd.s32 $0xCC000, s0;
	s5 =	sadd.s32 $0x7E00, s0;
	[dreg:$0xd] =	wrdreg s19  }
0xd: {  	s31 =	sshll.u32 s12, $0x6;
	s12 =	smul.u32 $0xC400, s12;
	[dreg:$0xe] =	wrdreg s21  }
0xe: {  	s8 =	smul.u32 $0x188000, s1;
	s9 =	ssub.s32 $0x2, s1;
	[dreg:$0xf] =	wrdreg s22  }
0xf: {  	s13 =	sshll.u32 s1, $0x1;
	s1 =	smul.u32 $0x7000, s1;
	[dreg:$0x10] =	wrdreg s23  }
0x10: {  	s14 =	simm.s32 $0xE00;
	[dreg:$0x11] =	wrdreg s24;
	s15 =	simm.s32 $0x100  }
0x11: {  	s26 =	simm.s32 $0x900;
	s16 =	simm.s32 $0x1C00;
	s30 =	simm.s32 $0x1600  }
0x12: {  	s17 =	simm.s32 $0x3C00;
	s19 =	simm.s32 $0x2;
	s21 =	simm.s32 $0xB00  }
0x13: {  	s22 =	simm.s32 $0x1800;
	s23 =	simm.s32 $0xC00;
	s24 =	simm.s32 $0x1900  }
0x14: {  	s25 =	sshrl.u32 s6, $0x3;
	s10 =	sshrl.u32 s9, $0x1;
	[dreg:$0x13] =	wrdreg s26  }
0x15: {  	[dreg:$0x14] =	wrdreg s30;
	s26 =	simm.s32 $0x1A00;
	s8 =	sadd.s32 s6, s8  }
0x16: {  	s7 =	sadd.s32 s25, s0;
	s10 =	ssub.s32 s9, s10;
	s9 =	simm.s32 $0x1000  }
0x17: {  	s6 =	sadd.s32 s6, s2;
	s25 =	simm.s32 $0x1500;
	[dreg:$0x8] =	wrdreg s9  }
0x18: {  	s8 =	sshrl.u32 s8, $0x3;
	s7 =	sadd.s32 $0x9B000, s7;
	[dreg:$0x12] =	wrdreg s25  }
0x19: {  	s20 =	smax.u32 s10, $0x1;
	s25 =	simm.s32 $0xD00;
	[dreg:$0x16] =	wrdreg s7  }
0x1a: {  	s11 =	sadd.s32 s8, s0;
	s0 =	sadd.s32 $0x38DC0, s0;
	[dreg:$0x19] =	wrdreg s20  }
0x1b: {  	s8 =	simm.s32 $0x300;
	s7 =	sor.u32 $0x1C03, s31;
	[dreg:$0x4] =	wrdreg s0  }
0x1c: {  	s31 =	simm.s32 $0xA00;
	s20 =	simm.s32 $0x1700;
	[dreg:$0x7] =	wrdreg s8  }
0x1d: {  	s8 =	ssub.s32 $0x8, s13;
	s18 =	sadd.s32 $0x15F000, s11;
	[dreg:$0x15] =	wrdreg s31  }
0x1e: {  	s11 =	sadd.s32 s1, s12;
	s12 =	sshrl.u32 s6, $0x3;
	[dreg:$0x17] =	wrdreg s8  }
0x1f: {  	s13 =	simm.s32 $0x3;
	[dreg:$0x18] =	wrdreg s18;
	s18 =	simm.s32 $0x1  }
.LBB2_1:
0x20: {  	s0 =	rddreg [dreg:$0x16]  }
0x21: {  	[spmem:s12], [sflag:s7] =	dma.local [hbm:s0], $0x3100  }
0x22: {  	_ =	swait.ge [sflag:s13], $0x3100  }
0x23: {  	[sflag:s13] =	ssyncset.done $0x0  }
0x24: {  	[sflag:s13] =	ssyncadd.s32 $0xFFFFCF00  }
0x25: {  	[bflag:$0x0] =	sbarrier.arrive $0xFFFF  }
0x26: {  	s10 =	rddreg [dreg:$0x17]  }
0x27: {  	s0 =	sadd.s32 $0xFFFFFFFF, s10  }
0x28: {  	p2 =	sne.s32 s0, $0x0  }
.Ltmp0:
0x29: {  	p0 =	sgt.s32 s11, $0xC31FF;
	(pc) =	sbr.rel @!p2 .LBB2_6-.Ltmp0, $4  }
0x2a: {  	s1 =	sshrl.u32 @!p0 s11, $0x3;
	s6 =	sadd.s32 @!p0 $0xC3500, s11  }
0x2b: {  	s31 =	sadd.s32 @!p0 s5, s1;
	s1 =	sshrl.u32 @!p0 s6, $0x3  }
0x2c: {  	p1 =	por $0x0, $0x0;
	s30 =	sadd.s32 @!p0 s5, s1  }
0x2d: {  	p0 =	por p0, p0;
	s1 =	sadd.s32 $0xE00, s11;
	s6 =	rddreg [dreg:$0x3]  }
0x2e: {  	s8 =	simm.s32 @p0 $0x0  }
0x2f: {  	[tilespmem:s8], [sflag:$0x3] =	stream.linear.gather @p0 [hbm4b:s6+s8], $0xE00, $0x38;
	[tilespmem:$0x1E400] =	vst v63  }
0x30: {  	s6 =	simm.s32 @p0 $0x3  }
0x31: {  	_ =	swait.ge @p0 [sflag:s6], $0xE00  }
0x32: {  	[sflag:s6] =	ssyncset.done @p0 $0x0  }
0x33: {  	[sflag:s6] =	ssyncadd.s32 @p0 $0xFFFFF200;
	s6 =	simm.s32 @!p0 $0x0  }
0x34: {  	[tilespmem:s6], [sflag:$0x3] =	stream.linear.gather @!p0 [hbm4b:s31+s6], $0xE00, $0x38;
	[tilespmem:$0x1E400] =	vst v63  }
0x35: {  	s6 =	simm.s32 @!p0 $0x3  }
0x36: {  	_ =	swait.ge @!p0 [sflag:s6], $0xE00  }
0x37: {  	s8 =	rddreg [dreg:$0x4];
	[sflag:s6] =	ssyncset.done @!p0 $0x0  }
0x38: {  	[sflag:s6] =	ssyncadd.s32 @!p0 $0xFFFFF200;
	s30 =	smov.u32 @p0 s8  }
0x39: {  	[tilespmem:s14], [sflag:$0x3] =	stream.linear.gather [hbm4b:s30+s3], $0xE00, $0x38;
	[tilespmem:$0x1E400] =	vst v63  }
0x3a: {  	_ =	swait.ge [sflag:s13], $0xE00  }
0x3b: {  	[sflag:s13] =	ssyncset.done $0x0  }
0x3c: {  	[sflag:s13] =	ssyncadd.s32 $0xFFFFF200  }
0x3d: {  	[tilespmem:s16], [sflag:$0x1] =	stream.indirect.gather [hbm4b:s4+s15], $0x20, s3, s15, $0xb8;
	[tilespmem:$0x1E400] =	vst v63  }
0x3e: {  	_ = 	snop  }
0x3f: {  	[tilespmem:s17], [sflag:$0x2] =	stream.indirect.gather [hbm4b:s4+s15], $0x20, s15, s15, $0xb8;
	[tilespmem:$0x1E400] =	vst v63  }
0x40: {  	_ =	swait.ge [sflag:s18], $0x2000  }
0x41: {  	[sflag:s18] =	ssyncset.done $0x0  }
0x42: {  	[sflag:s18] =	ssyncadd.s32 $0xFFFFE000  }
0x43: {  	[spmem:s2] =	stream.indirect.scatter.add.f32 [tilespmem:s16], [sflag:$0x3], $0x20, s14, s15, $0xb8;
	[tilespmem:$0x1E400] =	vst v63  }
0x44: {  	_ =	swait.ge [sflag:s13], $0x2000  }
0x45: {  	[sflag:s13] =	ssyncset.done $0x0  }
0x46: {  	s9 =	rddreg [dreg:$0x5];
	[sflag:s13] =	ssyncadd.s32 $0xFFFFE000  }
0x47: {  	[tilespmem:s16], [sflag:$0x1] =	stream.indirect.gather [hbm4b:s4+s15], $0x20, s9, s15, $0xb8;
	[tilespmem:$0x1E400] =	vst v63  }
0x48: {  	_ =	swait.ge [sflag:s19], $0x2000  }
0x49: {  	[sflag:s19] =	ssyncset.done $0x0  }
0x4a: {  	s10 =	rddreg [dreg:$0x6];
	[sflag:s19] =	ssyncadd.s32 $0xFFFFE000  }
0x4b: {  	[spmem:s2] =	stream.indirect.scatter.add.f32 [tilespmem:s17], [sflag:$0x3], $0x20, s10, s15, $0xb8;
	[tilespmem:$0x1E400] =	vst v63  }
0x4c: {  	_ =	swait.ge [sflag:s13], $0x2000  }
0x4d: {  	[sflag:s13] =	ssyncset.done $0x0  }
0x4e: {  	s8 =	rddreg [dreg:$0x7];
	[sflag:s13] =	ssyncadd.s32 $0xFFFFE000  }
0x4f: {  	[tilespmem:s17], [sflag:$0x2] =	stream.indirect.gather [hbm4b:s4+s15], $0x20, s8, s15, $0xb8;
	[tilespmem:$0x1E400] =	vst v63  }
0x50: {  	_ =	swait.ge [sflag:s18], $0x2000  }
0x51: {  	[sflag:s18] =	ssyncset.done $0x0  }
0x52: {  	s9 =	rddreg [dreg:$0x8];
	[sflag:s18] =	ssyncadd.s32 $0xFFFFE000  }
0x53: {  	[spmem:s2] =	stream.indirect.scatter.add.f32 [tilespmem:s16], [sflag:$0x3], $0x20, s9, s15, $0xb8;
	[tilespmem:$0x1E400] =	vst v63  }
0x54: {  	_ =	swait.ge [sflag:s13], $0x2000  }
0x55: {  	[sflag:s13] =	ssyncset.done $0x0  }
0x56: {  	s10 =	rddreg [dreg:$0x9];
	[sflag:s13] =	ssyncadd.s32 $0xFFFFE000  }
0x57: {  	[tilespmem:s16], [sflag:$0x1] =	stream.indirect.gather [hbm4b:s4+s15], $0x20, s10, s15, $0xb8;
	[tilespmem:$0x1E400] =	vst v63  }
0x58: {  	_ =	swait.ge [sflag:s19], $0x2000  }
0x59: {  	[sflag:s19] =	ssyncset.done $0x0  }
0x5a: {  	s8 =	rddreg [dreg:$0xa];
	[sflag:s19] =	ssyncadd.s32 $0xFFFFE000  }
0x5b: {  	[spmem:s2] =	stream.indirect.scatter.add.f32 [tilespmem:s17], [sflag:$0x3], $0x20, s8, s15, $0xb8;
	[tilespmem:$0x1E400] =	vst v63  }
0x5c: {  	_ =	swait.ge [sflag:s13], $0x2000  }
0x5d: {  	[sflag:s13] =	ssyncset.done $0x0  }
0x5e: {  	s9 =	rddreg [dreg:$0xb];
	[sflag:s13] =	ssyncadd.s32 $0xFFFFE000  }
0x5f: {  	[tilespmem:s17], [sflag:$0x2] =	stream.indirect.gather [hbm4b:s4+s15], $0x20, s9, s15, $0xb8;
	[tilespmem:$0x1E400] =	vst v63  }
0x60: {  	_ =	swait.ge [sflag:s18], $0x2000  }
0x61: {  	[sflag:s18] =	ssyncset.done $0x0  }
0x62: {  	s10 =	rddreg [dreg:$0xc];
	[sflag:s18] =	ssyncadd.s32 $0xFFFFE000  }
0x63: {  	[spmem:s2] =	stream.indirect.scatter.add.f32 [tilespmem:s16], [sflag:$0x3], $0x20, s10, s15, $0xb8;
	[tilespmem:$0x1E400] =	vst v63  }
0x64: {  	_ =	swait.ge [sflag:s13], $0x2000  }
0x65: {  	[sflag:s13] =	ssyncset.done $0x0  }
0x66: {  	s8 =	rddreg [dreg:$0xd];
	[sflag:s13] =	ssyncadd.s32 $0xFFFFE000  }
0x67: {  	[tilespmem:s16], [sflag:$0x1] =	stream.indirect.gather [hbm4b:s4+s15], $0x20, s8, s15, $0xb8;
	[tilespmem:$0x1E400] =	vst v63  }
0x68: {  	_ =	swait.ge [sflag:s19], $0x2000  }
0x69: {  	[sflag:s19] =	ssyncset.done $0x0  }
0x6a: {  	s9 =	rddreg [dreg:$0xe];
	[sflag:s19] =	ssyncadd.s32 $0xFFFFE000  }
0x6b: {  	[spmem:s2] =	stream.indirect.scatter.add.f32 [tilespmem:s17], [sflag:$0x3], $0x20, s9, s15, $0xb8;
	[tilespmem:$0x1E400] =	vst v63  }
0x6c: {  	_ =	swait.ge [sflag:s13], $0x2000  }
0x6d: {  	[sflag:s13] =	ssyncset.done $0x0  }
0x6e: {  	s10 =	rddreg [dreg:$0xf];
	[sflag:s13] =	ssyncadd.s32 $0xFFFFE000  }
0x6f: {  	[tilespmem:s17], [sflag:$0x2] =	stream.indirect.gather [hbm4b:s4+s15], $0x20, s10, s15, $0xb8;
	[tilespmem:$0x1E400] =	vst v63  }
0x70: {  	_ =	swait.ge [sflag:s18], $0x2000  }
0x71: {  	[sflag:s18] =	ssyncset.done $0x0  }
0x72: {  	s8 =	rddreg [dreg:$0x10];
	[sflag:s18] =	ssyncadd.s32 $0xFFFFE000  }
0x73: {  	[spmem:s2] =	stream.indirect.scatter.add.f32 [tilespmem:s16], [sflag:$0x3], $0x20, s8, s15, $0xb8;
	[tilespmem:$0x1E400] =	vst v63  }
0x74: {  	_ =	swait.ge [sflag:s13], $0x2000  }
0x75: {  	[sflag:s13] =	ssyncset.done $0x0  }
0x76: {  	s9 =	rddreg [dreg:$0x11];
	[sflag:s13] =	ssyncadd.s32 $0xFFFFE000  }
0x77: {  	[tilespmem:s16], [sflag:$0x1] =	stream.indirect.gather [hbm4b:s4+s15], $0x20, s9, s15, $0xb8;
	[tilespmem:$0x1E400] =	vst v63  }
0x78: {  	_ =	swait.ge [sflag:s19], $0x2000  }
0x79: {  	[sflag:s19] =	ssyncset.done $0x0  }
0x7a: {  	s10 =	rddreg [dreg:$0x12];
	[sflag:s19] =	ssyncadd.s32 $0xFFFFE000  }
0x7b: {  	[spmem:s2] =	stream.indirect.scatter.add.f32 [tilespmem:s17], [sflag:$0x3], $0x20, s10, s15, $0xb8;
	[tilespmem:$0x1E400] =	vst v63  }
0x7c: {  	_ =	swait.ge [sflag:s13], $0x2000  }
0x7d: {  	[sflag:s13] =	ssyncset.done $0x0  }
0x7e: {  	s8 =	rddreg [dreg:$0x13];
	[sflag:s13] =	ssyncadd.s32 $0xFFFFE000  }
0x7f: {  	[tilespmem:s17], [sflag:$0x2] =	stream.indirect.gather [hbm4b:s4+s15], $0x20, s8, s15, $0xb8;
	[tilespmem:$0x1E400] =	vst v63  }
0x80: {  	_ =	swait.ge [sflag:s18], $0x2000  }
0x81: {  	[sflag:s18] =	ssyncset.done $0x0  }
0x82: {  	s9 =	rddreg [dreg:$0x14];
	[sflag:s18] =	ssyncadd.s32 $0xFFFFE000  }
0x83: {  	[spmem:s2] =	stream.indirect.scatter.add.f32 [tilespmem:s16], [sflag:$0x3], $0x20, s9, s15, $0xb8;
	[tilespmem:$0x1E400] =	vst v63  }
0x84: {  	_ =	swait.ge [sflag:s13], $0x2000  }
0x85: {  	[sflag:s13] =	ssyncset.done $0x0  }
0x86: {  	s10 =	rddreg [dreg:$0x15];
	[sflag:s13] =	ssyncadd.s32 $0xFFFFE000  }
0x87: {  	[tilespmem:s16], [sflag:$0x1] =	stream.indirect.gather [hbm4b:s4+s15], $0x20, s10, s15, $0xb8;
	[tilespmem:$0x1E400] =	vst v63  }
0x88: {  	_ =	swait.ge [sflag:s19], $0x2000  }
0x89: {  	[sflag:s19] =	ssyncset.done $0x0  }
0x8a: {  	[sflag:s19] =	ssyncadd.s32 $0xFFFFE000  }
0x8b: {  	[spmem:s2] =	stream.indirect.scatter.add.f32 [tilespmem:s17], [sflag:$0x3], $0x20, s20, s15, $0xb8;
	[tilespmem:$0x1E400] =	vst v63  }
0x8c: {  	_ =	swait.ge [sflag:s13], $0x2000  }
0x8d: {  	[sflag:s13] =	ssyncset.done $0x0  }
0x8e: {  	[sflag:s13] =	ssyncadd.s32 $0xFFFFE000  }
0x8f: {  	[tilespmem:s17], [sflag:$0x2] =	stream.indirect.gather [hbm4b:s4+s15], $0x20, s21, s15, $0xb8;
	[tilespmem:$0x1E400] =	vst v63  }
0x90: {  	_ =	swait.ge [sflag:s18], $0x2000  }
0x91: {  	[sflag:s18] =	ssyncset.done $0x0  }
0x92: {  	[sflag:s18] =	ssyncadd.s32 $0xFFFFE000  }
0x93: {  	[spmem:s2] =	stream.indirect.scatter.add.f32 [tilespmem:s16], [sflag:$0x3], $0x20, s22, s15, $0xb8;
	[tilespmem:$0x1E400] =	vst v63  }
0x94: {  	_ =	swait.ge [sflag:s13], $0x2000  }
0x95: {  	[sflag:s13] =	ssyncset.done $0x0  }
0x96: {  	[sflag:s13] =	ssyncadd.s32 $0xFFFFE000  }
0x97: {  	[tilespmem:s16], [sflag:$0x1] =	stream.indirect.gather [hbm4b:s4+s15], $0x20, s23, s15, $0xb8;
	[tilespmem:$0x1E400] =	vst v63  }
0x98: {  	_ =	swait.ge [sflag:s19], $0x2000  }
0x99: {  	[sflag:s19] =	ssyncset.done $0x0  }
0x9a: {  	[sflag:s19] =	ssyncadd.s32 $0xFFFFE000  }
0x9b: {  	[spmem:s2] =	stream.indirect.scatter.add.f32 [tilespmem:s17], [sflag:$0x3], $0x20, s24, s15, $0xb8;
	[tilespmem:$0x1E400] =	vst v63  }
0x9c: {  	_ =	swait.ge [sflag:s13], $0x2000  }
0x9d: {  	[sflag:s13] =	ssyncset.done $0x0  }
0x9e: {  	[sflag:s13] =	ssyncadd.s32 $0xFFFFE000  }
0x9f: {  	[tilespmem:s17], [sflag:$0x2] =	stream.indirect.gather [hbm4b:s4+s15], $0x20, s25, s15, $0xb8;
	[tilespmem:$0x1E400] =	vst v63  }
0xa0: {  	_ =	swait.ge [sflag:s18], $0x2000  }
0xa1: {  	[sflag:s18] =	ssyncset.done $0x0  }
0xa2: {  	[sflag:s18] =	ssyncadd.s32 $0xFFFFE000  }
0xa3: {  	[spmem:s2] =	stream.indirect.scatter.add.f32 [tilespmem:s16], [sflag:$0x3], $0x20, s26, s15, $0xb8;
	[tilespmem:$0x1E400] =	vst v63  }
0xa4: {  	_ =	swait.ge [sflag:s13], $0x2000  }
0xa5: {  	p0 =	sgt.s32 s1, $0xC31FF;
	[sflag:s13] =	ssyncset.done $0x0  }
0xa6: {  	s30 =	sadd.s32 $0xFFFFFFFF, s0;
	s0 =	sshrl.u32 @!p0 s1, $0x3;
	[sflag:s13] =	ssyncadd.s32 $0xFFFFE000  }
0xa7: {  	s31 =	sadd.s32 @!p0 s5, s0;
	p2 =	sne.s32 s30, $0x0;
	_ =	swait.ge [sflag:s19], $0x2000  }
.Ltmp1:
0xa8: {  	s0 =	sadd.s32 @!p0 $0xC3500, s1;
	[sflag:s19] =	ssyncset.done $0x0;
	(pc) =	sbr.rel @!p2 .LBB2_3-.Ltmp1, $4  }
0xa9: {  	p1 =	por $0x1, $0x1;
	s0 =	sshrl.u32 @!p0 s0, $0x3;
	[sflag:s19] =	ssyncadd.s32 $0xFFFFE000  }
0xaa: {  	[spmem:s2] =	stream.indirect.scatter.add.f32 [tilespmem:s17], [sflag:$0x3], $0x20, s28, s15, $0xb8;
	[tilespmem:$0x1E400] =	vst v63  }
0xab: {  	s1 =	sadd.s32 $0xE00, s1;
	s0 =	sadd.s32 @!p0 s5, s0;
	_ =	swait.ge [sflag:s13], $0x2000  }
0xac: {  	p0 =	por p0, p0;
	s6 =	rddreg [dreg:$0x3];
	[sflag:s13] =	ssyncset.done $0x0  }
.LBB2_4:
0xad: {  	[sflag:s13] =	ssyncadd.s32 $0xFFFFE000;
	s9 =	simm.s32 @p0 $0x0;
	s10 =	simm.s32 @p0 $0x3  }
0xae: {  	[tilespmem:s9], [sflag:$0x3] =	stream.linear.gather @p0 [hbm4b:s6+s9], $0xE00, $0x38;
	[tilespmem:$0x1E400] =	vst v63  }
0xaf: {  	p3 =	sgt.s32 s1, $0xC31FF;
	_ =	swait.ge @p0 [sflag:s10], $0xE00  }
0xb0: {  	s8 =	sshrl.u32 @!p3 s1, $0x3;
	s9 =	simm.s32 @!p0 $0x0;
	[sflag:s10] =	ssyncset.done @p0 $0x0  }
0xb1: {  	s6 =	sadd.s32 @!p3 s5, s8;
	[sflag:s10] =	ssyncadd.s32 @p0 $0xFFFFF200;
	s10 =	simm.s32 @!p0 $0x3  }
0xb2: {  	[tilespmem:s9], [sflag:$0x3] =	stream.linear.gather @!p0 [hbm4b:s31+s9], $0xE00, $0x38;
	[tilespmem:$0x1E400] =	vst v63  }
0xb3: {  	s31 =	smov.u32 s6;
	_ =	swait.ge @!p0 [sflag:s10], $0xE00  }
0xb4: {  	s9 =	smov.u32 s0;
	s6 =	rddreg [dreg:$0x4];
	[sflag:s10] =	ssyncset.done @!p0 $0x0  }
0xb5: {  	[sflag:s10] =	ssyncadd.s32 @!p0 $0xFFFFF200;
	s9 =	smov.u32 @p0 s6  }
0xb6: {  	[tilespmem:s14], [sflag:$0x3] =	stream.linear.gather [hbm4b:s9+s3], $0xE00, $0x38;
	[tilespmem:$0x1E400] =	vst v63  }
0xb7: {  	_ =	swait.ge [sflag:s13], $0xE00  }
0xb8: {  	[sflag:s13] =	ssyncset.done $0x0  }
0xb9: {  	[sflag:s13] =	ssyncadd.s32 $0xFFFFF200  }
0xba: {  	[tilespmem:s16], [sflag:$0x1] =	stream.indirect.gather [hbm4b:s4+s15], $0x20, s3, s15, $0xb8;
	[tilespmem:$0x1E400] =	vst v63  }
0xbb: {  	_ = 	snop  }
0xbc: {  	[tilespmem:s17], [sflag:$0x2] =	stream.indirect.gather [hbm4b:s4+s15], $0x20, s15, s15, $0xb8;
	[tilespmem:$0x1E400] =	vst v63  }
0xbd: {  	_ =	swait.ge [sflag:s18], $0x2000  }
0xbe: {  	[sflag:s18] =	ssyncset.done $0x0  }
0xbf: {  	[sflag:s18] =	ssyncadd.s32 $0xFFFFE000  }
0xc0: {  	[spmem:s2] =	stream.indirect.scatter.add.f32 [tilespmem:s16], [sflag:$0x3], $0x20, s14, s15, $0xb8;
	[tilespmem:$0x1E400] =	vst v63  }
0xc1: {  	_ =	swait.ge [sflag:s13], $0x2000  }
0xc2: {  	[sflag:s13] =	ssyncset.done $0x0  }
0xc3: {  	s9 =	rddreg [dreg:$0x5];
	[sflag:s13] =	ssyncadd.s32 $0xFFFFE000  }
0xc4: {  	[tilespmem:s16], [sflag:$0x1] =	stream.indirect.gather [hbm4b:s4+s15], $0x20, s9, s15, $0xb8;
	[tilespmem:$0x1E400] =	vst v63  }
0xc5: {  	_ =	swait.ge [sflag:s19], $0x2000  }
0xc6: {  	[sflag:s19] =	ssyncset.done $0x0  }
0xc7: {  	s8 =	sadd.s32 @!p3 $0xC3500, s1;
	s10 =	rddreg [dreg:$0x6];
	[sflag:s19] =	ssyncadd.s32 $0xFFFFE000  }
0xc8: {  	[spmem:s2] =	stream.indirect.scatter.add.f32 [tilespmem:s17], [sflag:$0x3], $0x20, s10, s15, $0xb8;
	[tilespmem:$0x1E400] =	vst v63  }
0xc9: {  	s8 =	sshrl.u32 @!p3 s8, $0x3;
	_ =	swait.ge [sflag:s13], $0x2000  }
0xca: {  	s8 =	sadd.s32 @!p3 s5, s8;
	[sflag:s13] =	ssyncset.done $0x0  }
0xcb: {  	s0 =	smov.u32 s8;
	s8 =	rddreg [dreg:$0x7];
	[sflag:s13] =	ssyncadd.s32 $0xFFFFE000  }
0xcc: {  	[tilespmem:s17], [sflag:$0x2] =	stream.indirect.gather [hbm4b:s4+s15], $0x20, s8, s15, $0xb8;
	[tilespmem:$0x1E400] =	vst v63  }
0xcd: {  	_ =	swait.ge [sflag:s18], $0x2000  }
0xce: {  	[sflag:s18] =	ssyncset.done $0x0  }
0xcf: {  	s9 =	rddreg [dreg:$0x8];
	[sflag:s18] =	ssyncadd.s32 $0xFFFFE000  }
0xd0: {  	[spmem:s2] =	stream.indirect.scatter.add.f32 [tilespmem:s16], [sflag:$0x3], $0x20, s9, s15, $0xb8;
	[tilespmem:$0x1E400] =	vst v63  }
0xd1: {  	_ =	swait.ge [sflag:s13], $0x2000  }
0xd2: {  	[sflag:s13] =	ssyncset.done $0x0  }
0xd3: {  	s10 =	rddreg [dreg:$0x9];
	[sflag:s13] =	ssyncadd.s32 $0xFFFFE000  }
0xd4: {  	[tilespmem:s16], [sflag:$0x1] =	stream.indirect.gather [hbm4b:s4+s15], $0x20, s10, s15, $0xb8;
	[tilespmem:$0x1E400] =	vst v63  }
0xd5: {  	_ =	swait.ge [sflag:s19], $0x2000  }
0xd6: {  	[sflag:s19] =	ssyncset.done $0x0  }
0xd7: {  	s8 =	rddreg [dreg:$0xa];
	[sflag:s19] =	ssyncadd.s32 $0xFFFFE000  }
0xd8: {  	[spmem:s2] =	stream.indirect.scatter.add.f32 [tilespmem:s17], [sflag:$0x3], $0x20, s8, s15, $0xb8;
	[tilespmem:$0x1E400] =	vst v63  }
0xd9: {  	_ =	swait.ge [sflag:s13], $0x2000  }
0xda: {  	[sflag:s13] =	ssyncset.done $0x0  }
0xdb: {  	s9 =	rddreg [dreg:$0xb];
	[sflag:s13] =	ssyncadd.s32 $0xFFFFE000  }
0xdc: {  	[tilespmem:s17], [sflag:$0x2] =	stream.indirect.gather [hbm4b:s4+s15], $0x20, s9, s15, $0xb8;
	[tilespmem:$0x1E400] =	vst v63  }
0xdd: {  	_ =	swait.ge [sflag:s18], $0x2000  }
0xde: {  	[sflag:s18] =	ssyncset.done $0x0  }
0xdf: {  	s10 =	rddreg [dreg:$0xc];
	[sflag:s18] =	ssyncadd.s32 $0xFFFFE000  }
0xe0: {  	[spmem:s2] =	stream.indirect.scatter.add.f32 [tilespmem:s16], [sflag:$0x3], $0x20, s10, s15, $0xb8;
	[tilespmem:$0x1E400] =	vst v63  }
0xe1: {  	_ =	swait.ge [sflag:s13], $0x2000  }
0xe2: {  	[sflag:s13] =	ssyncset.done $0x0  }
0xe3: {  	s8 =	rddreg [dreg:$0xd];
	[sflag:s13] =	ssyncadd.s32 $0xFFFFE000  }
0xe4: {  	[tilespmem:s16], [sflag:$0x1] =	stream.indirect.gather [hbm4b:s4+s15], $0x20, s8, s15, $0xb8;
	[tilespmem:$0x1E400] =	vst v63  }
0xe5: {  	_ =	swait.ge [sflag:s19], $0x2000  }
0xe6: {  	[sflag:s19] =	ssyncset.done $0x0  }
0xe7: {  	s9 =	rddreg [dreg:$0xe];
	[sflag:s19] =	ssyncadd.s32 $0xFFFFE000  }
0xe8: {  	[spmem:s2] =	stream.indirect.scatter.add.f32 [tilespmem:s17], [sflag:$0x3], $0x20, s9, s15, $0xb8;
	[tilespmem:$0x1E400] =	vst v63  }
0xe9: {  	_ =	swait.ge [sflag:s13], $0x2000  }
0xea: {  	[sflag:s13] =	ssyncset.done $0x0  }
0xeb: {  	s10 =	rddreg [dreg:$0xf];
	[sflag:s13] =	ssyncadd.s32 $0xFFFFE000  }
0xec: {  	[tilespmem:s17], [sflag:$0x2] =	stream.indirect.gather [hbm4b:s4+s15], $0x20, s10, s15, $0xb8;
	[tilespmem:$0x1E400] =	vst v63  }
0xed: {  	_ =	swait.ge [sflag:s18], $0x2000  }
0xee: {  	[sflag:s18] =	ssyncset.done $0x0  }
0xef: {  	s8 =	rddreg [dreg:$0x10];
	[sflag:s18] =	ssyncadd.s32 $0xFFFFE000  }
0xf0: {  	[spmem:s2] =	stream.indirect.scatter.add.f32 [tilespmem:s16], [sflag:$0x3], $0x20, s8, s15, $0xb8;
	[tilespmem:$0x1E400] =	vst v63  }
0xf1: {  	_ =	swait.ge [sflag:s13], $0x2000  }
0xf2: {  	[sflag:s13] =	ssyncset.done $0x0  }
0xf3: {  	s9 =	rddreg [dreg:$0x11];
	[sflag:s13] =	ssyncadd.s32 $0xFFFFE000  }
0xf4: {  	[tilespmem:s16], [sflag:$0x1] =	stream.indirect.gather [hbm4b:s4+s15], $0x20, s9, s15, $0xb8;
	[tilespmem:$0x1E400] =	vst v63  }
0xf5: {  	_ =	swait.ge [sflag:s19], $0x2000  }
0xf6: {  	[sflag:s19] =	ssyncset.done $0x0  }
0xf7: {  	s10 =	rddreg [dreg:$0x12];
	[sflag:s19] =	ssyncadd.s32 $0xFFFFE000  }
0xf8: {  	[spmem:s2] =	stream.indirect.scatter.add.f32 [tilespmem:s17], [sflag:$0x3], $0x20, s10, s15, $0xb8;
	[tilespmem:$0x1E400] =	vst v63  }
0xf9: {  	_ =	swait.ge [sflag:s13], $0x2000  }
0xfa: {  	[sflag:s13] =	ssyncset.done $0x0  }
0xfb: {  	s8 =	rddreg [dreg:$0x13];
	[sflag:s13] =	ssyncadd.s32 $0xFFFFE000  }
0xfc: {  	[tilespmem:s17], [sflag:$0x2] =	stream.indirect.gather [hbm4b:s4+s15], $0x20, s8, s15, $0xb8;
	[tilespmem:$0x1E400] =	vst v63  }
0xfd: {  	_ =	swait.ge [sflag:s18], $0x2000  }
0xfe: {  	[sflag:s18] =	ssyncset.done $0x0  }
0xff: {  	s9 =	rddreg [dreg:$0x14];
	[sflag:s18] =	ssyncadd.s32 $0xFFFFE000  }
0x100: {  	[spmem:s2] =	stream.indirect.scatter.add.f32 [tilespmem:s16], [sflag:$0x3], $0x20, s9, s15, $0xb8;
	[tilespmem:$0x1E400] =	vst v63  }
0x101: {  	_ =	swait.ge [sflag:s13], $0x2000  }
0x102: {  	[sflag:s13] =	ssyncset.done $0x0  }
0x103: {  	s10 =	rddreg [dreg:$0x15];
	[sflag:s13] =	ssyncadd.s32 $0xFFFFE000  }
0x104: {  	[tilespmem:s16], [sflag:$0x1] =	stream.indirect.gather [hbm4b:s4+s15], $0x20, s10, s15, $0xb8;
	[tilespmem:$0x1E400] =	vst v63  }
0x105: {  	_ =	swait.ge [sflag:s19], $0x2000  }
0x106: {  	[sflag:s19] =	ssyncset.done $0x0  }
0x107: {  	[sflag:s19] =	ssyncadd.s32 $0xFFFFE000  }
0x108: {  	[spmem:s2] =	stream.indirect.scatter.add.f32 [tilespmem:s17], [sflag:$0x3], $0x20, s20, s15, $0xb8;
	[tilespmem:$0x1E400] =	vst v63  }
0x109: {  	_ =	swait.ge [sflag:s13], $0x2000  }
0x10a: {  	[sflag:s13] =	ssyncset.done $0x0  }
0x10b: {  	[sflag:s13] =	ssyncadd.s32 $0xFFFFE000  }
0x10c: {  	[tilespmem:s17], [sflag:$0x2] =	stream.indirect.gather [hbm4b:s4+s15], $0x20, s21, s15, $0xb8;
	[tilespmem:$0x1E400] =	vst v63  }
0x10d: {  	_ =	swait.ge [sflag:s18], $0x2000  }
0x10e: {  	[sflag:s18] =	ssyncset.done $0x0  }
0x10f: {  	[sflag:s18] =	ssyncadd.s32 $0xFFFFE000  }
0x110: {  	[spmem:s2] =	stream.indirect.scatter.add.f32 [tilespmem:s16], [sflag:$0x3], $0x20, s22, s15, $0xb8;
	[tilespmem:$0x1E400] =	vst v63  }
0x111: {  	_ =	swait.ge [sflag:s13], $0x2000  }
0x112: {  	[sflag:s13] =	ssyncset.done $0x0  }
0x113: {  	[sflag:s13] =	ssyncadd.s32 $0xFFFFE000  }
0x114: {  	[tilespmem:s16], [sflag:$0x1] =	stream.indirect.gather [hbm4b:s4+s15], $0x20, s23, s15, $0xb8;
	[tilespmem:$0x1E400] =	vst v63  }
0x115: {  	_ =	swait.ge [sflag:s19], $0x2000  }
0x116: {  	[sflag:s19] =	ssyncset.done $0x0  }
0x117: {  	[sflag:s19] =	ssyncadd.s32 $0xFFFFE000  }
0x118: {  	[spmem:s2] =	stream.indirect.scatter.add.f32 [tilespmem:s17], [sflag:$0x3], $0x20, s24, s15, $0xb8;
	[tilespmem:$0x1E400] =	vst v63  }
0x119: {  	_ =	swait.ge [sflag:s13], $0x2000  }
0x11a: {  	[sflag:s13] =	ssyncset.done $0x0  }
0x11b: {  	[sflag:s13] =	ssyncadd.s32 $0xFFFFE000  }
0x11c: {  	[tilespmem:s17], [sflag:$0x2] =	stream.indirect.gather [hbm4b:s4+s15], $0x20, s25, s15, $0xb8;
	[tilespmem:$0x1E400] =	vst v63  }
0x11d: {  	_ =	swait.ge [sflag:s18], $0x2000  }
0x11e: {  	[sflag:s18] =	ssyncset.done $0x0  }
0x11f: {  	[sflag:s18] =	ssyncadd.s32 $0xFFFFE000  }
0x120: {  	[spmem:s2] =	stream.indirect.scatter.add.f32 [tilespmem:s16], [sflag:$0x3], $0x20, s26, s15, $0xb8;
	[tilespmem:$0x1E400] =	vst v63  }
0x121: {  	_ =	swait.ge [sflag:s13], $0x2000  }
0x122: {  	[sflag:s13] =	ssyncset.done $0x0  }
0x123: {  	s30 =	sadd.s32 $0xFFFFFFFF, s30;
	[sflag:s13] =	ssyncadd.s32 $0xFFFFE000  }
0x124: {  	p2 =	sne.s32 s30, $0x0;
	_ =	swait.ge [sflag:s19], $0x2000  }
.Ltmp2:
0x125: {  	[sflag:s19] =	ssyncset.done $0x0;
	(pc) =	sbr.rel @p2 .LBB2_4-.Ltmp2, $4  }
0x126: {  	[sflag:s19] =	ssyncadd.s32 $0xFFFFE000  }
0x127: {  	[spmem:s2] =	stream.indirect.scatter.add.f32 [tilespmem:s17], [sflag:$0x3], $0x20, s28, s15, $0xb8;
	[tilespmem:$0x1E400] =	vst v63  }
0x128: {  	s1 =	sadd.s32 $0xE00, s1;
	_ =	swait.ge [sflag:s13], $0x2000  }
0x129: {  	p0 =	por p3, p3;
	s6 =	rddreg [dreg:$0x3];
	[sflag:s13] =	ssyncset.done $0x0  }
0x12a: {  	s30 =	smov.u32 s0  }
.LBB2_6:
0x12b: {  	[sflag:s13] =	ssyncadd.s32 @p1 $0xFFFFE000;
	s0 =	simm.s32 @p0 $0x0  }
0x12c: {  	[tilespmem:s0], [sflag:$0x3] =	stream.linear.gather @p0 [hbm4b:s6+s0], $0xE00, $0x38;
	[tilespmem:$0x1E400] =	vst v63  }
0x12d: {  	s0 =	simm.s32 @p0 $0x3  }
0x12e: {  	_ =	swait.ge @p0 [sflag:s0], $0xE00  }
0x12f: {  	[sflag:s0] =	ssyncset.done @p0 $0x0  }
0x130: {  	[sflag:s0] =	ssyncadd.s32 @p0 $0xFFFFF200;
	s0 =	simm.s32 @!p0 $0x0  }
0x131: {  	[tilespmem:s0], [sflag:$0x3] =	stream.linear.gather @!p0 [hbm4b:s31+s0], $0xE00, $0x38;
	[tilespmem:$0x1E400] =	vst v63  }
0x132: {  	s0 =	simm.s32 @!p0 $0x3  }
0x133: {  	_ =	swait.ge @!p0 [sflag:s0], $0xE00  }
0x134: {  	s1 =	rddreg [dreg:$0x4];
	[sflag:s0] =	ssyncset.done @!p0 $0x0  }
0x135: {  	[sflag:s0] =	ssyncadd.s32 @!p0 $0xFFFFF200;
	s30 =	smov.u32 @p0 s1  }
0x136: {  	[tilespmem:s14], [sflag:$0x3] =	stream.linear.gather [hbm4b:s30+s3], $0xE00, $0x38;
	[tilespmem:$0x1E400] =	vst v63  }
0x137: {  	_ =	swait.ge [sflag:s13], $0xE00  }
0x138: {  	[sflag:s13] =	ssyncset.done $0x0  }
0x139: {  	[sflag:s13] =	ssyncadd.s32 $0xFFFFF200  }
0x13a: {  	[tilespmem:s16], [sflag:$0x1] =	stream.indirect.gather [hbm4b:s4+s15], $0x20, s3, s15, $0xb8;
	[tilespmem:$0x1E400] =	vst v63  }
0x13b: {  	_ = 	snop  }
0x13c: {  	[tilespmem:s17], [sflag:$0x2] =	stream.indirect.gather [hbm4b:s4+s15], $0x20, s15, s15, $0xb8;
	[tilespmem:$0x1E400] =	vst v63  }
0x13d: {  	_ =	swait.ge [sflag:s18], $0x2000  }
0x13e: {  	[sflag:s18] =	ssyncset.done $0x0  }
0x13f: {  	[sflag:s18] =	ssyncadd.s32 $0xFFFFE000  }
0x140: {  	[spmem:s2] =	stream.indirect.scatter.add.f32 [tilespmem:s16], [sflag:$0x3], $0x20, s14, s15, $0xb8;
	[tilespmem:$0x1E400] =	vst v63  }
0x141: {  	_ =	swait.ge [sflag:s13], $0x2000  }
0x142: {  	[sflag:s13] =	ssyncset.done $0x0  }
0x143: {  	s8 =	rddreg [dreg:$0x5];
	[sflag:s13] =	ssyncadd.s32 $0xFFFFE000  }
0x144: {  	[tilespmem:s16], [sflag:$0x1] =	stream.indirect.gather [hbm4b:s4+s15], $0x20, s8, s15, $0xb8;
	[tilespmem:$0x1E400] =	vst v63  }
0x145: {  	_ =	swait.ge [sflag:s19], $0x2000  }
0x146: {  	[sflag:s19] =	ssyncset.done $0x0  }
0x147: {  	s9 =	rddreg [dreg:$0x6];
	[sflag:s19] =	ssyncadd.s32 $0xFFFFE000  }
0x148: {  	[spmem:s2] =	stream.indirect.scatter.add.f32 [tilespmem:s17], [sflag:$0x3], $0x20, s9, s15, $0xb8;
	[tilespmem:$0x1E400] =	vst v63  }
0x149: {  	_ =	swait.ge [sflag:s13], $0x2000  }
0x14a: {  	[sflag:s13] =	ssyncset.done $0x0  }
0x14b: {  	s10 =	rddreg [dreg:$0x7];
	[sflag:s13] =	ssyncadd.s32 $0xFFFFE000  }
0x14c: {  	[tilespmem:s17], [sflag:$0x2] =	stream.indirect.gather [hbm4b:s4+s15], $0x20, s10, s15, $0xb8;
	[tilespmem:$0x1E400] =	vst v63  }
0x14d: {  	_ =	swait.ge [sflag:s18], $0x2000  }
0x14e: {  	[sflag:s18] =	ssyncset.done $0x0  }
0x14f: {  	s30 =	rddreg [dreg:$0x8];
	[sflag:s18] =	ssyncadd.s32 $0xFFFFE000  }
0x150: {  	[spmem:s2] =	stream.indirect.scatter.add.f32 [tilespmem:s16], [sflag:$0x3], $0x20, s30, s15, $0xb8;
	[tilespmem:$0x1E400] =	vst v63  }
0x151: {  	_ =	swait.ge [sflag:s13], $0x2000  }
0x152: {  	[sflag:s13] =	ssyncset.done $0x0  }
0x153: {  	s31 =	rddreg [dreg:$0x9];
	[sflag:s13] =	ssyncadd.s32 $0xFFFFE000  }
0x154: {  	[tilespmem:s16], [sflag:$0x1] =	stream.indirect.gather [hbm4b:s4+s15], $0x20, s31, s15, $0xb8;
	[tilespmem:$0x1E400] =	vst v63  }
0x155: {  	_ =	swait.ge [sflag:s19], $0x2000  }
0x156: {  	[sflag:s19] =	ssyncset.done $0x0  }
0x157: {  	s1 =	rddreg [dreg:$0xa];
	[sflag:s19] =	ssyncadd.s32 $0xFFFFE000  }
0x158: {  	[spmem:s2] =	stream.indirect.scatter.add.f32 [tilespmem:s17], [sflag:$0x3], $0x20, s1, s15, $0xb8;
	[tilespmem:$0x1E400] =	vst v63  }
0x159: {  	_ =	swait.ge [sflag:s13], $0x2000  }
0x15a: {  	[sflag:s13] =	ssyncset.done $0x0  }
0x15b: {  	s6 =	rddreg [dreg:$0xb];
	[sflag:s13] =	ssyncadd.s32 $0xFFFFE000  }
0x15c: {  	[tilespmem:s17], [sflag:$0x2] =	stream.indirect.gather [hbm4b:s4+s15], $0x20, s6, s15, $0xb8;
	[tilespmem:$0x1E400] =	vst v63  }
0x15d: {  	_ =	swait.ge [sflag:s18], $0x2000  }
0x15e: {  	[sflag:s18] =	ssyncset.done $0x0  }
0x15f: {  	s8 =	rddreg [dreg:$0xc];
	[sflag:s18] =	ssyncadd.s32 $0xFFFFE000  }
0x160: {  	[spmem:s2] =	stream.indirect.scatter.add.f32 [tilespmem:s16], [sflag:$0x3], $0x20, s8, s15, $0xb8;
	[tilespmem:$0x1E400] =	vst v63  }
0x161: {  	_ =	swait.ge [sflag:s13], $0x2000  }
0x162: {  	[sflag:s13] =	ssyncset.done $0x0  }
0x163: {  	s9 =	rddreg [dreg:$0xd];
	[sflag:s13] =	ssyncadd.s32 $0xFFFFE000  }
0x164: {  	[tilespmem:s16], [sflag:$0x1] =	stream.indirect.gather [hbm4b:s4+s15], $0x20, s9, s15, $0xb8;
	[tilespmem:$0x1E400] =	vst v63  }
0x165: {  	_ =	swait.ge [sflag:s19], $0x2000  }
0x166: {  	[sflag:s19] =	ssyncset.done $0x0  }
0x167: {  	s10 =	rddreg [dreg:$0xe];
	[sflag:s19] =	ssyncadd.s32 $0xFFFFE000  }
0x168: {  	[spmem:s2] =	stream.indirect.scatter.add.f32 [tilespmem:s17], [sflag:$0x3], $0x20, s10, s15, $0xb8;
	[tilespmem:$0x1E400] =	vst v63  }
0x169: {  	_ =	swait.ge [sflag:s13], $0x2000  }
0x16a: {  	[sflag:s13] =	ssyncset.done $0x0  }
0x16b: {  	s30 =	rddreg [dreg:$0xf];
	[sflag:s13] =	ssyncadd.s32 $0xFFFFE000  }
0x16c: {  	[tilespmem:s17], [sflag:$0x2] =	stream.indirect.gather [hbm4b:s4+s15], $0x20, s30, s15, $0xb8;
	[tilespmem:$0x1E400] =	vst v63  }
0x16d: {  	_ =	swait.ge [sflag:s18], $0x2000  }
0x16e: {  	[sflag:s18] =	ssyncset.done $0x0  }
0x16f: {  	s31 =	rddreg [dreg:$0x10];
	[sflag:s18] =	ssyncadd.s32 $0xFFFFE000  }
0x170: {  	[spmem:s2] =	stream.indirect.scatter.add.f32 [tilespmem:s16], [sflag:$0x3], $0x20, s31, s15, $0xb8;
	[tilespmem:$0x1E400] =	vst v63  }
0x171: {  	_ =	swait.ge [sflag:s13], $0x2000  }
0x172: {  	[sflag:s13] =	ssyncset.done $0x0  }
0x173: {  	s1 =	rddreg [dreg:$0x11];
	[sflag:s13] =	ssyncadd.s32 $0xFFFFE000  }
0x174: {  	[tilespmem:s16], [sflag:$0x1] =	stream.indirect.gather [hbm4b:s4+s15], $0x20, s1, s15, $0xb8;
	[tilespmem:$0x1E400] =	vst v63  }
0x175: {  	_ =	swait.ge [sflag:s19], $0x2000  }
0x176: {  	[sflag:s19] =	ssyncset.done $0x0  }
0x177: {  	s6 =	rddreg [dreg:$0x12];
	[sflag:s19] =	ssyncadd.s32 $0xFFFFE000  }
0x178: {  	[spmem:s2] =	stream.indirect.scatter.add.f32 [tilespmem:s17], [sflag:$0x3], $0x20, s6, s15, $0xb8;
	[tilespmem:$0x1E400] =	vst v63  }
0x179: {  	_ =	swait.ge [sflag:s13], $0x2000  }
0x17a: {  	[sflag:s13] =	ssyncset.done $0x0  }
0x17b: {  	s8 =	rddreg [dreg:$0x13];
	[sflag:s13] =	ssyncadd.s32 $0xFFFFE000  }
0x17c: {  	[tilespmem:s17], [sflag:$0x2] =	stream.indirect.gather [hbm4b:s4+s15], $0x20, s8, s15, $0xb8;
	[tilespmem:$0x1E400] =	vst v63  }
0x17d: {  	_ =	swait.ge [sflag:s18], $0x2000  }
0x17e: {  	[sflag:s18] =	ssyncset.done $0x0  }
0x17f: {  	s9 =	rddreg [dreg:$0x14];
	[sflag:s18] =	ssyncadd.s32 $0xFFFFE000  }
0x180: {  	[spmem:s2] =	stream.indirect.scatter.add.f32 [tilespmem:s16], [sflag:$0x3], $0x20, s9, s15, $0xb8;
	[tilespmem:$0x1E400] =	vst v63  }
0x181: {  	_ =	swait.ge [sflag:s13], $0x2000  }
0x182: {  	[sflag:s13] =	ssyncset.done $0x0  }
0x183: {  	s10 =	rddreg [dreg:$0x15];
	[sflag:s13] =	ssyncadd.s32 $0xFFFFE000  }
0x184: {  	[tilespmem:s16], [sflag:$0x1] =	stream.indirect.gather [hbm4b:s4+s15], $0x20, s10, s15, $0xb8;
	[tilespmem:$0x1E400] =	vst v63  }
0x185: {  	_ =	swait.ge [sflag:s19], $0x2000  }
0x186: {  	[sflag:s19] =	ssyncset.done $0x0  }
0x187: {  	[sflag:s19] =	ssyncadd.s32 $0xFFFFE000  }
0x188: {  	[spmem:s2] =	stream.indirect.scatter.add.f32 [tilespmem:s17], [sflag:$0x3], $0x20, s20, s15, $0xb8;
	[tilespmem:$0x1E400] =	vst v63  }
0x189: {  	_ =	swait.ge [sflag:s13], $0x2000  }
0x18a: {  	[sflag:s13] =	ssyncset.done $0x0  }
0x18b: {  	[sflag:s13] =	ssyncadd.s32 $0xFFFFE000  }
0x18c: {  	[tilespmem:s17], [sflag:$0x2] =	stream.indirect.gather [hbm4b:s4+s15], $0x20, s21, s15, $0xb8;
	[tilespmem:$0x1E400] =	vst v63  }
0x18d: {  	_ =	swait.ge [sflag:s18], $0x2000  }
0x18e: {  	[sflag:s18] =	ssyncset.done $0x0  }
0x18f: {  	[sflag:s18] =	ssyncadd.s32 $0xFFFFE000  }
0x190: {  	[spmem:s2] =	stream.indirect.scatter.add.f32 [tilespmem:s16], [sflag:$0x3], $0x20, s22, s15, $0xb8;
	[tilespmem:$0x1E400] =	vst v63  }
0x191: {  	_ =	swait.ge [sflag:s13], $0x2000  }
0x192: {  	[sflag:s13] =	ssyncset.done $0x0  }
0x193: {  	[sflag:s13] =	ssyncadd.s32 $0xFFFFE000  }
0x194: {  	[tilespmem:s16], [sflag:$0x1] =	stream.indirect.gather [hbm4b:s4+s15], $0x20, s23, s15, $0xb8;
	[tilespmem:$0x1E400] =	vst v63  }
0x195: {  	_ =	swait.ge [sflag:s19], $0x2000  }
0x196: {  	[sflag:s19] =	ssyncset.done $0x0  }
0x197: {  	[sflag:s19] =	ssyncadd.s32 $0xFFFFE000  }
0x198: {  	[spmem:s2] =	stream.indirect.scatter.add.f32 [tilespmem:s17], [sflag:$0x3], $0x20, s24, s15, $0xb8;
	[tilespmem:$0x1E400] =	vst v63  }
0x199: {  	_ =	swait.ge [sflag:s13], $0x2000  }
0x19a: {  	[sflag:s13] =	ssyncset.done $0x0  }
0x19b: {  	[sflag:s13] =	ssyncadd.s32 $0xFFFFE000  }
0x19c: {  	[tilespmem:s17], [sflag:$0x2] =	stream.indirect.gather [hbm4b:s4+s15], $0x20, s25, s15, $0xb8;
	[tilespmem:$0x1E400] =	vst v63  }
0x19d: {  	_ =	swait.ge [sflag:s18], $0x2000  }
0x19e: {  	[sflag:s18] =	ssyncset.done $0x0  }
0x19f: {  	[sflag:s18] =	ssyncadd.s32 $0xFFFFE000  }
0x1a0: {  	[spmem:s2] =	stream.indirect.scatter.add.f32 [tilespmem:s16], [sflag:$0x3], $0x20, s26, s15, $0xb8;
	[tilespmem:$0x1E400] =	vst v63  }
0x1a1: {  	_ =	swait.ge [sflag:s13], $0x2000  }
0x1a2: {  	[sflag:s13] =	ssyncset.done $0x0  }
0x1a3: {  	[sflag:s13] =	ssyncadd.s32 $0xFFFFE000  }
0x1a4: {  	_ =	swait.ge [sflag:s19], $0x2000  }
0x1a5: {  	[sflag:s19] =	ssyncset.done $0x0  }
0x1a6: {  	[sflag:s19] =	ssyncadd.s32 $0xFFFFE000  }
0x1a7: {  	[spmem:s2] =	stream.indirect.scatter.add.f32 [tilespmem:s17], [sflag:$0x3], $0x20, s28, s15, $0xb8;
	[tilespmem:$0x1E400] =	vst v63  }
0x1a8: {  	_ =	swait.ge [sflag:s13], $0x2000  }
0x1a9: {  	[sflag:s13] =	ssyncset.done $0x0  }
0x1aa: {  	[sflag:s13] =	ssyncadd.s32 $0xFFFFE000  }
0x1ab: {  	[bflag:$0x0] =	sbarrier.arrive $0xFFFF  }
0x1ac: {  	s30 =	rddreg [dreg:$0x18]  }
0x1ad: {  	[hbm:s30], [sflag:s7] =	dma.local [spmem:s12], $0x3100  }
0x1ae: {  	_ =	swait.ge [sflag:s13], $0x3100  }
0x1af: {  	s29 =	sadd.s32 $0x1, s29;
	s31 =	rddreg [dreg:$0x19]  }
0x1b0: {  	p0 =	sne.s32 s29, s31  }
.Ltmp3:
0x1b1: {  	_ = 	snop;
	(pc) =	sbr.rel @p0 .LBB2_1-.Ltmp3, $4  }
.Ltmp4:
0x1b2: {  	_ = 	snop;
	(pc) =	sbr.rel @!p0 .LBB2_7-.Ltmp4, $4  }
0x1b3: {  	_ = 	snop  }
0x1b4: {  	[sflag:s13] =	ssyncset.done $0x0  }
0x1b5: {  	[sflag:s13] =	ssyncadd.s32 $0xFFFFCF00  }
0x1b6: {  	_ = 	snop  }
.LBB2_3:
.Ltmp5:
0x1b7: {  	(pc) =	sbr.rel .LBB2_6-.Ltmp5, $2  }
0x1b8: {  	_ =	sdelay $0x2  }
0x1b9: {  	s30 =	smov.u32 s0  }
.LBB2_7:
0x1ba: {  	_ =	sfence.sel $0x180000  }
0x1bb: {  	[bflag:$0x0] =	sbarrier.arrive $0xFFFF  }
0x1bc: {  	_ =	strace $0x90000050  }
0x1bd: {  	s0 =	stileid.u32;
	[bflag:$0x2] =	sbarrier.arrive $0xFFFF  }
0x1be: {  	p0 =	sne.s32 s0, $0x0;
	s0 =	rddreg [dreg:$0x2]  }
0x1bf: {  	s0 =	sadd.s32 @!p0 $0x100000, s0  }
0x1c0: {  	[sflag:s0] =	ssyncadd.tile.s32 @!p0 $0x1;
	_ =	shalt  }
.Lfunc_end2:
_tile_overlayer_lowered:
.L_overlay_start_2:
0x1c1: {  	(tag) =	ssettag $0x2  }
0x1c2: {  	s0 =	rddreg [dreg:$0x0];
	s2 =	stileid.u32  }
0x1c3: {  	s1 =	rddreg [dreg:$0x1];
	p0 =	sne.s32 s2, $0x0  }
0x1c4: {  	s3 =	rddreg [dreg:$0x2];
	[bflag:$0x3] =	sbarrier.arrive $0xFFFF;
	s2 =	simm.s32 @!p0 $0x1C03  }
0x1c5: {  	[timem:s3], [sflag:s2] =	dma.local @!p0 [hbm:s0], s1  }
0x1c6: {  	s0 =	simm.s32 @!p0 $0x3  }
0x1c7: {  	_ =	swait.ge @!p0 [sflag:s0], s1  }
0x1c8: {  	s1 =	ssub.s32 @!p0 $0x0, s1;
	[sflag:s0] =	ssyncset.done @!p0 $0x0  }
0x1c9: {  	[sflag:s0] =	ssyncadd.s32 @!p0 s1  }
0x1ca: {  	[bflag:$0x3] =	sbarrier.arrive $0xFFFF  }
0x1cb: {  	_ =	shalt  }

// kernel: kernel.24.cloned.1.call-start
scs
__scs_entry_jumppad:
0x0: {  	(pc) =	sbr.rel $0x88, $3  }
0x1: {  	(tag) =	ssettag $0x0;
	lr =	simm.s32 $0x1  }
0x2: {  	[smem:$0x3F82] =	sst lr;
	_ =	strace $0xD0000000  }
0x3: {  	_ = 	snop  }
0x4: {  	_ = 	snop  }
0x5: {  	_ = 	snop  }
0x6: {  	_ = 	snop  }
0x7: {  	_ = 	snop  }
__scs_overlays_trampoline_lowered:
0x8: {  	[smem:$0x3F91] =	sst s0  }
0x9: {  	[smem:$0x3F92] =	sst s1  }
0xa: {  	[smem:$0x3F93] =	sst s2  }
0xb: {  	[smem:$0x3F94] =	sst s3  }
0xc: {  	[smem:$0x3F95] =	sst s4  }
0xd: {  	[smem:$0x3F96] =	sst s5  }
0xe: {  	[smem:$0x3F97] =	sst s6  }
0xf: {  	[smem:$0x3F98] =	sst s7  }
0x10: {  	[smem:$0x3F99] =	sst s8  }
0x11: {  	[smem:$0x3F9A] =	sst s9;
	s0 =	simm.s32 @!p0 $0x0  }
0x12: {  	s1 =	sld [smem:$0x3F80];
	s0 =	simm.s32 @p0 $0x1  }
0x13: {  	[smem:$0x3F9B] =	sst s0;
	s0 =	simm.s32 @!p1 $0x0  }
0x14: {  	s2 =	sld [smem:$0x3F7F];
	s0 =	simm.s32 @p1 $0x1  }
0x15: {  	[smem:$0x3F9C] =	sst s0;
	s0 =	simm.s32 @!p2 $0x0  }
0x16: {  	s3 =	sld [smem:$0x3FDB];
	s0 =	simm.s32 @p2 $0x1  }
0x17: {  	s4 =	simm.s32 $0x1BF5;
	[smem:$0x3F9E] =	sst s0  }
0x18: {  	s0 =	sld [smem:$0x3F81];
	_ =	swait.ge [sflag:s4], $0x0  }
0x19: {  	s7 =	sld [smem:$0x3F82]  }
0x1a: {  	s8 =	sadd.s32 $0xFFFFE003, lr  }
0x1b: {  	s9 =	sadd.s32 $0xFFFFFEF7, lr;
	s5 =	simm.s32 $0xFFFFFFFF;
	p2 =	slt.u32 s8, $0xFFFFF086  }
0x1c: {  	p1 =	slt.u32 s9, $0xF7A;
	s5 =	simm.s32 @!p2 $0x0  }
0x1d: {  	s5 =	simm.s32 @p1 $0x1;
	p0 =	seq.s32 s7, s2  }
0x1e: {  	s7 =	smul.u32 @!p0 $0xF7A, s2;
	p2 =	seq.s32 @!p0 s5, $0x0  }
0x1f: {  	s9 =	smul.u32 $0xF7A, s1;
	s8 =	simm.s32 @!p0 $0x1BF5;
	p2 =	por !p2, p0  }
0x20: {  	[sflag:s8] =	ssyncset.s32 @!p0 $0xFFFFF086;
	s6 =	sadd.s32 @!p0 s3, s7;
	s7 =	simm.s32 @!p0 $0x108  }
0x21: {  	s3 =	sadd.s32 s3, s9;
	s6 =	sadd.s32 @!p0 $0x88, s6;
	s7 =	simm.s32 @p2 $0x1082  }
0x22: {  	[simem:s7], [sflag:s8] =	dma.local @!p0 [hbm:s6], $0xF7A  }
0x23: {  	s9 =	sor.u32 $0xD0000000, s2;
	s6 =	simm.s32 $0x108;
	_ =	swait.ge @!p0 [sflag:s8], $0x0  }
0x24: {  	s3 =	sadd.s32 $0x88, s3;
	s6 =	simm.s32 @!p1 $0x1082;
	[sflag:s4] =	ssyncset.s32 $0xFFFFF086  }
0x25: {  	[simem:s6], [sflag:s4] =	dma.local [hbm:s3], $0xF7A  }
0x26: {  	[smem:$0x3F82] =	sst s1;
	(tag) =	ssettag s2;
	_ =	strace s9  }
0x27: {  	s1 =	sld [smem:$0x3F92]  }
0x28: {  	s2 =	sld [smem:$0x3F93]  }
0x29: {  	s4 =	sld [smem:$0x3F95]  }
0x2a: {  	p0 =	seq.s32 s5, $0x0;
	s5 =	sld [smem:$0x3F96]  }
0x2b: {  	s6 =	sld [smem:$0x3F97]  }
0x2c: {  	s7 =	sld [smem:$0x3F98]  }
0x2d: {  	s3 =	simm.s32 $0x108;
	s8 =	sld [smem:$0x3F99]  }
0x2e: {  	s3 =	simm.s32 @!p0 $0x1082;
	s9 =	sld [smem:$0x3F9A]  }
0x2f: {  	lr =	sadd.s32 s0, s3;
	s0 =	sld [smem:$0x3F91]  }
0x30: {  	s3 =	sld [smem:$0x3F94]  }
0x31: {  	[smem:$0x3F9D] =	sst s10  }
0x32: {  	s10 =	sld [smem:$0x3F9B];
	_ =	sdelay $0x3  }
0x33: {  	p0 =	seq.s32 s10, $0x1;
	s10 =	sld [smem:$0x3F9D];
	_ =	sdelay $0x3  }
0x34: {  	[smem:$0x3F9D] =	sst s10  }
0x35: {  	s10 =	sld [smem:$0x3F9C];
	_ =	sdelay $0x3  }
0x36: {  	p1 =	seq.s32 s10, $0x1;
	s10 =	sld [smem:$0x3F9D];
	_ =	sdelay $0x3  }
0x37: {  	[smem:$0x3F9D] =	sst s10  }
0x38: {  	s10 =	sld [smem:$0x3F9E]  }
0x39: {  	_ = 	snop;
	(pc) =	sbr.ind lr, $3  }
0x3a: {  	_ = 	snop  }
0x3b: {  	_ = 	snop  }
0x3c: {  	p2 =	seq.s32 s10, $0x1;
	s10 =	sld [smem:$0x3F9D]  }
0x3d: {  	_ =	shalt  }
0x3e: {  	_ =	shalt  }
0x3f: {  	_ =	shalt  }
0x40: {  	_ =	shalt  }
0x41: {  	_ =	shalt  }
0x42: {  	_ =	shalt  }
0x43: {  	_ =	shalt  }
0x44: {  	_ =	shalt  }
0x45: {  	_ =	shalt  }
0x46: {  	_ =	shalt  }
0x47: {  	_ =	shalt  }
0x48: {  	_ =	shalt  }
0x49: {  	_ =	shalt  }
0x4a: {  	_ =	shalt  }
0x4b: {  	_ =	shalt  }
0x4c: {  	_ =	shalt  }
0x4d: {  	_ =	shalt  }
0x4e: {  	_ =	shalt  }
0x4f: {  	_ =	shalt  }
0x50: {  	_ =	shalt  }
0x51: {  	_ =	shalt  }
0x52: {  	_ =	shalt  }
0x53: {  	_ =	shalt  }
0x54: {  	_ =	shalt  }
0x55: {  	_ =	shalt  }
0x56: {  	_ =	shalt  }
0x57: {  	_ =	shalt  }
0x58: {  	_ =	shalt  }
0x59: {  	_ =	shalt  }
0x5a: {  	_ =	shalt  }
0x5b: {  	_ =	shalt  }
0x5c: {  	_ =	shalt  }
0x5d: {  	_ =	shalt  }
0x5e: {  	_ =	shalt  }
0x5f: {  	_ =	shalt  }
0x60: {  	_ =	shalt  }
0x61: {  	_ =	shalt  }
0x62: {  	_ =	shalt  }
0x63: {  	_ =	shalt  }
0x64: {  	_ =	shalt  }
0x65: {  	_ =	shalt  }
0x66: {  	_ =	shalt  }
0x67: {  	_ =	shalt  }
0x68: {  	_ =	shalt  }
0x69: {  	_ =	shalt  }
0x6a: {  	_ =	shalt  }
0x6b: {  	_ =	shalt  }
0x6c: {  	_ =	shalt  }
0x6d: {  	_ =	shalt  }
0x6e: {  	_ =	shalt  }
0x6f: {  	_ =	shalt  }
0x70: {  	_ =	shalt  }
0x71: {  	_ =	shalt  }
0x72: {  	_ =	shalt  }
0x73: {  	_ =	shalt  }
0x74: {  	_ =	shalt  }
0x75: {  	_ =	shalt  }
0x76: {  	_ =	shalt  }
0x77: {  	_ =	shalt  }
0x78: {  	_ =	shalt  }
0x79: {  	_ =	shalt  }
0x7a: {  	_ =	shalt  }
0x7b: {  	_ =	shalt  }
0x7c: {  	_ =	shalt  }
0x7d: {  	_ =	shalt  }
0x7e: {  	_ =	shalt  }
0x7f: {  	_ =	shalt  }
0x80: {  	_ =	shalt  }
0x81: {  	_ =	shalt  }
0x82: {  	_ =	shalt  }
0x83: {  	_ =	shalt  }
0x84: {  	_ =	shalt  }
0x85: {  	_ =	shalt  }
0x86: {  	_ =	shalt  }
0x87: {  	_ =	shalt  }
.Lfunc_end0:
.L_simem_size_0:
called_computation.4_lowered:
.L_overlay_start_0:
0x88: {  	s2 =	sld [smem:$0x3FD9]  }
0x89: {  	s3 =	sld [smem:$0x3FFE];
	_ =	sdelay $0x1  }
0x8a: {  	s1 =	srdreg.scid  }
0x8b: {  	s0 =	sand.u32 $0x1, s1  }
0x8c: {  	s16 =	sshll.u32 s0, $0xA;
	s2 =	sadd.s32 s3, s2  }
0x8d: {  	s2 =	sadd.s32 s2, s16  }
0x8e: {  	[smem:$0x3FA9] =	sst s2  }
0x8f: {  	_ = 	snop  }
0x90: {  	(tm) =	ssettm $0x1  }
0x91: {  	s17 =	sld [smem:$0x3FFB];
	_ =	sdelay $0x3  }
0x92: {  	_ =	strace s17  }
0x93: {  	s2 =	sld [smem:$0x3FFC];
	_ =	sdelay $0x3  }
0x94: {  	_ =	strace s2  }
0x95: {  	s2 =	sld [smem:$0x3FFD];
	_ =	sdelay $0x3  }
0x96: {  	_ =	strace s2  }
0x97: {  	_ =	strace $0x8FFFFFFF  }
0x98: {  	s18 =	sld [smem:$0x3FDB];
	_ =	sdelay $0x1  }
0x99: {  	s19 =	simm.s32 $_scs_section_size  }
0x9a: {  	s4 =	simm.s32 $_size__tile_overlayer_lowered;
	s5 =	simm.s32 $_tile_overlayer_lowered  }
0x9b: {  	s22 =	simm.s32 $0x1BFF;
	s21 =	sshll.u32 s5, $0x1;
	s2 =	sadd.s32 s19, s18  }
0x9c: {  	s6 =	simm.s32 $0x0;
	s20 =	sshll.u32 s4, $0x1;
	s4 =	sadd.s32 s21, s2  }
0x9d: {  	[timem:s6], [sflag:s22] =	dma.local [hbm:s4], s20  }
0x9e: {  	_ =	swait.ge [sflag:s22], s20  }
0x9f: {  	s3 =	ssub.s32 $0x0, s20;
	[sflag:s22] =	ssyncset.done $0x0  }
0xa0: {  	[sflag:s22] =	ssyncadd.s32 s3;
	_ =	sdelay $0x1  }
0xa1: {  	s23 =	simm.s32 $0x1B8B  }
0xa2: {  	_ =	swait.ge [sflag:s23], $0x1  }
0xa3: {  	[sflag:s23] =	ssyncset.done $0x0  }
0xa4: {  	s25 =	simm.s32 $0x1B8E;
	s24 =	sld [smem:$0x3FFE];
	[sflag:s23] =	ssyncadd.s32 $0xFFFFFFFF  }
0xa5: {  	s26 =	simm.s32 $execute0_lowered;
	[smem:$0x3FD2] =	sst s25  }
0xa6: {  	s4 =	sshll.u32 s26, $0x1;
	_ =	strace $0x80000052;
	[dreg:$0x1] =	wrdreg $0xFFFFFFFF  }
0xa7: {  	s28 =	simm.s32 $_size_execute0_lowered;
	s2 =	sadd.s32 s2, s4;
	[dreg:$0x0] =	wrdreg $0x0  }
0xa8: {  	s4 =	sshll.u32 s28, $0x1;
	[dreg:$0x2] =	wrdreg s2  }
0xa9: {  	[dreg:$0x3] =	wrdreg s4  }
0xaa: {  	[dreg:$0x4] =	wrdreg $0xC0  }
0xab: {  	_ =	task [dreg:s6], $0x5FFFF  }
0xac: {  	[dreg:$0x1] =	wrdreg $0xFFFFFFFF  }
0xad: {  	[dreg:$0x0] =	wrdreg $0x60  }
0xae: {  	[dreg:$0x2] =	wrdreg s24  }
0xaf: {  	[dreg:$0x3] =	wrdreg $0x5C000  }
0xb0: {  	[dreg:$0x4] =	wrdreg $0x9  }
0xb1: {  	_ =	task.clear_ibuf [dreg:s6], $0x5FFFF;
	_ =	strace $0x90000052  }
0xb2: {  	s29 =	simm.s32 $0x9;
	_ =	strace $0x80000054  }
0xb3: {  	_ =	swait.ge [sflag:s29], $0x1  }
0xb4: {  	[sflag:s29] =	ssyncadd.s32 $0xFFFFFFFF  }
0xb5: {  	_ =	strace $0x90000054  }
0xb6: {  	_ =	sfence  }
0xb7: {  	s30 =	sld [smem:$0x0];
	_ =	sdelay $0x2  }
0xb8: {  	s31 =	sshll.u32 s1, $0xD;
	s1 =	sshrl.u32 s1, $0x2  }
0xb9: {  	s3 =	sand.u32 $0x4000, s31;
	s1 =	sadd.s32 s1, s30  }
0xba: {  	s0 =	sor.u32 s3, s0;
	s1 =	sshll.u32 s1, $0x11  }
0xbb: {  	s0 =	sor.u32 s1, s0  }
0xbc: {  	s0 =	sadd.s32 $0x8F2B, s0  }
0xbd: {  	[sflag:s0] =	ssyncadd.remote.s32 $0x1  }
0xbe: {  	_ =	sfence.sel $0xFFFF  }
0xbf: {  	[dreg:$0x0] =	wrdreg $0xFFFFFFFF;
	(pc) =	sbr.abs _section_cstart, $3  }
0xc0: {  	[dreg:$0x1] =	wrdreg $0xFFFFFFFF  }
0xc1: {  	_ =	task.clear_ibuf [dreg:s6], $0x2FFFF;
	_ =	strace $0x9FFFFFFF  }
0xc2: {  	(tm) =	ssettm $0x7FFFFFFF  }
0xc3: {  	_ =	shalt  }
tec
execute0_lowered:
.L_overlay_start_1:
0x0: {  	(tag) =	ssettag $0x1  }
0x1: {  	s0 =	rddreg [dreg:$0x0]  }
0x2: {  	s2 =	rddreg [dreg:$0x1];
	s3 =	simm.s32 $0x0  }
0x3: {  	s12 =	stileid.u32;
	s1 =	srdreg.scid;
	s26 =	simm.s32 $0x200  }
0x4: {  	s30 =	simm.s32 $0xF00;
	[smem:$0x7FF] =	sst s3;
	s7 =	sadd.s32 $0x38C00, s0  }
0x5: {  	s14 =	simm.s32 $0x400;
	_ =	strace $0x80000053;
	[dreg:$0x3] =	wrdreg s7  }
0x6: {  	s15 =	simm.s32 $0x1100;
	s16 =	simm.s32 $0x500;
	[dreg:$0x5] =	wrdreg s26  }
0x7: {  	s17 =	simm.s32 $0x1200;
	s19 =	simm.s32 $0x600;
	[dreg:$0x6] =	wrdreg s30  }
0x8: {  	s21 =	simm.s32 $0x1300;
	s22 =	simm.s32 $0x700;
	[dreg:$0x9] =	wrdreg s14  }
0x9: {  	s23 =	simm.s32 $0x1400;
	s24 =	simm.s32 $0x800;
	[dreg:$0xa] =	wrdreg s15  }
0xa: {  	s28 =	simm.s32 $0x1B00;
	s29 =	simm.s32 $0x0;
	[dreg:$0xb] =	wrdreg s16  }
0xb: {  	s6 =	smul.u32 $0x18800, s12;
	s1 =	sand.u32 $0x1, s1;
	[dreg:$0xc] =	wrdreg s17  }
0xc: {  	s4 =	sadd.s32 $0x39000, s0;
	s5 =	sadd.s32 $0x7E00, s0;
	[dreg:$0xd] =	wrdreg s19  }
0xd: {  	s31 =	sshll.u32 s12, $0x6;
	s12 =	smul.u32 $0xC400, s12;
	[dreg:$0xe] =	wrdreg s21  }
0xe: {  	s8 =	smul.u32 $0x188000, s1;
	s9 =	ssub.s32 $0x2, s1;
	[dreg:$0xf] =	wrdreg s22  }
0xf: {  	s13 =	sshll.u32 s1, $0x1;
	s1 =	smul.u32 $0x7000, s1;
	[dreg:$0x10] =	wrdreg s23  }
0x10: {  	s14 =	simm.s32 $0xE00;
	[dreg:$0x11] =	wrdreg s24;
	s15 =	simm.s32 $0x100  }
0x11: {  	s26 =	simm.s32 $0x900;
	s16 =	simm.s32 $0x1C00;
	s30 =	simm.s32 $0x1600  }
0x12: {  	s17 =	simm.s32 $0x3C00;
	s19 =	simm.s32 $0x2;
	s21 =	simm.s32 $0xB00  }
0x13: {  	s22 =	simm.s32 $0x1800;
	s23 =	simm.s32 $0xC00;
	s24 =	simm.s32 $0x1900  }
0x14: {  	s25 =	sshrl.u32 s6, $0x3;
	s10 =	sshrl.u32 s9, $0x1;
	[dreg:$0x13] =	wrdreg s26  }
0x15: {  	[dreg:$0x14] =	wrdreg s30;
	s26 =	simm.s32 $0x1A00;
	s8 =	sadd.s32 s6, s8  }
0x16: {  	s7 =	sadd.s32 s25, s0;
	s10 =	ssub.s32 s9, s10;
	s9 =	simm.s32 $0x1000  }
0x17: {  	s6 =	sadd.s32 s6, s2;
	s25 =	simm.s32 $0x1500;
	[dreg:$0x8] =	wrdreg s9  }
0x18: {  	s8 =	sshrl.u32 s8, $0x3;
	s7 =	sadd.s32 $0x9B000, s7;
	[dreg:$0x12] =	wrdreg s25  }
0x19: {  	s20 =	smax.u32 s10, $0x1;
	s25 =	simm.s32 $0xD00;
	[dreg:$0x16] =	wrdreg s7  }
0x1a: {  	s11 =	sadd.s32 s8, s0;
	s0 =	sadd.s32 $0x38DC0, s0;
	[dreg:$0x19] =	wrdreg s20  }
0x1b: {  	s8 =	simm.s32 $0x300;
	s7 =	sor.u32 $0x1C03, s31;
	[dreg:$0x4] =	wrdreg s0  }
0x1c: {  	s31 =	simm.s32 $0xA00;
	s20 =	simm.s32 $0x1700;
	[dreg:$0x7] =	wrdreg s8  }
0x1d: {  	s8 =	ssub.s32 $0x8, s13;
	s18 =	sadd.s32 $0xCC000, s11;
	[dreg:$0x15] =	wrdreg s31  }
0x1e: {  	s11 =	sadd.s32 s1, s12;
	s12 =	sshrl.u32 s6, $0x3;
	[dreg:$0x17] =	wrdreg s8  }
0x1f: {  	s13 =	simm.s32 $0x3;
	[dreg:$0x18] =	wrdreg s18;
	s18 =	simm.s32 $0x1  }
.LBB2_1:
0x20: {  	s0 =	rddreg [dreg:$0x16]  }
0x21: {  	[spmem:s12], [sflag:s7] =	dma.local [hbm:s0], $0x3100  }
0x22: {  	_ =	swait.ge [sflag:s13], $0x3100  }
0x23: {  	[sflag:s13] =	ssyncset.done $0x0  }
0x24: {  	[sflag:s13] =	ssyncadd.s32 $0xFFFFCF00  }
0x25: {  	[bflag:$0x0] =	sbarrier.arrive $0xFFFF  }
0x26: {  	s10 =	rddreg [dreg:$0x17]  }
0x27: {  	s0 =	sadd.s32 $0xFFFFFFFF, s10  }
0x28: {  	p2 =	sne.s32 s0, $0x0  }
.Ltmp0:
0x29: {  	p0 =	sgt.s32 s11, $0xC31FF;
	(pc) =	sbr.rel @!p2 .LBB2_6-.Ltmp0, $4  }
0x2a: {  	s1 =	sshrl.u32 @!p0 s11, $0x3;
	s6 =	sadd.s32 @!p0 $0xC3500, s11  }
0x2b: {  	s31 =	sadd.s32 @!p0 s5, s1;
	s1 =	sshrl.u32 @!p0 s6, $0x3  }
0x2c: {  	p1 =	por $0x0, $0x0;
	s30 =	sadd.s32 @!p0 s5, s1  }
0x2d: {  	p0 =	por p0, p0;
	s1 =	sadd.s32 $0xE00, s11;
	s6 =	rddreg [dreg:$0x3]  }
0x2e: {  	s8 =	simm.s32 @p0 $0x0  }
0x2f: {  	[tilespmem:s8], [sflag:$0x3] =	stream.linear.gather @p0 [hbm4b:s6+s8], $0xE00, $0x38;
	[tilespmem:$0x1E400] =	vst v63  }
0x30: {  	s6 =	simm.s32 @p0 $0x3  }
0x31: {  	_ =	swait.ge @p0 [sflag:s6], $0xE00  }
0x32: {  	[sflag:s6] =	ssyncset.done @p0 $0x0  }
0x33: {  	[sflag:s6] =	ssyncadd.s32 @p0 $0xFFFFF200;
	s6 =	simm.s32 @!p0 $0x0  }
0x34: {  	[tilespmem:s6], [sflag:$0x3] =	stream.linear.gather @!p0 [hbm4b:s31+s6], $0xE00, $0x38;
	[tilespmem:$0x1E400] =	vst v63  }
0x35: {  	s6 =	simm.s32 @!p0 $0x3  }
0x36: {  	_ =	swait.ge @!p0 [sflag:s6], $0xE00  }
0x37: {  	s8 =	rddreg [dreg:$0x4];
	[sflag:s6] =	ssyncset.done @!p0 $0x0  }
0x38: {  	[sflag:s6] =	ssyncadd.s32 @!p0 $0xFFFFF200;
	s30 =	smov.u32 @p0 s8  }
0x39: {  	[tilespmem:s14], [sflag:$0x3] =	stream.linear.gather [hbm4b:s30+s3], $0xE00, $0x38;
	[tilespmem:$0x1E400] =	vst v63  }
0x3a: {  	_ =	swait.ge [sflag:s13], $0xE00  }
0x3b: {  	[sflag:s13] =	ssyncset.done $0x0  }
0x3c: {  	[sflag:s13] =	ssyncadd.s32 $0xFFFFF200  }
0x3d: {  	[tilespmem:s16], [sflag:$0x1] =	stream.indirect.gather [hbm4b:s4+s15], $0x20, s3, s15, $0xb8;
	[tilespmem:$0x1E400] =	vst v63  }
0x3e: {  	_ = 	snop  }
0x3f: {  	[tilespmem:s17], [sflag:$0x2] =	stream.indirect.gather [hbm4b:s4+s15], $0x20, s15, s15, $0xb8;
	[tilespmem:$0x1E400] =	vst v63  }
0x40: {  	_ =	swait.ge [sflag:s18], $0x2000  }
0x41: {  	[sflag:s18] =	ssyncset.done $0x0  }
0x42: {  	[sflag:s18] =	ssyncadd.s32 $0xFFFFE000  }
0x43: {  	[spmem:s2] =	stream.indirect.scatter.add.f32 [tilespmem:s16], [sflag:$0x3], $0x20, s14, s15, $0xb8;
	[tilespmem:$0x1E400] =	vst v63  }
0x44: {  	_ =	swait.ge [sflag:s13], $0x2000  }
0x45: {  	[sflag:s13] =	ssyncset.done $0x0  }
0x46: {  	s9 =	rddreg [dreg:$0x5];
	[sflag:s13] =	ssyncadd.s32 $0xFFFFE000  }
0x47: {  	[tilespmem:s16], [sflag:$0x1] =	stream.indirect.gather [hbm4b:s4+s15], $0x20, s9, s15, $0xb8;
	[tilespmem:$0x1E400] =	vst v63  }
0x48: {  	_ =	swait.ge [sflag:s19], $0x2000  }
0x49: {  	[sflag:s19] =	ssyncset.done $0x0  }
0x4a: {  	s10 =	rddreg [dreg:$0x6];
	[sflag:s19] =	ssyncadd.s32 $0xFFFFE000  }
0x4b: {  	[spmem:s2] =	stream.indirect.scatter.add.f32 [tilespmem:s17], [sflag:$0x3], $0x20, s10, s15, $0xb8;
	[tilespmem:$0x1E400] =	vst v63  }
0x4c: {  	_ =	swait.ge [sflag:s13], $0x2000  }
0x4d: {  	[sflag:s13] =	ssyncset.done $0x0  }
0x4e: {  	s8 =	rddreg [dreg:$0x7];
	[sflag:s13] =	ssyncadd.s32 $0xFFFFE000  }
0x4f: {  	[tilespmem:s17], [sflag:$0x2] =	stream.indirect.gather [hbm4b:s4+s15], $0x20, s8, s15, $0xb8;
	[tilespmem:$0x1E400] =	vst v63  }
0x50: {  	_ =	swait.ge [sflag:s18], $0x2000  }
0x51: {  	[sflag:s18] =	ssyncset.done $0x0  }
0x52: {  	s9 =	rddreg [dreg:$0x8];
	[sflag:s18] =	ssyncadd.s32 $0xFFFFE000  }
0x53: {  	[spmem:s2] =	stream.indirect.scatter.add.f32 [tilespmem:s16], [sflag:$0x3], $0x20, s9, s15, $0xb8;
	[tilespmem:$0x1E400] =	vst v63  }
0x54: {  	_ =	swait.ge [sflag:s13], $0x2000  }
0x55: {  	[sflag:s13] =	ssyncset.done $0x0  }
0x56: {  	s10 =	rddreg [dreg:$0x9];
	[sflag:s13] =	ssyncadd.s32 $0xFFFFE000  }
0x57: {  	[tilespmem:s16], [sflag:$0x1] =	stream.indirect.gather [hbm4b:s4+s15], $0x20, s10, s15, $0xb8;
	[tilespmem:$0x1E400] =	vst v63  }
0x58: {  	_ =	swait.ge [sflag:s19], $0x2000  }
0x59: {  	[sflag:s19] =	ssyncset.done $0x0  }
0x5a: {  	s8 =	rddreg [dreg:$0xa];
	[sflag:s19] =	ssyncadd.s32 $0xFFFFE000  }
0x5b: {  	[spmem:s2] =	stream.indirect.scatter.add.f32 [tilespmem:s17], [sflag:$0x3], $0x20, s8, s15, $0xb8;
	[tilespmem:$0x1E400] =	vst v63  }
0x5c: {  	_ =	swait.ge [sflag:s13], $0x2000  }
0x5d: {  	[sflag:s13] =	ssyncset.done $0x0  }
0x5e: {  	s9 =	rddreg [dreg:$0xb];
	[sflag:s13] =	ssyncadd.s32 $0xFFFFE000  }
0x5f: {  	[tilespmem:s17], [sflag:$0x2] =	stream.indirect.gather [hbm4b:s4+s15], $0x20, s9, s15, $0xb8;
	[tilespmem:$0x1E400] =	vst v63  }
0x60: {  	_ =	swait.ge [sflag:s18], $0x2000  }
0x61: {  	[sflag:s18] =	ssyncset.done $0x0  }
0x62: {  	s10 =	rddreg [dreg:$0xc];
	[sflag:s18] =	ssyncadd.s32 $0xFFFFE000  }
0x63: {  	[spmem:s2] =	stream.indirect.scatter.add.f32 [tilespmem:s16], [sflag:$0x3], $0x20, s10, s15, $0xb8;
	[tilespmem:$0x1E400] =	vst v63  }
0x64: {  	_ =	swait.ge [sflag:s13], $0x2000  }
0x65: {  	[sflag:s13] =	ssyncset.done $0x0  }
0x66: {  	s8 =	rddreg [dreg:$0xd];
	[sflag:s13] =	ssyncadd.s32 $0xFFFFE000  }
0x67: {  	[tilespmem:s16], [sflag:$0x1] =	stream.indirect.gather [hbm4b:s4+s15], $0x20, s8, s15, $0xb8;
	[tilespmem:$0x1E400] =	vst v63  }
0x68: {  	_ =	swait.ge [sflag:s19], $0x2000  }
0x69: {  	[sflag:s19] =	ssyncset.done $0x0  }
0x6a: {  	s9 =	rddreg [dreg:$0xe];
	[sflag:s19] =	ssyncadd.s32 $0xFFFFE000  }
0x6b: {  	[spmem:s2] =	stream.indirect.scatter.add.f32 [tilespmem:s17], [sflag:$0x3], $0x20, s9, s15, $0xb8;
	[tilespmem:$0x1E400] =	vst v63  }
0x6c: {  	_ =	swait.ge [sflag:s13], $0x2000  }
0x6d: {  	[sflag:s13] =	ssyncset.done $0x0  }
0x6e: {  	s10 =	rddreg [dreg:$0xf];
	[sflag:s13] =	ssyncadd.s32 $0xFFFFE000  }
0x6f: {  	[tilespmem:s17], [sflag:$0x2] =	stream.indirect.gather [hbm4b:s4+s15], $0x20, s10, s15, $0xb8;
	[tilespmem:$0x1E400] =	vst v63  }
0x70: {  	_ =	swait.ge [sflag:s18], $0x2000  }
0x71: {  	[sflag:s18] =	ssyncset.done $0x0  }
0x72: {  	s8 =	rddreg [dreg:$0x10];
	[sflag:s18] =	ssyncadd.s32 $0xFFFFE000  }
0x73: {  	[spmem:s2] =	stream.indirect.scatter.add.f32 [tilespmem:s16], [sflag:$0x3], $0x20, s8, s15, $0xb8;
	[tilespmem:$0x1E400] =	vst v63  }
0x74: {  	_ =	swait.ge [sflag:s13], $0x2000  }
0x75: {  	[sflag:s13] =	ssyncset.done $0x0  }
0x76: {  	s9 =	rddreg [dreg:$0x11];
	[sflag:s13] =	ssyncadd.s32 $0xFFFFE000  }
0x77: {  	[tilespmem:s16], [sflag:$0x1] =	stream.indirect.gather [hbm4b:s4+s15], $0x20, s9, s15, $0xb8;
	[tilespmem:$0x1E400] =	vst v63  }
0x78: {  	_ =	swait.ge [sflag:s19], $0x2000  }
0x79: {  	[sflag:s19] =	ssyncset.done $0x0  }
0x7a: {  	s10 =	rddreg [dreg:$0x12];
	[sflag:s19] =	ssyncadd.s32 $0xFFFFE000  }
0x7b: {  	[spmem:s2] =	stream.indirect.scatter.add.f32 [tilespmem:s17], [sflag:$0x3], $0x20, s10, s15, $0xb8;
	[tilespmem:$0x1E400] =	vst v63  }
0x7c: {  	_ =	swait.ge [sflag:s13], $0x2000  }
0x7d: {  	[sflag:s13] =	ssyncset.done $0x0  }
0x7e: {  	s8 =	rddreg [dreg:$0x13];
	[sflag:s13] =	ssyncadd.s32 $0xFFFFE000  }
0x7f: {  	[tilespmem:s17], [sflag:$0x2] =	stream.indirect.gather [hbm4b:s4+s15], $0x20, s8, s15, $0xb8;
	[tilespmem:$0x1E400] =	vst v63  }
0x80: {  	_ =	swait.ge [sflag:s18], $0x2000  }
0x81: {  	[sflag:s18] =	ssyncset.done $0x0  }
0x82: {  	s9 =	rddreg [dreg:$0x14];
	[sflag:s18] =	ssyncadd.s32 $0xFFFFE000  }
0x83: {  	[spmem:s2] =	stream.indirect.scatter.add.f32 [tilespmem:s16], [sflag:$0x3], $0x20, s9, s15, $0xb8;
	[tilespmem:$0x1E400] =	vst v63  }
0x84: {  	_ =	swait.ge [sflag:s13], $0x2000  }
0x85: {  	[sflag:s13] =	ssyncset.done $0x0  }
0x86: {  	s10 =	rddreg [dreg:$0x15];
	[sflag:s13] =	ssyncadd.s32 $0xFFFFE000  }
0x87: {  	[tilespmem:s16], [sflag:$0x1] =	stream.indirect.gather [hbm4b:s4+s15], $0x20, s10, s15, $0xb8;
	[tilespmem:$0x1E400] =	vst v63  }
0x88: {  	_ =	swait.ge [sflag:s19], $0x2000  }
0x89: {  	[sflag:s19] =	ssyncset.done $0x0  }
0x8a: {  	[sflag:s19] =	ssyncadd.s32 $0xFFFFE000  }
0x8b: {  	[spmem:s2] =	stream.indirect.scatter.add.f32 [tilespmem:s17], [sflag:$0x3], $0x20, s20, s15, $0xb8;
	[tilespmem:$0x1E400] =	vst v63  }
0x8c: {  	_ =	swait.ge [sflag:s13], $0x2000  }
0x8d: {  	[sflag:s13] =	ssyncset.done $0x0  }
0x8e: {  	[sflag:s13] =	ssyncadd.s32 $0xFFFFE000  }
0x8f: {  	[tilespmem:s17], [sflag:$0x2] =	stream.indirect.gather [hbm4b:s4+s15], $0x20, s21, s15, $0xb8;
	[tilespmem:$0x1E400] =	vst v63  }
0x90: {  	_ =	swait.ge [sflag:s18], $0x2000  }
0x91: {  	[sflag:s18] =	ssyncset.done $0x0  }
0x92: {  	[sflag:s18] =	ssyncadd.s32 $0xFFFFE000  }
0x93: {  	[spmem:s2] =	stream.indirect.scatter.add.f32 [tilespmem:s16], [sflag:$0x3], $0x20, s22, s15, $0xb8;
	[tilespmem:$0x1E400] =	vst v63  }
0x94: {  	_ =	swait.ge [sflag:s13], $0x2000  }
0x95: {  	[sflag:s13] =	ssyncset.done $0x0  }
0x96: {  	[sflag:s13] =	ssyncadd.s32 $0xFFFFE000  }
0x97: {  	[tilespmem:s16], [sflag:$0x1] =	stream.indirect.gather [hbm4b:s4+s15], $0x20, s23, s15, $0xb8;
	[tilespmem:$0x1E400] =	vst v63  }
0x98: {  	_ =	swait.ge [sflag:s19], $0x2000  }
0x99: {  	[sflag:s19] =	ssyncset.done $0x0  }
0x9a: {  	[sflag:s19] =	ssyncadd.s32 $0xFFFFE000  }
0x9b: {  	[spmem:s2] =	stream.indirect.scatter.add.f32 [tilespmem:s17], [sflag:$0x3], $0x20, s24, s15, $0xb8;
	[tilespmem:$0x1E400] =	vst v63  }
0x9c: {  	_ =	swait.ge [sflag:s13], $0x2000  }
0x9d: {  	[sflag:s13] =	ssyncset.done $0x0  }
0x9e: {  	[sflag:s13] =	ssyncadd.s32 $0xFFFFE000  }
0x9f: {  	[tilespmem:s17], [sflag:$0x2] =	stream.indirect.gather [hbm4b:s4+s15], $0x20, s25, s15, $0xb8;
	[tilespmem:$0x1E400] =	vst v63  }
0xa0: {  	_ =	swait.ge [sflag:s18], $0x2000  }
0xa1: {  	[sflag:s18] =	ssyncset.done $0x0  }
0xa2: {  	[sflag:s18] =	ssyncadd.s32 $0xFFFFE000  }
0xa3: {  	[spmem:s2] =	stream.indirect.scatter.add.f32 [tilespmem:s16], [sflag:$0x3], $0x20, s26, s15, $0xb8;
	[tilespmem:$0x1E400] =	vst v63  }
0xa4: {  	_ =	swait.ge [sflag:s13], $0x2000  }
0xa5: {  	p0 =	sgt.s32 s1, $0xC31FF;
	[sflag:s13] =	ssyncset.done $0x0  }
0xa6: {  	s30 =	sadd.s32 $0xFFFFFFFF, s0;
	s0 =	sshrl.u32 @!p0 s1, $0x3;
	[sflag:s13] =	ssyncadd.s32 $0xFFFFE000  }
0xa7: {  	s31 =	sadd.s32 @!p0 s5, s0;
	p2 =	sne.s32 s30, $0x0;
	_ =	swait.ge [sflag:s19], $0x2000  }
.Ltmp1:
0xa8: {  	s0 =	sadd.s32 @!p0 $0xC3500, s1;
	[sflag:s19] =	ssyncset.done $0x0;
	(pc) =	sbr.rel @!p2 .LBB2_3-.Ltmp1, $4  }
0xa9: {  	p1 =	por $0x1, $0x1;
	s0 =	sshrl.u32 @!p0 s0, $0x3;
	[sflag:s19] =	ssyncadd.s32 $0xFFFFE000  }
0xaa: {  	[spmem:s2] =	stream.indirect.scatter.add.f32 [tilespmem:s17], [sflag:$0x3], $0x20, s28, s15, $0xb8;
	[tilespmem:$0x1E400] =	vst v63  }
0xab: {  	s1 =	sadd.s32 $0xE00, s1;
	s0 =	sadd.s32 @!p0 s5, s0;
	_ =	swait.ge [sflag:s13], $0x2000  }
0xac: {  	p0 =	por p0, p0;
	s6 =	rddreg [dreg:$0x3];
	[sflag:s13] =	ssyncset.done $0x0  }
.LBB2_4:
0xad: {  	[sflag:s13] =	ssyncadd.s32 $0xFFFFE000;
	s9 =	simm.s32 @p0 $0x0;
	s10 =	simm.s32 @p0 $0x3  }
0xae: {  	[tilespmem:s9], [sflag:$0x3] =	stream.linear.gather @p0 [hbm4b:s6+s9], $0xE00, $0x38;
	[tilespmem:$0x1E400] =	vst v63  }
0xaf: {  	p3 =	sgt.s32 s1, $0xC31FF;
	_ =	swait.ge @p0 [sflag:s10], $0xE00  }
0xb0: {  	s8 =	sshrl.u32 @!p3 s1, $0x3;
	s9 =	simm.s32 @!p0 $0x0;
	[sflag:s10] =	ssyncset.done @p0 $0x0  }
0xb1: {  	s6 =	sadd.s32 @!p3 s5, s8;
	[sflag:s10] =	ssyncadd.s32 @p0 $0xFFFFF200;
	s10 =	simm.s32 @!p0 $0x3  }
0xb2: {  	[tilespmem:s9], [sflag:$0x3] =	stream.linear.gather @!p0 [hbm4b:s31+s9], $0xE00, $0x38;
	[tilespmem:$0x1E400] =	vst v63  }
0xb3: {  	s31 =	smov.u32 s6;
	_ =	swait.ge @!p0 [sflag:s10], $0xE00  }
0xb4: {  	s9 =	smov.u32 s0;
	s6 =	rddreg [dreg:$0x4];
	[sflag:s10] =	ssyncset.done @!p0 $0x0  }
0xb5: {  	[sflag:s10] =	ssyncadd.s32 @!p0 $0xFFFFF200;
	s9 =	smov.u32 @p0 s6  }
0xb6: {  	[tilespmem:s14], [sflag:$0x3] =	stream.linear.gather [hbm4b:s9+s3], $0xE00, $0x38;
	[tilespmem:$0x1E400] =	vst v63  }
0xb7: {  	_ =	swait.ge [sflag:s13], $0xE00  }
0xb8: {  	[sflag:s13] =	ssyncset.done $0x0  }
0xb9: {  	[sflag:s13] =	ssyncadd.s32 $0xFFFFF200  }
0xba: {  	[tilespmem:s16], [sflag:$0x1] =	stream.indirect.gather [hbm4b:s4+s15], $0x20, s3, s15, $0xb8;
	[tilespmem:$0x1E400] =	vst v63  }
0xbb: {  	_ = 	snop  }
0xbc: {  	[tilespmem:s17], [sflag:$0x2] =	stream.indirect.gather [hbm4b:s4+s15], $0x20, s15, s15, $0xb8;
	[tilespmem:$0x1E400] =	vst v63  }
0xbd: {  	_ =	swait.ge [sflag:s18], $0x2000  }
0xbe: {  	[sflag:s18] =	ssyncset.done $0x0  }
0xbf: {  	[sflag:s18] =	ssyncadd.s32 $0xFFFFE000  }
0xc0: {  	[spmem:s2] =	stream.indirect.scatter.add.f32 [tilespmem:s16], [sflag:$0x3], $0x20, s14, s15, $0xb8;
	[tilespmem:$0x1E400] =	vst v63  }
0xc1: {  	_ =	swait.ge [sflag:s13], $0x2000  }
0xc2: {  	[sflag:s13] =	ssyncset.done $0x0  }
0xc3: {  	s9 =	rddreg [dreg:$0x5];
	[sflag:s13] =	ssyncadd.s32 $0xFFFFE000  }
0xc4: {  	[tilespmem:s16], [sflag:$0x1] =	stream.indirect.gather [hbm4b:s4+s15], $0x20, s9, s15, $0xb8;
	[tilespmem:$0x1E400] =	vst v63  }
0xc5: {  	_ =	swait.ge [sflag:s19], $0x2000  }
0xc6: {  	[sflag:s19] =	ssyncset.done $0x0  }
0xc7: {  	s8 =	sadd.s32 @!p3 $0xC3500, s1;
	s10 =	rddreg [dreg:$0x6];
	[sflag:s19] =	ssyncadd.s32 $0xFFFFE000  }
0xc8: {  	[spmem:s2] =	stream.indirect.scatter.add.f32 [tilespmem:s17], [sflag:$0x3], $0x20, s10, s15, $0xb8;
	[tilespmem:$0x1E400] =	vst v63  }
0xc9: {  	s8 =	sshrl.u32 @!p3 s8, $0x3;
	_ =	swait.ge [sflag:s13], $0x2000  }
0xca: {  	s8 =	sadd.s32 @!p3 s5, s8;
	[sflag:s13] =	ssyncset.done $0x0  }
0xcb: {  	s0 =	smov.u32 s8;
	s8 =	rddreg [dreg:$0x7];
	[sflag:s13] =	ssyncadd.s32 $0xFFFFE000  }
0xcc: {  	[tilespmem:s17], [sflag:$0x2] =	stream.indirect.gather [hbm4b:s4+s15], $0x20, s8, s15, $0xb8;
	[tilespmem:$0x1E400] =	vst v63  }
0xcd: {  	_ =	swait.ge [sflag:s18], $0x2000  }
0xce: {  	[sflag:s18] =	ssyncset.done $0x0  }
0xcf: {  	s9 =	rddreg [dreg:$0x8];
	[sflag:s18] =	ssyncadd.s32 $0xFFFFE000  }
0xd0: {  	[spmem:s2] =	stream.indirect.scatter.add.f32 [tilespmem:s16], [sflag:$0x3], $0x20, s9, s15, $0xb8;
	[tilespmem:$0x1E400] =	vst v63  }
0xd1: {  	_ =	swait.ge [sflag:s13], $0x2000  }
0xd2: {  	[sflag:s13] =	ssyncset.done $0x0  }
0xd3: {  	s10 =	rddreg [dreg:$0x9];
	[sflag:s13] =	ssyncadd.s32 $0xFFFFE000  }
0xd4: {  	[tilespmem:s16], [sflag:$0x1] =	stream.indirect.gather [hbm4b:s4+s15], $0x20, s10, s15, $0xb8;
	[tilespmem:$0x1E400] =	vst v63  }
0xd5: {  	_ =	swait.ge [sflag:s19], $0x2000  }
0xd6: {  	[sflag:s19] =	ssyncset.done $0x0  }
0xd7: {  	s8 =	rddreg [dreg:$0xa];
	[sflag:s19] =	ssyncadd.s32 $0xFFFFE000  }
0xd8: {  	[spmem:s2] =	stream.indirect.scatter.add.f32 [tilespmem:s17], [sflag:$0x3], $0x20, s8, s15, $0xb8;
	[tilespmem:$0x1E400] =	vst v63  }
0xd9: {  	_ =	swait.ge [sflag:s13], $0x2000  }
0xda: {  	[sflag:s13] =	ssyncset.done $0x0  }
0xdb: {  	s9 =	rddreg [dreg:$0xb];
	[sflag:s13] =	ssyncadd.s32 $0xFFFFE000  }
0xdc: {  	[tilespmem:s17], [sflag:$0x2] =	stream.indirect.gather [hbm4b:s4+s15], $0x20, s9, s15, $0xb8;
	[tilespmem:$0x1E400] =	vst v63  }
0xdd: {  	_ =	swait.ge [sflag:s18], $0x2000  }
0xde: {  	[sflag:s18] =	ssyncset.done $0x0  }
0xdf: {  	s10 =	rddreg [dreg:$0xc];
	[sflag:s18] =	ssyncadd.s32 $0xFFFFE000  }
0xe0: {  	[spmem:s2] =	stream.indirect.scatter.add.f32 [tilespmem:s16], [sflag:$0x3], $0x20, s10, s15, $0xb8;
	[tilespmem:$0x1E400] =	vst v63  }
0xe1: {  	_ =	swait.ge [sflag:s13], $0x2000  }
0xe2: {  	[sflag:s13] =	ssyncset.done $0x0  }
0xe3: {  	s8 =	rddreg [dreg:$0xd];
	[sflag:s13] =	ssyncadd.s32 $0xFFFFE000  }
0xe4: {  	[tilespmem:s16], [sflag:$0x1] =	stream.indirect.gather [hbm4b:s4+s15], $0x20, s8, s15, $0xb8;
	[tilespmem:$0x1E400] =	vst v63  }
0xe5: {  	_ =	swait.ge [sflag:s19], $0x2000  }
0xe6: {  	[sflag:s19] =	ssyncset.done $0x0  }
0xe7: {  	s9 =	rddreg [dreg:$0xe];
	[sflag:s19] =	ssyncadd.s32 $0xFFFFE000  }
0xe8: {  	[spmem:s2] =	stream.indirect.scatter.add.f32 [tilespmem:s17], [sflag:$0x3], $0x20, s9, s15, $0xb8;
	[tilespmem:$0x1E400] =	vst v63  }
0xe9: {  	_ =	swait.ge [sflag:s13], $0x2000  }
0xea: {  	[sflag:s13] =	ssyncset.done $0x0  }
0xeb: {  	s10 =	rddreg [dreg:$0xf];
	[sflag:s13] =	ssyncadd.s32 $0xFFFFE000  }
0xec: {  	[tilespmem:s17], [sflag:$0x2] =	stream.indirect.gather [hbm4b:s4+s15], $0x20, s10, s15, $0xb8;
	[tilespmem:$0x1E400] =	vst v63  }
0xed: {  	_ =	swait.ge [sflag:s18], $0x2000  }
0xee: {  	[sflag:s18] =	ssyncset.done $0x0  }
0xef: {  	s8 =	rddreg [dreg:$0x10];
	[sflag:s18] =	ssyncadd.s32 $0xFFFFE000  }
0xf0: {  	[spmem:s2] =	stream.indirect.scatter.add.f32 [tilespmem:s16], [sflag:$0x3], $0x20, s8, s15, $0xb8;
	[tilespmem:$0x1E400] =	vst v63  }
0xf1: {  	_ =	swait.ge [sflag:s13], $0x2000  }
0xf2: {  	[sflag:s13] =	ssyncset.done $0x0  }
0xf3: {  	s9 =	rddreg [dreg:$0x11];
	[sflag:s13] =	ssyncadd.s32 $0xFFFFE000  }
0xf4: {  	[tilespmem:s16], [sflag:$0x1] =	stream.indirect.gather [hbm4b:s4+s15], $0x20, s9, s15, $0xb8;
	[tilespmem:$0x1E400] =	vst v63  }
0xf5: {  	_ =	swait.ge [sflag:s19], $0x2000  }
0xf6: {  	[sflag:s19] =	ssyncset.done $0x0  }
0xf7: {  	s10 =	rddreg [dreg:$0x12];
	[sflag:s19] =	ssyncadd.s32 $0xFFFFE000  }
0xf8: {  	[spmem:s2] =	stream.indirect.scatter.add.f32 [tilespmem:s17], [sflag:$0x3], $0x20, s10, s15, $0xb8;
	[tilespmem:$0x1E400] =	vst v63  }
0xf9: {  	_ =	swait.ge [sflag:s13], $0x2000  }
0xfa: {  	[sflag:s13] =	ssyncset.done $0x0  }
0xfb: {  	s8 =	rddreg [dreg:$0x13];
	[sflag:s13] =	ssyncadd.s32 $0xFFFFE000  }
0xfc: {  	[tilespmem:s17], [sflag:$0x2] =	stream.indirect.gather [hbm4b:s4+s15], $0x20, s8, s15, $0xb8;
	[tilespmem:$0x1E400] =	vst v63  }
0xfd: {  	_ =	swait.ge [sflag:s18], $0x2000  }
0xfe: {  	[sflag:s18] =	ssyncset.done $0x0  }
0xff: {  	s9 =	rddreg [dreg:$0x14];
	[sflag:s18] =	ssyncadd.s32 $0xFFFFE000  }
0x100: {  	[spmem:s2] =	stream.indirect.scatter.add.f32 [tilespmem:s16], [sflag:$0x3], $0x20, s9, s15, $0xb8;
	[tilespmem:$0x1E400] =	vst v63  }
0x101: {  	_ =	swait.ge [sflag:s13], $0x2000  }
0x102: {  	[sflag:s13] =	ssyncset.done $0x0  }
0x103: {  	s10 =	rddreg [dreg:$0x15];
	[sflag:s13] =	ssyncadd.s32 $0xFFFFE000  }
0x104: {  	[tilespmem:s16], [sflag:$0x1] =	stream.indirect.gather [hbm4b:s4+s15], $0x20, s10, s15, $0xb8;
	[tilespmem:$0x1E400] =	vst v63  }
0x105: {  	_ =	swait.ge [sflag:s19], $0x2000  }
0x106: {  	[sflag:s19] =	ssyncset.done $0x0  }
0x107: {  	[sflag:s19] =	ssyncadd.s32 $0xFFFFE000  }
0x108: {  	[spmem:s2] =	stream.indirect.scatter.add.f32 [tilespmem:s17], [sflag:$0x3], $0x20, s20, s15, $0xb8;
	[tilespmem:$0x1E400] =	vst v63  }
0x109: {  	_ =	swait.ge [sflag:s13], $0x2000  }
0x10a: {  	[sflag:s13] =	ssyncset.done $0x0  }
0x10b: {  	[sflag:s13] =	ssyncadd.s32 $0xFFFFE000  }
0x10c: {  	[tilespmem:s17], [sflag:$0x2] =	stream.indirect.gather [hbm4b:s4+s15], $0x20, s21, s15, $0xb8;
	[tilespmem:$0x1E400] =	vst v63  }
0x10d: {  	_ =	swait.ge [sflag:s18], $0x2000  }
0x10e: {  	[sflag:s18] =	ssyncset.done $0x0  }
0x10f: {  	[sflag:s18] =	ssyncadd.s32 $0xFFFFE000  }
0x110: {  	[spmem:s2] =	stream.indirect.scatter.add.f32 [tilespmem:s16], [sflag:$0x3], $0x20, s22, s15, $0xb8;
	[tilespmem:$0x1E400] =	vst v63  }
0x111: {  	_ =	swait.ge [sflag:s13], $0x2000  }
0x112: {  	[sflag:s13] =	ssyncset.done $0x0  }
0x113: {  	[sflag:s13] =	ssyncadd.s32 $0xFFFFE000  }
0x114: {  	[tilespmem:s16], [sflag:$0x1] =	stream.indirect.gather [hbm4b:s4+s15], $0x20, s23, s15, $0xb8;
	[tilespmem:$0x1E400] =	vst v63  }
0x115: {  	_ =	swait.ge [sflag:s19], $0x2000  }
0x116: {  	[sflag:s19] =	ssyncset.done $0x0  }
0x117: {  	[sflag:s19] =	ssyncadd.s32 $0xFFFFE000  }
0x118: {  	[spmem:s2] =	stream.indirect.scatter.add.f32 [tilespmem:s17], [sflag:$0x3], $0x20, s24, s15, $0xb8;
	[tilespmem:$0x1E400] =	vst v63  }
0x119: {  	_ =	swait.ge [sflag:s13], $0x2000  }
0x11a: {  	[sflag:s13] =	ssyncset.done $0x0  }
0x11b: {  	[sflag:s13] =	ssyncadd.s32 $0xFFFFE000  }
0x11c: {  	[tilespmem:s17], [sflag:$0x2] =	stream.indirect.gather [hbm4b:s4+s15], $0x20, s25, s15, $0xb8;
	[tilespmem:$0x1E400] =	vst v63  }
0x11d: {  	_ =	swait.ge [sflag:s18], $0x2000  }
0x11e: {  	[sflag:s18] =	ssyncset.done $0x0  }
0x11f: {  	[sflag:s18] =	ssyncadd.s32 $0xFFFFE000  }
0x120: {  	[spmem:s2] =	stream.indirect.scatter.add.f32 [tilespmem:s16], [sflag:$0x3], $0x20, s26, s15, $0xb8;
	[tilespmem:$0x1E400] =	vst v63  }
0x121: {  	_ =	swait.ge [sflag:s13], $0x2000  }
0x122: {  	[sflag:s13] =	ssyncset.done $0x0  }
0x123: {  	s30 =	sadd.s32 $0xFFFFFFFF, s30;
	[sflag:s13] =	ssyncadd.s32 $0xFFFFE000  }
0x124: {  	p2 =	sne.s32 s30, $0x0;
	_ =	swait.ge [sflag:s19], $0x2000  }
.Ltmp2:
0x125: {  	[sflag:s19] =	ssyncset.done $0x0;
	(pc) =	sbr.rel @p2 .LBB2_4-.Ltmp2, $4  }
0x126: {  	[sflag:s19] =	ssyncadd.s32 $0xFFFFE000  }
0x127: {  	[spmem:s2] =	stream.indirect.scatter.add.f32 [tilespmem:s17], [sflag:$0x3], $0x20, s28, s15, $0xb8;
	[tilespmem:$0x1E400] =	vst v63  }
0x128: {  	s1 =	sadd.s32 $0xE00, s1;
	_ =	swait.ge [sflag:s13], $0x2000  }
0x129: {  	p0 =	por p3, p3;
	s6 =	rddreg [dreg:$0x3];
	[sflag:s13] =	ssyncset.done $0x0  }
0x12a: {  	s30 =	smov.u32 s0  }
.LBB2_6:
0x12b: {  	[sflag:s13] =	ssyncadd.s32 @p1 $0xFFFFE000;
	s0 =	simm.s32 @p0 $0x0  }
0x12c: {  	[tilespmem:s0], [sflag:$0x3] =	stream.linear.gather @p0 [hbm4b:s6+s0], $0xE00, $0x38;
	[tilespmem:$0x1E400] =	vst v63  }
0x12d: {  	s0 =	simm.s32 @p0 $0x3  }
0x12e: {  	_ =	swait.ge @p0 [sflag:s0], $0xE00  }
0x12f: {  	[sflag:s0] =	ssyncset.done @p0 $0x0  }
0x130: {  	[sflag:s0] =	ssyncadd.s32 @p0 $0xFFFFF200;
	s0 =	simm.s32 @!p0 $0x0  }
0x131: {  	[tilespmem:s0], [sflag:$0x3] =	stream.linear.gather @!p0 [hbm4b:s31+s0], $0xE00, $0x38;
	[tilespmem:$0x1E400] =	vst v63  }
0x132: {  	s0 =	simm.s32 @!p0 $0x3  }
0x133: {  	_ =	swait.ge @!p0 [sflag:s0], $0xE00  }
0x134: {  	s1 =	rddreg [dreg:$0x4];
	[sflag:s0] =	ssyncset.done @!p0 $0x0  }
0x135: {  	[sflag:s0] =	ssyncadd.s32 @!p0 $0xFFFFF200;
	s30 =	smov.u32 @p0 s1  }
0x136: {  	[tilespmem:s14], [sflag:$0x3] =	stream.linear.gather [hbm4b:s30+s3], $0xE00, $0x38;
	[tilespmem:$0x1E400] =	vst v63  }
0x137: {  	_ =	swait.ge [sflag:s13], $0xE00  }
0x138: {  	[sflag:s13] =	ssyncset.done $0x0  }
0x139: {  	[sflag:s13] =	ssyncadd.s32 $0xFFFFF200  }
0x13a: {  	[tilespmem:s16], [sflag:$0x1] =	stream.indirect.gather [hbm4b:s4+s15], $0x20, s3, s15, $0xb8;
	[tilespmem:$0x1E400] =	vst v63  }
0x13b: {  	_ = 	snop  }
0x13c: {  	[tilespmem:s17], [sflag:$0x2] =	stream.indirect.gather [hbm4b:s4+s15], $0x20, s15, s15, $0xb8;
	[tilespmem:$0x1E400] =	vst v63  }
0x13d: {  	_ =	swait.ge [sflag:s18], $0x2000  }
0x13e: {  	[sflag:s18] =	ssyncset.done $0x0  }
0x13f: {  	[sflag:s18] =	ssyncadd.s32 $0xFFFFE000  }
0x140: {  	[spmem:s2] =	stream.indirect.scatter.add.f32 [tilespmem:s16], [sflag:$0x3], $0x20, s14, s15, $0xb8;
	[tilespmem:$0x1E400] =	vst v63  }
0x141: {  	_ =	swait.ge [sflag:s13], $0x2000  }
0x142: {  	[sflag:s13] =	ssyncset.done $0x0  }
0x143: {  	s8 =	rddreg [dreg:$0x5];
	[sflag:s13] =	ssyncadd.s32 $0xFFFFE000  }
0x144: {  	[tilespmem:s16], [sflag:$0x1] =	stream.indirect.gather [hbm4b:s4+s15], $0x20, s8, s15, $0xb8;
	[tilespmem:$0x1E400] =	vst v63  }
0x145: {  	_ =	swait.ge [sflag:s19], $0x2000  }
0x146: {  	[sflag:s19] =	ssyncset.done $0x0  }
0x147: {  	s9 =	rddreg [dreg:$0x6];
	[sflag:s19] =	ssyncadd.s32 $0xFFFFE000  }
0x148: {  	[spmem:s2] =	stream.indirect.scatter.add.f32 [tilespmem:s17], [sflag:$0x3], $0x20, s9, s15, $0xb8;
	[tilespmem:$0x1E400] =	vst v63  }
0x149: {  	_ =	swait.ge [sflag:s13], $0x2000  }
0x14a: {  	[sflag:s13] =	ssyncset.done $0x0  }
0x14b: {  	s10 =	rddreg [dreg:$0x7];
	[sflag:s13] =	ssyncadd.s32 $0xFFFFE000  }
0x14c: {  	[tilespmem:s17], [sflag:$0x2] =	stream.indirect.gather [hbm4b:s4+s15], $0x20, s10, s15, $0xb8;
	[tilespmem:$0x1E400] =	vst v63  }
0x14d: {  	_ =	swait.ge [sflag:s18], $0x2000  }
0x14e: {  	[sflag:s18] =	ssyncset.done $0x0  }
0x14f: {  	s30 =	rddreg [dreg:$0x8];
	[sflag:s18] =	ssyncadd.s32 $0xFFFFE000  }
0x150: {  	[spmem:s2] =	stream.indirect.scatter.add.f32 [tilespmem:s16], [sflag:$0x3], $0x20, s30, s15, $0xb8;
	[tilespmem:$0x1E400] =	vst v63  }
0x151: {  	_ =	swait.ge [sflag:s13], $0x2000  }
0x152: {  	[sflag:s13] =	ssyncset.done $0x0  }
0x153: {  	s31 =	rddreg [dreg:$0x9];
	[sflag:s13] =	ssyncadd.s32 $0xFFFFE000  }
0x154: {  	[tilespmem:s16], [sflag:$0x1] =	stream.indirect.gather [hbm4b:s4+s15], $0x20, s31, s15, $0xb8;
	[tilespmem:$0x1E400] =	vst v63  }
0x155: {  	_ =	swait.ge [sflag:s19], $0x2000  }
0x156: {  	[sflag:s19] =	ssyncset.done $0x0  }
0x157: {  	s1 =	rddreg [dreg:$0xa];
	[sflag:s19] =	ssyncadd.s32 $0xFFFFE000  }
0x158: {  	[spmem:s2] =	stream.indirect.scatter.add.f32 [tilespmem:s17], [sflag:$0x3], $0x20, s1, s15, $0xb8;
	[tilespmem:$0x1E400] =	vst v63  }
0x159: {  	_ =	swait.ge [sflag:s13], $0x2000  }
0x15a: {  	[sflag:s13] =	ssyncset.done $0x0  }
0x15b: {  	s6 =	rddreg [dreg:$0xb];
	[sflag:s13] =	ssyncadd.s32 $0xFFFFE000  }
0x15c: {  	[tilespmem:s17], [sflag:$0x2] =	stream.indirect.gather [hbm4b:s4+s15], $0x20, s6, s15, $0xb8;
	[tilespmem:$0x1E400] =	vst v63  }
0x15d: {  	_ =	swait.ge [sflag:s18], $0x2000  }
0x15e: {  	[sflag:s18] =	ssyncset.done $0x0  }
0x15f: {  	s8 =	rddreg [dreg:$0xc];
	[sflag:s18] =	ssyncadd.s32 $0xFFFFE000  }
0x160: {  	[spmem:s2] =	stream.indirect.scatter.add.f32 [tilespmem:s16], [sflag:$0x3], $0x20, s8, s15, $0xb8;
	[tilespmem:$0x1E400] =	vst v63  }
0x161: {  	_ =	swait.ge [sflag:s13], $0x2000  }
0x162: {  	[sflag:s13] =	ssyncset.done $0x0  }
0x163: {  	s9 =	rddreg [dreg:$0xd];
	[sflag:s13] =	ssyncadd.s32 $0xFFFFE000  }
0x164: {  	[tilespmem:s16], [sflag:$0x1] =	stream.indirect.gather [hbm4b:s4+s15], $0x20, s9, s15, $0xb8;
	[tilespmem:$0x1E400] =	vst v63  }
0x165: {  	_ =	swait.ge [sflag:s19], $0x2000  }
0x166: {  	[sflag:s19] =	ssyncset.done $0x0  }
0x167: {  	s10 =	rddreg [dreg:$0xe];
	[sflag:s19] =	ssyncadd.s32 $0xFFFFE000  }
0x168: {  	[spmem:s2] =	stream.indirect.scatter.add.f32 [tilespmem:s17], [sflag:$0x3], $0x20, s10, s15, $0xb8;
	[tilespmem:$0x1E400] =	vst v63  }
0x169: {  	_ =	swait.ge [sflag:s13], $0x2000  }
0x16a: {  	[sflag:s13] =	ssyncset.done $0x0  }
0x16b: {  	s30 =	rddreg [dreg:$0xf];
	[sflag:s13] =	ssyncadd.s32 $0xFFFFE000  }
0x16c: {  	[tilespmem:s17], [sflag:$0x2] =	stream.indirect.gather [hbm4b:s4+s15], $0x20, s30, s15, $0xb8;
	[tilespmem:$0x1E400] =	vst v63  }
0x16d: {  	_ =	swait.ge [sflag:s18], $0x2000  }
0x16e: {  	[sflag:s18] =	ssyncset.done $0x0  }
0x16f: {  	s31 =	rddreg [dreg:$0x10];
	[sflag:s18] =	ssyncadd.s32 $0xFFFFE000  }
0x170: {  	[spmem:s2] =	stream.indirect.scatter.add.f32 [tilespmem:s16], [sflag:$0x3], $0x20, s31, s15, $0xb8;
	[tilespmem:$0x1E400] =	vst v63  }
0x171: {  	_ =	swait.ge [sflag:s13], $0x2000  }
0x172: {  	[sflag:s13] =	ssyncset.done $0x0  }
0x173: {  	s1 =	rddreg [dreg:$0x11];
	[sflag:s13] =	ssyncadd.s32 $0xFFFFE000  }
0x174: {  	[tilespmem:s16], [sflag:$0x1] =	stream.indirect.gather [hbm4b:s4+s15], $0x20, s1, s15, $0xb8;
	[tilespmem:$0x1E400] =	vst v63  }
0x175: {  	_ =	swait.ge [sflag:s19], $0x2000  }
0x176: {  	[sflag:s19] =	ssyncset.done $0x0  }
0x177: {  	s6 =	rddreg [dreg:$0x12];
	[sflag:s19] =	ssyncadd.s32 $0xFFFFE000  }
0x178: {  	[spmem:s2] =	stream.indirect.scatter.add.f32 [tilespmem:s17], [sflag:$0x3], $0x20, s6, s15, $0xb8;
	[tilespmem:$0x1E400] =	vst v63  }
0x179: {  	_ =	swait.ge [sflag:s13], $0x2000  }
0x17a: {  	[sflag:s13] =	ssyncset.done $0x0  }
0x17b: {  	s8 =	rddreg [dreg:$0x13];
	[sflag:s13] =	ssyncadd.s32 $0xFFFFE000  }
0x17c: {  	[tilespmem:s17], [sflag:$0x2] =	stream.indirect.gather [hbm4b:s4+s15], $0x20, s8, s15, $0xb8;
	[tilespmem:$0x1E400] =	vst v63  }
0x17d: {  	_ =	swait.ge [sflag:s18], $0x2000  }
0x17e: {  	[sflag:s18] =	ssyncset.done $0x0  }
0x17f: {  	s9 =	rddreg [dreg:$0x14];
	[sflag:s18] =	ssyncadd.s32 $0xFFFFE000  }
0x180: {  	[spmem:s2] =	stream.indirect.scatter.add.f32 [tilespmem:s16], [sflag:$0x3], $0x20, s9, s15, $0xb8;
	[tilespmem:$0x1E400] =	vst v63  }
0x181: {  	_ =	swait.ge [sflag:s13], $0x2000  }
0x182: {  	[sflag:s13] =	ssyncset.done $0x0  }
0x183: {  	s10 =	rddreg [dreg:$0x15];
	[sflag:s13] =	ssyncadd.s32 $0xFFFFE000  }
0x184: {  	[tilespmem:s16], [sflag:$0x1] =	stream.indirect.gather [hbm4b:s4+s15], $0x20, s10, s15, $0xb8;
	[tilespmem:$0x1E400] =	vst v63  }
0x185: {  	_ =	swait.ge [sflag:s19], $0x2000  }
0x186: {  	[sflag:s19] =	ssyncset.done $0x0  }
0x187: {  	[sflag:s19] =	ssyncadd.s32 $0xFFFFE000  }
0x188: {  	[spmem:s2] =	stream.indirect.scatter.add.f32 [tilespmem:s17], [sflag:$0x3], $0x20, s20, s15, $0xb8;
	[tilespmem:$0x1E400] =	vst v63  }
0x189: {  	_ =	swait.ge [sflag:s13], $0x2000  }
0x18a: {  	[sflag:s13] =	ssyncset.done $0x0  }
0x18b: {  	[sflag:s13] =	ssyncadd.s32 $0xFFFFE000  }
0x18c: {  	[tilespmem:s17], [sflag:$0x2] =	stream.indirect.gather [hbm4b:s4+s15], $0x20, s21, s15, $0xb8;
	[tilespmem:$0x1E400] =	vst v63  }
0x18d: {  	_ =	swait.ge [sflag:s18], $0x2000  }
0x18e: {  	[sflag:s18] =	ssyncset.done $0x0  }
0x18f: {  	[sflag:s18] =	ssyncadd.s32 $0xFFFFE000  }
0x190: {  	[spmem:s2] =	stream.indirect.scatter.add.f32 [tilespmem:s16], [sflag:$0x3], $0x20, s22, s15, $0xb8;
	[tilespmem:$0x1E400] =	vst v63  }
0x191: {  	_ =	swait.ge [sflag:s13], $0x2000  }
0x192: {  	[sflag:s13] =	ssyncset.done $0x0  }
0x193: {  	[sflag:s13] =	ssyncadd.s32 $0xFFFFE000  }
0x194: {  	[tilespmem:s16], [sflag:$0x1] =	stream.indirect.gather [hbm4b:s4+s15], $0x20, s23, s15, $0xb8;
	[tilespmem:$0x1E400] =	vst v63  }
0x195: {  	_ =	swait.ge [sflag:s19], $0x2000  }
0x196: {  	[sflag:s19] =	ssyncset.done $0x0  }
0x197: {  	[sflag:s19] =	ssyncadd.s32 $0xFFFFE000  }
0x198: {  	[spmem:s2] =	stream.indirect.scatter.add.f32 [tilespmem:s17], [sflag:$0x3], $0x20, s24, s15, $0xb8;
	[tilespmem:$0x1E400] =	vst v63  }
0x199: {  	_ =	swait.ge [sflag:s13], $0x2000  }
0x19a: {  	[sflag:s13] =	ssyncset.done $0x0  }
0x19b: {  	[sflag:s13] =	ssyncadd.s32 $0xFFFFE000  }
0x19c: {  	[tilespmem:s17], [sflag:$0x2] =	stream.indirect.gather [hbm4b:s4+s15], $0x20, s25, s15, $0xb8;
	[tilespmem:$0x1E400] =	vst v63  }
0x19d: {  	_ =	swait.ge [sflag:s18], $0x2000  }
0x19e: {  	[sflag:s18] =	ssyncset.done $0x0  }
0x19f: {  	[sflag:s18] =	ssyncadd.s32 $0xFFFFE000  }
0x1a0: {  	[spmem:s2] =	stream.indirect.scatter.add.f32 [tilespmem:s16], [sflag:$0x3], $0x20, s26, s15, $0xb8;
	[tilespmem:$0x1E400] =	vst v63  }
0x1a1: {  	_ =	swait.ge [sflag:s13], $0x2000  }
0x1a2: {  	[sflag:s13] =	ssyncset.done $0x0  }
0x1a3: {  	[sflag:s13] =	ssyncadd.s32 $0xFFFFE000  }
0x1a4: {  	_ =	swait.ge [sflag:s19], $0x2000  }
0x1a5: {  	[sflag:s19] =	ssyncset.done $0x0  }
0x1a6: {  	[sflag:s19] =	ssyncadd.s32 $0xFFFFE000  }
0x1a7: {  	[spmem:s2] =	stream.indirect.scatter.add.f32 [tilespmem:s17], [sflag:$0x3], $0x20, s28, s15, $0xb8;
	[tilespmem:$0x1E400] =	vst v63  }
0x1a8: {  	_ =	swait.ge [sflag:s13], $0x2000  }
0x1a9: {  	[sflag:s13] =	ssyncset.done $0x0  }
0x1aa: {  	[sflag:s13] =	ssyncadd.s32 $0xFFFFE000  }
0x1ab: {  	[bflag:$0x0] =	sbarrier.arrive $0xFFFF  }
0x1ac: {  	s30 =	rddreg [dreg:$0x18]  }
0x1ad: {  	[hbm:s30], [sflag:s7] =	dma.local [spmem:s12], $0x3100  }
0x1ae: {  	_ =	swait.ge [sflag:s13], $0x3100  }
0x1af: {  	s29 =	sadd.s32 $0x1, s29;
	s31 =	rddreg [dreg:$0x19]  }
0x1b0: {  	p0 =	sne.s32 s29, s31  }
.Ltmp3:
0x1b1: {  	_ = 	snop;
	(pc) =	sbr.rel @p0 .LBB2_1-.Ltmp3, $4  }
.Ltmp4:
0x1b2: {  	_ = 	snop;
	(pc) =	sbr.rel @!p0 .LBB2_7-.Ltmp4, $4  }
0x1b3: {  	_ = 	snop  }
0x1b4: {  	[sflag:s13] =	ssyncset.done $0x0  }
0x1b5: {  	[sflag:s13] =	ssyncadd.s32 $0xFFFFCF00  }
0x1b6: {  	_ = 	snop  }
.LBB2_3:
.Ltmp5:
0x1b7: {  	(pc) =	sbr.rel .LBB2_6-.Ltmp5, $2  }
0x1b8: {  	_ =	sdelay $0x2  }
0x1b9: {  	s30 =	smov.u32 s0  }
.LBB2_7:
0x1ba: {  	_ =	sfence.sel $0x180000  }
0x1bb: {  	[bflag:$0x0] =	sbarrier.arrive $0xFFFF  }
0x1bc: {  	_ =	strace $0x90000053  }
0x1bd: {  	s0 =	stileid.u32;
	[bflag:$0x2] =	sbarrier.arrive $0xFFFF  }
0x1be: {  	p0 =	sne.s32 s0, $0x0;
	s0 =	rddreg [dreg:$0x2]  }
0x1bf: {  	s0 =	sadd.s32 @!p0 $0x100000, s0  }
0x1c0: {  	[sflag:s0] =	ssyncadd.tile.s32 @!p0 $0x1;
	_ =	shalt  }
.Lfunc_end2:
_tile_overlayer_lowered:
.L_overlay_start_2:
0x1c1: {  	(tag) =	ssettag $0x2  }
0x1c2: {  	s0 =	rddreg [dreg:$0x0];
	s2 =	stileid.u32  }
0x1c3: {  	s1 =	rddreg [dreg:$0x1];
	p0 =	sne.s32 s2, $0x0  }
0x1c4: {  	s3 =	rddreg [dreg:$0x2];
	[bflag:$0x3] =	sbarrier.arrive $0xFFFF;
	s2 =	simm.s32 @!p0 $0x1C03  }
0x1c5: {  	[timem:s3], [sflag:s2] =	dma.local @!p0 [hbm:s0], s1  }
0x1c6: {  	s0 =	simm.s32 @!p0 $0x3  }
0x1c7: {  	_ =	swait.ge @!p0 [sflag:s0], s1  }
0x1c8: {  	s1 =	ssub.s32 @!p0 $0x0, s1;
	[sflag:s0] =	ssyncset.done @!p0 $0x0  }
0x1c9: {  	[sflag:s0] =	ssyncadd.s32 @!p0 s1  }
0x1ca: {  	[bflag:$0x3] =	sbarrier.arrive $0xFFFF  }
0x1cb: {  	_ =	shalt  }

</sc_bundles>
